<compile_context>
chip_gen: v7x
topology: tpu7x:2x2x1
jax: 0.10.2.dev20260603
libtpu: 0.0.44.dev20260713+nightly
codegen_flags: <defaults>
</compile_context>

<pallas_src>
import functools

import jax
import jax.numpy as jnp
from jax import lax
from jax.experimental import pallas as pl
from jax.experimental.pallas import tpu as pltpu
from jax.experimental.pallas import tpu_sc as plsc

N = 10000
E = 160000
D = 256
HD = 128
NC = 2
NS = 16
L = 16
E_PAD = 163840
EPT = E_PAD // NS
ECH = 128
NCH = EPT // ECH
DEG_CH = 1024
ESE = E_PAD // (NC * NS)
DRN = 632
DRL = 520
ZRN = 640
ZRL = 400

_vsm = plsc.VectorSubcoreMesh(
    core_axis_name="c", subcore_axis_name="s", num_cores=NC, num_subcores=NS)


def _nrsqrt(x):
    xi = plsc.bitcast(x, jnp.int32)
    y = plsc.bitcast(jnp.int32(0x5F3759DF) - (xi >> 1), jnp.float32)
    for _ in range(3):
        y = y * (1.5 - 0.5 * x * y * y)
    return y


NP = 10240
NPT = NP // NS


@functools.partial(
    pl.kernel,
    out_type=(jax.ShapeDtypeStruct((NP,), jnp.float32),
              jax.ShapeDtypeStruct((E_PAD,), jnp.float32)),
    mesh=_vsm,
    scratch_types=[
        pltpu.VMEM((NP,), jnp.float32),
        pltpu.VMEM((DEG_CH,), jnp.int32),
        pltpu.VMEM((DEG_CH,), jnp.float32),
        pltpu.VMEM((DEG_CH,), jnp.float32),
        pltpu.VMEM((NS, NPT), jnp.float32),
        pltpu.VMEM((NPT,), jnp.float32),
        pltpu.VMEM((NP,), jnp.float32),
        pltpu.VMEM_SHARED((NS, NP), jnp.float32),
        pltpu.VMEM_SHARED((NP,), jnp.float32),
    ],
    compiler_params=pltpu.CompilerParams(needs_layout_passes=False),
)
def _prep(src_hbm, dst_hbm, ew_hbm, dinv_hbm, se_hbm,
          deg_loc, ebuf_i, ebuf_f, se_buf, d2buf, dinv_loc, dinv_all,
          deg_sh, dinv_sh):
    c = lax.axis_index("c")
    s = lax.axis_index("s")
    zeros = jnp.zeros((L,), jnp.float32)

    def z_body(i, _):
        deg_loc[pl.ds(i * L, L)] = zeros
        return 0
    lax.fori_loop(0, NP // L, z_body, 0)

    def deg_chunk(ci, _):
        base = s * EPT + ci * DEG_CH
        pltpu.sync_copy(dst_hbm.at[pl.ds(base, DEG_CH)], ebuf_i)
        pltpu.sync_copy(ew_hbm.at[pl.ds(base, DEG_CH)], ebuf_f)

        def inner(i, _):
            dv = ebuf_i[pl.ds(i * L, L)]
            wv = ebuf_f[pl.ds(i * L, L)]
            plsc.addupdate_scatter(deg_loc, [dv], wv)
            return 0
        lax.fori_loop(0, DEG_CH // L, inner, 0)
        return 0
    lax.fori_loop(0, EPT // DEG_CH, deg_chunk, 0)

    pltpu.sync_copy(deg_loc, deg_sh.at[s])
    plsc.subcore_barrier()
    pltpu.sync_copy(deg_sh.at[:, pl.ds(s * NPT, NPT)], d2buf)

    def red_body(i, _):
        acc = d2buf[0, pl.ds(i * L, L)]
        for r in range(1, NS):
            acc = acc + d2buf[r, pl.ds(i * L, L)]
        dinv_loc[pl.ds(i * L, L)] = _nrsqrt(acc + 1.0)
        return 0
    lax.fori_loop(0, NPT // L, red_body, 0)
    pltpu.sync_copy(dinv_loc, dinv_sh.at[pl.ds(s * NPT, NPT)])

    @pl.when(c == 0)
    def _():
        pltpu.sync_copy(dinv_loc, dinv_hbm.at[pl.ds(s * NPT, NPT)])
    plsc.subcore_barrier()

    pltpu.sync_copy(dinv_sh, dinv_all)
    w = c * NS + s

    def se_chunk(ci, _):
        base = w * ESE + ci * DEG_CH
        pltpu.sync_copy(src_hbm.at[pl.ds(base, DEG_CH)], ebuf_i)
        pltpu.sync_copy(ew_hbm.at[pl.ds(base, DEG_CH)], ebuf_f)

        def inner(i, _):
            sv = ebuf_i[pl.ds(i * L, L)]
            dvv = plsc.load_gather(dinv_all, [sv])
            se_buf[pl.ds(i * L, L)] = ebuf_f[pl.ds(i * L, L)] * dvv
            return 0
        lax.fori_loop(0, DEG_CH // L, inner, 0)
        pltpu.sync_copy(se_buf, se_hbm.at[pl.ds(base, DEG_CH)])
        return 0
    lax.fori_loop(0, ESE // DEG_CH, se_chunk, 0)


@functools.partial(
    pl.kernel,
    out_type=(jax.ShapeDtypeStruct((N, HD), jnp.float32),
              jax.ShapeDtypeStruct((N, HD), jnp.float32)),
    mesh=_vsm,
    scratch_types=[
        pltpu.VMEM((2, ECH, HD // 2), jnp.int32),
        pltpu.VMEM((2, ECH, HD), jnp.float32),
        pltpu.VMEM((3, ECH), jnp.int32),
        pltpu.VMEM((3, ECH), jnp.int32),
        pltpu.VMEM((3, ECH), jnp.float32),
        pltpu.VMEM((ECH,), jnp.float32),
        pltpu.SemaphoreType.DMA,
        pltpu.SemaphoreType.DMA,
        pltpu.SemaphoreType.DMA,
        pltpu.VMEM_SHARED((N, HD), jnp.float32),
    ],
    compiler_params=pltpu.CompilerParams(
        needs_layout_passes=False, use_tc_tiling_on_sc=False),
)
def _agg(h0, h1, src_hbm, dst_hbm, se_hbm, z_hbm, o0, o1,
         gbuf3, msg2, src3b, dst3b, se3b, se_buf, gsem, ssem, isem, acc_sh):
    c = lax.axis_index("c")
    s = lax.axis_index("s")

    @pl.when(s < NS - 1)
    def _():
        pltpu.sync_copy(z_hbm.at[pl.ds(s * DRN, DRN)],
                        acc_sh.at[pl.ds(s * DRN, DRN)])

    @pl.when(s == NS - 1)
    def _():
        pltpu.sync_copy(z_hbm.at[pl.ds((NS - 1) * DRN, DRL)],
                        acc_sh.at[pl.ds((NS - 1) * DRN, DRL)])
    plsc.subcore_barrier()

    def run_half(h_hbm):
        def start_idx(j):
            r = lax.rem(j, 3)
            pltpu.async_copy(src_hbm.at[s, j], src3b.at[r], isem)
            pltpu.async_copy(dst_hbm.at[s, j], dst3b.at[r], isem)
            pltpu.async_copy(se_hbm.at[s, j], se3b.at[r], isem)

        def drain_idx():
            pltpu.make_async_copy(src_hbm.at[s, 0], src3b.at[0], isem).wait()
            pltpu.make_async_copy(dst_hbm.at[s, 0], dst3b.at[0], isem).wait()
            pltpu.make_async_copy(se_hbm.at[s, 0], se3b.at[0], isem).wait()

        def drain_gather():
            pltpu.make_async_copy(
                h_hbm.at[pl.ds(0, ECH)], gbuf3.at[0], gsem).wait()

        def drain_scatter():
            pltpu.make_async_copy(
                z_hbm.at[pl.ds(0, ECH)], msg2.at[0], ssem).wait()

        start_idx(0)
        start_idx(1)
        drain_idx()
        pltpu.async_copy(h_hbm.at[src3b.at[0]], gbuf3.at[0], gsem)

        def chunk(j, _):
            jb = lax.rem(j, 2)
            nb = lax.rem(j + 1, 2)
            jr = lax.rem(j, 3)

            @pl.when(j + 1 < NCH)
            def _():
                drain_idx()

            @pl.when(j + 2 < NCH)
            def _():
                start_idx(j + 2)

            @pl.when(j + 1 < NCH)
            def _():
                pltpu.async_copy(
                    h_hbm.at[src3b.at[lax.rem(j + 1, 3)]], gbuf3.at[nb], gsem)

            drain_gather()

            @pl.when(j >= 2)
            def _():
                drain_scatter()

            for k in range(ECH // L):
                se_buf[pl.ds(k * L, L)] = se3b[jr, pl.ds(k * L, L)]

            jbs = jnp.full((L,), jb, jnp.int32)
            evens = lax.iota(jnp.int32, L) * 2

            def edge(e, _):
                sv = plsc.load_gather(se_buf, [jnp.full((L,), e, jnp.int32)])
                es = jnp.full((L,), e, jnp.int32)
                for k in range(HD // 32):
                    w16 = gbuf3[jb, e, pl.ds(k * L, L)]
                    hb = plsc.bitcast(w16, jnp.bfloat16)
                    a, b = plsc.unpack(hb, format=plsc.PackFormat.INTERLEAVED)
                    plsc.store_scatter(msg2, [jbs, es, evens + (k * 32)],
                                       a * sv)
                    plsc.store_scatter(msg2, [jbs, es, evens + (k * 32 + 1)],
                                       b * sv)
                return 0
            lax.fori_loop(0, ECH, edge, 0)
            pltpu.async_copy(msg2.at[jb], acc_sh.at[dst3b.at[jr]],
                             ssem, add=True)
            return 0
        lax.fori_loop(0, NCH, chunk, 0)
        drain_scatter()
        drain_scatter()

    @pl.when(c == 0)
    def _():
        run_half(h0)

    @pl.when(c == 1)
    def _():
        run_half(h1)

    plsc.subcore_barrier()

    def drain(o_hbm):
        @pl.when(s < NS - 1)
        def _():
            pltpu.sync_copy(acc_sh.at[pl.ds(s * DRN, DRN)],
                            o_hbm.at[pl.ds(s * DRN, DRN)])

        @pl.when(s == NS - 1)
        def _():
            pltpu.sync_copy(acc_sh.at[pl.ds((NS - 1) * DRN, DRL)],
                            o_hbm.at[pl.ds((NS - 1) * DRN, DRL)])

    @pl.when(c == 0)
    def _():
        drain(o0)

    @pl.when(c == 1)
    def _():
        drain(o1)


def _mm_body(x_ref, w_ref, o0_ref, o1_ref, b0_ref, b1_ref):
    h = jnp.dot(x_ref[...], w_ref[...], preferred_element_type=jnp.float32,
                precision=lax.Precision.HIGHEST)
    h0 = h[:, :HD]
    h1 = h[:, HD:]
    o0_ref[...] = h0
    o1_ref[...] = h1
    b0_ref[...] = h0.astype(jnp.bfloat16)
    b1_ref[...] = h1.astype(jnp.bfloat16)


_MMR = 2000


def _matmul_split(x, w):
    return pl.pallas_call(
        _mm_body,
        grid=(N // _MMR,),
        in_specs=[pl.BlockSpec((_MMR, D), lambda i: (i, 0)),
                  pl.BlockSpec((D, D), lambda i: (0, 0))],
        out_specs=[pl.BlockSpec((_MMR, HD), lambda i: (i, 0)),
                   pl.BlockSpec((_MMR, HD), lambda i: (i, 0)),
                   pl.BlockSpec((_MMR, HD), lambda i: (i, 0)),
                   pl.BlockSpec((_MMR, HD), lambda i: (i, 0))],
        out_shape=[jax.ShapeDtypeStruct((N, HD), jnp.float32),
                   jax.ShapeDtypeStruct((N, HD), jnp.float32),
                   jax.ShapeDtypeStruct((N, HD), jnp.bfloat16),
                   jax.ShapeDtypeStruct((N, HD), jnp.bfloat16)],
    )(x, w)


def _epi_body(a0_ref, a1_ref, h0_ref, h1_ref, dv_ref, b_ref, o_ref):
    dv = dv_ref[...]
    dv2 = dv * dv
    b = b_ref[...]
    m0 = dv * a0_ref[...] + dv2 * h0_ref[...] + b[:, :HD]
    m1 = dv * a1_ref[...] + dv2 * h1_ref[...] + b[:, HD:]
    o_ref[:, :HD] = jnp.maximum(m0, 0.0)
    o_ref[:, HD:] = jnp.maximum(m1, 0.0)


def _epilogue(a0, a1, h0, h1, dinv_col, b_row):
    return pl.pallas_call(
        _epi_body,
        grid=(N // _MMR,),
        in_specs=[pl.BlockSpec((_MMR, HD), lambda i: (i, 0)),
                  pl.BlockSpec((_MMR, HD), lambda i: (i, 0)),
                  pl.BlockSpec((_MMR, HD), lambda i: (i, 0)),
                  pl.BlockSpec((_MMR, HD), lambda i: (i, 0)),
                  pl.BlockSpec((_MMR, 1), lambda i: (i, 0)),
                  pl.BlockSpec((1, D), lambda i: (0, 0))],
        out_specs=pl.BlockSpec((_MMR, D), lambda i: (i, 0)),
        out_shape=jax.ShapeDtypeStruct((N, D), jnp.float32),
    )(a0, a1, h0, h1, dinv_col, b_row)


def _emm_body(a0_ref, a1_ref, h0_ref, h1_ref, dv_ref, b_ref, w_ref,
              o0_ref, o1_ref, b0_ref, b1_ref):
    dv = dv_ref[...]
    dv2 = dv * dv
    b = b_ref[...]
    t0 = jnp.maximum(dv * a0_ref[...] + dv2 * h0_ref[...] + b[:, :HD], 0.0)
    t1 = jnp.maximum(dv * a1_ref[...] + dv2 * h1_ref[...] + b[:, HD:], 0.0)
    t = jnp.concatenate([t0, t1], axis=1)
    h = jnp.dot(t, w_ref[...], preferred_element_type=jnp.float32,
                precision=lax.Precision.HIGHEST)
    h0 = h[:, :HD]
    h1 = h[:, HD:]
    o0_ref[...] = h0
    o1_ref[...] = h1
    b0_ref[...] = h0.astype(jnp.bfloat16)
    b1_ref[...] = h1.astype(jnp.bfloat16)


def _epi_matmul(a0, a1, h0, h1, dinv_col, b_row, w):
    return pl.pallas_call(
        _emm_body,
        grid=(N // _MMR,),
        in_specs=[pl.BlockSpec((_MMR, HD), lambda i: (i, 0)),
                  pl.BlockSpec((_MMR, HD), lambda i: (i, 0)),
                  pl.BlockSpec((_MMR, HD), lambda i: (i, 0)),
                  pl.BlockSpec((_MMR, HD), lambda i: (i, 0)),
                  pl.BlockSpec((_MMR, 1), lambda i: (i, 0)),
                  pl.BlockSpec((1, D), lambda i: (0, 0)),
                  pl.BlockSpec((D, D), lambda i: (0, 0))],
        out_specs=[pl.BlockSpec((_MMR, HD), lambda i: (i, 0)),
                   pl.BlockSpec((_MMR, HD), lambda i: (i, 0)),
                   pl.BlockSpec((_MMR, HD), lambda i: (i, 0)),
                   pl.BlockSpec((_MMR, HD), lambda i: (i, 0))],
        out_shape=[jax.ShapeDtypeStruct((N, HD), jnp.float32),
                   jax.ShapeDtypeStruct((N, HD), jnp.float32),
                   jax.ShapeDtypeStruct((N, HD), jnp.bfloat16),
                   jax.ShapeDtypeStruct((N, HD), jnp.bfloat16)],
    )(a0, a1, h0, h1, dinv_col, b_row, w)


def kernel(X, edge_index, edge_weight, W1, b1, W2, b2):
    src = edge_index[0]
    dst = edge_index[1]
    pad_i = jnp.zeros((E_PAD - E,), jnp.int32)
    srcp = jnp.concatenate([src, pad_i])
    dstp = jnp.concatenate([dst, pad_i])
    ewp = jnp.concatenate([edge_weight, jnp.zeros((E_PAD - E,), jnp.float32)])

    dinv1d, sep = _prep(srcp, dstp, ewp)
    dinv_col = dinv1d[:N].reshape(N, 1)
    b1r = b1.reshape(1, D)
    b2r = b2.reshape(1, D)
    src3 = srcp.reshape(NS, NCH, ECH)
    dst3 = dstp.reshape(NS, NCH, ECH)
    se3 = sep.reshape(NS, NCH, ECH)

    zrows = jnp.zeros((N, HD), jnp.float32)

    def as_i32(hb):
        return lax.bitcast_convert_type(
            hb.reshape(N, HD // 2, 2), jnp.int32)

    h1a, h1b, h1ab, h1bb = _matmul_split(X, W1)
    a1a, a1b = _agg(as_i32(h1ab), as_i32(h1bb), src3, dst3, se3, zrows)

    h2a, h2b, h2ab, h2bb = _epi_matmul(a1a, a1b, h1a, h1b, dinv_col, b1r, W2)
    a2a, a2b = _agg(as_i32(h2ab), as_i32(h2bb), src3, dst3, se3, zrows)
    return _epilogue(a2a, a2b, h2a, h2b, dinv_col, b2r)

# --- scband reference (transcript-rebuilt; emitter-appended) ---
"""Pipeline reference for scband-single-module-51479478010086 (READ-ONLY COPY).

The authoritative reference and input builder live on the scoring server;
editing this copy changes nothing except your own understanding.
"""

import jax, jax.numpy as jnp
import numpy as np


def gcn_layer(x, src, dst, ew, W, b):
    # Faithful GCNConv (symmetric normalization, self-loops with weight 1):
    # out[i] = sum_j (d_i^-1/2 * w_ij * d_j^-1/2) * (x[j] @ W) + b
    N = x.shape[0]
    loop = jnp.arange(N, dtype=src.dtype)
    s = jnp.concatenate([src, loop])
    d = jnp.concatenate([dst, loop])
    w = jnp.concatenate([ew, jnp.ones((N,), dtype=x.dtype)])
    deg = jnp.zeros((N,), dtype=x.dtype).at[d].add(w)
    dinv = jnp.where(deg > 0, jax.lax.rsqrt(deg), 0.0)
    norm = dinv[s] * w * dinv[d]
    h = x @ W
    msg = h[s] * norm[:, None]
    out = jnp.zeros_like(h).at[d].add(msg)
    return out + b


def setup_inputs(seed: int = 0) -> dict:
    key = jax.random.key(seed)
    ks = jax.random.split(key, 8)
    N, E, D = 10000, 160000, 256
    X = jax.random.normal(ks[0], (N, D), dtype=jnp.float32)
    edge_index = jax.random.randint(ks[1], (2, E), 0, N, dtype=jnp.int32)
    edge_weight = jax.random.uniform(ks[2], (E,), dtype=jnp.float32)
    scale = 1.0 / np.sqrt(D)
    W1 = jax.random.normal(ks[3], (D, D), dtype=jnp.float32) * scale
    b1 = jnp.zeros((D,), dtype=jnp.float32)
    W2 = jax.random.normal(ks[4], (D, D), dtype=jnp.float32) * scale
    b2 = jnp.zeros((D,), dtype=jnp.float32)
    return {"X": X, "edge_index": edge_index, "edge_weight": edge_weight,
            "W1": W1, "b1": b1, "W2": W2, "b2": b2}


def reference(X, edge_index, edge_weight, W1, b1, W2, b2):
    # SingleModule.forward: gcn1 -> relu -> gcn2 -> relu (self.cnn is unused in forward)
    src, dst = edge_index[0], edge_index[1]
    h = jax.nn.relu(gcn_layer(X, src, dst, edge_weight, W1, b1))
    out = jax.nn.relu(gcn_layer(h, src, dst, edge_weight, W2, b2))
    return out

if __name__ == "__main__":
    import jax
    _d = setup_inputs()
    print(jax.jit(kernel)(*tuple(_d.values())))

</pallas_src>

<mosaic_0001>
#map = affine_map<(d0, d1) -> (0, 0)>
#map1 = affine_map<(d0, d1) -> (0, 0, 0)>
module attributes {stable_mosaic.version = 14 : i64} {
  func.func @_agg(%arg0: i32, %arg1: i32, %arg2: memref<10000x64xi32, #tpu.memory_space<hbm>>, %arg3: memref<10000x64xi32, #tpu.memory_space<hbm>>, %arg4: memref<16x80x128xi32, #tpu.memory_space<hbm>>, %arg5: memref<16x80x128xi32, #tpu.memory_space<hbm>>, %arg6: memref<16x80x128xf32, #tpu.memory_space<hbm>>, %arg7: memref<10000x128xf32, #tpu.memory_space<hbm>>, %arg8: memref<10000x128xf32, #tpu.memory_space<hbm>>, %arg9: memref<10000x128xf32, #tpu.memory_space<hbm>>, %arg10: memref<2x128x64xi32, #tpu.memory_space<vmem>>, %arg11: memref<2x128x128xf32, #tpu.memory_space<vmem>>, %arg12: memref<3x128xi32, #tpu.memory_space<vmem>>, %arg13: memref<3x128xi32, #tpu.memory_space<vmem>>, %arg14: memref<3x128xf32, #tpu.memory_space<vmem>>, %arg15: memref<128xf32, #tpu.memory_space<vmem>>, %arg16: memref<!tpu.dma_semaphore, #tpu.memory_space<semaphore_mem>>, %arg17: memref<!tpu.dma_semaphore, #tpu.memory_space<semaphore_mem>>, %arg18: memref<!tpu.dma_semaphore, #tpu.memory_space<semaphore_mem>>, %arg19: memref<10000x128xf32, #tpu.memory_space<vmem_shared>>) attributes {dimension_semantics = [#tpu.dimension_semantics<core_parallel>, #tpu.dimension_semantics<subcore_parallel>], iteration_bounds = array<i64: 2, 16>, scalar_prefetch = 0 : i64, scratch_operands = 10 : i64, tpu.core_type = #tpu.core_type<sc_vector_subcore>, window_params = [{transform_indices = #map}, {transform_indices = #map}, {transform_indices = #map1}, {transform_indices = #map1}, {transform_indices = #map1}, {transform_indices = #map}, {transform_indices = #map}, {transform_indices = #map}]} {
    %lt3A = arith.constant 15 : i32
    %lt3A_0 = arith.cmpi slt, %arg1, %lt3A : i32
    %convert_element_type3A = arith.extui %lt3A_0 : i1 to i32
    %cond3A = arith.constant 0 : i32
    %cond3A_1 = arith.cmpi ne, %convert_element_type3A, %cond3A : i32
    scf.if %cond3A_1 {
      %mul3A = arith.constant 632 : i32
      %mul3A_27 = arith.muli %arg1, %mul3A : i32
      %mul3A_28 = arith.constant 632 : i32
      %mul3A_29 = arith.muli %arg1, %mul3A_28 : i32
      "tpu.region"() ({
        %run_scoped3A = tpu.sem_alloc : memref<!tpu.dma_semaphore, #tpu.memory_space<semaphore_mem>>
        %dma_start3A = arith.constant 0 : i32
        %dma_start3A_30 = tpu.memref_slice %arg19[%mul3A_29, %dma_start3A] : memref<10000x128xf32, #tpu.memory_space<vmem_shared>> -> memref<632x128xf32, #tpu.memory_space<vmem_shared>>
        %dma_start3A_31 = arith.constant 0 : i32
        %dma_start3A_32 = tpu.memref_slice %arg7[%mul3A_27, %dma_start3A_31] : memref<10000x128xf32, #tpu.memory_space<hbm>> -> memref<632x128xf32, #tpu.memory_space<hbm>>
        tpu.enqueue_dma source(%dma_start3A_32 : memref<632x128xf32, #tpu.memory_space<hbm>>) target(%dma_start3A_30 : memref<632x128xf32, #tpu.memory_space<vmem_shared>>) target_semaphore(%run_scoped3A : memref<!tpu.dma_semaphore, #tpu.memory_space<semaphore_mem>>)
        %dma_wait3A = arith.constant 0 : i32
        %dma_wait3A_33 = tpu.memref_slice %arg19[%mul3A_29, %dma_wait3A] : memref<10000x128xf32, #tpu.memory_space<vmem_shared>> -> memref<632x128xf32, #tpu.memory_space<vmem_shared>>
        %dma_wait3A_34 = arith.constant 0 : i32
        %dma_wait3A_35 = tpu.memref_slice %arg7[%mul3A_27, %dma_wait3A_34] : memref<10000x128xf32, #tpu.memory_space<hbm>> -> memref<632x128xf32, #tpu.memory_space<hbm>>
        tpu.wait_dma2 semaphore(%run_scoped3A : memref<!tpu.dma_semaphore, #tpu.memory_space<semaphore_mem>>) src(%dma_wait3A_35 : memref<632x128xf32, #tpu.memory_space<hbm>>) dst(%dma_wait3A_33 : memref<632x128xf32, #tpu.memory_space<vmem_shared>>)
        tpu.yield
      }) : () -> ()
    } else {
    }
    %eq3A = arith.constant 15 : i32
    %eq3A_2 = arith.cmpi eq, %arg1, %eq3A : i32
    %convert_element_type3A_3 = arith.extui %eq3A_2 : i1 to i32
    %cond3A_4 = arith.constant 0 : i32
    %cond3A_5 = arith.cmpi ne, %convert_element_type3A_3, %cond3A_4 : i32
    scf.if %cond3A_5 {
      "tpu.region"() ({
        %run_scoped3A = tpu.sem_alloc : memref<!tpu.dma_semaphore, #tpu.memory_space<semaphore_mem>>
        %dma_start3A = arith.constant 9480 : i32
        %dma_start3A_27 = arith.constant 0 : i32
        %dma_start3A_28 = tpu.memref_slice %arg19[%dma_start3A, %dma_start3A_27] : memref<10000x128xf32, #tpu.memory_space<vmem_shared>> -> memref<520x128xf32, #tpu.memory_space<vmem_shared>>
        %dma_start3A_29 = arith.constant 9480 : i32
        %dma_start3A_30 = arith.constant 0 : i32
        %dma_start3A_31 = tpu.memref_slice %arg7[%dma_start3A_29, %dma_start3A_30] : memref<10000x128xf32, #tpu.memory_space<hbm>> -> memref<520x128xf32, #tpu.memory_space<hbm>>
        tpu.enqueue_dma source(%dma_start3A_31 : memref<520x128xf32, #tpu.memory_space<hbm>>) target(%dma_start3A_28 : memref<520x128xf32, #tpu.memory_space<vmem_shared>>) target_semaphore(%run_scoped3A : memref<!tpu.dma_semaphore, #tpu.memory_space<semaphore_mem>>)
        %dma_wait3A = arith.constant 9480 : i32
        %dma_wait3A_32 = arith.constant 0 : i32
        %dma_wait3A_33 = tpu.memref_slice %arg19[%dma_wait3A, %dma_wait3A_32] : memref<10000x128xf32, #tpu.memory_space<vmem_shared>> -> memref<520x128xf32, #tpu.memory_space<vmem_shared>>
        %dma_wait3A_34 = arith.constant 9480 : i32
        %dma_wait3A_35 = arith.constant 0 : i32
        %dma_wait3A_36 = tpu.memref_slice %arg7[%dma_wait3A_34, %dma_wait3A_35] : memref<10000x128xf32, #tpu.memory_space<hbm>> -> memref<520x128xf32, #tpu.memory_space<hbm>>
        tpu.wait_dma2 semaphore(%run_scoped3A : memref<!tpu.dma_semaphore, #tpu.memory_space<semaphore_mem>>) src(%dma_wait3A_36 : memref<520x128xf32, #tpu.memory_space<hbm>>) dst(%dma_wait3A_33 : memref<520x128xf32, #tpu.memory_space<vmem_shared>>)
        tpu.yield
      }) : () -> ()
    } else {
    }
    %barrier3A = arith.constant 0 : index
    tpu.barrier barrier_id(%barrier3A)
    %eq3A_6 = arith.constant 0 : i32
    %eq3A_7 = arith.cmpi eq, %arg0, %eq3A_6 : i32
    %convert_element_type3A_8 = arith.extui %eq3A_7 : i1 to i32
    %cond3A_9 = arith.constant 0 : i32
    %cond3A_10 = arith.cmpi ne, %convert_element_type3A_8, %cond3A_9 : i32
    scf.if %cond3A_10 {
      %rem3A = arith.constant 0 : i32
      %rem3A_27 = arith.constant 3 : i32
      %rem3A_28 = arith.remsi %rem3A, %rem3A_27 : i32
      %dma_start3A = arith.constant 0 : i32
      %dma_start3A_29 = arith.constant 0 : i32
      %dma_start3A_30 = tpu.memref_slice %arg12[%rem3A_28, %dma_start3A_29] : memref<3x128xi32, #tpu.memory_space<vmem>> -> memref<1x128xi32, #tpu.memory_space<vmem>>
      %dma_start3A_31 = tpu.memref_squeeze %dma_start3A_30 : memref<1x128xi32, #tpu.memory_space<vmem>> -> memref<128xi32, #tpu.memory_space<vmem>>
      %dma_start3A_32 = arith.constant 0 : i32
      %dma_start3A_33 = tpu.memref_slice %arg4[%arg1, %dma_start3A, %dma_start3A_32] : memref<16x80x128xi32, #tpu.memory_space<hbm>> -> memref<1x1x128xi32, #tpu.memory_space<hbm>>
      %dma_start3A_34 = tpu.memref_squeeze %dma_start3A_33 : memref<1x1x128xi32, #tpu.memory_space<hbm>> -> memref<128xi32, #tpu.memory_space<hbm>>
      %dma_start3A_35 = arith.constant 0 : i32
      %dma_start3A_36 = tpu.memref_slice %arg12[%rem3A_28, %dma_start3A_35] : memref<3x128xi32, #tpu.memory_space<vmem>> -> memref<1x128xi32, #tpu.memory_space<vmem>>
      %dma_start3A_37 = tpu.memref_squeeze %dma_start3A_36 : memref<1x128xi32, #tpu.memory_space<vmem>> -> memref<128xi32, #tpu.memory_space<vmem>>
      %dma_start3A_38 = arith.constant 0 : i32
      %dma_start3A_39 = tpu.memref_slice %arg4[%arg1, %dma_start3A, %dma_start3A_38] : memref<16x80x128xi32, #tpu.memory_space<hbm>> -> memref<1x1x128xi32, #tpu.memory_space<hbm>>
      %dma_start3A_40 = tpu.memref_squeeze %dma_start3A_39 : memref<1x1x128xi32, #tpu.memory_space<hbm>> -> memref<128xi32, #tpu.memory_space<hbm>>
      tpu.enqueue_dma source(%dma_start3A_40 : memref<128xi32, #tpu.memory_space<hbm>>) target(%dma_start3A_37 : memref<128xi32, #tpu.memory_space<vmem>>) target_semaphore(%arg18 : memref<!tpu.dma_semaphore, #tpu.memory_space<semaphore_mem>>)
      %dma_start3A_41 = arith.constant 0 : i32
      %dma_start3A_42 = arith.constant 0 : i32
      %dma_start3A_43 = tpu.memref_slice %arg13[%rem3A_28, %dma_start3A_42] : memref<3x128xi32, #tpu.memory_space<vmem>> -> memref<1x128xi32, #tpu.memory_space<vmem>>
      %dma_start3A_44 = tpu.memref_squeeze %dma_start3A_43 : memref<1x128xi32, #tpu.memory_space<vmem>> -> memref<128xi32, #tpu.memory_space<vmem>>
      %dma_start3A_45 = arith.constant 0 : i32
      %dma_start3A_46 = tpu.memref_slice %arg5[%arg1, %dma_start3A_41, %dma_start3A_45] : memref<16x80x128xi32, #tpu.memory_space<hbm>> -> memref<1x1x128xi32, #tpu.memory_space<hbm>>
      %dma_start3A_47 = tpu.memref_squeeze %dma_start3A_46 : memref<1x1x128xi32, #tpu.memory_space<hbm>> -> memref<128xi32, #tpu.memory_space<hbm>>
      %dma_start3A_48 = arith.constant 0 : i32
      %dma_start3A_49 = tpu.memref_slice %arg13[%rem3A_28, %dma_start3A_48] : memref<3x128xi32, #tpu.memory_space<vmem>> -> memref<1x128xi32, #tpu.memory_space<vmem>>
      %dma_start3A_50 = tpu.memref_squeeze %dma_start3A_49 : memref<1x128xi32, #tpu.memory_space<vmem>> -> memref<128xi32, #tpu.memory_space<vmem>>
      %dma_start3A_51 = arith.constant 0 : i32
      %dma_start3A_52 = tpu.memref_slice %arg5[%arg1, %dma_start3A_41, %dma_start3A_51] : memref<16x80x128xi32, #tpu.memory_space<hbm>> -> memref<1x1x128xi32, #tpu.memory_space<hbm>>
      %dma_start3A_53 = tpu.memref_squeeze %dma_start3A_52 : memref<1x1x128xi32, #tpu.memory_space<hbm>> -> memref<128xi32, #tpu.memory_space<hbm>>
      tpu.enqueue_dma source(%dma_start3A_53 : memref<128xi32, #tpu.memory_space<hbm>>) target(%dma_start3A_50 : memref<128xi32, #tpu.memory_space<vmem>>) target_semaphore(%arg18 : memref<!tpu.dma_semaphore, #tpu.memory_space<semaphore_mem>>)
      %dma_start3A_54 = arith.constant 0 : i32
      %dma_start3A_55 = arith.constant 0 : i32
      %dma_start3A_56 = tpu.memref_slice %arg14[%rem3A_28, %dma_start3A_55] : memref<3x128xf32, #tpu.memory_space<vmem>> -> memref<1x128xf32, #tpu.memory_space<vmem>>
      %dma_start3A_57 = tpu.memref_squeeze %dma_start3A_56 : memref<1x128xf32, #tpu.memory_space<vmem>> -> memref<128xf32, #tpu.memory_space<vmem>>
      %dma_start3A_58 = arith.constant 0 : i32
      %dma_start3A_59 = tpu.memref_slice %arg6[%arg1, %dma_start3A_54, %dma_start3A_58] : memref<16x80x128xf32, #tpu.memory_space<hbm>> -> memref<1x1x128xf32, #tpu.memory_space<hbm>>
      %dma_start3A_60 = tpu.memref_squeeze %dma_start3A_59 : memref<1x1x128xf32, #tpu.memory_space<hbm>> -> memref<128xf32, #tpu.memory_space<hbm>>
      %dma_start3A_61 = arith.constant 0 : i32
      %dma_start3A_62 = tpu.memref_slice %arg14[%rem3A_28, %dma_start3A_61] : memref<3x128xf32, #tpu.memory_space<vmem>> -> memref<1x128xf32, #tpu.memory_space<vmem>>
      %dma_start3A_63 = tpu.memref_squeeze %dma_start3A_62 : memref<1x128xf32, #tpu.memory_space<vmem>> -> memref<128xf32, #tpu.memory_space<vmem>>
      %dma_start3A_64 = arith.constant 0 : i32
      %dma_start3A_65 = tpu.memref_slice %arg6[%arg1, %dma_start3A_54, %dma_start3A_64] : memref<16x80x128xf32, #tpu.memory_space<hbm>> -> memref<1x1x128xf32, #tpu.memory_space<hbm>>
      %dma_start3A_66 = tpu.memref_squeeze %dma_start3A_65 : memref<1x1x128xf32, #tpu.memory_space<hbm>> -> memref<128xf32, #tpu.memory_space<hbm>>
      tpu.enqueue_dma source(%dma_start3A_66 : memref<128xf32, #tpu.memory_space<hbm>>) target(%dma_start3A_63 : memref<128xf32, #tpu.memory_space<vmem>>) target_semaphore(%arg18 : memref<!tpu.dma_semaphore, #tpu.memory_space<semaphore_mem>>)
      %rem3A_67 = arith.constant 1 : i32
      %rem3A_68 = arith.constant 3 : i32
      %rem3A_69 = arith.remsi %rem3A_67, %rem3A_68 : i32
      %dma_start3A_70 = arith.constant 1 : i32
      %dma_start3A_71 = arith.constant 0 : i32
      %dma_start3A_72 = tpu.memref_slice %arg12[%rem3A_69, %dma_start3A_71] : memref<3x128xi32, #tpu.memory_space<vmem>> -> memref<1x128xi32, #tpu.memory_space<vmem>>
      %dma_start3A_73 = tpu.memref_squeeze %dma_start3A_72 : memref<1x128xi32, #tpu.memory_space<vmem>> -> memref<128xi32, #tpu.memory_space<vmem>>
      %dma_start3A_74 = arith.constant 0 : i32
      %dma_start3A_75 = tpu.memref_slice %arg4[%arg1, %dma_start3A_70, %dma_start3A_74] : memref<16x80x128xi32, #tpu.memory_space<hbm>> -> memref<1x1x128xi32, #tpu.memory_space<hbm>>
      %dma_start3A_76 = tpu.memref_squeeze %dma_start3A_75 : memref<1x1x128xi32, #tpu.memory_space<hbm>> -> memref<128xi32, #tpu.memory_space<hbm>>
      %dma_start3A_77 = arith.constant 0 : i32
      %dma_start3A_78 = tpu.memref_slice %arg12[%rem3A_69, %dma_start3A_77] : memref<3x128xi32, #tpu.memory_space<vmem>> -> memref<1x128xi32, #tpu.memory_space<vmem>>
      %dma_start3A_79 = tpu.memref_squeeze %dma_start3A_78 : memref<1x128xi32, #tpu.memory_space<vmem>> -> memref<128xi32, #tpu.memory_space<vmem>>
      %dma_start3A_80 = arith.constant 0 : i32
      %dma_start3A_81 = tpu.memref_slice %arg4[%arg1, %dma_start3A_70, %dma_start3A_80] : memref<16x80x128xi32, #tpu.memory_space<hbm>> -> memref<1x1x128xi32, #tpu.memory_space<hbm>>
      %dma_start3A_82 = tpu.memref_squeeze %dma_start3A_81 : memref<1x1x128xi32, #tpu.memory_space<hbm>> -> memref<128xi32, #tpu.memory_space<hbm>>
      tpu.enqueue_dma source(%dma_start3A_82 : memref<128xi32, #tpu.memory_space<hbm>>) target(%dma_start3A_79 : memref<128xi32, #tpu.memory_space<vmem>>) target_semaphore(%arg18 : memref<!tpu.dma_semaphore, #tpu.memory_space<semaphore_mem>>)
      %dma_start3A_83 = arith.constant 1 : i32
      %dma_start3A_84 = arith.constant 0 : i32
      %dma_start3A_85 = tpu.memref_slice %arg13[%rem3A_69, %dma_start3A_84] : memref<3x128xi32, #tpu.memory_space<vmem>> -> memref<1x128xi32, #tpu.memory_space<vmem>>
      %dma_start3A_86 = tpu.memref_squeeze %dma_start3A_85 : memref<1x128xi32, #tpu.memory_space<vmem>> -> memref<128xi32, #tpu.memory_space<vmem>>
      %dma_start3A_87 = arith.constant 0 : i32
      %dma_start3A_88 = tpu.memref_slice %arg5[%arg1, %dma_start3A_83, %dma_start3A_87] : memref<16x80x128xi32, #tpu.memory_space<hbm>> -> memref<1x1x128xi32, #tpu.memory_space<hbm>>
      %dma_start3A_89 = tpu.memref_squeeze %dma_start3A_88 : memref<1x1x128xi32, #tpu.memory_space<hbm>> -> memref<128xi32, #tpu.memory_space<hbm>>
      %dma_start3A_90 = arith.constant 0 : i32
      %dma_start3A_91 = tpu.memref_slice %arg13[%rem3A_69, %dma_start3A_90] : memref<3x128xi32, #tpu.memory_space<vmem>> -> memref<1x128xi32, #tpu.memory_space<vmem>>
      %dma_start3A_92 = tpu.memref_squeeze %dma_start3A_91 : memref<1x128xi32, #tpu.memory_space<vmem>> -> memref<128xi32, #tpu.memory_space<vmem>>
      %dma_start3A_93 = arith.constant 0 : i32
      %dma_start3A_94 = tpu.memref_slice %arg5[%arg1, %dma_start3A_83, %dma_start3A_93] : memref<16x80x128xi32, #tpu.memory_space<hbm>> -> memref<1x1x128xi32, #tpu.memory_space<hbm>>
      %dma_start3A_95 = tpu.memref_squeeze %dma_start3A_94 : memref<1x1x128xi32, #tpu.memory_space<hbm>> -> memref<128xi32, #tpu.memory_space<hbm>>
      tpu.enqueue_dma source(%dma_start3A_95 : memref<128xi32, #tpu.memory_space<hbm>>) target(%dma_start3A_92 : memref<128xi32, #tpu.memory_space<vmem>>) target_semaphore(%arg18 : memref<!tpu.dma_semaphore, #tpu.memory_space<semaphore_mem>>)
      %dma_start3A_96 = arith.constant 1 : i32
      %dma_start3A_97 = arith.constant 0 : i32
      %dma_start3A_98 = tpu.memref_slice %arg14[%rem3A_69, %dma_start3A_97] : memref<3x128xf32, #tpu.memory_space<vmem>> -> memref<1x128xf32, #tpu.memory_space<vmem>>
      %dma_start3A_99 = tpu.memref_squeeze %dma_start3A_98 : memref<1x128xf32, #tpu.memory_space<vmem>> -> memref<128xf32, #tpu.memory_space<vmem>>
      %dma_start3A_100 = arith.constant 0 : i32
      %dma_start3A_101 = tpu.memref_slice %arg6[%arg1, %dma_start3A_96, %dma_start3A_100] : memref<16x80x128xf32, #tpu.memory_space<hbm>> -> memref<1x1x128xf32, #tpu.memory_space<hbm>>
      %dma_start3A_102 = tpu.memref_squeeze %dma_start3A_101 : memref<1x1x128xf32, #tpu.memory_space<hbm>> -> memref<128xf32, #tpu.memory_space<hbm>>
      %dma_start3A_103 = arith.constant 0 : i32
      %dma_start3A_104 = tpu.memref_slice %arg14[%rem3A_69, %dma_start3A_103] : memref<3x128xf32, #tpu.memory_space<vmem>> -> memref<1x128xf32, #tpu.memory_space<vmem>>
      %dma_start3A_105 = tpu.memref_squeeze %dma_start3A_104 : memref<1x128xf32, #tpu.memory_space<vmem>> -> memref<128xf32, #tpu.memory_space<vmem>>
      %dma_start3A_106 = arith.constant 0 : i32
      %dma_start3A_107 = tpu.memref_slice %arg6[%arg1, %dma_start3A_96, %dma_start3A_106] : memref<16x80x128xf32, #tpu.memory_space<hbm>> -> memref<1x1x128xf32, #tpu.memory_space<hbm>>
      %dma_start3A_108 = tpu.memref_squeeze %dma_start3A_107 : memref<1x1x128xf32, #tpu.memory_space<hbm>> -> memref<128xf32, #tpu.memory_space<hbm>>
      tpu.enqueue_dma source(%dma_start3A_108 : memref<128xf32, #tpu.memory_space<hbm>>) target(%dma_start3A_105 : memref<128xf32, #tpu.memory_space<vmem>>) target_semaphore(%arg18 : memref<!tpu.dma_semaphore, #tpu.memory_space<semaphore_mem>>)
      %dma_wait3A = arith.constant 0 : i32
      %dma_wait3A_109 = arith.constant 0 : i32
      %dma_wait3A_110 = arith.constant 0 : i32
      %dma_wait3A_111 = tpu.memref_slice %arg12[%dma_wait3A_109, %dma_wait3A_110] : memref<3x128xi32, #tpu.memory_space<vmem>> -> memref<1x128xi32, #tpu.memory_space<vmem>>
      %dma_wait3A_112 = tpu.memref_squeeze %dma_wait3A_111 : memref<1x128xi32, #tpu.memory_space<vmem>> -> memref<128xi32, #tpu.memory_space<vmem>>
      %dma_wait3A_113 = arith.constant 0 : i32
      %dma_wait3A_114 = tpu.memref_slice %arg4[%arg1, %dma_wait3A, %dma_wait3A_113] : memref<16x80x128xi32, #tpu.memory_space<hbm>> -> memref<1x1x128xi32, #tpu.memory_space<hbm>>
      %dma_wait3A_115 = tpu.memref_squeeze %dma_wait3A_114 : memref<1x1x128xi32, #tpu.memory_space<hbm>> -> memref<128xi32, #tpu.memory_space<hbm>>
      %dma_wait3A_116 = arith.constant 0 : i32
      %dma_wait3A_117 = tpu.memref_slice %arg12[%dma_wait3A_109, %dma_wait3A_116] : memref<3x128xi32, #tpu.memory_space<vmem>> -> memref<1x128xi32, #tpu.memory_space<vmem>>
      %dma_wait3A_118 = tpu.memref_squeeze %dma_wait3A_117 : memref<1x128xi32, #tpu.memory_space<vmem>> -> memref<128xi32, #tpu.memory_space<vmem>>
      %dma_wait3A_119 = arith.constant 0 : i32
      %dma_wait3A_120 = tpu.memref_slice %arg4[%arg1, %dma_wait3A, %dma_wait3A_119] : memref<16x80x128xi32, #tpu.memory_space<hbm>> -> memref<1x1x128xi32, #tpu.memory_space<hbm>>
      %dma_wait3A_121 = tpu.memref_squeeze %dma_wait3A_120 : memref<1x1x128xi32, #tpu.memory_space<hbm>> -> memref<128xi32, #tpu.memory_space<hbm>>
      tpu.wait_dma2 semaphore(%arg18 : memref<!tpu.dma_semaphore, #tpu.memory_space<semaphore_mem>>) src(%dma_wait3A_121 : memref<128xi32, #tpu.memory_space<hbm>>) dst(%dma_wait3A_118 : memref<128xi32, #tpu.memory_space<vmem>>)
      %dma_wait3A_122 = arith.constant 0 : i32
      %dma_wait3A_123 = arith.constant 0 : i32
      %dma_wait3A_124 = arith.constant 0 : i32
      %dma_wait3A_125 = tpu.memref_slice %arg13[%dma_wait3A_123, %dma_wait3A_124] : memref<3x128xi32, #tpu.memory_space<vmem>> -> memref<1x128xi32, #tpu.memory_space<vmem>>
      %dma_wait3A_126 = tpu.memref_squeeze %dma_wait3A_125 : memref<1x128xi32, #tpu.memory_space<vmem>> -> memref<128xi32, #tpu.memory_space<vmem>>
      %dma_wait3A_127 = arith.constant 0 : i32
      %dma_wait3A_128 = tpu.memref_slice %arg5[%arg1, %dma_wait3A_122, %dma_wait3A_127] : memref<16x80x128xi32, #tpu.memory_space<hbm>> -> memref<1x1x128xi32, #tpu.memory_space<hbm>>
      %dma_wait3A_129 = tpu.memref_squeeze %dma_wait3A_128 : memref<1x1x128xi32, #tpu.memory_space<hbm>> -> memref<128xi32, #tpu.memory_space<hbm>>
      %dma_wait3A_130 = arith.constant 0 : i32
      %dma_wait3A_131 = tpu.memref_slice %arg13[%dma_wait3A_123, %dma_wait3A_130] : memref<3x128xi32, #tpu.memory_space<vmem>> -> memref<1x128xi32, #tpu.memory_space<vmem>>
      %dma_wait3A_132 = tpu.memref_squeeze %dma_wait3A_131 : memref<1x128xi32, #tpu.memory_space<vmem>> -> memref<128xi32, #tpu.memory_space<vmem>>
      %dma_wait3A_133 = arith.constant 0 : i32
      %dma_wait3A_134 = tpu.memref_slice %arg5[%arg1, %dma_wait3A_122, %dma_wait3A_133] : memref<16x80x128xi32, #tpu.memory_space<hbm>> -> memref<1x1x128xi32, #tpu.memory_space<hbm>>
      %dma_wait3A_135 = tpu.memref_squeeze %dma_wait3A_134 : memref<1x1x128xi32, #tpu.memory_space<hbm>> -> memref<128xi32, #tpu.memory_space<hbm>>
      tpu.wait_dma2 semaphore(%arg18 : memref<!tpu.dma_semaphore, #tpu.memory_space<semaphore_mem>>) src(%dma_wait3A_135 : memref<128xi32, #tpu.memory_space<hbm>>) dst(%dma_wait3A_132 : memref<128xi32, #tpu.memory_space<vmem>>)
      %dma_wait3A_136 = arith.constant 0 : i32
      %dma_wait3A_137 = arith.constant 0 : i32
      %dma_wait3A_138 = arith.constant 0 : i32
      %dma_wait3A_139 = tpu.memref_slice %arg14[%dma_wait3A_137, %dma_wait3A_138] : memref<3x128xf32, #tpu.memory_space<vmem>> -> memref<1x128xf32, #tpu.memory_space<vmem>>
      %dma_wait3A_140 = tpu.memref_squeeze %dma_wait3A_139 : memref<1x128xf32, #tpu.memory_space<vmem>> -> memref<128xf32, #tpu.memory_space<vmem>>
      %dma_wait3A_141 = arith.constant 0 : i32
      %dma_wait3A_142 = tpu.memref_slice %arg6[%arg1, %dma_wait3A_136, %dma_wait3A_141] : memref<16x80x128xf32, #tpu.memory_space<hbm>> -> memref<1x1x128xf32, #tpu.memory_space<hbm>>
      %dma_wait3A_143 = tpu.memref_squeeze %dma_wait3A_142 : memref<1x1x128xf32, #tpu.memory_space<hbm>> -> memref<128xf32, #tpu.memory_space<hbm>>
      %dma_wait3A_144 = arith.constant 0 : i32
      %dma_wait3A_145 = tpu.memref_slice %arg14[%dma_wait3A_137, %dma_wait3A_144] : memref<3x128xf32, #tpu.memory_space<vmem>> -> memref<1x128xf32, #tpu.memory_space<vmem>>
      %dma_wait3A_146 = tpu.memref_squeeze %dma_wait3A_145 : memref<1x128xf32, #tpu.memory_space<vmem>> -> memref<128xf32, #tpu.memory_space<vmem>>
      %dma_wait3A_147 = arith.constant 0 : i32
      %dma_wait3A_148 = tpu.memref_slice %arg6[%arg1, %dma_wait3A_136, %dma_wait3A_147] : memref<16x80x128xf32, #tpu.memory_space<hbm>> -> memref<1x1x128xf32, #tpu.memory_space<hbm>>
      %dma_wait3A_149 = tpu.memref_squeeze %dma_wait3A_148 : memref<1x1x128xf32, #tpu.memory_space<hbm>> -> memref<128xf32, #tpu.memory_space<hbm>>
      tpu.wait_dma2 semaphore(%arg18 : memref<!tpu.dma_semaphore, #tpu.memory_space<semaphore_mem>>) src(%dma_wait3A_149 : memref<128xf32, #tpu.memory_space<hbm>>) dst(%dma_wait3A_146 : memref<128xf32, #tpu.memory_space<vmem>>)
      %dma_start3A_150 = arith.constant 0 : i32
      %dma_start3A_151 = arith.constant 0 : i32
      %dma_start3A_152 = arith.constant 0 : i32
      %dma_start3A_153 = arith.constant 0 : i32
      %dma_start3A_154 = tpu.memref_slice %arg10[%dma_start3A_151, %dma_start3A_152, %dma_start3A_153] : memref<2x128x64xi32, #tpu.memory_space<vmem>> -> memref<1x128x64xi32, #tpu.memory_space<vmem>>
      %dma_start3A_155 = tpu.memref_squeeze %dma_start3A_154 : memref<1x128x64xi32, #tpu.memory_space<vmem>> -> memref<128x64xi32, #tpu.memory_space<vmem>>
      %dma_start3A_156 = arith.constant 0 : i32
      %dma_start3A_157 = tpu.memref_slice %arg12[%dma_start3A_150, %dma_start3A_156] : memref<3x128xi32, #tpu.memory_space<vmem>> -> memref<1x128xi32, #tpu.memory_space<vmem>>
      %dma_start3A_158 = tpu.memref_squeeze %dma_start3A_157 : memref<1x128xi32, #tpu.memory_space<vmem>> -> memref<128xi32, #tpu.memory_space<vmem>>
      %dma_start3A_159 = arith.constant 0 : i32
      %dma_start3A_160 = arith.constant 0 : i32
      %dma_start3A_161 = tpu.memref_slice %arg2[%dma_start3A_159, %dma_start3A_160] : memref<10000x64xi32, #tpu.memory_space<hbm>> -> memref<10000x64xi32, #tpu.memory_space<hbm>>
      tpu.enqueue_indirect_dma source(%dma_start3A_161 : memref<10000x64xi32, #tpu.memory_space<hbm>>) target(%dma_start3A_155 : memref<128x64xi32, #tpu.memory_space<vmem>>) offsets(%dma_start3A_158 : memref<128xi32, #tpu.memory_space<vmem>>) semaphore(%arg16 : memref<!tpu.dma_semaphore, #tpu.memory_space<semaphore_mem>>)
      %scan3A = arith.constant 0 : i32
      %scan3A_162 = arith.constant 0 : i32
      %scan3A_163 = arith.constant 80 : i32
      %scan3A_164 = arith.addi %scan3A_162, %scan3A_163 : i32
      %scan3A_165 = arith.constant 1 : i32
      %scan3A_166 = scf.for %scan3A_198 = %scan3A_162 to %scan3A_164 step %scan3A_165 iter_args(%scan3A_199 = %scan3A) -> (i32)  : i32 {
        %rem3A_200 = arith.constant 2 : i32
        %rem3A_201 = arith.remsi %scan3A_198, %rem3A_200 : i32
        %add3A = arith.constant 1 : i32
        %add3A_202 = arith.addi %scan3A_198, %add3A : i32
        %rem3A_203 = arith.constant 2 : i32
        %rem3A_204 = arith.remsi %add3A_202, %rem3A_203 : i32
        %rem3A_205 = arith.constant 3 : i32
        %rem3A_206 = arith.remsi %scan3A_198, %rem3A_205 : i32
        %add3A_207 = arith.constant 1 : i32
        %add3A_208 = arith.addi %scan3A_198, %add3A_207 : i32
        %lt3A_209 = arith.constant 80 : i32
        %lt3A_210 = arith.cmpi slt, %add3A_208, %lt3A_209 : i32
        %convert_element_type3A_211 = arith.extui %lt3A_210 : i1 to i32
        %cond3A_212 = arith.constant 0 : i32
        %cond3A_213 = arith.cmpi ne, %convert_element_type3A_211, %cond3A_212 : i32
        scf.if %cond3A_213 {
          %dma_wait3A_305 = arith.constant 0 : i32
          %dma_wait3A_306 = arith.constant 0 : i32
          %dma_wait3A_307 = arith.constant 0 : i32
          %dma_wait3A_308 = tpu.memref_slice %arg12[%dma_wait3A_306, %dma_wait3A_307] : memref<3x128xi32, #tpu.memory_space<vmem>> -> memref<1x128xi32, #tpu.memory_space<vmem>>
          %dma_wait3A_309 = tpu.memref_squeeze %dma_wait3A_308 : memref<1x128xi32, #tpu.memory_space<vmem>> -> memref<128xi32, #tpu.memory_space<vmem>>
          %dma_wait3A_310 = arith.constant 0 : i32
          %dma_wait3A_311 = tpu.memref_slice %arg4[%arg1, %dma_wait3A_305, %dma_wait3A_310] : memref<16x80x128xi32, #tpu.memory_space<hbm>> -> memref<1x1x128xi32, #tpu.memory_space<hbm>>
          %dma_wait3A_312 = tpu.memref_squeeze %dma_wait3A_311 : memref<1x1x128xi32, #tpu.memory_space<hbm>> -> memref<128xi32, #tpu.memory_space<hbm>>
          %dma_wait3A_313 = arith.constant 0 : i32
          %dma_wait3A_314 = tpu.memref_slice %arg12[%dma_wait3A_306, %dma_wait3A_313] : memref<3x128xi32, #tpu.memory_space<vmem>> -> memref<1x128xi32, #tpu.memory_space<vmem>>
          %dma_wait3A_315 = tpu.memref_squeeze %dma_wait3A_314 : memref<1x128xi32, #tpu.memory_space<vmem>> -> memref<128xi32, #tpu.memory_space<vmem>>
          %dma_wait3A_316 = arith.constant 0 : i32
          %dma_wait3A_317 = tpu.memref_slice %arg4[%arg1, %dma_wait3A_305, %dma_wait3A_316] : memref<16x80x128xi32, #tpu.memory_space<hbm>> -> memref<1x1x128xi32, #tpu.memory_space<hbm>>
          %dma_wait3A_318 = tpu.memref_squeeze %dma_wait3A_317 : memref<1x1x128xi32, #tpu.memory_space<hbm>> -> memref<128xi32, #tpu.memory_space<hbm>>
          tpu.wait_dma2 semaphore(%arg18 : memref<!tpu.dma_semaphore, #tpu.memory_space<semaphore_mem>>) src(%dma_wait3A_318 : memref<128xi32, #tpu.memory_space<hbm>>) dst(%dma_wait3A_315 : memref<128xi32, #tpu.memory_space<vmem>>)
          %dma_wait3A_319 = arith.constant 0 : i32
          %dma_wait3A_320 = arith.constant 0 : i32
          %dma_wait3A_321 = arith.constant 0 : i32
          %dma_wait3A_322 = tpu.memref_slice %arg13[%dma_wait3A_320, %dma_wait3A_321] : memref<3x128xi32, #tpu.memory_space<vmem>> -> memref<1x128xi32, #tpu.memory_space<vmem>>
          %dma_wait3A_323 = tpu.memref_squeeze %dma_wait3A_322 : memref<1x128xi32, #tpu.memory_space<vmem>> -> memref<128xi32, #tpu.memory_space<vmem>>
          %dma_wait3A_324 = arith.constant 0 : i32
          %dma_wait3A_325 = tpu.memref_slice %arg5[%arg1, %dma_wait3A_319, %dma_wait3A_324] : memref<16x80x128xi32, #tpu.memory_space<hbm>> -> memref<1x1x128xi32, #tpu.memory_space<hbm>>
          %dma_wait3A_326 = tpu.memref_squeeze %dma_wait3A_325 : memref<1x1x128xi32, #tpu.memory_space<hbm>> -> memref<128xi32, #tpu.memory_space<hbm>>
          %dma_wait3A_327 = arith.constant 0 : i32
          %dma_wait3A_328 = tpu.memref_slice %arg13[%dma_wait3A_320, %dma_wait3A_327] : memref<3x128xi32, #tpu.memory_space<vmem>> -> memref<1x128xi32, #tpu.memory_space<vmem>>
          %dma_wait3A_329 = tpu.memref_squeeze %dma_wait3A_328 : memref<1x128xi32, #tpu.memory_space<vmem>> -> memref<128xi32, #tpu.memory_space<vmem>>
          %dma_wait3A_330 = arith.constant 0 : i32
          %dma_wait3A_331 = tpu.memref_slice %arg5[%arg1, %dma_wait3A_319, %dma_wait3A_330] : memref<16x80x128xi32, #tpu.memory_space<hbm>> -> memref<1x1x128xi32, #tpu.memory_space<hbm>>
          %dma_wait3A_332 = tpu.memref_squeeze %dma_wait3A_331 : memref<1x1x128xi32, #tpu.memory_space<hbm>> -> memref<128xi32, #tpu.memory_space<hbm>>
          tpu.wait_dma2 semaphore(%arg18 : memref<!tpu.dma_semaphore, #tpu.memory_space<semaphore_mem>>) src(%dma_wait3A_332 : memref<128xi32, #tpu.memory_space<hbm>>) dst(%dma_wait3A_329 : memref<128xi32, #tpu.memory_space<vmem>>)
          %dma_wait3A_333 = arith.constant 0 : i32
          %dma_wait3A_334 = arith.constant 0 : i32
          %dma_wait3A_335 = arith.constant 0 : i32
          %dma_wait3A_336 = tpu.memref_slice %arg14[%dma_wait3A_334, %dma_wait3A_335] : memref<3x128xf32, #tpu.memory_space<vmem>> -> memref<1x128xf32, #tpu.memory_space<vmem>>
          %dma_wait3A_337 = tpu.memref_squeeze %dma_wait3A_336 : memref<1x128xf32, #tpu.memory_space<vmem>> -> memref<128xf32, #tpu.memory_space<vmem>>
          %dma_wait3A_338 = arith.constant 0 : i32
          %dma_wait3A_339 = tpu.memref_slice %arg6[%arg1, %dma_wait3A_333, %dma_wait3A_338] : memref<16x80x128xf32, #tpu.memory_space<hbm>> -> memref<1x1x128xf32, #tpu.memory_space<hbm>>
          %dma_wait3A_340 = tpu.memref_squeeze %dma_wait3A_339 : memref<1x1x128xf32, #tpu.memory_space<hbm>> -> memref<128xf32, #tpu.memory_space<hbm>>
          %dma_wait3A_341 = arith.constant 0 : i32
          %dma_wait3A_342 = tpu.memref_slice %arg14[%dma_wait3A_334, %dma_wait3A_341] : memref<3x128xf32, #tpu.memory_space<vmem>> -> memref<1x128xf32, #tpu.memory_space<vmem>>
          %dma_wait3A_343 = tpu.memref_squeeze %dma_wait3A_342 : memref<1x128xf32, #tpu.memory_space<vmem>> -> memref<128xf32, #tpu.memory_space<vmem>>
          %dma_wait3A_344 = arith.constant 0 : i32
          %dma_wait3A_345 = tpu.memref_slice %arg6[%arg1, %dma_wait3A_333, %dma_wait3A_344] : memref<16x80x128xf32, #tpu.memory_space<hbm>> -> memref<1x1x128xf32, #tpu.memory_space<hbm>>
          %dma_wait3A_346 = tpu.memref_squeeze %dma_wait3A_345 : memref<1x1x128xf32, #tpu.memory_space<hbm>> -> memref<128xf32, #tpu.memory_space<hbm>>
          tpu.wait_dma2 semaphore(%arg18 : memref<!tpu.dma_semaphore, #tpu.memory_space<semaphore_mem>>) src(%dma_wait3A_346 : memref<128xf32, #tpu.memory_space<hbm>>) dst(%dma_wait3A_343 : memref<128xf32, #tpu.memory_space<vmem>>)
        } else {
        }
        %add3A_214 = arith.constant 2 : i32
        %add3A_215 = arith.addi %scan3A_198, %add3A_214 : i32
        %lt3A_216 = arith.constant 80 : i32
        %lt3A_217 = arith.cmpi slt, %add3A_215, %lt3A_216 : i32
        %convert_element_type3A_218 = arith.extui %lt3A_217 : i1 to i32
        %cond3A_219 = arith.constant 0 : i32
        %cond3A_220 = arith.cmpi ne, %convert_element_type3A_218, %cond3A_219 : i32
        scf.if %cond3A_220 {
          %add3A_305 = arith.constant 2 : i32
          %add3A_306 = arith.addi %scan3A_198, %add3A_305 : i32
          %rem3A_307 = arith.constant 3 : i32
          %rem3A_308 = arith.remsi %add3A_306, %rem3A_307 : i32
          %dma_start3A_309 = arith.constant 0 : i32
          %dma_start3A_310 = tpu.memref_slice %arg12[%rem3A_308, %dma_start3A_309] : memref<3x128xi32, #tpu.memory_space<vmem>> -> memref<1x128xi32, #tpu.memory_space<vmem>>
          %dma_start3A_311 = tpu.memref_squeeze %dma_start3A_310 : memref<1x128xi32, #tpu.memory_space<vmem>> -> memref<128xi32, #tpu.memory_space<vmem>>
          %dma_start3A_312 = arith.constant 0 : i32
          %dma_start3A_313 = tpu.memref_slice %arg4[%arg1, %add3A_306, %dma_start3A_312] : memref<16x80x128xi32, #tpu.memory_space<hbm>> -> memref<1x1x128xi32, #tpu.memory_space<hbm>>
          %dma_start3A_314 = tpu.memref_squeeze %dma_start3A_313 : memref<1x1x128xi32, #tpu.memory_space<hbm>> -> memref<128xi32, #tpu.memory_space<hbm>>
          %dma_start3A_315 = arith.constant 0 : i32
          %dma_start3A_316 = tpu.memref_slice %arg12[%rem3A_308, %dma_start3A_315] : memref<3x128xi32, #tpu.memory_space<vmem>> -> memref<1x128xi32, #tpu.memory_space<vmem>>
          %dma_start3A_317 = tpu.memref_squeeze %dma_start3A_316 : memref<1x128xi32, #tpu.memory_space<vmem>> -> memref<128xi32, #tpu.memory_space<vmem>>
          %dma_start3A_318 = arith.constant 0 : i32
          %dma_start3A_319 = tpu.memref_slice %arg4[%arg1, %add3A_306, %dma_start3A_318] : memref<16x80x128xi32, #tpu.memory_space<hbm>> -> memref<1x1x128xi32, #tpu.memory_space<hbm>>
          %dma_start3A_320 = tpu.memref_squeeze %dma_start3A_319 : memref<1x1x128xi32, #tpu.memory_space<hbm>> -> memref<128xi32, #tpu.memory_space<hbm>>
          tpu.enqueue_dma source(%dma_start3A_320 : memref<128xi32, #tpu.memory_space<hbm>>) target(%dma_start3A_317 : memref<128xi32, #tpu.memory_space<vmem>>) target_semaphore(%arg18 : memref<!tpu.dma_semaphore, #tpu.memory_space<semaphore_mem>>)
          %dma_start3A_321 = arith.constant 0 : i32
          %dma_start3A_322 = tpu.memref_slice %arg13[%rem3A_308, %dma_start3A_321] : memref<3x128xi32, #tpu.memory_space<vmem>> -> memref<1x128xi32, #tpu.memory_space<vmem>>
          %dma_start3A_323 = tpu.memref_squeeze %dma_start3A_322 : memref<1x128xi32, #tpu.memory_space<vmem>> -> memref<128xi32, #tpu.memory_space<vmem>>
          %dma_start3A_324 = arith.constant 0 : i32
          %dma_start3A_325 = tpu.memref_slice %arg5[%arg1, %add3A_306, %dma_start3A_324] : memref<16x80x128xi32, #tpu.memory_space<hbm>> -> memref<1x1x128xi32, #tpu.memory_space<hbm>>
          %dma_start3A_326 = tpu.memref_squeeze %dma_start3A_325 : memref<1x1x128xi32, #tpu.memory_space<hbm>> -> memref<128xi32, #tpu.memory_space<hbm>>
          %dma_start3A_327 = arith.constant 0 : i32
          %dma_start3A_328 = tpu.memref_slice %arg13[%rem3A_308, %dma_start3A_327] : memref<3x128xi32, #tpu.memory_space<vmem>> -> memref<1x128xi32, #tpu.memory_space<vmem>>
          %dma_start3A_329 = tpu.memref_squeeze %dma_start3A_328 : memref<1x128xi32, #tpu.memory_space<vmem>> -> memref<128xi32, #tpu.memory_space<vmem>>
          %dma_start3A_330 = arith.constant 0 : i32
          %dma_start3A_331 = tpu.memref_slice %arg5[%arg1, %add3A_306, %dma_start3A_330] : memref<16x80x128xi32, #tpu.memory_space<hbm>> -> memref<1x1x128xi32, #tpu.memory_space<hbm>>
          %dma_start3A_332 = tpu.memref_squeeze %dma_start3A_331 : memref<1x1x128xi32, #tpu.memory_space<hbm>> -> memref<128xi32, #tpu.memory_space<hbm>>
          tpu.enqueue_dma source(%dma_start3A_332 : memref<128xi32, #tpu.memory_space<hbm>>) target(%dma_start3A_329 : memref<128xi32, #tpu.memory_space<vmem>>) target_semaphore(%arg18 : memref<!tpu.dma_semaphore, #tpu.memory_space<semaphore_mem>>)
          %dma_start3A_333 = arith.constant 0 : i32
          %dma_start3A_334 = tpu.memref_slice %arg14[%rem3A_308, %dma_start3A_333] : memref<3x128xf32, #tpu.memory_space<vmem>> -> memref<1x128xf32, #tpu.memory_space<vmem>>
          %dma_start3A_335 = tpu.memref_squeeze %dma_start3A_334 : memref<1x128xf32, #tpu.memory_space<vmem>> -> memref<128xf32, #tpu.memory_space<vmem>>
          %dma_start3A_336 = arith.constant 0 : i32
          %dma_start3A_337 = tpu.memref_slice %arg6[%arg1, %add3A_306, %dma_start3A_336] : memref<16x80x128xf32, #tpu.memory_space<hbm>> -> memref<1x1x128xf32, #tpu.memory_space<hbm>>
          %dma_start3A_338 = tpu.memref_squeeze %dma_start3A_337 : memref<1x1x128xf32, #tpu.memory_space<hbm>> -> memref<128xf32, #tpu.memory_space<hbm>>
          %dma_start3A_339 = arith.constant 0 : i32
          %dma_start3A_340 = tpu.memref_slice %arg14[%rem3A_308, %dma_start3A_339] : memref<3x128xf32, #tpu.memory_space<vmem>> -> memref<1x128xf32, #tpu.memory_space<vmem>>
          %dma_start3A_341 = tpu.memref_squeeze %dma_start3A_340 : memref<1x128xf32, #tpu.memory_space<vmem>> -> memref<128xf32, #tpu.memory_space<vmem>>
          %dma_start3A_342 = arith.constant 0 : i32
          %dma_start3A_343 = tpu.memref_slice %arg6[%arg1, %add3A_306, %dma_start3A_342] : memref<16x80x128xf32, #tpu.memory_space<hbm>> -> memref<1x1x128xf32, #tpu.memory_space<hbm>>
          %dma_start3A_344 = tpu.memref_squeeze %dma_start3A_343 : memref<1x1x128xf32, #tpu.memory_space<hbm>> -> memref<128xf32, #tpu.memory_space<hbm>>
          tpu.enqueue_dma source(%dma_start3A_344 : memref<128xf32, #tpu.memory_space<hbm>>) target(%dma_start3A_341 : memref<128xf32, #tpu.memory_space<vmem>>) target_semaphore(%arg18 : memref<!tpu.dma_semaphore, #tpu.memory_space<semaphore_mem>>)
        } else {
        }
        %add3A_221 = arith.constant 1 : i32
        %add3A_222 = arith.addi %scan3A_198, %add3A_221 : i32
        %lt3A_223 = arith.constant 80 : i32
        %lt3A_224 = arith.cmpi slt, %add3A_222, %lt3A_223 : i32
        %convert_element_type3A_225 = arith.extui %lt3A_224 : i1 to i32
        %cond3A_226 = arith.constant 0 : i32
        %cond3A_227 = arith.cmpi ne, %convert_element_type3A_225, %cond3A_226 : i32
        scf.if %cond3A_227 {
          %add3A_305 = arith.constant 1 : i32
          %add3A_306 = arith.addi %scan3A_198, %add3A_305 : i32
          %rem3A_307 = arith.constant 3 : i32
          %rem3A_308 = arith.remsi %add3A_306, %rem3A_307 : i32
          %dma_start3A_309 = arith.constant 0 : i32
          %dma_start3A_310 = arith.constant 0 : i32
          %dma_start3A_311 = tpu.memref_slice %arg10[%rem3A_204, %dma_start3A_309, %dma_start3A_310] : memref<2x128x64xi32, #tpu.memory_space<vmem>> -> memref<1x128x64xi32, #tpu.memory_space<vmem>>
          %dma_start3A_312 = tpu.memref_squeeze %dma_start3A_311 : memref<1x128x64xi32, #tpu.memory_space<vmem>> -> memref<128x64xi32, #tpu.memory_space<vmem>>
          %dma_start3A_313 = arith.constant 0 : i32
          %dma_start3A_314 = tpu.memref_slice %arg12[%rem3A_308, %dma_start3A_313] : memref<3x128xi32, #tpu.memory_space<vmem>> -> memref<1x128xi32, #tpu.memory_space<vmem>>
          %dma_start3A_315 = tpu.memref_squeeze %dma_start3A_314 : memref<1x128xi32, #tpu.memory_space<vmem>> -> memref<128xi32, #tpu.memory_space<vmem>>
          %dma_start3A_316 = arith.constant 0 : i32
          %dma_start3A_317 = arith.constant 0 : i32
          %dma_start3A_318 = tpu.memref_slice %arg2[%dma_start3A_316, %dma_start3A_317] : memref<10000x64xi32, #tpu.memory_space<hbm>> -> memref<10000x64xi32, #tpu.memory_space<hbm>>
          tpu.enqueue_indirect_dma source(%dma_start3A_318 : memref<10000x64xi32, #tpu.memory_space<hbm>>) target(%dma_start3A_312 : memref<128x64xi32, #tpu.memory_space<vmem>>) offsets(%dma_start3A_315 : memref<128xi32, #tpu.memory_space<vmem>>) semaphore(%arg16 : memref<!tpu.dma_semaphore, #tpu.memory_space<semaphore_mem>>)
        } else {
        }
        %dma_wait3A_228 = arith.constant 0 : i32
        %dma_wait3A_229 = arith.constant 0 : i32
        %dma_wait3A_230 = arith.constant 0 : i32
        %dma_wait3A_231 = tpu.memref_slice %arg10[%dma_wait3A_228, %dma_wait3A_229, %dma_wait3A_230] : memref<2x128x64xi32, #tpu.memory_space<vmem>> -> memref<1x128x64xi32, #tpu.memory_space<vmem>>
        %dma_wait3A_232 = tpu.memref_squeeze %dma_wait3A_231 : memref<1x128x64xi32, #tpu.memory_space<vmem>> -> memref<128x64xi32, #tpu.memory_space<vmem>>
        %dma_wait3A_233 = arith.constant 0 : i32
        %dma_wait3A_234 = arith.constant 0 : i32
        %dma_wait3A_235 = tpu.memref_slice %arg2[%dma_wait3A_233, %dma_wait3A_234] : memref<10000x64xi32, #tpu.memory_space<hbm>> -> memref<128x64xi32, #tpu.memory_space<hbm>>
        %dma_wait3A_236 = arith.constant 0 : i32
        %dma_wait3A_237 = arith.constant 0 : i32
        %dma_wait3A_238 = tpu.memref_slice %arg10[%dma_wait3A_228, %dma_wait3A_236, %dma_wait3A_237] : memref<2x128x64xi32, #tpu.memory_space<vmem>> -> memref<1x128x64xi32, #tpu.memory_space<vmem>>
        %dma_wait3A_239 = tpu.memref_squeeze %dma_wait3A_238 : memref<1x128x64xi32, #tpu.memory_space<vmem>> -> memref<128x64xi32, #tpu.memory_space<vmem>>
        %dma_wait3A_240 = arith.constant 0 : i32
        %dma_wait3A_241 = arith.constant 0 : i32
        %dma_wait3A_242 = tpu.memref_slice %arg2[%dma_wait3A_240, %dma_wait3A_241] : memref<10000x64xi32, #tpu.memory_space<hbm>> -> memref<128x64xi32, #tpu.memory_space<hbm>>
        tpu.wait_dma2 semaphore(%arg16 : memref<!tpu.dma_semaphore, #tpu.memory_space<semaphore_mem>>) src(%dma_wait3A_242 : memref<128x64xi32, #tpu.memory_space<hbm>>) dst(%dma_wait3A_239 : memref<128x64xi32, #tpu.memory_space<vmem>>)
        %ge3A = arith.constant 2 : i32
        %ge3A_243 = arith.cmpi sge, %scan3A_198, %ge3A : i32
        %convert_element_type3A_244 = arith.extui %ge3A_243 : i1 to i32
        %cond3A_245 = arith.constant 0 : i32
        %cond3A_246 = arith.cmpi ne, %convert_element_type3A_244, %cond3A_245 : i32
        scf.if %cond3A_246 {
          %dma_wait3A_305 = arith.constant 0 : i32
          %dma_wait3A_306 = arith.constant 0 : i32
          %dma_wait3A_307 = arith.constant 0 : i32
          %dma_wait3A_308 = tpu.memref_slice %arg11[%dma_wait3A_305, %dma_wait3A_306, %dma_wait3A_307] : memref<2x128x128xf32, #tpu.memory_space<vmem>> -> memref<1x128x128xf32, #tpu.memory_space<vmem>>
          %dma_wait3A_309 = tpu.memref_squeeze %dma_wait3A_308 : memref<1x128x128xf32, #tpu.memory_space<vmem>> -> memref<128x128xf32, #tpu.memory_space<vmem>>
          %dma_wait3A_310 = arith.constant 0 : i32
          %dma_wait3A_311 = arith.constant 0 : i32
          %dma_wait3A_312 = tpu.memref_slice %arg7[%dma_wait3A_310, %dma_wait3A_311] : memref<10000x128xf32, #tpu.memory_space<hbm>> -> memref<128x128xf32, #tpu.memory_space<hbm>>
          %dma_wait3A_313 = arith.constant 0 : i32
          %dma_wait3A_314 = arith.constant 0 : i32
          %dma_wait3A_315 = tpu.memref_slice %arg11[%dma_wait3A_305, %dma_wait3A_313, %dma_wait3A_314] : memref<2x128x128xf32, #tpu.memory_space<vmem>> -> memref<1x128x128xf32, #tpu.memory_space<vmem>>
          %dma_wait3A_316 = tpu.memref_squeeze %dma_wait3A_315 : memref<1x128x128xf32, #tpu.memory_space<vmem>> -> memref<128x128xf32, #tpu.memory_space<vmem>>
          %dma_wait3A_317 = arith.constant 0 : i32
          %dma_wait3A_318 = arith.constant 0 : i32
          %dma_wait3A_319 = tpu.memref_slice %arg7[%dma_wait3A_317, %dma_wait3A_318] : memref<10000x128xf32, #tpu.memory_space<hbm>> -> memref<128x128xf32, #tpu.memory_space<hbm>>
          tpu.wait_dma2 semaphore(%arg17 : memref<!tpu.dma_semaphore, #tpu.memory_space<semaphore_mem>>) src(%dma_wait3A_319 : memref<128x128xf32, #tpu.memory_space<hbm>>) dst(%dma_wait3A_316 : memref<128x128xf32, #tpu.memory_space<vmem>>)
        } else {
        }
        %get3A = arith.index_cast %rem3A_206 : i32 to index
        %get3A_247 = arith.constant 0 : index
        %get3A_248 = tpu.vector_load %arg14[%get3A, %get3A_247] {strides = array<i32>} : memref<3x128xf32, #tpu.memory_space<vmem>>, vector<16xf32>,
        %swap3A = arith.constant 0 : index
        %swap3A_249 = tpu.vector_load %arg15[%swap3A] {strides = array<i32>} : memref<128xf32, #tpu.memory_space<vmem>>, vector<16xf32>,
        tpu.vector_store %arg15[%swap3A], %get3A_248 {strides = array<i32>} : memref<128xf32, #tpu.memory_space<vmem>>, vector<16xf32>,
        %get3A_250 = arith.index_cast %rem3A_206 : i32 to index
        %get3A_251 = arith.constant 16 : index
        %get3A_252 = tpu.vector_load %arg14[%get3A_250, %get3A_251] {strides = array<i32>} : memref<3x128xf32, #tpu.memory_space<vmem>>, vector<16xf32>,
        %swap3A_253 = arith.constant 16 : index
        %swap3A_254 = tpu.vector_load %arg15[%swap3A_253] {strides = array<i32>} : memref<128xf32, #tpu.memory_space<vmem>>, vector<16xf32>,
        tpu.vector_store %arg15[%swap3A_253], %get3A_252 {strides = array<i32>} : memref<128xf32, #tpu.memory_space<vmem>>, vector<16xf32>,
        %get3A_255 = arith.index_cast %rem3A_206 : i32 to index
        %get3A_256 = arith.constant 32 : index
        %get3A_257 = tpu.vector_load %arg14[%get3A_255, %get3A_256] {strides = array<i32>} : memref<3x128xf32, #tpu.memory_space<vmem>>, vector<16xf32>,
        %swap3A_258 = arith.constant 32 : index
        %swap3A_259 = tpu.vector_load %arg15[%swap3A_258] {strides = array<i32>} : memref<128xf32, #tpu.memory_space<vmem>>, vector<16xf32>,
        tpu.vector_store %arg15[%swap3A_258], %get3A_257 {strides = array<i32>} : memref<128xf32, #tpu.memory_space<vmem>>, vector<16xf32>,
        %get3A_260 = arith.index_cast %rem3A_206 : i32 to index
        %get3A_261 = arith.constant 48 : index
        %get3A_262 = tpu.vector_load %arg14[%get3A_260, %get3A_261] {strides = array<i32>} : memref<3x128xf32, #tpu.memory_space<vmem>>, vector<16xf32>,
        %swap3A_263 = arith.constant 48 : index
        %swap3A_264 = tpu.vector_load %arg15[%swap3A_263] {strides = array<i32>} : memref<128xf32, #tpu.memory_space<vmem>>, vector<16xf32>,
        tpu.vector_store %arg15[%swap3A_263], %get3A_262 {strides = array<i32>} : memref<128xf32, #tpu.memory_space<vmem>>, vector<16xf32>,
        %get3A_265 = arith.index_cast %rem3A_206 : i32 to index
        %get3A_266 = arith.constant 64 : index
        %get3A_267 = tpu.vector_load %arg14[%get3A_265, %get3A_266] {strides = array<i32>} : memref<3x128xf32, #tpu.memory_space<vmem>>, vector<16xf32>,
        %swap3A_268 = arith.constant 64 : index
        %swap3A_269 = tpu.vector_load %arg15[%swap3A_268] {strides = array<i32>} : memref<128xf32, #tpu.memory_space<vmem>>, vector<16xf32>,
        tpu.vector_store %arg15[%swap3A_268], %get3A_267 {strides = array<i32>} : memref<128xf32, #tpu.memory_space<vmem>>, vector<16xf32>,
        %get3A_270 = arith.index_cast %rem3A_206 : i32 to index
        %get3A_271 = arith.constant 80 : index
        %get3A_272 = tpu.vector_load %arg14[%get3A_270, %get3A_271] {strides = array<i32>} : memref<3x128xf32, #tpu.memory_space<vmem>>, vector<16xf32>,
        %swap3A_273 = arith.constant 80 : index
        %swap3A_274 = tpu.vector_load %arg15[%swap3A_273] {strides = array<i32>} : memref<128xf32, #tpu.memory_space<vmem>>, vector<16xf32>,
        tpu.vector_store %arg15[%swap3A_273], %get3A_272 {strides = array<i32>} : memref<128xf32, #tpu.memory_space<vmem>>, vector<16xf32>,
        %get3A_275 = arith.index_cast %rem3A_206 : i32 to index
        %get3A_276 = arith.constant 96 : index
        %get3A_277 = tpu.vector_load %arg14[%get3A_275, %get3A_276] {strides = array<i32>} : memref<3x128xf32, #tpu.memory_space<vmem>>, vector<16xf32>,
        %swap3A_278 = arith.constant 96 : index
        %swap3A_279 = tpu.vector_load %arg15[%swap3A_278] {strides = array<i32>} : memref<128xf32, #tpu.memory_space<vmem>>, vector<16xf32>,
        tpu.vector_store %arg15[%swap3A_278], %get3A_277 {strides = array<i32>} : memref<128xf32, #tpu.memory_space<vmem>>, vector<16xf32>,
        %get3A_280 = arith.index_cast %rem3A_206 : i32 to index
        %get3A_281 = arith.constant 112 : index
        %get3A_282 = tpu.vector_load %arg14[%get3A_280, %get3A_281] {strides = array<i32>} : memref<3x128xf32, #tpu.memory_space<vmem>>, vector<16xf32>,
        %swap3A_283 = arith.constant 112 : index
        %swap3A_284 = tpu.vector_load %arg15[%swap3A_283] {strides = array<i32>} : memref<128xf32, #tpu.memory_space<vmem>>, vector<16xf32>,
        tpu.vector_store %arg15[%swap3A_283], %get3A_282 {strides = array<i32>} : memref<128xf32, #tpu.memory_space<vmem>>, vector<16xf32>,
        %broadcast_in_dim3A = vector.broadcast %rem3A_201 : i32 to vector<16xi32>
        %iota3A = tpu.iota {dimensions = array<i32: 0>} : vector<16xi32>
        %mul3A = arith.constant 2 : i32
        %mul3A_285 = vector.broadcast %mul3A : i32 to vector<16xi32>
        %mul3A_286 = arith.muli %iota3A, %mul3A_285 : vector<16xi32>
        %scan3A_287 = arith.constant 0 : i32
        %scan3A_288 = arith.constant 0 : i32
        %scan3A_289 = arith.constant 128 : i32
        %scan3A_290 = arith.addi %scan3A_288, %scan3A_289 : i32
        %scan3A_291 = arith.constant 1 : i32
        %scan3A_292 = scf.for %scan3A_305 = %scan3A_288 to %scan3A_290 step %scan3A_291 iter_args(%scan3A_306 = %scan3A_287) -> (i32)  : i32 {
          %broadcast_in_dim3A_307 = vector.broadcast %scan3A_305 : i32 to vector<16xi32>
          %gather3A = tpu.vector_load_idx %arg15[%broadcast_in_dim3A_307] : memref<128xf32, #tpu.memory_space<vmem>>[vector<16xi32>], vector<16xf32>,
          %broadcast_in_dim3A_308 = vector.broadcast %scan3A_305 : i32 to vector<16xi32>
          %get3A_309 = arith.index_cast %rem3A_201 : i32 to index
          %get3A_310 = arith.index_cast %scan3A_305 : i32 to index
          %get3A_311 = arith.constant 0 : index
          %get3A_312 = tpu.vector_load %arg10[%get3A_309, %get3A_310, %get3A_311] {strides = array<i32>} : memref<2x128x64xi32, #tpu.memory_space<vmem>>, vector<16xi32>,
          %bitcast3A = vector.bitcast %get3A_312 : vector<16xi32> to vector<32xbf16>
          %unpack3A = tpu.unpack_subelements %bitcast3A, 0 {pack_format = #tpu.pack_format<interleaved>} : vector<32xbf16> -> vector<16xf32>
          %unpack3A_313 = tpu.unpack_subelements %bitcast3A, 1 {pack_format = #tpu.pack_format<interleaved>} : vector<32xbf16> -> vector<16xf32>
          %add3A_314 = arith.constant 0 : i32
          %add3A_315 = vector.broadcast %add3A_314 : i32 to vector<16xi32>
          %add3A_316 = arith.addi %mul3A_286, %add3A_315 : vector<16xi32>
          %mul3A_317 = arith.mulf %unpack3A, %gather3A : vector<16xf32>
          tpu.vector_store_idx %arg11[%broadcast_in_dim3A, %broadcast_in_dim3A_308, %add3A_316], %mul3A_317 : memref<2x128x128xf32, #tpu.memory_space<vmem>>[vector<16xi32>, vector<16xi32>, vector<16xi32>], vector<16xf32>,
          %add3A_318 = arith.constant 1 : i32
          %add3A_319 = vector.broadcast %add3A_318 : i32 to vector<16xi32>
          %add3A_320 = arith.addi %mul3A_286, %add3A_319 : vector<16xi32>
          %mul3A_321 = arith.mulf %unpack3A_313, %gather3A : vector<16xf32>
          tpu.vector_store_idx %arg11[%broadcast_in_dim3A, %broadcast_in_dim3A_308, %add3A_320], %mul3A_321 : memref<2x128x128xf32, #tpu.memory_space<vmem>>[vector<16xi32>, vector<16xi32>, vector<16xi32>], vector<16xf32>,
          %get3A_322 = arith.index_cast %rem3A_201 : i32 to index
          %get3A_323 = arith.index_cast %scan3A_305 : i32 to index
          %get3A_324 = arith.constant 16 : index
          %get3A_325 = tpu.vector_load %arg10[%get3A_322, %get3A_323, %get3A_324] {strides = array<i32>} : memref<2x128x64xi32, #tpu.memory_space<vmem>>, vector<16xi32>,
          %bitcast3A_326 = vector.bitcast %get3A_325 : vector<16xi32> to vector<32xbf16>
          %unpack3A_327 = tpu.unpack_subelements %bitcast3A_326, 0 {pack_format = #tpu.pack_format<interleaved>} : vector<32xbf16> -> vector<16xf32>
          %unpack3A_328 = tpu.unpack_subelements %bitcast3A_326, 1 {pack_format = #tpu.pack_format<interleaved>} : vector<32xbf16> -> vector<16xf32>
          %add3A_329 = arith.constant 32 : i32
          %add3A_330 = vector.broadcast %add3A_329 : i32 to vector<16xi32>
          %add3A_331 = arith.addi %mul3A_286, %add3A_330 : vector<16xi32>
          %mul3A_332 = arith.mulf %unpack3A_327, %gather3A : vector<16xf32>
          tpu.vector_store_idx %arg11[%broadcast_in_dim3A, %broadcast_in_dim3A_308, %add3A_331], %mul3A_332 : memref<2x128x128xf32, #tpu.memory_space<vmem>>[vector<16xi32>, vector<16xi32>, vector<16xi32>], vector<16xf32>,
          %add3A_333 = arith.constant 33 : i32
          %add3A_334 = vector.broadcast %add3A_333 : i32 to vector<16xi32>
          %add3A_335 = arith.addi %mul3A_286, %add3A_334 : vector<16xi32>
          %mul3A_336 = arith.mulf %unpack3A_328, %gather3A : vector<16xf32>
          tpu.vector_store_idx %arg11[%broadcast_in_dim3A, %broadcast_in_dim3A_308, %add3A_335], %mul3A_336 : memref<2x128x128xf32, #tpu.memory_space<vmem>>[vector<16xi32>, vector<16xi32>, vector<16xi32>], vector<16xf32>,
          %get3A_337 = arith.index_cast %rem3A_201 : i32 to index
          %get3A_338 = arith.index_cast %scan3A_305 : i32 to index
          %get3A_339 = arith.constant 32 : index
          %get3A_340 = tpu.vector_load %arg10[%get3A_337, %get3A_338, %get3A_339] {strides = array<i32>} : memref<2x128x64xi32, #tpu.memory_space<vmem>>, vector<16xi32>,
          %bitcast3A_341 = vector.bitcast %get3A_340 : vector<16xi32> to vector<32xbf16>
          %unpack3A_342 = tpu.unpack_subelements %bitcast3A_341, 0 {pack_format = #tpu.pack_format<interleaved>} : vector<32xbf16> -> vector<16xf32>
          %unpack3A_343 = tpu.unpack_subelements %bitcast3A_341, 1 {pack_format = #tpu.pack_format<interleaved>} : vector<32xbf16> -> vector<16xf32>
          %add3A_344 = arith.constant 64 : i32
          %add3A_345 = vector.broadcast %add3A_344 : i32 to vector<16xi32>
          %add3A_346 = arith.addi %mul3A_286, %add3A_345 : vector<16xi32>
          %mul3A_347 = arith.mulf %unpack3A_342, %gather3A : vector<16xf32>
          tpu.vector_store_idx %arg11[%broadcast_in_dim3A, %broadcast_in_dim3A_308, %add3A_346], %mul3A_347 : memref<2x128x128xf32, #tpu.memory_space<vmem>>[vector<16xi32>, vector<16xi32>, vector<16xi32>], vector<16xf32>,
          %add3A_348 = arith.constant 65 : i32
          %add3A_349 = vector.broadcast %add3A_348 : i32 to vector<16xi32>
          %add3A_350 = arith.addi %mul3A_286, %add3A_349 : vector<16xi32>
          %mul3A_351 = arith.mulf %unpack3A_343, %gather3A : vector<16xf32>
          tpu.vector_store_idx %arg11[%broadcast_in_dim3A, %broadcast_in_dim3A_308, %add3A_350], %mul3A_351 : memref<2x128x128xf32, #tpu.memory_space<vmem>>[vector<16xi32>, vector<16xi32>, vector<16xi32>], vector<16xf32>,
          %get3A_352 = arith.index_cast %rem3A_201 : i32 to index
          %get3A_353 = arith.index_cast %scan3A_305 : i32 to index
          %get3A_354 = arith.constant 48 : index
          %get3A_355 = tpu.vector_load %arg10[%get3A_352, %get3A_353, %get3A_354] {strides = array<i32>} : memref<2x128x64xi32, #tpu.memory_space<vmem>>, vector<16xi32>,
          %bitcast3A_356 = vector.bitcast %get3A_355 : vector<16xi32> to vector<32xbf16>
          %unpack3A_357 = tpu.unpack_subelements %bitcast3A_356, 0 {pack_format = #tpu.pack_format<interleaved>} : vector<32xbf16> -> vector<16xf32>
          %unpack3A_358 = tpu.unpack_subelements %bitcast3A_356, 1 {pack_format = #tpu.pack_format<interleaved>} : vector<32xbf16> -> vector<16xf32>
          %add3A_359 = arith.constant 96 : i32
          %add3A_360 = vector.broadcast %add3A_359 : i32 to vector<16xi32>
          %add3A_361 = arith.addi %mul3A_286, %add3A_360 : vector<16xi32>
          %mul3A_362 = arith.mulf %unpack3A_357, %gather3A : vector<16xf32>
          tpu.vector_store_idx %arg11[%broadcast_in_dim3A, %broadcast_in_dim3A_308, %add3A_361], %mul3A_362 : memref<2x128x128xf32, #tpu.memory_space<vmem>>[vector<16xi32>, vector<16xi32>, vector<16xi32>], vector<16xf32>,
          %add3A_363 = arith.constant 97 : i32
          %add3A_364 = vector.broadcast %add3A_363 : i32 to vector<16xi32>
          %add3A_365 = arith.addi %mul3A_286, %add3A_364 : vector<16xi32>
          %mul3A_366 = arith.mulf %unpack3A_358, %gather3A : vector<16xf32>
          tpu.vector_store_idx %arg11[%broadcast_in_dim3A, %broadcast_in_dim3A_308, %add3A_365], %mul3A_366 : memref<2x128x128xf32, #tpu.memory_space<vmem>>[vector<16xi32>, vector<16xi32>, vector<16xi32>], vector<16xf32>,
          %scan3A_367 = arith.constant 0 : i32
          scf.yield %scan3A_367 : i32
        }
        %scan3A_293 = arith.constant 128 : i32
        %dma_start3A_294 = arith.constant 0 : i32
        %dma_start3A_295 = arith.constant 0 : i32
        %dma_start3A_296 = tpu.memref_slice %arg11[%rem3A_201, %dma_start3A_294, %dma_start3A_295] : memref<2x128x128xf32, #tpu.memory_space<vmem>> -> memref<1x128x128xf32, #tpu.memory_space<vmem>>
        %dma_start3A_297 = tpu.memref_squeeze %dma_start3A_296 : memref<1x128x128xf32, #tpu.memory_space<vmem>> -> memref<128x128xf32, #tpu.memory_space<vmem>>
        %dma_start3A_298 = arith.constant 0 : i32
        %dma_start3A_299 = tpu.memref_slice %arg13[%rem3A_206, %dma_start3A_298] : memref<3x128xi32, #tpu.memory_space<vmem>> -> memref<1x128xi32, #tpu.memory_space<vmem>>
        %dma_start3A_300 = tpu.memref_squeeze %dma_start3A_299 : memref<1x128xi32, #tpu.memory_space<vmem>> -> memref<128xi32, #tpu.memory_space<vmem>>
        %dma_start3A_301 = arith.constant 0 : i32
        %dma_start3A_302 = arith.constant 0 : i32
        %dma_start3A_303 = tpu.memref_slice %arg19[%dma_start3A_301, %dma_start3A_302] : memref<10000x128xf32, #tpu.memory_space<vmem_shared>> -> memref<10000x128xf32, #tpu.memory_space<vmem_shared>>
        tpu.enqueue_indirect_dma source(%dma_start3A_297 : memref<128x128xf32, #tpu.memory_space<vmem>>) target(%dma_start3A_303 : memref<10000x128xf32, #tpu.memory_space<vmem_shared>>) offsets(%dma_start3A_300 : memref<128xi32, #tpu.memory_space<vmem>>) semaphore(%arg17 : memref<!tpu.dma_semaphore, #tpu.memory_space<semaphore_mem>>) {add = true}
        %scan3A_304 = arith.constant 0 : i32
        scf.yield %scan3A_304 : i32
      }
      %scan3A_167 = arith.constant 80 : i32
      %dma_wait3A_168 = arith.constant 0 : i32
      %dma_wait3A_169 = arith.constant 0 : i32
      %dma_wait3A_170 = arith.constant 0 : i32
      %dma_wait3A_171 = tpu.memref_slice %arg11[%dma_wait3A_168, %dma_wait3A_169, %dma_wait3A_170] : memref<2x128x128xf32, #tpu.memory_space<vmem>> -> memref<1x128x128xf32, #tpu.memory_space<vmem>>
      %dma_wait3A_172 = tpu.memref_squeeze %dma_wait3A_171 : memref<1x128x128xf32, #tpu.memory_space<vmem>> -> memref<128x128xf32, #tpu.memory_space<vmem>>
      %dma_wait3A_173 = arith.constant 0 : i32
      %dma_wait3A_174 = arith.constant 0 : i32
      %dma_wait3A_175 = tpu.memref_slice %arg7[%dma_wait3A_173, %dma_wait3A_174] : memref<10000x128xf32, #tpu.memory_space<hbm>> -> memref<128x128xf32, #tpu.memory_space<hbm>>
      %dma_wait3A_176 = arith.constant 0 : i32
      %dma_wait3A_177 = arith.constant 0 : i32
      %dma_wait3A_178 = tpu.memref_slice %arg11[%dma_wait3A_168, %dma_wait3A_176, %dma_wait3A_177] : memref<2x128x128xf32, #tpu.memory_space<vmem>> -> memref<1x128x128xf32, #tpu.memory_space<vmem>>
      %dma_wait3A_179 = tpu.memref_squeeze %dma_wait3A_178 : memref<1x128x128xf32, #tpu.memory_space<vmem>> -> memref<128x128xf32, #tpu.memory_space<vmem>>
      %dma_wait3A_180 = arith.constant 0 : i32
      %dma_wait3A_181 = arith.constant 0 : i32
      %dma_wait3A_182 = tpu.memref_slice %arg7[%dma_wait3A_180, %dma_wait3A_181] : memref<10000x128xf32, #tpu.memory_space<hbm>> -> memref<128x128xf32, #tpu.memory_space<hbm>>
      tpu.wait_dma2 semaphore(%arg17 : memref<!tpu.dma_semaphore, #tpu.memory_space<semaphore_mem>>) src(%dma_wait3A_182 : memref<128x128xf32, #tpu.memory_space<hbm>>) dst(%dma_wait3A_179 : memref<128x128xf32, #tpu.memory_space<vmem>>)
      %dma_wait3A_183 = arith.constant 0 : i32
      %dma_wait3A_184 = arith.constant 0 : i32
      %dma_wait3A_185 = arith.constant 0 : i32
      %dma_wait3A_186 = tpu.memref_slice %arg11[%dma_wait3A_183, %dma_wait3A_184, %dma_wait3A_185] : memref<2x128x128xf32, #tpu.memory_space<vmem>> -> memref<1x128x128xf32, #tpu.memory_space<vmem>>
      %dma_wait3A_187 = tpu.memref_squeeze %dma_wait3A_186 : memref<1x128x128xf32, #tpu.memory_space<vmem>> -> memref<128x128xf32, #tpu.memory_space<vmem>>
      %dma_wait3A_188 = arith.constant 0 : i32
      %dma_wait3A_189 = arith.constant 0 : i32
      %dma_wait3A_190 = tpu.memref_slice %arg7[%dma_wait3A_188, %dma_wait3A_189] : memref<10000x128xf32, #tpu.memory_space<hbm>> -> memref<128x128xf32, #tpu.memory_space<hbm>>
      %dma_wait3A_191 = arith.constant 0 : i32
      %dma_wait3A_192 = arith.constant 0 : i32
      %dma_wait3A_193 = tpu.memref_slice %arg11[%dma_wait3A_183, %dma_wait3A_191, %dma_wait3A_192] : memref<2x128x128xf32, #tpu.memory_space<vmem>> -> memref<1x128x128xf32, #tpu.memory_space<vmem>>
      %dma_wait3A_194 = tpu.memref_squeeze %dma_wait3A_193 : memref<1x128x128xf32, #tpu.memory_space<vmem>> -> memref<128x128xf32, #tpu.memory_space<vmem>>
      %dma_wait3A_195 = arith.constant 0 : i32
      %dma_wait3A_196 = arith.constant 0 : i32
      %dma_wait3A_197 = tpu.memref_slice %arg7[%dma_wait3A_195, %dma_wait3A_196] : memref<10000x128xf32, #tpu.memory_space<hbm>> -> memref<128x128xf32, #tpu.memory_space<hbm>>
      tpu.wait_dma2 semaphore(%arg17 : memref<!tpu.dma_semaphore, #tpu.memory_space<semaphore_mem>>) src(%dma_wait3A_197 : memref<128x128xf32, #tpu.memory_space<hbm>>) dst(%dma_wait3A_194 : memref<128x128xf32, #tpu.memory_space<vmem>>)
    } else {
    }
    %eq3A_11 = arith.constant 1 : i32
    %eq3A_12 = arith.cmpi eq, %arg0, %eq3A_11 : i32
    %convert_element_type3A_13 = arith.extui %eq3A_12 : i1 to i32
    %cond3A_14 = arith.constant 0 : i32
    %cond3A_15 = arith.cmpi ne, %convert_element_type3A_13, %cond3A_14 : i32
    scf.if %cond3A_15 {
      %rem3A = arith.constant 0 : i32
      %rem3A_27 = arith.constant 3 : i32
      %rem3A_28 = arith.remsi %rem3A, %rem3A_27 : i32
      %dma_start3A = arith.constant 0 : i32
      %dma_start3A_29 = arith.constant 0 : i32
      %dma_start3A_30 = tpu.memref_slice %arg12[%rem3A_28, %dma_start3A_29] : memref<3x128xi32, #tpu.memory_space<vmem>> -> memref<1x128xi32, #tpu.memory_space<vmem>>
      %dma_start3A_31 = tpu.memref_squeeze %dma_start3A_30 : memref<1x128xi32, #tpu.memory_space<vmem>> -> memref<128xi32, #tpu.memory_space<vmem>>
      %dma_start3A_32 = arith.constant 0 : i32
      %dma_start3A_33 = tpu.memref_slice %arg4[%arg1, %dma_start3A, %dma_start3A_32] : memref<16x80x128xi32, #tpu.memory_space<hbm>> -> memref<1x1x128xi32, #tpu.memory_space<hbm>>
      %dma_start3A_34 = tpu.memref_squeeze %dma_start3A_33 : memref<1x1x128xi32, #tpu.memory_space<hbm>> -> memref<128xi32, #tpu.memory_space<hbm>>
      %dma_start3A_35 = arith.constant 0 : i32
      %dma_start3A_36 = tpu.memref_slice %arg12[%rem3A_28, %dma_start3A_35] : memref<3x128xi32, #tpu.memory_space<vmem>> -> memref<1x128xi32, #tpu.memory_space<vmem>>
      %dma_start3A_37 = tpu.memref_squeeze %dma_start3A_36 : memref<1x128xi32, #tpu.memory_space<vmem>> -> memref<128xi32, #tpu.memory_space<vmem>>
      %dma_start3A_38 = arith.constant 0 : i32
      %dma_start3A_39 = tpu.memref_slice %arg4[%arg1, %dma_start3A, %dma_start3A_38] : memref<16x80x128xi32, #tpu.memory_space<hbm>> -> memref<1x1x128xi32, #tpu.memory_space<hbm>>
      %dma_start3A_40 = tpu.memref_squeeze %dma_start3A_39 : memref<1x1x128xi32, #tpu.memory_space<hbm>> -> memref<128xi32, #tpu.memory_space<hbm>>
      tpu.enqueue_dma source(%dma_start3A_40 : memref<128xi32, #tpu.memory_space<hbm>>) target(%dma_start3A_37 : memref<128xi32, #tpu.memory_space<vmem>>) target_semaphore(%arg18 : memref<!tpu.dma_semaphore, #tpu.memory_space<semaphore_mem>>)
      %dma_start3A_41 = arith.constant 0 : i32
      %dma_start3A_42 = arith.constant 0 : i32
      %dma_start3A_43 = tpu.memref_slice %arg13[%rem3A_28, %dma_start3A_42] : memref<3x128xi32, #tpu.memory_space<vmem>> -> memref<1x128xi32, #tpu.memory_space<vmem>>
      %dma_start3A_44 = tpu.memref_squeeze %dma_start3A_43 : memref<1x128xi32, #tpu.memory_space<vmem>> -> memref<128xi32, #tpu.memory_space<vmem>>
      %dma_start3A_45 = arith.constant 0 : i32
      %dma_start3A_46 = tpu.memref_slice %arg5[%arg1, %dma_start3A_41, %dma_start3A_45] : memref<16x80x128xi32, #tpu.memory_space<hbm>> -> memref<1x1x128xi32, #tpu.memory_space<hbm>>
      %dma_start3A_47 = tpu.memref_squeeze %dma_start3A_46 : memref<1x1x128xi32, #tpu.memory_space<hbm>> -> memref<128xi32, #tpu.memory_space<hbm>>
      %dma_start3A_48 = arith.constant 0 : i32
      %dma_start3A_49 = tpu.memref_slice %arg13[%rem3A_28, %dma_start3A_48] : memref<3x128xi32, #tpu.memory_space<vmem>> -> memref<1x128xi32, #tpu.memory_space<vmem>>
      %dma_start3A_50 = tpu.memref_squeeze %dma_start3A_49 : memref<1x128xi32, #tpu.memory_space<vmem>> -> memref<128xi32, #tpu.memory_space<vmem>>
      %dma_start3A_51 = arith.constant 0 : i32
      %dma_start3A_52 = tpu.memref_slice %arg5[%arg1, %dma_start3A_41, %dma_start3A_51] : memref<16x80x128xi32, #tpu.memory_space<hbm>> -> memref<1x1x128xi32, #tpu.memory_space<hbm>>
      %dma_start3A_53 = tpu.memref_squeeze %dma_start3A_52 : memref<1x1x128xi32, #tpu.memory_space<hbm>> -> memref<128xi32, #tpu.memory_space<hbm>>
      tpu.enqueue_dma source(%dma_start3A_53 : memref<128xi32, #tpu.memory_space<hbm>>) target(%dma_start3A_50 : memref<128xi32, #tpu.memory_space<vmem>>) target_semaphore(%arg18 : memref<!tpu.dma_semaphore, #tpu.memory_space<semaphore_mem>>)
      %dma_start3A_54 = arith.constant 0 : i32
      %dma_start3A_55 = arith.constant 0 : i32
      %dma_start3A_56 = tpu.memref_slice %arg14[%rem3A_28, %dma_start3A_55] : memref<3x128xf32, #tpu.memory_space<vmem>> -> memref<1x128xf32, #tpu.memory_space<vmem>>
      %dma_start3A_57 = tpu.memref_squeeze %dma_start3A_56 : memref<1x128xf32, #tpu.memory_space<vmem>> -> memref<128xf32, #tpu.memory_space<vmem>>
      %dma_start3A_58 = arith.constant 0 : i32
      %dma_start3A_59 = tpu.memref_slice %arg6[%arg1, %dma_start3A_54, %dma_start3A_58] : memref<16x80x128xf32, #tpu.memory_space<hbm>> -> memref<1x1x128xf32, #tpu.memory_space<hbm>>
      %dma_start3A_60 = tpu.memref_squeeze %dma_start3A_59 : memref<1x1x128xf32, #tpu.memory_space<hbm>> -> memref<128xf32, #tpu.memory_space<hbm>>
      %dma_start3A_61 = arith.constant 0 : i32
      %dma_start3A_62 = tpu.memref_slice %arg14[%rem3A_28, %dma_start3A_61] : memref<3x128xf32, #tpu.memory_space<vmem>> -> memref<1x128xf32, #tpu.memory_space<vmem>>
      %dma_start3A_63 = tpu.memref_squeeze %dma_start3A_62 : memref<1x128xf32, #tpu.memory_space<vmem>> -> memref<128xf32, #tpu.memory_space<vmem>>
      %dma_start3A_64 = arith.constant 0 : i32
      %dma_start3A_65 = tpu.memref_slice %arg6[%arg1, %dma_start3A_54, %dma_start3A_64] : memref<16x80x128xf32, #tpu.memory_space<hbm>> -> memref<1x1x128xf32, #tpu.memory_space<hbm>>
      %dma_start3A_66 = tpu.memref_squeeze %dma_start3A_65 : memref<1x1x128xf32, #tpu.memory_space<hbm>> -> memref<128xf32, #tpu.memory_space<hbm>>
      tpu.enqueue_dma source(%dma_start3A_66 : memref<128xf32, #tpu.memory_space<hbm>>) target(%dma_start3A_63 : memref<128xf32, #tpu.memory_space<vmem>>) target_semaphore(%arg18 : memref<!tpu.dma_semaphore, #tpu.memory_space<semaphore_mem>>)
      %rem3A_67 = arith.constant 1 : i32
      %rem3A_68 = arith.constant 3 : i32
      %rem3A_69 = arith.remsi %rem3A_67, %rem3A_68 : i32
      %dma_start3A_70 = arith.constant 1 : i32
      %dma_start3A_71 = arith.constant 0 : i32
      %dma_start3A_72 = tpu.memref_slice %arg12[%rem3A_69, %dma_start3A_71] : memref<3x128xi32, #tpu.memory_space<vmem>> -> memref<1x128xi32, #tpu.memory_space<vmem>>
      %dma_start3A_73 = tpu.memref_squeeze %dma_start3A_72 : memref<1x128xi32, #tpu.memory_space<vmem>> -> memref<128xi32, #tpu.memory_space<vmem>>
      %dma_start3A_74 = arith.constant 0 : i32
      %dma_start3A_75 = tpu.memref_slice %arg4[%arg1, %dma_start3A_70, %dma_start3A_74] : memref<16x80x128xi32, #tpu.memory_space<hbm>> -> memref<1x1x128xi32, #tpu.memory_space<hbm>>
      %dma_start3A_76 = tpu.memref_squeeze %dma_start3A_75 : memref<1x1x128xi32, #tpu.memory_space<hbm>> -> memref<128xi32, #tpu.memory_space<hbm>>
      %dma_start3A_77 = arith.constant 0 : i32
      %dma_start3A_78 = tpu.memref_slice %arg12[%rem3A_69, %dma_start3A_77] : memref<3x128xi32, #tpu.memory_space<vmem>> -> memref<1x128xi32, #tpu.memory_space<vmem>>
      %dma_start3A_79 = tpu.memref_squeeze %dma_start3A_78 : memref<1x128xi32, #tpu.memory_space<vmem>> -> memref<128xi32, #tpu.memory_space<vmem>>
      %dma_start3A_80 = arith.constant 0 : i32
      %dma_start3A_81 = tpu.memref_slice %arg4[%arg1, %dma_start3A_70, %dma_start3A_80] : memref<16x80x128xi32, #tpu.memory_space<hbm>> -> memref<1x1x128xi32, #tpu.memory_space<hbm>>
      %dma_start3A_82 = tpu.memref_squeeze %dma_start3A_81 : memref<1x1x128xi32, #tpu.memory_space<hbm>> -> memref<128xi32, #tpu.memory_space<hbm>>
      tpu.enqueue_dma source(%dma_start3A_82 : memref<128xi32, #tpu.memory_space<hbm>>) target(%dma_start3A_79 : memref<128xi32, #tpu.memory_space<vmem>>) target_semaphore(%arg18 : memref<!tpu.dma_semaphore, #tpu.memory_space<semaphore_mem>>)
      %dma_start3A_83 = arith.constant 1 : i32
      %dma_start3A_84 = arith.constant 0 : i32
      %dma_start3A_85 = tpu.memref_slice %arg13[%rem3A_69, %dma_start3A_84] : memref<3x128xi32, #tpu.memory_space<vmem>> -> memref<1x128xi32, #tpu.memory_space<vmem>>
      %dma_start3A_86 = tpu.memref_squeeze %dma_start3A_85 : memref<1x128xi32, #tpu.memory_space<vmem>> -> memref<128xi32, #tpu.memory_space<vmem>>
      %dma_start3A_87 = arith.constant 0 : i32
      %dma_start3A_88 = tpu.memref_slice %arg5[%arg1, %dma_start3A_83, %dma_start3A_87] : memref<16x80x128xi32, #tpu.memory_space<hbm>> -> memref<1x1x128xi32, #tpu.memory_space<hbm>>
      %dma_start3A_89 = tpu.memref_squeeze %dma_start3A_88 : memref<1x1x128xi32, #tpu.memory_space<hbm>> -> memref<128xi32, #tpu.memory_space<hbm>>
      %dma_start3A_90 = arith.constant 0 : i32
      %dma_start3A_91 = tpu.memref_slice %arg13[%rem3A_69, %dma_start3A_90] : memref<3x128xi32, #tpu.memory_space<vmem>> -> memref<1x128xi32, #tpu.memory_space<vmem>>
      %dma_start3A_92 = tpu.memref_squeeze %dma_start3A_91 : memref<1x128xi32, #tpu.memory_space<vmem>> -> memref<128xi32, #tpu.memory_space<vmem>>
      %dma_start3A_93 = arith.constant 0 : i32
      %dma_start3A_94 = tpu.memref_slice %arg5[%arg1, %dma_start3A_83, %dma_start3A_93] : memref<16x80x128xi32, #tpu.memory_space<hbm>> -> memref<1x1x128xi32, #tpu.memory_space<hbm>>
      %dma_start3A_95 = tpu.memref_squeeze %dma_start3A_94 : memref<1x1x128xi32, #tpu.memory_space<hbm>> -> memref<128xi32, #tpu.memory_space<hbm>>
      tpu.enqueue_dma source(%dma_start3A_95 : memref<128xi32, #tpu.memory_space<hbm>>) target(%dma_start3A_92 : memref<128xi32, #tpu.memory_space<vmem>>) target_semaphore(%arg18 : memref<!tpu.dma_semaphore, #tpu.memory_space<semaphore_mem>>)
      %dma_start3A_96 = arith.constant 1 : i32
      %dma_start3A_97 = arith.constant 0 : i32
      %dma_start3A_98 = tpu.memref_slice %arg14[%rem3A_69, %dma_start3A_97] : memref<3x128xf32, #tpu.memory_space<vmem>> -> memref<1x128xf32, #tpu.memory_space<vmem>>
      %dma_start3A_99 = tpu.memref_squeeze %dma_start3A_98 : memref<1x128xf32, #tpu.memory_space<vmem>> -> memref<128xf32, #tpu.memory_space<vmem>>
      %dma_start3A_100 = arith.constant 0 : i32
      %dma_start3A_101 = tpu.memref_slice %arg6[%arg1, %dma_start3A_96, %dma_start3A_100] : memref<16x80x128xf32, #tpu.memory_space<hbm>> -> memref<1x1x128xf32, #tpu.memory_space<hbm>>
      %dma_start3A_102 = tpu.memref_squeeze %dma_start3A_101 : memref<1x1x128xf32, #tpu.memory_space<hbm>> -> memref<128xf32, #tpu.memory_space<hbm>>
      %dma_start3A_103 = arith.constant 0 : i32
      %dma_start3A_104 = tpu.memref_slice %arg14[%rem3A_69, %dma_start3A_103] : memref<3x128xf32, #tpu.memory_space<vmem>> -> memref<1x128xf32, #tpu.memory_space<vmem>>
      %dma_start3A_105 = tpu.memref_squeeze %dma_start3A_104 : memref<1x128xf32, #tpu.memory_space<vmem>> -> memref<128xf32, #tpu.memory_space<vmem>>
      %dma_start3A_106 = arith.constant 0 : i32
      %dma_start3A_107 = tpu.memref_slice %arg6[%arg1, %dma_start3A_96, %dma_start3A_106] : memref<16x80x128xf32, #tpu.memory_space<hbm>> -> memref<1x1x128xf32, #tpu.memory_space<hbm>>
      %dma_start3A_108 = tpu.memref_squeeze %dma_start3A_107 : memref<1x1x128xf32, #tpu.memory_space<hbm>> -> memref<128xf32, #tpu.memory_space<hbm>>
      tpu.enqueue_dma source(%dma_start3A_108 : memref<128xf32, #tpu.memory_space<hbm>>) target(%dma_start3A_105 : memref<128xf32, #tpu.memory_space<vmem>>) target_semaphore(%arg18 : memref<!tpu.dma_semaphore, #tpu.memory_space<semaphore_mem>>)
      %dma_wait3A = arith.constant 0 : i32
      %dma_wait3A_109 = arith.constant 0 : i32
      %dma_wait3A_110 = arith.constant 0 : i32
      %dma_wait3A_111 = tpu.memref_slice %arg12[%dma_wait3A_109, %dma_wait3A_110] : memref<3x128xi32, #tpu.memory_space<vmem>> -> memref<1x128xi32, #tpu.memory_space<vmem>>
      %dma_wait3A_112 = tpu.memref_squeeze %dma_wait3A_111 : memref<1x128xi32, #tpu.memory_space<vmem>> -> memref<128xi32, #tpu.memory_space<vmem>>
      %dma_wait3A_113 = arith.constant 0 : i32
      %dma_wait3A_114 = tpu.memref_slice %arg4[%arg1, %dma_wait3A, %dma_wait3A_113] : memref<16x80x128xi32, #tpu.memory_space<hbm>> -> memref<1x1x128xi32, #tpu.memory_space<hbm>>
      %dma_wait3A_115 = tpu.memref_squeeze %dma_wait3A_114 : memref<1x1x128xi32, #tpu.memory_space<hbm>> -> memref<128xi32, #tpu.memory_space<hbm>>
      %dma_wait3A_116 = arith.constant 0 : i32
      %dma_wait3A_117 = tpu.memref_slice %arg12[%dma_wait3A_109, %dma_wait3A_116] : memref<3x128xi32, #tpu.memory_space<vmem>> -> memref<1x128xi32, #tpu.memory_space<vmem>>
      %dma_wait3A_118 = tpu.memref_squeeze %dma_wait3A_117 : memref<1x128xi32, #tpu.memory_space<vmem>> -> memref<128xi32, #tpu.memory_space<vmem>>
      %dma_wait3A_119 = arith.constant 0 : i32
      %dma_wait3A_120 = tpu.memref_slice %arg4[%arg1, %dma_wait3A, %dma_wait3A_119] : memref<16x80x128xi32, #tpu.memory_space<hbm>> -> memref<1x1x128xi32, #tpu.memory_space<hbm>>
      %dma_wait3A_121 = tpu.memref_squeeze %dma_wait3A_120 : memref<1x1x128xi32, #tpu.memory_space<hbm>> -> memref<128xi32, #tpu.memory_space<hbm>>
      tpu.wait_dma2 semaphore(%arg18 : memref<!tpu.dma_semaphore, #tpu.memory_space<semaphore_mem>>) src(%dma_wait3A_121 : memref<128xi32, #tpu.memory_space<hbm>>) dst(%dma_wait3A_118 : memref<128xi32, #tpu.memory_space<vmem>>)
      %dma_wait3A_122 = arith.constant 0 : i32
      %dma_wait3A_123 = arith.constant 0 : i32
      %dma_wait3A_124 = arith.constant 0 : i32
      %dma_wait3A_125 = tpu.memref_slice %arg13[%dma_wait3A_123, %dma_wait3A_124] : memref<3x128xi32, #tpu.memory_space<vmem>> -> memref<1x128xi32, #tpu.memory_space<vmem>>
      %dma_wait3A_126 = tpu.memref_squeeze %dma_wait3A_125 : memref<1x128xi32, #tpu.memory_space<vmem>> -> memref<128xi32, #tpu.memory_space<vmem>>
      %dma_wait3A_127 = arith.constant 0 : i32
      %dma_wait3A_128 = tpu.memref_slice %arg5[%arg1, %dma_wait3A_122, %dma_wait3A_127] : memref<16x80x128xi32, #tpu.memory_space<hbm>> -> memref<1x1x128xi32, #tpu.memory_space<hbm>>
      %dma_wait3A_129 = tpu.memref_squeeze %dma_wait3A_128 : memref<1x1x128xi32, #tpu.memory_space<hbm>> -> memref<128xi32, #tpu.memory_space<hbm>>
      %dma_wait3A_130 = arith.constant 0 : i32
      %dma_wait3A_131 = tpu.memref_slice %arg13[%dma_wait3A_123, %dma_wait3A_130] : memref<3x128xi32, #tpu.memory_space<vmem>> -> memref<1x128xi32, #tpu.memory_space<vmem>>
      %dma_wait3A_132 = tpu.memref_squeeze %dma_wait3A_131 : memref<1x128xi32, #tpu.memory_space<vmem>> -> memref<128xi32, #tpu.memory_space<vmem>>
      %dma_wait3A_133 = arith.constant 0 : i32
      %dma_wait3A_134 = tpu.memref_slice %arg5[%arg1, %dma_wait3A_122, %dma_wait3A_133] : memref<16x80x128xi32, #tpu.memory_space<hbm>> -> memref<1x1x128xi32, #tpu.memory_space<hbm>>
      %dma_wait3A_135 = tpu.memref_squeeze %dma_wait3A_134 : memref<1x1x128xi32, #tpu.memory_space<hbm>> -> memref<128xi32, #tpu.memory_space<hbm>>
      tpu.wait_dma2 semaphore(%arg18 : memref<!tpu.dma_semaphore, #tpu.memory_space<semaphore_mem>>) src(%dma_wait3A_135 : memref<128xi32, #tpu.memory_space<hbm>>) dst(%dma_wait3A_132 : memref<128xi32, #tpu.memory_space<vmem>>)
      %dma_wait3A_136 = arith.constant 0 : i32
      %dma_wait3A_137 = arith.constant 0 : i32
      %dma_wait3A_138 = arith.constant 0 : i32
      %dma_wait3A_139 = tpu.memref_slice %arg14[%dma_wait3A_137, %dma_wait3A_138] : memref<3x128xf32, #tpu.memory_space<vmem>> -> memref<1x128xf32, #tpu.memory_space<vmem>>
      %dma_wait3A_140 = tpu.memref_squeeze %dma_wait3A_139 : memref<1x128xf32, #tpu.memory_space<vmem>> -> memref<128xf32, #tpu.memory_space<vmem>>
      %dma_wait3A_141 = arith.constant 0 : i32
      %dma_wait3A_142 = tpu.memref_slice %arg6[%arg1, %dma_wait3A_136, %dma_wait3A_141] : memref<16x80x128xf32, #tpu.memory_space<hbm>> -> memref<1x1x128xf32, #tpu.memory_space<hbm>>
      %dma_wait3A_143 = tpu.memref_squeeze %dma_wait3A_142 : memref<1x1x128xf32, #tpu.memory_space<hbm>> -> memref<128xf32, #tpu.memory_space<hbm>>
      %dma_wait3A_144 = arith.constant 0 : i32
      %dma_wait3A_145 = tpu.memref_slice %arg14[%dma_wait3A_137, %dma_wait3A_144] : memref<3x128xf32, #tpu.memory_space<vmem>> -> memref<1x128xf32, #tpu.memory_space<vmem>>
      %dma_wait3A_146 = tpu.memref_squeeze %dma_wait3A_145 : memref<1x128xf32, #tpu.memory_space<vmem>> -> memref<128xf32, #tpu.memory_space<vmem>>
      %dma_wait3A_147 = arith.constant 0 : i32
      %dma_wait3A_148 = tpu.memref_slice %arg6[%arg1, %dma_wait3A_136, %dma_wait3A_147] : memref<16x80x128xf32, #tpu.memory_space<hbm>> -> memref<1x1x128xf32, #tpu.memory_space<hbm>>
      %dma_wait3A_149 = tpu.memref_squeeze %dma_wait3A_148 : memref<1x1x128xf32, #tpu.memory_space<hbm>> -> memref<128xf32, #tpu.memory_space<hbm>>
      tpu.wait_dma2 semaphore(%arg18 : memref<!tpu.dma_semaphore, #tpu.memory_space<semaphore_mem>>) src(%dma_wait3A_149 : memref<128xf32, #tpu.memory_space<hbm>>) dst(%dma_wait3A_146 : memref<128xf32, #tpu.memory_space<vmem>>)
      %dma_start3A_150 = arith.constant 0 : i32
      %dma_start3A_151 = arith.constant 0 : i32
      %dma_start3A_152 = arith.constant 0 : i32
      %dma_start3A_153 = arith.constant 0 : i32
      %dma_start3A_154 = tpu.memref_slice %arg10[%dma_start3A_151, %dma_start3A_152, %dma_start3A_153] : memref<2x128x64xi32, #tpu.memory_space<vmem>> -> memref<1x128x64xi32, #tpu.memory_space<vmem>>
      %dma_start3A_155 = tpu.memref_squeeze %dma_start3A_154 : memref<1x128x64xi32, #tpu.memory_space<vmem>> -> memref<128x64xi32, #tpu.memory_space<vmem>>
      %dma_start3A_156 = arith.constant 0 : i32
      %dma_start3A_157 = tpu.memref_slice %arg12[%dma_start3A_150, %dma_start3A_156] : memref<3x128xi32, #tpu.memory_space<vmem>> -> memref<1x128xi32, #tpu.memory_space<vmem>>
      %dma_start3A_158 = tpu.memref_squeeze %dma_start3A_157 : memref<1x128xi32, #tpu.memory_space<vmem>> -> memref<128xi32, #tpu.memory_space<vmem>>
      %dma_start3A_159 = arith.constant 0 : i32
      %dma_start3A_160 = arith.constant 0 : i32
      %dma_start3A_161 = tpu.memref_slice %arg3[%dma_start3A_159, %dma_start3A_160] : memref<10000x64xi32, #tpu.memory_space<hbm>> -> memref<10000x64xi32, #tpu.memory_space<hbm>>
      tpu.enqueue_indirect_dma source(%dma_start3A_161 : memref<10000x64xi32, #tpu.memory_space<hbm>>) target(%dma_start3A_155 : memref<128x64xi32, #tpu.memory_space<vmem>>) offsets(%dma_start3A_158 : memref<128xi32, #tpu.memory_space<vmem>>) semaphore(%arg16 : memref<!tpu.dma_semaphore, #tpu.memory_space<semaphore_mem>>)
      %scan3A = arith.constant 0 : i32
      %scan3A_162 = arith.constant 0 : i32
      %scan3A_163 = arith.constant 80 : i32
      %scan3A_164 = arith.addi %scan3A_162, %scan3A_163 : i32
      %scan3A_165 = arith.constant 1 : i32
      %scan3A_166 = scf.for %scan3A_198 = %scan3A_162 to %scan3A_164 step %scan3A_165 iter_args(%scan3A_199 = %scan3A) -> (i32)  : i32 {
        %rem3A_200 = arith.constant 2 : i32
        %rem3A_201 = arith.remsi %scan3A_198, %rem3A_200 : i32
        %add3A = arith.constant 1 : i32
        %add3A_202 = arith.addi %scan3A_198, %add3A : i32
        %rem3A_203 = arith.constant 2 : i32
        %rem3A_204 = arith.remsi %add3A_202, %rem3A_203 : i32
        %rem3A_205 = arith.constant 3 : i32
        %rem3A_206 = arith.remsi %scan3A_198, %rem3A_205 : i32
        %add3A_207 = arith.constant 1 : i32
        %add3A_208 = arith.addi %scan3A_198, %add3A_207 : i32
        %lt3A_209 = arith.constant 80 : i32
        %lt3A_210 = arith.cmpi slt, %add3A_208, %lt3A_209 : i32
        %convert_element_type3A_211 = arith.extui %lt3A_210 : i1 to i32
        %cond3A_212 = arith.constant 0 : i32
        %cond3A_213 = arith.cmpi ne, %convert_element_type3A_211, %cond3A_212 : i32
        scf.if %cond3A_213 {
          %dma_wait3A_305 = arith.constant 0 : i32
          %dma_wait3A_306 = arith.constant 0 : i32
          %dma_wait3A_307 = arith.constant 0 : i32
          %dma_wait3A_308 = tpu.memref_slice %arg12[%dma_wait3A_306, %dma_wait3A_307] : memref<3x128xi32, #tpu.memory_space<vmem>> -> memref<1x128xi32, #tpu.memory_space<vmem>>
          %dma_wait3A_309 = tpu.memref_squeeze %dma_wait3A_308 : memref<1x128xi32, #tpu.memory_space<vmem>> -> memref<128xi32, #tpu.memory_space<vmem>>
          %dma_wait3A_310 = arith.constant 0 : i32
          %dma_wait3A_311 = tpu.memref_slice %arg4[%arg1, %dma_wait3A_305, %dma_wait3A_310] : memref<16x80x128xi32, #tpu.memory_space<hbm>> -> memref<1x1x128xi32, #tpu.memory_space<hbm>>
          %dma_wait3A_312 = tpu.memref_squeeze %dma_wait3A_311 : memref<1x1x128xi32, #tpu.memory_space<hbm>> -> memref<128xi32, #tpu.memory_space<hbm>>
          %dma_wait3A_313 = arith.constant 0 : i32
          %dma_wait3A_314 = tpu.memref_slice %arg12[%dma_wait3A_306, %dma_wait3A_313] : memref<3x128xi32, #tpu.memory_space<vmem>> -> memref<1x128xi32, #tpu.memory_space<vmem>>
          %dma_wait3A_315 = tpu.memref_squeeze %dma_wait3A_314 : memref<1x128xi32, #tpu.memory_space<vmem>> -> memref<128xi32, #tpu.memory_space<vmem>>
          %dma_wait3A_316 = arith.constant 0 : i32
          %dma_wait3A_317 = tpu.memref_slice %arg4[%arg1, %dma_wait3A_305, %dma_wait3A_316] : memref<16x80x128xi32, #tpu.memory_space<hbm>> -> memref<1x1x128xi32, #tpu.memory_space<hbm>>
          %dma_wait3A_318 = tpu.memref_squeeze %dma_wait3A_317 : memref<1x1x128xi32, #tpu.memory_space<hbm>> -> memref<128xi32, #tpu.memory_space<hbm>>
          tpu.wait_dma2 semaphore(%arg18 : memref<!tpu.dma_semaphore, #tpu.memory_space<semaphore_mem>>) src(%dma_wait3A_318 : memref<128xi32, #tpu.memory_space<hbm>>) dst(%dma_wait3A_315 : memref<128xi32, #tpu.memory_space<vmem>>)
          %dma_wait3A_319 = arith.constant 0 : i32
          %dma_wait3A_320 = arith.constant 0 : i32
          %dma_wait3A_321 = arith.constant 0 : i32
          %dma_wait3A_322 = tpu.memref_slice %arg13[%dma_wait3A_320, %dma_wait3A_321] : memref<3x128xi32, #tpu.memory_space<vmem>> -> memref<1x128xi32, #tpu.memory_space<vmem>>
          %dma_wait3A_323 = tpu.memref_squeeze %dma_wait3A_322 : memref<1x128xi32, #tpu.memory_space<vmem>> -> memref<128xi32, #tpu.memory_space<vmem>>
          %dma_wait3A_324 = arith.constant 0 : i32
          %dma_wait3A_325 = tpu.memref_slice %arg5[%arg1, %dma_wait3A_319, %dma_wait3A_324] : memref<16x80x128xi32, #tpu.memory_space<hbm>> -> memref<1x1x128xi32, #tpu.memory_space<hbm>>
          %dma_wait3A_326 = tpu.memref_squeeze %dma_wait3A_325 : memref<1x1x128xi32, #tpu.memory_space<hbm>> -> memref<128xi32, #tpu.memory_space<hbm>>
          %dma_wait3A_327 = arith.constant 0 : i32
          %dma_wait3A_328 = tpu.memref_slice %arg13[%dma_wait3A_320, %dma_wait3A_327] : memref<3x128xi32, #tpu.memory_space<vmem>> -> memref<1x128xi32, #tpu.memory_space<vmem>>
          %dma_wait3A_329 = tpu.memref_squeeze %dma_wait3A_328 : memref<1x128xi32, #tpu.memory_space<vmem>> -> memref<128xi32, #tpu.memory_space<vmem>>
          %dma_wait3A_330 = arith.constant 0 : i32
          %dma_wait3A_331 = tpu.memref_slice %arg5[%arg1, %dma_wait3A_319, %dma_wait3A_330] : memref<16x80x128xi32, #tpu.memory_space<hbm>> -> memref<1x1x128xi32, #tpu.memory_space<hbm>>
          %dma_wait3A_332 = tpu.memref_squeeze %dma_wait3A_331 : memref<1x1x128xi32, #tpu.memory_space<hbm>> -> memref<128xi32, #tpu.memory_space<hbm>>
          tpu.wait_dma2 semaphore(%arg18 : memref<!tpu.dma_semaphore, #tpu.memory_space<semaphore_mem>>) src(%dma_wait3A_332 : memref<128xi32, #tpu.memory_space<hbm>>) dst(%dma_wait3A_329 : memref<128xi32, #tpu.memory_space<vmem>>)
          %dma_wait3A_333 = arith.constant 0 : i32
          %dma_wait3A_334 = arith.constant 0 : i32
          %dma_wait3A_335 = arith.constant 0 : i32
          %dma_wait3A_336 = tpu.memref_slice %arg14[%dma_wait3A_334, %dma_wait3A_335] : memref<3x128xf32, #tpu.memory_space<vmem>> -> memref<1x128xf32, #tpu.memory_space<vmem>>
          %dma_wait3A_337 = tpu.memref_squeeze %dma_wait3A_336 : memref<1x128xf32, #tpu.memory_space<vmem>> -> memref<128xf32, #tpu.memory_space<vmem>>
          %dma_wait3A_338 = arith.constant 0 : i32
          %dma_wait3A_339 = tpu.memref_slice %arg6[%arg1, %dma_wait3A_333, %dma_wait3A_338] : memref<16x80x128xf32, #tpu.memory_space<hbm>> -> memref<1x1x128xf32, #tpu.memory_space<hbm>>
          %dma_wait3A_340 = tpu.memref_squeeze %dma_wait3A_339 : memref<1x1x128xf32, #tpu.memory_space<hbm>> -> memref<128xf32, #tpu.memory_space<hbm>>
          %dma_wait3A_341 = arith.constant 0 : i32
          %dma_wait3A_342 = tpu.memref_slice %arg14[%dma_wait3A_334, %dma_wait3A_341] : memref<3x128xf32, #tpu.memory_space<vmem>> -> memref<1x128xf32, #tpu.memory_space<vmem>>
          %dma_wait3A_343 = tpu.memref_squeeze %dma_wait3A_342 : memref<1x128xf32, #tpu.memory_space<vmem>> -> memref<128xf32, #tpu.memory_space<vmem>>
          %dma_wait3A_344 = arith.constant 0 : i32
          %dma_wait3A_345 = tpu.memref_slice %arg6[%arg1, %dma_wait3A_333, %dma_wait3A_344] : memref<16x80x128xf32, #tpu.memory_space<hbm>> -> memref<1x1x128xf32, #tpu.memory_space<hbm>>
          %dma_wait3A_346 = tpu.memref_squeeze %dma_wait3A_345 : memref<1x1x128xf32, #tpu.memory_space<hbm>> -> memref<128xf32, #tpu.memory_space<hbm>>
          tpu.wait_dma2 semaphore(%arg18 : memref<!tpu.dma_semaphore, #tpu.memory_space<semaphore_mem>>) src(%dma_wait3A_346 : memref<128xf32, #tpu.memory_space<hbm>>) dst(%dma_wait3A_343 : memref<128xf32, #tpu.memory_space<vmem>>)
        } else {
        }
        %add3A_214 = arith.constant 2 : i32
        %add3A_215 = arith.addi %scan3A_198, %add3A_214 : i32
        %lt3A_216 = arith.constant 80 : i32
        %lt3A_217 = arith.cmpi slt, %add3A_215, %lt3A_216 : i32
        %convert_element_type3A_218 = arith.extui %lt3A_217 : i1 to i32
        %cond3A_219 = arith.constant 0 : i32
        %cond3A_220 = arith.cmpi ne, %convert_element_type3A_218, %cond3A_219 : i32
        scf.if %cond3A_220 {
          %add3A_305 = arith.constant 2 : i32
          %add3A_306 = arith.addi %scan3A_198, %add3A_305 : i32
          %rem3A_307 = arith.constant 3 : i32
          %rem3A_308 = arith.remsi %add3A_306, %rem3A_307 : i32
          %dma_start3A_309 = arith.constant 0 : i32
          %dma_start3A_310 = tpu.memref_slice %arg12[%rem3A_308, %dma_start3A_309] : memref<3x128xi32, #tpu.memory_space<vmem>> -> memref<1x128xi32, #tpu.memory_space<vmem>>
          %dma_start3A_311 = tpu.memref_squeeze %dma_start3A_310 : memref<1x128xi32, #tpu.memory_space<vmem>> -> memref<128xi32, #tpu.memory_space<vmem>>
          %dma_start3A_312 = arith.constant 0 : i32
          %dma_start3A_313 = tpu.memref_slice %arg4[%arg1, %add3A_306, %dma_start3A_312] : memref<16x80x128xi32, #tpu.memory_space<hbm>> -> memref<1x1x128xi32, #tpu.memory_space<hbm>>
          %dma_start3A_314 = tpu.memref_squeeze %dma_start3A_313 : memref<1x1x128xi32, #tpu.memory_space<hbm>> -> memref<128xi32, #tpu.memory_space<hbm>>
          %dma_start3A_315 = arith.constant 0 : i32
          %dma_start3A_316 = tpu.memref_slice %arg12[%rem3A_308, %dma_start3A_315] : memref<3x128xi32, #tpu.memory_space<vmem>> -> memref<1x128xi32, #tpu.memory_space<vmem>>
          %dma_start3A_317 = tpu.memref_squeeze %dma_start3A_316 : memref<1x128xi32, #tpu.memory_space<vmem>> -> memref<128xi32, #tpu.memory_space<vmem>>
          %dma_start3A_318 = arith.constant 0 : i32
          %dma_start3A_319 = tpu.memref_slice %arg4[%arg1, %add3A_306, %dma_start3A_318] : memref<16x80x128xi32, #tpu.memory_space<hbm>> -> memref<1x1x128xi32, #tpu.memory_space<hbm>>
          %dma_start3A_320 = tpu.memref_squeeze %dma_start3A_319 : memref<1x1x128xi32, #tpu.memory_space<hbm>> -> memref<128xi32, #tpu.memory_space<hbm>>
          tpu.enqueue_dma source(%dma_start3A_320 : memref<128xi32, #tpu.memory_space<hbm>>) target(%dma_start3A_317 : memref<128xi32, #tpu.memory_space<vmem>>) target_semaphore(%arg18 : memref<!tpu.dma_semaphore, #tpu.memory_space<semaphore_mem>>)
          %dma_start3A_321 = arith.constant 0 : i32
          %dma_start3A_322 = tpu.memref_slice %arg13[%rem3A_308, %dma_start3A_321] : memref<3x128xi32, #tpu.memory_space<vmem>> -> memref<1x128xi32, #tpu.memory_space<vmem>>
          %dma_start3A_323 = tpu.memref_squeeze %dma_start3A_322 : memref<1x128xi32, #tpu.memory_space<vmem>> -> memref<128xi32, #tpu.memory_space<vmem>>
          %dma_start3A_324 = arith.constant 0 : i32
          %dma_start3A_325 = tpu.memref_slice %arg5[%arg1, %add3A_306, %dma_start3A_324] : memref<16x80x128xi32, #tpu.memory_space<hbm>> -> memref<1x1x128xi32, #tpu.memory_space<hbm>>
          %dma_start3A_326 = tpu.memref_squeeze %dma_start3A_325 : memref<1x1x128xi32, #tpu.memory_space<hbm>> -> memref<128xi32, #tpu.memory_space<hbm>>
          %dma_start3A_327 = arith.constant 0 : i32
          %dma_start3A_328 = tpu.memref_slice %arg13[%rem3A_308, %dma_start3A_327] : memref<3x128xi32, #tpu.memory_space<vmem>> -> memref<1x128xi32, #tpu.memory_space<vmem>>
          %dma_start3A_329 = tpu.memref_squeeze %dma_start3A_328 : memref<1x128xi32, #tpu.memory_space<vmem>> -> memref<128xi32, #tpu.memory_space<vmem>>
          %dma_start3A_330 = arith.constant 0 : i32
          %dma_start3A_331 = tpu.memref_slice %arg5[%arg1, %add3A_306, %dma_start3A_330] : memref<16x80x128xi32, #tpu.memory_space<hbm>> -> memref<1x1x128xi32, #tpu.memory_space<hbm>>
          %dma_start3A_332 = tpu.memref_squeeze %dma_start3A_331 : memref<1x1x128xi32, #tpu.memory_space<hbm>> -> memref<128xi32, #tpu.memory_space<hbm>>
          tpu.enqueue_dma source(%dma_start3A_332 : memref<128xi32, #tpu.memory_space<hbm>>) target(%dma_start3A_329 : memref<128xi32, #tpu.memory_space<vmem>>) target_semaphore(%arg18 : memref<!tpu.dma_semaphore, #tpu.memory_space<semaphore_mem>>)
          %dma_start3A_333 = arith.constant 0 : i32
          %dma_start3A_334 = tpu.memref_slice %arg14[%rem3A_308, %dma_start3A_333] : memref<3x128xf32, #tpu.memory_space<vmem>> -> memref<1x128xf32, #tpu.memory_space<vmem>>
          %dma_start3A_335 = tpu.memref_squeeze %dma_start3A_334 : memref<1x128xf32, #tpu.memory_space<vmem>> -> memref<128xf32, #tpu.memory_space<vmem>>
          %dma_start3A_336 = arith.constant 0 : i32
          %dma_start3A_337 = tpu.memref_slice %arg6[%arg1, %add3A_306, %dma_start3A_336] : memref<16x80x128xf32, #tpu.memory_space<hbm>> -> memref<1x1x128xf32, #tpu.memory_space<hbm>>
          %dma_start3A_338 = tpu.memref_squeeze %dma_start3A_337 : memref<1x1x128xf32, #tpu.memory_space<hbm>> -> memref<128xf32, #tpu.memory_space<hbm>>
          %dma_start3A_339 = arith.constant 0 : i32
          %dma_start3A_340 = tpu.memref_slice %arg14[%rem3A_308, %dma_start3A_339] : memref<3x128xf32, #tpu.memory_space<vmem>> -> memref<1x128xf32, #tpu.memory_space<vmem>>
          %dma_start3A_341 = tpu.memref_squeeze %dma_start3A_340 : memref<1x128xf32, #tpu.memory_space<vmem>> -> memref<128xf32, #tpu.memory_space<vmem>>
          %dma_start3A_342 = arith.constant 0 : i32
          %dma_start3A_343 = tpu.memref_slice %arg6[%arg1, %add3A_306, %dma_start3A_342] : memref<16x80x128xf32, #tpu.memory_space<hbm>> -> memref<1x1x128xf32, #tpu.memory_space<hbm>>
          %dma_start3A_344 = tpu.memref_squeeze %dma_start3A_343 : memref<1x1x128xf32, #tpu.memory_space<hbm>> -> memref<128xf32, #tpu.memory_space<hbm>>
          tpu.enqueue_dma source(%dma_start3A_344 : memref<128xf32, #tpu.memory_space<hbm>>) target(%dma_start3A_341 : memref<128xf32, #tpu.memory_space<vmem>>) target_semaphore(%arg18 : memref<!tpu.dma_semaphore, #tpu.memory_space<semaphore_mem>>)
        } else {
        }
        %add3A_221 = arith.constant 1 : i32
        %add3A_222 = arith.addi %scan3A_198, %add3A_221 : i32
        %lt3A_223 = arith.constant 80 : i32
        %lt3A_224 = arith.cmpi slt, %add3A_222, %lt3A_223 : i32
        %convert_element_type3A_225 = arith.extui %lt3A_224 : i1 to i32
        %cond3A_226 = arith.constant 0 : i32
        %cond3A_227 = arith.cmpi ne, %convert_element_type3A_225, %cond3A_226 : i32
        scf.if %cond3A_227 {
          %add3A_305 = arith.constant 1 : i32
          %add3A_306 = arith.addi %scan3A_198, %add3A_305 : i32
          %rem3A_307 = arith.constant 3 : i32
          %rem3A_308 = arith.remsi %add3A_306, %rem3A_307 : i32
          %dma_start3A_309 = arith.constant 0 : i32
          %dma_start3A_310 = arith.constant 0 : i32
          %dma_start3A_311 = tpu.memref_slice %arg10[%rem3A_204, %dma_start3A_309, %dma_start3A_310] : memref<2x128x64xi32, #tpu.memory_space<vmem>> -> memref<1x128x64xi32, #tpu.memory_space<vmem>>
          %dma_start3A_312 = tpu.memref_squeeze %dma_start3A_311 : memref<1x128x64xi32, #tpu.memory_space<vmem>> -> memref<128x64xi32, #tpu.memory_space<vmem>>
          %dma_start3A_313 = arith.constant 0 : i32
          %dma_start3A_314 = tpu.memref_slice %arg12[%rem3A_308, %dma_start3A_313] : memref<3x128xi32, #tpu.memory_space<vmem>> -> memref<1x128xi32, #tpu.memory_space<vmem>>
          %dma_start3A_315 = tpu.memref_squeeze %dma_start3A_314 : memref<1x128xi32, #tpu.memory_space<vmem>> -> memref<128xi32, #tpu.memory_space<vmem>>
          %dma_start3A_316 = arith.constant 0 : i32
          %dma_start3A_317 = arith.constant 0 : i32
          %dma_start3A_318 = tpu.memref_slice %arg3[%dma_start3A_316, %dma_start3A_317] : memref<10000x64xi32, #tpu.memory_space<hbm>> -> memref<10000x64xi32, #tpu.memory_space<hbm>>
          tpu.enqueue_indirect_dma source(%dma_start3A_318 : memref<10000x64xi32, #tpu.memory_space<hbm>>) target(%dma_start3A_312 : memref<128x64xi32, #tpu.memory_space<vmem>>) offsets(%dma_start3A_315 : memref<128xi32, #tpu.memory_space<vmem>>) semaphore(%arg16 : memref<!tpu.dma_semaphore, #tpu.memory_space<semaphore_mem>>)
        } else {
        }
        %dma_wait3A_228 = arith.constant 0 : i32
        %dma_wait3A_229 = arith.constant 0 : i32
        %dma_wait3A_230 = arith.constant 0 : i32
        %dma_wait3A_231 = tpu.memref_slice %arg10[%dma_wait3A_228, %dma_wait3A_229, %dma_wait3A_230] : memref<2x128x64xi32, #tpu.memory_space<vmem>> -> memref<1x128x64xi32, #tpu.memory_space<vmem>>
        %dma_wait3A_232 = tpu.memref_squeeze %dma_wait3A_231 : memref<1x128x64xi32, #tpu.memory_space<vmem>> -> memref<128x64xi32, #tpu.memory_space<vmem>>
        %dma_wait3A_233 = arith.constant 0 : i32
        %dma_wait3A_234 = arith.constant 0 : i32
        %dma_wait3A_235 = tpu.memref_slice %arg3[%dma_wait3A_233, %dma_wait3A_234] : memref<10000x64xi32, #tpu.memory_space<hbm>> -> memref<128x64xi32, #tpu.memory_space<hbm>>
        %dma_wait3A_236 = arith.constant 0 : i32
        %dma_wait3A_237 = arith.constant 0 : i32
        %dma_wait3A_238 = tpu.memref_slice %arg10[%dma_wait3A_228, %dma_wait3A_236, %dma_wait3A_237] : memref<2x128x64xi32, #tpu.memory_space<vmem>> -> memref<1x128x64xi32, #tpu.memory_space<vmem>>
        %dma_wait3A_239 = tpu.memref_squeeze %dma_wait3A_238 : memref<1x128x64xi32, #tpu.memory_space<vmem>> -> memref<128x64xi32, #tpu.memory_space<vmem>>
        %dma_wait3A_240 = arith.constant 0 : i32
        %dma_wait3A_241 = arith.constant 0 : i32
        %dma_wait3A_242 = tpu.memref_slice %arg3[%dma_wait3A_240, %dma_wait3A_241] : memref<10000x64xi32, #tpu.memory_space<hbm>> -> memref<128x64xi32, #tpu.memory_space<hbm>>
        tpu.wait_dma2 semaphore(%arg16 : memref<!tpu.dma_semaphore, #tpu.memory_space<semaphore_mem>>) src(%dma_wait3A_242 : memref<128x64xi32, #tpu.memory_space<hbm>>) dst(%dma_wait3A_239 : memref<128x64xi32, #tpu.memory_space<vmem>>)
        %ge3A = arith.constant 2 : i32
        %ge3A_243 = arith.cmpi sge, %scan3A_198, %ge3A : i32
        %convert_element_type3A_244 = arith.extui %ge3A_243 : i1 to i32
        %cond3A_245 = arith.constant 0 : i32
        %cond3A_246 = arith.cmpi ne, %convert_element_type3A_244, %cond3A_245 : i32
        scf.if %cond3A_246 {
          %dma_wait3A_305 = arith.constant 0 : i32
          %dma_wait3A_306 = arith.constant 0 : i32
          %dma_wait3A_307 = arith.constant 0 : i32
          %dma_wait3A_308 = tpu.memref_slice %arg11[%dma_wait3A_305, %dma_wait3A_306, %dma_wait3A_307] : memref<2x128x128xf32, #tpu.memory_space<vmem>> -> memref<1x128x128xf32, #tpu.memory_space<vmem>>
          %dma_wait3A_309 = tpu.memref_squeeze %dma_wait3A_308 : memref<1x128x128xf32, #tpu.memory_space<vmem>> -> memref<128x128xf32, #tpu.memory_space<vmem>>
          %dma_wait3A_310 = arith.constant 0 : i32
          %dma_wait3A_311 = arith.constant 0 : i32
          %dma_wait3A_312 = tpu.memref_slice %arg7[%dma_wait3A_310, %dma_wait3A_311] : memref<10000x128xf32, #tpu.memory_space<hbm>> -> memref<128x128xf32, #tpu.memory_space<hbm>>
          %dma_wait3A_313 = arith.constant 0 : i32
          %dma_wait3A_314 = arith.constant 0 : i32
          %dma_wait3A_315 = tpu.memref_slice %arg11[%dma_wait3A_305, %dma_wait3A_313, %dma_wait3A_314] : memref<2x128x128xf32, #tpu.memory_space<vmem>> -> memref<1x128x128xf32, #tpu.memory_space<vmem>>
          %dma_wait3A_316 = tpu.memref_squeeze %dma_wait3A_315 : memref<1x128x128xf32, #tpu.memory_space<vmem>> -> memref<128x128xf32, #tpu.memory_space<vmem>>
          %dma_wait3A_317 = arith.constant 0 : i32
          %dma_wait3A_318 = arith.constant 0 : i32
          %dma_wait3A_319 = tpu.memref_slice %arg7[%dma_wait3A_317, %dma_wait3A_318] : memref<10000x128xf32, #tpu.memory_space<hbm>> -> memref<128x128xf32, #tpu.memory_space<hbm>>
          tpu.wait_dma2 semaphore(%arg17 : memref<!tpu.dma_semaphore, #tpu.memory_space<semaphore_mem>>) src(%dma_wait3A_319 : memref<128x128xf32, #tpu.memory_space<hbm>>) dst(%dma_wait3A_316 : memref<128x128xf32, #tpu.memory_space<vmem>>)
        } else {
        }
        %get3A = arith.index_cast %rem3A_206 : i32 to index
        %get3A_247 = arith.constant 0 : index
        %get3A_248 = tpu.vector_load %arg14[%get3A, %get3A_247] {strides = array<i32>} : memref<3x128xf32, #tpu.memory_space<vmem>>, vector<16xf32>,
        %swap3A = arith.constant 0 : index
        %swap3A_249 = tpu.vector_load %arg15[%swap3A] {strides = array<i32>} : memref<128xf32, #tpu.memory_space<vmem>>, vector<16xf32>,
        tpu.vector_store %arg15[%swap3A], %get3A_248 {strides = array<i32>} : memref<128xf32, #tpu.memory_space<vmem>>, vector<16xf32>,
        %get3A_250 = arith.index_cast %rem3A_206 : i32 to index
        %get3A_251 = arith.constant 16 : index
        %get3A_252 = tpu.vector_load %arg14[%get3A_250, %get3A_251] {strides = array<i32>} : memref<3x128xf32, #tpu.memory_space<vmem>>, vector<16xf32>,
        %swap3A_253 = arith.constant 16 : index
        %swap3A_254 = tpu.vector_load %arg15[%swap3A_253] {strides = array<i32>} : memref<128xf32, #tpu.memory_space<vmem>>, vector<16xf32>,
        tpu.vector_store %arg15[%swap3A_253], %get3A_252 {strides = array<i32>} : memref<128xf32, #tpu.memory_space<vmem>>, vector<16xf32>,
        %get3A_255 = arith.index_cast %rem3A_206 : i32 to index
        %get3A_256 = arith.constant 32 : index
        %get3A_257 = tpu.vector_load %arg14[%get3A_255, %get3A_256] {strides = array<i32>} : memref<3x128xf32, #tpu.memory_space<vmem>>, vector<16xf32>,
        %swap3A_258 = arith.constant 32 : index
        %swap3A_259 = tpu.vector_load %arg15[%swap3A_258] {strides = array<i32>} : memref<128xf32, #tpu.memory_space<vmem>>, vector<16xf32>,
        tpu.vector_store %arg15[%swap3A_258], %get3A_257 {strides = array<i32>} : memref<128xf32, #tpu.memory_space<vmem>>, vector<16xf32>,
        %get3A_260 = arith.index_cast %rem3A_206 : i32 to index
        %get3A_261 = arith.constant 48 : index
        %get3A_262 = tpu.vector_load %arg14[%get3A_260, %get3A_261] {strides = array<i32>} : memref<3x128xf32, #tpu.memory_space<vmem>>, vector<16xf32>,
        %swap3A_263 = arith.constant 48 : index
        %swap3A_264 = tpu.vector_load %arg15[%swap3A_263] {strides = array<i32>} : memref<128xf32, #tpu.memory_space<vmem>>, vector<16xf32>,
        tpu.vector_store %arg15[%swap3A_263], %get3A_262 {strides = array<i32>} : memref<128xf32, #tpu.memory_space<vmem>>, vector<16xf32>,
        %get3A_265 = arith.index_cast %rem3A_206 : i32 to index
        %get3A_266 = arith.constant 64 : index
        %get3A_267 = tpu.vector_load %arg14[%get3A_265, %get3A_266] {strides = array<i32>} : memref<3x128xf32, #tpu.memory_space<vmem>>, vector<16xf32>,
        %swap3A_268 = arith.constant 64 : index
        %swap3A_269 = tpu.vector_load %arg15[%swap3A_268] {strides = array<i32>} : memref<128xf32, #tpu.memory_space<vmem>>, vector<16xf32>,
        tpu.vector_store %arg15[%swap3A_268], %get3A_267 {strides = array<i32>} : memref<128xf32, #tpu.memory_space<vmem>>, vector<16xf32>,
        %get3A_270 = arith.index_cast %rem3A_206 : i32 to index
        %get3A_271 = arith.constant 80 : index
        %get3A_272 = tpu.vector_load %arg14[%get3A_270, %get3A_271] {strides = array<i32>} : memref<3x128xf32, #tpu.memory_space<vmem>>, vector<16xf32>,
        %swap3A_273 = arith.constant 80 : index
        %swap3A_274 = tpu.vector_load %arg15[%swap3A_273] {strides = array<i32>} : memref<128xf32, #tpu.memory_space<vmem>>, vector<16xf32>,
        tpu.vector_store %arg15[%swap3A_273], %get3A_272 {strides = array<i32>} : memref<128xf32, #tpu.memory_space<vmem>>, vector<16xf32>,
        %get3A_275 = arith.index_cast %rem3A_206 : i32 to index
        %get3A_276 = arith.constant 96 : index
        %get3A_277 = tpu.vector_load %arg14[%get3A_275, %get3A_276] {strides = array<i32>} : memref<3x128xf32, #tpu.memory_space<vmem>>, vector<16xf32>,
        %swap3A_278 = arith.constant 96 : index
        %swap3A_279 = tpu.vector_load %arg15[%swap3A_278] {strides = array<i32>} : memref<128xf32, #tpu.memory_space<vmem>>, vector<16xf32>,
        tpu.vector_store %arg15[%swap3A_278], %get3A_277 {strides = array<i32>} : memref<128xf32, #tpu.memory_space<vmem>>, vector<16xf32>,
        %get3A_280 = arith.index_cast %rem3A_206 : i32 to index
        %get3A_281 = arith.constant 112 : index
        %get3A_282 = tpu.vector_load %arg14[%get3A_280, %get3A_281] {strides = array<i32>} : memref<3x128xf32, #tpu.memory_space<vmem>>, vector<16xf32>,
        %swap3A_283 = arith.constant 112 : index
        %swap3A_284 = tpu.vector_load %arg15[%swap3A_283] {strides = array<i32>} : memref<128xf32, #tpu.memory_space<vmem>>, vector<16xf32>,
        tpu.vector_store %arg15[%swap3A_283], %get3A_282 {strides = array<i32>} : memref<128xf32, #tpu.memory_space<vmem>>, vector<16xf32>,
        %broadcast_in_dim3A = vector.broadcast %rem3A_201 : i32 to vector<16xi32>
        %iota3A = tpu.iota {dimensions = array<i32: 0>} : vector<16xi32>
        %mul3A = arith.constant 2 : i32
        %mul3A_285 = vector.broadcast %mul3A : i32 to vector<16xi32>
        %mul3A_286 = arith.muli %iota3A, %mul3A_285 : vector<16xi32>
        %scan3A_287 = arith.constant 0 : i32
        %scan3A_288 = arith.constant 0 : i32
        %scan3A_289 = arith.constant 128 : i32
        %scan3A_290 = arith.addi %scan3A_288, %scan3A_289 : i32
        %scan3A_291 = arith.constant 1 : i32
        %scan3A_292 = scf.for %scan3A_305 = %scan3A_288 to %scan3A_290 step %scan3A_291 iter_args(%scan3A_306 = %scan3A_287) -> (i32)  : i32 {
          %broadcast_in_dim3A_307 = vector.broadcast %scan3A_305 : i32 to vector<16xi32>
          %gather3A = tpu.vector_load_idx %arg15[%broadcast_in_dim3A_307] : memref<128xf32, #tpu.memory_space<vmem>>[vector<16xi32>], vector<16xf32>,
          %broadcast_in_dim3A_308 = vector.broadcast %scan3A_305 : i32 to vector<16xi32>
          %get3A_309 = arith.index_cast %rem3A_201 : i32 to index
          %get3A_310 = arith.index_cast %scan3A_305 : i32 to index
          %get3A_311 = arith.constant 0 : index
          %get3A_312 = tpu.vector_load %arg10[%get3A_309, %get3A_310, %get3A_311] {strides = array<i32>} : memref<2x128x64xi32, #tpu.memory_space<vmem>>, vector<16xi32>,
          %bitcast3A = vector.bitcast %get3A_312 : vector<16xi32> to vector<32xbf16>
          %unpack3A = tpu.unpack_subelements %bitcast3A, 0 {pack_format = #tpu.pack_format<interleaved>} : vector<32xbf16> -> vector<16xf32>
          %unpack3A_313 = tpu.unpack_subelements %bitcast3A, 1 {pack_format = #tpu.pack_format<interleaved>} : vector<32xbf16> -> vector<16xf32>
          %add3A_314 = arith.constant 0 : i32
          %add3A_315 = vector.broadcast %add3A_314 : i32 to vector<16xi32>
          %add3A_316 = arith.addi %mul3A_286, %add3A_315 : vector<16xi32>
          %mul3A_317 = arith.mulf %unpack3A, %gather3A : vector<16xf32>
          tpu.vector_store_idx %arg11[%broadcast_in_dim3A, %broadcast_in_dim3A_308, %add3A_316], %mul3A_317 : memref<2x128x128xf32, #tpu.memory_space<vmem>>[vector<16xi32>, vector<16xi32>, vector<16xi32>], vector<16xf32>,
          %add3A_318 = arith.constant 1 : i32
          %add3A_319 = vector.broadcast %add3A_318 : i32 to vector<16xi32>
          %add3A_320 = arith.addi %mul3A_286, %add3A_319 : vector<16xi32>
          %mul3A_321 = arith.mulf %unpack3A_313, %gather3A : vector<16xf32>
          tpu.vector_store_idx %arg11[%broadcast_in_dim3A, %broadcast_in_dim3A_308, %add3A_320], %mul3A_321 : memref<2x128x128xf32, #tpu.memory_space<vmem>>[vector<16xi32>, vector<16xi32>, vector<16xi32>], vector<16xf32>,
          %get3A_322 = arith.index_cast %rem3A_201 : i32 to index
          %get3A_323 = arith.index_cast %scan3A_305 : i32 to index
          %get3A_324 = arith.constant 16 : index
          %get3A_325 = tpu.vector_load %arg10[%get3A_322, %get3A_323, %get3A_324] {strides = array<i32>} : memref<2x128x64xi32, #tpu.memory_space<vmem>>, vector<16xi32>,
          %bitcast3A_326 = vector.bitcast %get3A_325 : vector<16xi32> to vector<32xbf16>
          %unpack3A_327 = tpu.unpack_subelements %bitcast3A_326, 0 {pack_format = #tpu.pack_format<interleaved>} : vector<32xbf16> -> vector<16xf32>
          %unpack3A_328 = tpu.unpack_subelements %bitcast3A_326, 1 {pack_format = #tpu.pack_format<interleaved>} : vector<32xbf16> -> vector<16xf32>
          %add3A_329 = arith.constant 32 : i32
          %add3A_330 = vector.broadcast %add3A_329 : i32 to vector<16xi32>
          %add3A_331 = arith.addi %mul3A_286, %add3A_330 : vector<16xi32>
          %mul3A_332 = arith.mulf %unpack3A_327, %gather3A : vector<16xf32>
          tpu.vector_store_idx %arg11[%broadcast_in_dim3A, %broadcast_in_dim3A_308, %add3A_331], %mul3A_332 : memref<2x128x128xf32, #tpu.memory_space<vmem>>[vector<16xi32>, vector<16xi32>, vector<16xi32>], vector<16xf32>,
          %add3A_333 = arith.constant 33 : i32
          %add3A_334 = vector.broadcast %add3A_333 : i32 to vector<16xi32>
          %add3A_335 = arith.addi %mul3A_286, %add3A_334 : vector<16xi32>
          %mul3A_336 = arith.mulf %unpack3A_328, %gather3A : vector<16xf32>
          tpu.vector_store_idx %arg11[%broadcast_in_dim3A, %broadcast_in_dim3A_308, %add3A_335], %mul3A_336 : memref<2x128x128xf32, #tpu.memory_space<vmem>>[vector<16xi32>, vector<16xi32>, vector<16xi32>], vector<16xf32>,
          %get3A_337 = arith.index_cast %rem3A_201 : i32 to index
          %get3A_338 = arith.index_cast %scan3A_305 : i32 to index
          %get3A_339 = arith.constant 32 : index
          %get3A_340 = tpu.vector_load %arg10[%get3A_337, %get3A_338, %get3A_339] {strides = array<i32>} : memref<2x128x64xi32, #tpu.memory_space<vmem>>, vector<16xi32>,
          %bitcast3A_341 = vector.bitcast %get3A_340 : vector<16xi32> to vector<32xbf16>
          %unpack3A_342 = tpu.unpack_subelements %bitcast3A_341, 0 {pack_format = #tpu.pack_format<interleaved>} : vector<32xbf16> -> vector<16xf32>
          %unpack3A_343 = tpu.unpack_subelements %bitcast3A_341, 1 {pack_format = #tpu.pack_format<interleaved>} : vector<32xbf16> -> vector<16xf32>
          %add3A_344 = arith.constant 64 : i32
          %add3A_345 = vector.broadcast %add3A_344 : i32 to vector<16xi32>
          %add3A_346 = arith.addi %mul3A_286, %add3A_345 : vector<16xi32>
          %mul3A_347 = arith.mulf %unpack3A_342, %gather3A : vector<16xf32>
          tpu.vector_store_idx %arg11[%broadcast_in_dim3A, %broadcast_in_dim3A_308, %add3A_346], %mul3A_347 : memref<2x128x128xf32, #tpu.memory_space<vmem>>[vector<16xi32>, vector<16xi32>, vector<16xi32>], vector<16xf32>,
          %add3A_348 = arith.constant 65 : i32
          %add3A_349 = vector.broadcast %add3A_348 : i32 to vector<16xi32>
          %add3A_350 = arith.addi %mul3A_286, %add3A_349 : vector<16xi32>
          %mul3A_351 = arith.mulf %unpack3A_343, %gather3A : vector<16xf32>
          tpu.vector_store_idx %arg11[%broadcast_in_dim3A, %broadcast_in_dim3A_308, %add3A_350], %mul3A_351 : memref<2x128x128xf32, #tpu.memory_space<vmem>>[vector<16xi32>, vector<16xi32>, vector<16xi32>], vector<16xf32>,
          %get3A_352 = arith.index_cast %rem3A_201 : i32 to index
          %get3A_353 = arith.index_cast %scan3A_305 : i32 to index
          %get3A_354 = arith.constant 48 : index
          %get3A_355 = tpu.vector_load %arg10[%get3A_352, %get3A_353, %get3A_354] {strides = array<i32>} : memref<2x128x64xi32, #tpu.memory_space<vmem>>, vector<16xi32>,
          %bitcast3A_356 = vector.bitcast %get3A_355 : vector<16xi32> to vector<32xbf16>
          %unpack3A_357 = tpu.unpack_subelements %bitcast3A_356, 0 {pack_format = #tpu.pack_format<interleaved>} : vector<32xbf16> -> vector<16xf32>
          %unpack3A_358 = tpu.unpack_subelements %bitcast3A_356, 1 {pack_format = #tpu.pack_format<interleaved>} : vector<32xbf16> -> vector<16xf32>
          %add3A_359 = arith.constant 96 : i32
          %add3A_360 = vector.broadcast %add3A_359 : i32 to vector<16xi32>
          %add3A_361 = arith.addi %mul3A_286, %add3A_360 : vector<16xi32>
          %mul3A_362 = arith.mulf %unpack3A_357, %gather3A : vector<16xf32>
          tpu.vector_store_idx %arg11[%broadcast_in_dim3A, %broadcast_in_dim3A_308, %add3A_361], %mul3A_362 : memref<2x128x128xf32, #tpu.memory_space<vmem>>[vector<16xi32>, vector<16xi32>, vector<16xi32>], vector<16xf32>,
          %add3A_363 = arith.constant 97 : i32
          %add3A_364 = vector.broadcast %add3A_363 : i32 to vector<16xi32>
          %add3A_365 = arith.addi %mul3A_286, %add3A_364 : vector<16xi32>
          %mul3A_366 = arith.mulf %unpack3A_358, %gather3A : vector<16xf32>
          tpu.vector_store_idx %arg11[%broadcast_in_dim3A, %broadcast_in_dim3A_308, %add3A_365], %mul3A_366 : memref<2x128x128xf32, #tpu.memory_space<vmem>>[vector<16xi32>, vector<16xi32>, vector<16xi32>], vector<16xf32>,
          %scan3A_367 = arith.constant 0 : i32
          scf.yield %scan3A_367 : i32
        }
        %scan3A_293 = arith.constant 128 : i32
        %dma_start3A_294 = arith.constant 0 : i32
        %dma_start3A_295 = arith.constant 0 : i32
        %dma_start3A_296 = tpu.memref_slice %arg11[%rem3A_201, %dma_start3A_294, %dma_start3A_295] : memref<2x128x128xf32, #tpu.memory_space<vmem>> -> memref<1x128x128xf32, #tpu.memory_space<vmem>>
        %dma_start3A_297 = tpu.memref_squeeze %dma_start3A_296 : memref<1x128x128xf32, #tpu.memory_space<vmem>> -> memref<128x128xf32, #tpu.memory_space<vmem>>
        %dma_start3A_298 = arith.constant 0 : i32
        %dma_start3A_299 = tpu.memref_slice %arg13[%rem3A_206, %dma_start3A_298] : memref<3x128xi32, #tpu.memory_space<vmem>> -> memref<1x128xi32, #tpu.memory_space<vmem>>
        %dma_start3A_300 = tpu.memref_squeeze %dma_start3A_299 : memref<1x128xi32, #tpu.memory_space<vmem>> -> memref<128xi32, #tpu.memory_space<vmem>>
        %dma_start3A_301 = arith.constant 0 : i32
        %dma_start3A_302 = arith.constant 0 : i32
        %dma_start3A_303 = tpu.memref_slice %arg19[%dma_start3A_301, %dma_start3A_302] : memref<10000x128xf32, #tpu.memory_space<vmem_shared>> -> memref<10000x128xf32, #tpu.memory_space<vmem_shared>>
        tpu.enqueue_indirect_dma source(%dma_start3A_297 : memref<128x128xf32, #tpu.memory_space<vmem>>) target(%dma_start3A_303 : memref<10000x128xf32, #tpu.memory_space<vmem_shared>>) offsets(%dma_start3A_300 : memref<128xi32, #tpu.memory_space<vmem>>) semaphore(%arg17 : memref<!tpu.dma_semaphore, #tpu.memory_space<semaphore_mem>>) {add = true}
        %scan3A_304 = arith.constant 0 : i32
        scf.yield %scan3A_304 : i32
      }
      %scan3A_167 = arith.constant 80 : i32
      %dma_wait3A_168 = arith.constant 0 : i32
      %dma_wait3A_169 = arith.constant 0 : i32
      %dma_wait3A_170 = arith.constant 0 : i32
      %dma_wait3A_171 = tpu.memref_slice %arg11[%dma_wait3A_168, %dma_wait3A_169, %dma_wait3A_170] : memref<2x128x128xf32, #tpu.memory_space<vmem>> -> memref<1x128x128xf32, #tpu.memory_space<vmem>>
      %dma_wait3A_172 = tpu.memref_squeeze %dma_wait3A_171 : memref<1x128x128xf32, #tpu.memory_space<vmem>> -> memref<128x128xf32, #tpu.memory_space<vmem>>
      %dma_wait3A_173 = arith.constant 0 : i32
      %dma_wait3A_174 = arith.constant 0 : i32
      %dma_wait3A_175 = tpu.memref_slice %arg7[%dma_wait3A_173, %dma_wait3A_174] : memref<10000x128xf32, #tpu.memory_space<hbm>> -> memref<128x128xf32, #tpu.memory_space<hbm>>
      %dma_wait3A_176 = arith.constant 0 : i32
      %dma_wait3A_177 = arith.constant 0 : i32
      %dma_wait3A_178 = tpu.memref_slice %arg11[%dma_wait3A_168, %dma_wait3A_176, %dma_wait3A_177] : memref<2x128x128xf32, #tpu.memory_space<vmem>> -> memref<1x128x128xf32, #tpu.memory_space<vmem>>
      %dma_wait3A_179 = tpu.memref_squeeze %dma_wait3A_178 : memref<1x128x128xf32, #tpu.memory_space<vmem>> -> memref<128x128xf32, #tpu.memory_space<vmem>>
      %dma_wait3A_180 = arith.constant 0 : i32
      %dma_wait3A_181 = arith.constant 0 : i32
      %dma_wait3A_182 = tpu.memref_slice %arg7[%dma_wait3A_180, %dma_wait3A_181] : memref<10000x128xf32, #tpu.memory_space<hbm>> -> memref<128x128xf32, #tpu.memory_space<hbm>>
      tpu.wait_dma2 semaphore(%arg17 : memref<!tpu.dma_semaphore, #tpu.memory_space<semaphore_mem>>) src(%dma_wait3A_182 : memref<128x128xf32, #tpu.memory_space<hbm>>) dst(%dma_wait3A_179 : memref<128x128xf32, #tpu.memory_space<vmem>>)
      %dma_wait3A_183 = arith.constant 0 : i32
      %dma_wait3A_184 = arith.constant 0 : i32
      %dma_wait3A_185 = arith.constant 0 : i32
      %dma_wait3A_186 = tpu.memref_slice %arg11[%dma_wait3A_183, %dma_wait3A_184, %dma_wait3A_185] : memref<2x128x128xf32, #tpu.memory_space<vmem>> -> memref<1x128x128xf32, #tpu.memory_space<vmem>>
      %dma_wait3A_187 = tpu.memref_squeeze %dma_wait3A_186 : memref<1x128x128xf32, #tpu.memory_space<vmem>> -> memref<128x128xf32, #tpu.memory_space<vmem>>
      %dma_wait3A_188 = arith.constant 0 : i32
      %dma_wait3A_189 = arith.constant 0 : i32
      %dma_wait3A_190 = tpu.memref_slice %arg7[%dma_wait3A_188, %dma_wait3A_189] : memref<10000x128xf32, #tpu.memory_space<hbm>> -> memref<128x128xf32, #tpu.memory_space<hbm>>
      %dma_wait3A_191 = arith.constant 0 : i32
      %dma_wait3A_192 = arith.constant 0 : i32
      %dma_wait3A_193 = tpu.memref_slice %arg11[%dma_wait3A_183, %dma_wait3A_191, %dma_wait3A_192] : memref<2x128x128xf32, #tpu.memory_space<vmem>> -> memref<1x128x128xf32, #tpu.memory_space<vmem>>
      %dma_wait3A_194 = tpu.memref_squeeze %dma_wait3A_193 : memref<1x128x128xf32, #tpu.memory_space<vmem>> -> memref<128x128xf32, #tpu.memory_space<vmem>>
      %dma_wait3A_195 = arith.constant 0 : i32
      %dma_wait3A_196 = arith.constant 0 : i32
      %dma_wait3A_197 = tpu.memref_slice %arg7[%dma_wait3A_195, %dma_wait3A_196] : memref<10000x128xf32, #tpu.memory_space<hbm>> -> memref<128x128xf32, #tpu.memory_space<hbm>>
      tpu.wait_dma2 semaphore(%arg17 : memref<!tpu.dma_semaphore, #tpu.memory_space<semaphore_mem>>) src(%dma_wait3A_197 : memref<128x128xf32, #tpu.memory_space<hbm>>) dst(%dma_wait3A_194 : memref<128x128xf32, #tpu.memory_space<vmem>>)
    } else {
    }
    %barrier3A_16 = arith.constant 0 : index
    tpu.barrier barrier_id(%barrier3A_16)
    %eq3A_17 = arith.constant 0 : i32
    %eq3A_18 = arith.cmpi eq, %arg0, %eq3A_17 : i32
    %convert_element_type3A_19 = arith.extui %eq3A_18 : i1 to i32
    %cond3A_20 = arith.constant 0 : i32
    %cond3A_21 = arith.cmpi ne, %convert_element_type3A_19, %cond3A_20 : i32
    scf.if %cond3A_21 {
      %lt3A_27 = arith.constant 15 : i32
      %lt3A_28 = arith.cmpi slt, %arg1, %lt3A_27 : i32
      %convert_element_type3A_29 = arith.extui %lt3A_28 : i1 to i32
      %cond3A_30 = arith.constant 0 : i32
      %cond3A_31 = arith.cmpi ne, %convert_element_type3A_29, %cond3A_30 : i32
      scf.if %cond3A_31 {
        %mul3A = arith.constant 632 : i32
        %mul3A_37 = arith.muli %arg1, %mul3A : i32
        %mul3A_38 = arith.constant 632 : i32
        %mul3A_39 = arith.muli %arg1, %mul3A_38 : i32
        "tpu.region"() ({
          %run_scoped3A = tpu.sem_alloc : memref<!tpu.dma_semaphore, #tpu.memory_space<semaphore_mem>>
          %dma_start3A = arith.constant 0 : i32
          %dma_start3A_40 = tpu.memref_slice %arg8[%mul3A_39, %dma_start3A] : memref<10000x128xf32, #tpu.memory_space<hbm>> -> memref<632x128xf32, #tpu.memory_space<hbm>>
          %dma_start3A_41 = arith.constant 0 : i32
          %dma_start3A_42 = tpu.memref_slice %arg19[%mul3A_37, %dma_start3A_41] : memref<10000x128xf32, #tpu.memory_space<vmem_shared>> -> memref<632x128xf32, #tpu.memory_space<vmem_shared>>
          tpu.enqueue_dma source(%dma_start3A_42 : memref<632x128xf32, #tpu.memory_space<vmem_shared>>) target(%dma_start3A_40 : memref<632x128xf32, #tpu.memory_space<hbm>>) target_semaphore(%run_scoped3A : memref<!tpu.dma_semaphore, #tpu.memory_space<semaphore_mem>>)
          %dma_wait3A = arith.constant 0 : i32
          %dma_wait3A_43 = tpu.memref_slice %arg8[%mul3A_39, %dma_wait3A] : memref<10000x128xf32, #tpu.memory_space<hbm>> -> memref<632x128xf32, #tpu.memory_space<hbm>>
          %dma_wait3A_44 = arith.constant 0 : i32
          %dma_wait3A_45 = tpu.memref_slice %arg19[%mul3A_37, %dma_wait3A_44] : memref<10000x128xf32, #tpu.memory_space<vmem_shared>> -> memref<632x128xf32, #tpu.memory_space<vmem_shared>>
          tpu.wait_dma2 semaphore(%run_scoped3A : memref<!tpu.dma_semaphore, #tpu.memory_space<semaphore_mem>>) src(%dma_wait3A_45 : memref<632x128xf32, #tpu.memory_space<vmem_shared>>) dst(%dma_wait3A_43 : memref<632x128xf32, #tpu.memory_space<hbm>>)
          tpu.yield
        }) : () -> ()
      } else {
      }
      %eq3A_32 = arith.constant 15 : i32
      %eq3A_33 = arith.cmpi eq, %arg1, %eq3A_32 : i32
      %convert_element_type3A_34 = arith.extui %eq3A_33 : i1 to i32
      %cond3A_35 = arith.constant 0 : i32
      %cond3A_36 = arith.cmpi ne, %convert_element_type3A_34, %cond3A_35 : i32
      scf.if %cond3A_36 {
        "tpu.region"() ({
          %run_scoped3A = tpu.sem_alloc : memref<!tpu.dma_semaphore, #tpu.memory_space<semaphore_mem>>
          %dma_start3A = arith.constant 9480 : i32
          %dma_start3A_37 = arith.constant 0 : i32
          %dma_start3A_38 = tpu.memref_slice %arg8[%dma_start3A, %dma_start3A_37] : memref<10000x128xf32, #tpu.memory_space<hbm>> -> memref<520x128xf32, #tpu.memory_space<hbm>>
          %dma_start3A_39 = arith.constant 9480 : i32
          %dma_start3A_40 = arith.constant 0 : i32
          %dma_start3A_41 = tpu.memref_slice %arg19[%dma_start3A_39, %dma_start3A_40] : memref<10000x128xf32, #tpu.memory_space<vmem_shared>> -> memref<520x128xf32, #tpu.memory_space<vmem_shared>>
          tpu.enqueue_dma source(%dma_start3A_41 : memref<520x128xf32, #tpu.memory_space<vmem_shared>>) target(%dma_start3A_38 : memref<520x128xf32, #tpu.memory_space<hbm>>) target_semaphore(%run_scoped3A : memref<!tpu.dma_semaphore, #tpu.memory_space<semaphore_mem>>)
          %dma_wait3A = arith.constant 9480 : i32
          %dma_wait3A_42 = arith.constant 0 : i32
          %dma_wait3A_43 = tpu.memref_slice %arg8[%dma_wait3A, %dma_wait3A_42] : memref<10000x128xf32, #tpu.memory_space<hbm>> -> memref<520x128xf32, #tpu.memory_space<hbm>>
          %dma_wait3A_44 = arith.constant 9480 : i32
          %dma_wait3A_45 = arith.constant 0 : i32
          %dma_wait3A_46 = tpu.memref_slice %arg19[%dma_wait3A_44, %dma_wait3A_45] : memref<10000x128xf32, #tpu.memory_space<vmem_shared>> -> memref<520x128xf32, #tpu.memory_space<vmem_shared>>
          tpu.wait_dma2 semaphore(%run_scoped3A : memref<!tpu.dma_semaphore, #tpu.memory_space<semaphore_mem>>) src(%dma_wait3A_46 : memref<520x128xf32, #tpu.memory_space<vmem_shared>>) dst(%dma_wait3A_43 : memref<520x128xf32, #tpu.memory_space<hbm>>)
          tpu.yield
        }) : () -> ()
      } else {
      }
    } else {
    }
    %eq3A_22 = arith.constant 1 : i32
    %eq3A_23 = arith.cmpi eq, %arg0, %eq3A_22 : i32
    %convert_element_type3A_24 = arith.extui %eq3A_23 : i1 to i32
    %cond3A_25 = arith.constant 0 : i32
    %cond3A_26 = arith.cmpi ne, %convert_element_type3A_24, %cond3A_25 : i32
    scf.if %cond3A_26 {
      %lt3A_27 = arith.constant 15 : i32
      %lt3A_28 = arith.cmpi slt, %arg1, %lt3A_27 : i32
      %convert_element_type3A_29 = arith.extui %lt3A_28 : i1 to i32
      %cond3A_30 = arith.constant 0 : i32
      %cond3A_31 = arith.cmpi ne, %convert_element_type3A_29, %cond3A_30 : i32
      scf.if %cond3A_31 {
        %mul3A = arith.constant 632 : i32
        %mul3A_37 = arith.muli %arg1, %mul3A : i32
        %mul3A_38 = arith.constant 632 : i32
        %mul3A_39 = arith.muli %arg1, %mul3A_38 : i32
        "tpu.region"() ({
          %run_scoped3A = tpu.sem_alloc : memref<!tpu.dma_semaphore, #tpu.memory_space<semaphore_mem>>
          %dma_start3A = arith.constant 0 : i32
          %dma_start3A_40 = tpu.memref_slice %arg9[%mul3A_39, %dma_start3A] : memref<10000x128xf32, #tpu.memory_space<hbm>> -> memref<632x128xf32, #tpu.memory_space<hbm>>
          %dma_start3A_41 = arith.constant 0 : i32
          %dma_start3A_42 = tpu.memref_slice %arg19[%mul3A_37, %dma_start3A_41] : memref<10000x128xf32, #tpu.memory_space<vmem_shared>> -> memref<632x128xf32, #tpu.memory_space<vmem_shared>>
          tpu.enqueue_dma source(%dma_start3A_42 : memref<632x128xf32, #tpu.memory_space<vmem_shared>>) target(%dma_start3A_40 : memref<632x128xf32, #tpu.memory_space<hbm>>) target_semaphore(%run_scoped3A : memref<!tpu.dma_semaphore, #tpu.memory_space<semaphore_mem>>)
          %dma_wait3A = arith.constant 0 : i32
          %dma_wait3A_43 = tpu.memref_slice %arg9[%mul3A_39, %dma_wait3A] : memref<10000x128xf32, #tpu.memory_space<hbm>> -> memref<632x128xf32, #tpu.memory_space<hbm>>
          %dma_wait3A_44 = arith.constant 0 : i32
          %dma_wait3A_45 = tpu.memref_slice %arg19[%mul3A_37, %dma_wait3A_44] : memref<10000x128xf32, #tpu.memory_space<vmem_shared>> -> memref<632x128xf32, #tpu.memory_space<vmem_shared>>
          tpu.wait_dma2 semaphore(%run_scoped3A : memref<!tpu.dma_semaphore, #tpu.memory_space<semaphore_mem>>) src(%dma_wait3A_45 : memref<632x128xf32, #tpu.memory_space<vmem_shared>>) dst(%dma_wait3A_43 : memref<632x128xf32, #tpu.memory_space<hbm>>)
          tpu.yield
        }) : () -> ()
      } else {
      }
      %eq3A_32 = arith.constant 15 : i32
      %eq3A_33 = arith.cmpi eq, %arg1, %eq3A_32 : i32
      %convert_element_type3A_34 = arith.extui %eq3A_33 : i1 to i32
      %cond3A_35 = arith.constant 0 : i32
      %cond3A_36 = arith.cmpi ne, %convert_element_type3A_34, %cond3A_35 : i32
      scf.if %cond3A_36 {
        "tpu.region"() ({
          %run_scoped3A = tpu.sem_alloc : memref<!tpu.dma_semaphore, #tpu.memory_space<semaphore_mem>>
          %dma_start3A = arith.constant 9480 : i32
          %dma_start3A_37 = arith.constant 0 : i32
          %dma_start3A_38 = tpu.memref_slice %arg9[%dma_start3A, %dma_start3A_37] : memref<10000x128xf32, #tpu.memory_space<hbm>> -> memref<520x128xf32, #tpu.memory_space<hbm>>
          %dma_start3A_39 = arith.constant 9480 : i32
          %dma_start3A_40 = arith.constant 0 : i32
          %dma_start3A_41 = tpu.memref_slice %arg19[%dma_start3A_39, %dma_start3A_40] : memref<10000x128xf32, #tpu.memory_space<vmem_shared>> -> memref<520x128xf32, #tpu.memory_space<vmem_shared>>
          tpu.enqueue_dma source(%dma_start3A_41 : memref<520x128xf32, #tpu.memory_space<vmem_shared>>) target(%dma_start3A_38 : memref<520x128xf32, #tpu.memory_space<hbm>>) target_semaphore(%run_scoped3A : memref<!tpu.dma_semaphore, #tpu.memory_space<semaphore_mem>>)
          %dma_wait3A = arith.constant 9480 : i32
          %dma_wait3A_42 = arith.constant 0 : i32
          %dma_wait3A_43 = tpu.memref_slice %arg9[%dma_wait3A, %dma_wait3A_42] : memref<10000x128xf32, #tpu.memory_space<hbm>> -> memref<520x128xf32, #tpu.memory_space<hbm>>
          %dma_wait3A_44 = arith.constant 9480 : i32
          %dma_wait3A_45 = arith.constant 0 : i32
          %dma_wait3A_46 = tpu.memref_slice %arg19[%dma_wait3A_44, %dma_wait3A_45] : memref<10000x128xf32, #tpu.memory_space<vmem_shared>> -> memref<520x128xf32, #tpu.memory_space<vmem_shared>>
          tpu.wait_dma2 semaphore(%run_scoped3A : memref<!tpu.dma_semaphore, #tpu.memory_space<semaphore_mem>>) src(%dma_wait3A_46 : memref<520x128xf32, #tpu.memory_space<vmem_shared>>) dst(%dma_wait3A_43 : memref<520x128xf32, #tpu.memory_space<hbm>>)
          tpu.yield
        }) : () -> ()
      } else {
      }
    } else {
    }
    return
  }
}

#map = affine_map<(d0, d1) -> (0)>
module attributes {stable_mosaic.version = 14 : i64} {
  func.func @_prep(%arg0: i32, %arg1: i32, %arg2: memref<163840xi32, #tpu.memory_space<hbm>>, %arg3: memref<163840xi32, #tpu.memory_space<hbm>>, %arg4: memref<163840xf32, #tpu.memory_space<hbm>>, %arg5: memref<10240xf32, #tpu.memory_space<hbm>>, %arg6: memref<163840xf32, #tpu.memory_space<hbm>>, %arg7: memref<10240xf32, #tpu.memory_space<vmem>>, %arg8: memref<1024xi32, #tpu.memory_space<vmem>>, %arg9: memref<1024xf32, #tpu.memory_space<vmem>>, %arg10: memref<1024xf32, #tpu.memory_space<vmem>>, %arg11: memref<16x640xf32, #tpu.memory_space<vmem>>, %arg12: memref<640xf32, #tpu.memory_space<vmem>>, %arg13: memref<10240xf32, #tpu.memory_space<vmem>>, %arg14: memref<16x10240xf32, #tpu.memory_space<vmem_shared>>, %arg15: memref<10240xf32, #tpu.memory_space<vmem_shared>>) attributes {dimension_semantics = [#tpu.dimension_semantics<core_parallel>, #tpu.dimension_semantics<subcore_parallel>], iteration_bounds = array<i64: 2, 16>, scalar_prefetch = 0 : i64, scratch_operands = 9 : i64, tpu.core_type = #tpu.core_type<sc_vector_subcore>, window_params = [{transform_indices = #map}, {transform_indices = #map}, {transform_indices = #map}, {transform_indices = #map}, {transform_indices = #map}]} {
    %broadcast_in_dim3A = arith.constant 0.000000e+00 : f32
    %broadcast_in_dim3A_0 = vector.broadcast %broadcast_in_dim3A : f32 to vector<16xf32>
    %scan3A = arith.constant 0 : i32
    %scan3A_1 = arith.constant 0 : i32
    %scan3A_2 = arith.constant 640 : i32
    %scan3A_3 = arith.addi %scan3A_1, %scan3A_2 : i32
    %scan3A_4 = arith.constant 1 : i32
    %scan3A_5 = scf.for %scan3A_36 = %scan3A_1 to %scan3A_3 step %scan3A_4 iter_args(%scan3A_37 = %scan3A) -> (i32)  : i32 {
      %mul3A_38 = arith.constant 16 : i32
      %mul3A_39 = arith.muli %scan3A_36, %mul3A_38 : i32
      %swap3A = arith.index_cast %mul3A_39 : i32 to index
      %swap3A_40 = tpu.vector_load %arg7[%swap3A] {strides = array<i32>} : memref<10240xf32, #tpu.memory_space<vmem>>, vector<16xf32>,
      tpu.vector_store %arg7[%swap3A], %broadcast_in_dim3A_0 {strides = array<i32>} : memref<10240xf32, #tpu.memory_space<vmem>>, vector<16xf32>,
      %scan3A_41 = arith.constant 0 : i32
      scf.yield %scan3A_41 : i32
    }
    %scan3A_6 = arith.constant 640 : i32
    %scan3A_7 = arith.constant 0 : i32
    %scan3A_8 = arith.constant 0 : i32
    %scan3A_9 = arith.constant 10 : i32
    %scan3A_10 = arith.addi %scan3A_8, %scan3A_9 : i32
    %scan3A_11 = arith.constant 1 : i32
    %scan3A_12 = scf.for %scan3A_36 = %scan3A_8 to %scan3A_10 step %scan3A_11 iter_args(%scan3A_37 = %scan3A_7) -> (i32)  : i32 {
      %mul3A_38 = arith.constant 10240 : i32
      %mul3A_39 = arith.muli %arg1, %mul3A_38 : i32
      %mul3A_40 = arith.constant 1024 : i32
      %mul3A_41 = arith.muli %scan3A_36, %mul3A_40 : i32
      %add3A_42 = arith.addi %mul3A_39, %mul3A_41 : i32
      "tpu.region"() ({
        %run_scoped3A = tpu.sem_alloc : memref<!tpu.dma_semaphore, #tpu.memory_space<semaphore_mem>>
        %dma_start3A = tpu.memref_slice %arg3[%add3A_42] : memref<163840xi32, #tpu.memory_space<hbm>> -> memref<1024xi32, #tpu.memory_space<hbm>>
        %dma_start3A_51 = tpu.memref_slice %arg3[%add3A_42] : memref<163840xi32, #tpu.memory_space<hbm>> -> memref<1024xi32, #tpu.memory_space<hbm>>
        tpu.enqueue_dma source(%dma_start3A_51 : memref<1024xi32, #tpu.memory_space<hbm>>) target(%arg8 : memref<1024xi32, #tpu.memory_space<vmem>>) target_semaphore(%run_scoped3A : memref<!tpu.dma_semaphore, #tpu.memory_space<semaphore_mem>>)
        %dma_wait3A = tpu.memref_slice %arg3[%add3A_42] : memref<163840xi32, #tpu.memory_space<hbm>> -> memref<1024xi32, #tpu.memory_space<hbm>>
        %dma_wait3A_52 = tpu.memref_slice %arg3[%add3A_42] : memref<163840xi32, #tpu.memory_space<hbm>> -> memref<1024xi32, #tpu.memory_space<hbm>>
        tpu.wait_dma2 semaphore(%run_scoped3A : memref<!tpu.dma_semaphore, #tpu.memory_space<semaphore_mem>>) src(%dma_wait3A_52 : memref<1024xi32, #tpu.memory_space<hbm>>) dst(%arg8 : memref<1024xi32, #tpu.memory_space<vmem>>)
        tpu.yield
      }) : () -> ()
      "tpu.region"() ({
        %run_scoped3A = tpu.sem_alloc : memref<!tpu.dma_semaphore, #tpu.memory_space<semaphore_mem>>
        %dma_start3A = tpu.memref_slice %arg4[%add3A_42] : memref<163840xf32, #tpu.memory_space<hbm>> -> memref<1024xf32, #tpu.memory_space<hbm>>
        %dma_start3A_51 = tpu.memref_slice %arg4[%add3A_42] : memref<163840xf32, #tpu.memory_space<hbm>> -> memref<1024xf32, #tpu.memory_space<hbm>>
        tpu.enqueue_dma source(%dma_start3A_51 : memref<1024xf32, #tpu.memory_space<hbm>>) target(%arg9 : memref<1024xf32, #tpu.memory_space<vmem>>) target_semaphore(%run_scoped3A : memref<!tpu.dma_semaphore, #tpu.memory_space<semaphore_mem>>)
        %dma_wait3A = tpu.memref_slice %arg4[%add3A_42] : memref<163840xf32, #tpu.memory_space<hbm>> -> memref<1024xf32, #tpu.memory_space<hbm>>
        %dma_wait3A_52 = tpu.memref_slice %arg4[%add3A_42] : memref<163840xf32, #tpu.memory_space<hbm>> -> memref<1024xf32, #tpu.memory_space<hbm>>
        tpu.wait_dma2 semaphore(%run_scoped3A : memref<!tpu.dma_semaphore, #tpu.memory_space<semaphore_mem>>) src(%dma_wait3A_52 : memref<1024xf32, #tpu.memory_space<hbm>>) dst(%arg9 : memref<1024xf32, #tpu.memory_space<vmem>>)
        tpu.yield
      }) : () -> ()
      %scan3A_43 = arith.constant 0 : i32
      %scan3A_44 = arith.constant 0 : i32
      %scan3A_45 = arith.constant 64 : i32
      %scan3A_46 = arith.addi %scan3A_44, %scan3A_45 : i32
      %scan3A_47 = arith.constant 1 : i32
      %scan3A_48 = scf.for %scan3A_51 = %scan3A_44 to %scan3A_46 step %scan3A_47 iter_args(%scan3A_52 = %scan3A_43) -> (i32)  : i32 {
        %mul3A_53 = arith.constant 16 : i32
        %mul3A_54 = arith.muli %scan3A_51, %mul3A_53 : i32
        %get3A = arith.index_cast %mul3A_54 : i32 to index
        %get3A_55 = tpu.vector_load %arg8[%get3A] {strides = array<i32>} : memref<1024xi32, #tpu.memory_space<vmem>>, vector<16xi32>,
        %mul3A_56 = arith.constant 16 : i32
        %mul3A_57 = arith.muli %scan3A_51, %mul3A_56 : i32
        %get3A_58 = arith.index_cast %mul3A_57 : i32 to index
        %get3A_59 = tpu.vector_load %arg9[%get3A_58] {strides = array<i32>} : memref<1024xf32, #tpu.memory_space<vmem>>, vector<16xf32>,
        tpu.vector_store_idx %arg7[%get3A_55], %get3A_59 {add = true} : memref<10240xf32, #tpu.memory_space<vmem>>[vector<16xi32>], vector<16xf32>,
        %scan3A_60 = arith.constant 0 : i32
        scf.yield %scan3A_60 : i32
      }
      %scan3A_49 = arith.constant 64 : i32
      %scan3A_50 = arith.constant 0 : i32
      scf.yield %scan3A_50 : i32
    }
    %scan3A_13 = arith.constant 10 : i32
    "tpu.region"() ({
      %run_scoped3A = tpu.sem_alloc : memref<!tpu.dma_semaphore, #tpu.memory_space<semaphore_mem>>
      %dma_start3A = arith.constant 0 : i32
      %dma_start3A_36 = tpu.memref_slice %arg14[%arg1, %dma_start3A] : memref<16x10240xf32, #tpu.memory_space<vmem_shared>> -> memref<1x10240xf32, #tpu.memory_space<vmem_shared>>
      %dma_start3A_37 = tpu.memref_squeeze %dma_start3A_36 : memref<1x10240xf32, #tpu.memory_space<vmem_shared>> -> memref<10240xf32, #tpu.memory_space<vmem_shared>>
      %dma_start3A_38 = arith.constant 0 : i32
      %dma_start3A_39 = tpu.memref_slice %arg14[%arg1, %dma_start3A_38] : memref<16x10240xf32, #tpu.memory_space<vmem_shared>> -> memref<1x10240xf32, #tpu.memory_space<vmem_shared>>
      %dma_start3A_40 = tpu.memref_squeeze %dma_start3A_39 : memref<1x10240xf32, #tpu.memory_space<vmem_shared>> -> memref<10240xf32, #tpu.memory_space<vmem_shared>>
      tpu.enqueue_dma source(%arg7 : memref<10240xf32, #tpu.memory_space<vmem>>) target(%dma_start3A_40 : memref<10240xf32, #tpu.memory_space<vmem_shared>>) target_semaphore(%run_scoped3A : memref<!tpu.dma_semaphore, #tpu.memory_space<semaphore_mem>>)
      %dma_wait3A = arith.constant 0 : i32
      %dma_wait3A_41 = tpu.memref_slice %arg14[%arg1, %dma_wait3A] : memref<16x10240xf32, #tpu.memory_space<vmem_shared>> -> memref<1x10240xf32, #tpu.memory_space<vmem_shared>>
      %dma_wait3A_42 = tpu.memref_squeeze %dma_wait3A_41 : memref<1x10240xf32, #tpu.memory_space<vmem_shared>> -> memref<10240xf32, #tpu.memory_space<vmem_shared>>
      %dma_wait3A_43 = arith.constant 0 : i32
      %dma_wait3A_44 = tpu.memref_slice %arg14[%arg1, %dma_wait3A_43] : memref<16x10240xf32, #tpu.memory_space<vmem_shared>> -> memref<1x10240xf32, #tpu.memory_space<vmem_shared>>
      %dma_wait3A_45 = tpu.memref_squeeze %dma_wait3A_44 : memref<1x10240xf32, #tpu.memory_space<vmem_shared>> -> memref<10240xf32, #tpu.memory_space<vmem_shared>>
      tpu.wait_dma2 semaphore(%run_scoped3A : memref<!tpu.dma_semaphore, #tpu.memory_space<semaphore_mem>>) src(%arg7 : memref<10240xf32, #tpu.memory_space<vmem>>) dst(%dma_wait3A_45 : memref<10240xf32, #tpu.memory_space<vmem_shared>>)
      tpu.yield
    }) : () -> ()
    %barrier3A = arith.constant 0 : index
    tpu.barrier barrier_id(%barrier3A)
    %mul3A = arith.constant 640 : i32
    %mul3A_14 = arith.muli %arg1, %mul3A : i32
    "tpu.region"() ({
      %run_scoped3A = tpu.sem_alloc : memref<!tpu.dma_semaphore, #tpu.memory_space<semaphore_mem>>
      %dma_start3A = arith.constant 0 : i32
      %dma_start3A_36 = tpu.memref_slice %arg14[%dma_start3A, %mul3A_14] : memref<16x10240xf32, #tpu.memory_space<vmem_shared>> -> memref<16x640xf32, #tpu.memory_space<vmem_shared>>
      %dma_start3A_37 = arith.constant 0 : i32
      %dma_start3A_38 = tpu.memref_slice %arg14[%dma_start3A_37, %mul3A_14] : memref<16x10240xf32, #tpu.memory_space<vmem_shared>> -> memref<16x640xf32, #tpu.memory_space<vmem_shared>>
      tpu.enqueue_dma source(%dma_start3A_38 : memref<16x640xf32, #tpu.memory_space<vmem_shared>>) target(%arg11 : memref<16x640xf32, #tpu.memory_space<vmem>>) target_semaphore(%run_scoped3A : memref<!tpu.dma_semaphore, #tpu.memory_space<semaphore_mem>>)
      %dma_wait3A = arith.constant 0 : i32
      %dma_wait3A_39 = tpu.memref_slice %arg14[%dma_wait3A, %mul3A_14] : memref<16x10240xf32, #tpu.memory_space<vmem_shared>> -> memref<16x640xf32, #tpu.memory_space<vmem_shared>>
      %dma_wait3A_40 = arith.constant 0 : i32
      %dma_wait3A_41 = tpu.memref_slice %arg14[%dma_wait3A_40, %mul3A_14] : memref<16x10240xf32, #tpu.memory_space<vmem_shared>> -> memref<16x640xf32, #tpu.memory_space<vmem_shared>>
      tpu.wait_dma2 semaphore(%run_scoped3A : memref<!tpu.dma_semaphore, #tpu.memory_space<semaphore_mem>>) src(%dma_wait3A_41 : memref<16x640xf32, #tpu.memory_space<vmem_shared>>) dst(%arg11 : memref<16x640xf32, #tpu.memory_space<vmem>>)
      tpu.yield
    }) : () -> ()
    %scan3A_15 = arith.constant 0 : i32
    %scan3A_16 = arith.constant 0 : i32
    %scan3A_17 = arith.constant 40 : i32
    %scan3A_18 = arith.addi %scan3A_16, %scan3A_17 : i32
    %scan3A_19 = arith.constant 1 : i32
    %scan3A_20 = scf.for %scan3A_36 = %scan3A_16 to %scan3A_18 step %scan3A_19 iter_args(%scan3A_37 = %scan3A_15) -> (i32)  : i32 {
      %mul3A_38 = arith.constant 16 : i32
      %mul3A_39 = arith.muli %scan3A_36, %mul3A_38 : i32
      %get3A = arith.constant 0 : i32
      %get3A_40 = arith.index_cast %get3A : i32 to index
      %get3A_41 = arith.index_cast %mul3A_39 : i32 to index
      %get3A_42 = tpu.vector_load %arg11[%get3A_40, %get3A_41] {strides = array<i32>} : memref<16x640xf32, #tpu.memory_space<vmem>>, vector<16xf32>,
      %mul3A_43 = arith.constant 16 : i32
      %mul3A_44 = arith.muli %scan3A_36, %mul3A_43 : i32
      %get3A_45 = arith.constant 1 : i32
      %get3A_46 = arith.index_cast %get3A_45 : i32 to index
      %get3A_47 = arith.index_cast %mul3A_44 : i32 to index
      %get3A_48 = tpu.vector_load %arg11[%get3A_46, %get3A_47] {strides = array<i32>} : memref<16x640xf32, #tpu.memory_space<vmem>>, vector<16xf32>,
      %add3A_49 = arith.addf %get3A_42, %get3A_48 : vector<16xf32>
      %mul3A_50 = arith.constant 16 : i32
      %mul3A_51 = arith.muli %scan3A_36, %mul3A_50 : i32
      %get3A_52 = arith.constant 2 : i32
      %get3A_53 = arith.index_cast %get3A_52 : i32 to index
      %get3A_54 = arith.index_cast %mul3A_51 : i32 to index
      %get3A_55 = tpu.vector_load %arg11[%get3A_53, %get3A_54] {strides = array<i32>} : memref<16x640xf32, #tpu.memory_space<vmem>>, vector<16xf32>,
      %add3A_56 = arith.addf %add3A_49, %get3A_55 : vector<16xf32>
      %mul3A_57 = arith.constant 16 : i32
      %mul3A_58 = arith.muli %scan3A_36, %mul3A_57 : i32
      %get3A_59 = arith.constant 3 : i32
      %get3A_60 = arith.index_cast %get3A_59 : i32 to index
      %get3A_61 = arith.index_cast %mul3A_58 : i32 to index
      %get3A_62 = tpu.vector_load %arg11[%get3A_60, %get3A_61] {strides = array<i32>} : memref<16x640xf32, #tpu.memory_space<vmem>>, vector<16xf32>,
      %add3A_63 = arith.addf %add3A_56, %get3A_62 : vector<16xf32>
      %mul3A_64 = arith.constant 16 : i32
      %mul3A_65 = arith.muli %scan3A_36, %mul3A_64 : i32
      %get3A_66 = arith.constant 4 : i32
      %get3A_67 = arith.index_cast %get3A_66 : i32 to index
      %get3A_68 = arith.index_cast %mul3A_65 : i32 to index
      %get3A_69 = tpu.vector_load %arg11[%get3A_67, %get3A_68] {strides = array<i32>} : memref<16x640xf32, #tpu.memory_space<vmem>>, vector<16xf32>,
      %add3A_70 = arith.addf %add3A_63, %get3A_69 : vector<16xf32>
      %mul3A_71 = arith.constant 16 : i32
      %mul3A_72 = arith.muli %scan3A_36, %mul3A_71 : i32
      %get3A_73 = arith.constant 5 : i32
      %get3A_74 = arith.index_cast %get3A_73 : i32 to index
      %get3A_75 = arith.index_cast %mul3A_72 : i32 to index
      %get3A_76 = tpu.vector_load %arg11[%get3A_74, %get3A_75] {strides = array<i32>} : memref<16x640xf32, #tpu.memory_space<vmem>>, vector<16xf32>,
      %add3A_77 = arith.addf %add3A_70, %get3A_76 : vector<16xf32>
      %mul3A_78 = arith.constant 16 : i32
      %mul3A_79 = arith.muli %scan3A_36, %mul3A_78 : i32
      %get3A_80 = arith.constant 6 : i32
      %get3A_81 = arith.index_cast %get3A_80 : i32 to index
      %get3A_82 = arith.index_cast %mul3A_79 : i32 to index
      %get3A_83 = tpu.vector_load %arg11[%get3A_81, %get3A_82] {strides = array<i32>} : memref<16x640xf32, #tpu.memory_space<vmem>>, vector<16xf32>,
      %add3A_84 = arith.addf %add3A_77, %get3A_83 : vector<16xf32>
      %mul3A_85 = arith.constant 16 : i32
      %mul3A_86 = arith.muli %scan3A_36, %mul3A_85 : i32
      %get3A_87 = arith.constant 7 : i32
      %get3A_88 = arith.index_cast %get3A_87 : i32 to index
      %get3A_89 = arith.index_cast %mul3A_86 : i32 to index
      %get3A_90 = tpu.vector_load %arg11[%get3A_88, %get3A_89] {strides = array<i32>} : memref<16x640xf32, #tpu.memory_space<vmem>>, vector<16xf32>,
      %add3A_91 = arith.addf %add3A_84, %get3A_90 : vector<16xf32>
      %mul3A_92 = arith.constant 16 : i32
      %mul3A_93 = arith.muli %scan3A_36, %mul3A_92 : i32
      %get3A_94 = arith.constant 8 : i32
      %get3A_95 = arith.index_cast %get3A_94 : i32 to index
      %get3A_96 = arith.index_cast %mul3A_93 : i32 to index
      %get3A_97 = tpu.vector_load %arg11[%get3A_95, %get3A_96] {strides = array<i32>} : memref<16x640xf32, #tpu.memory_space<vmem>>, vector<16xf32>,
      %add3A_98 = arith.addf %add3A_91, %get3A_97 : vector<16xf32>
      %mul3A_99 = arith.constant 16 : i32
      %mul3A_100 = arith.muli %scan3A_36, %mul3A_99 : i32
      %get3A_101 = arith.constant 9 : i32
      %get3A_102 = arith.index_cast %get3A_101 : i32 to index
      %get3A_103 = arith.index_cast %mul3A_100 : i32 to index
      %get3A_104 = tpu.vector_load %arg11[%get3A_102, %get3A_103] {strides = array<i32>} : memref<16x640xf32, #tpu.memory_space<vmem>>, vector<16xf32>,
      %add3A_105 = arith.addf %add3A_98, %get3A_104 : vector<16xf32>
      %mul3A_106 = arith.constant 16 : i32
      %mul3A_107 = arith.muli %scan3A_36, %mul3A_106 : i32
      %get3A_108 = arith.constant 10 : i32
      %get3A_109 = arith.index_cast %get3A_108 : i32 to index
      %get3A_110 = arith.index_cast %mul3A_107 : i32 to index
      %get3A_111 = tpu.vector_load %arg11[%get3A_109, %get3A_110] {strides = array<i32>} : memref<16x640xf32, #tpu.memory_space<vmem>>, vector<16xf32>,
      %add3A_112 = arith.addf %add3A_105, %get3A_111 : vector<16xf32>
      %mul3A_113 = arith.constant 16 : i32
      %mul3A_114 = arith.muli %scan3A_36, %mul3A_113 : i32
      %get3A_115 = arith.constant 11 : i32
      %get3A_116 = arith.index_cast %get3A_115 : i32 to index
      %get3A_117 = arith.index_cast %mul3A_114 : i32 to index
      %get3A_118 = tpu.vector_load %arg11[%get3A_116, %get3A_117] {strides = array<i32>} : memref<16x640xf32, #tpu.memory_space<vmem>>, vector<16xf32>,
      %add3A_119 = arith.addf %add3A_112, %get3A_118 : vector<16xf32>
      %mul3A_120 = arith.constant 16 : i32
      %mul3A_121 = arith.muli %scan3A_36, %mul3A_120 : i32
      %get3A_122 = arith.constant 12 : i32
      %get3A_123 = arith.index_cast %get3A_122 : i32 to index
      %get3A_124 = arith.index_cast %mul3A_121 : i32 to index
      %get3A_125 = tpu.vector_load %arg11[%get3A_123, %get3A_124] {strides = array<i32>} : memref<16x640xf32, #tpu.memory_space<vmem>>, vector<16xf32>,
      %add3A_126 = arith.addf %add3A_119, %get3A_125 : vector<16xf32>
      %mul3A_127 = arith.constant 16 : i32
      %mul3A_128 = arith.muli %scan3A_36, %mul3A_127 : i32
      %get3A_129 = arith.constant 13 : i32
      %get3A_130 = arith.index_cast %get3A_129 : i32 to index
      %get3A_131 = arith.index_cast %mul3A_128 : i32 to index
      %get3A_132 = tpu.vector_load %arg11[%get3A_130, %get3A_131] {strides = array<i32>} : memref<16x640xf32, #tpu.memory_space<vmem>>, vector<16xf32>,
      %add3A_133 = arith.addf %add3A_126, %get3A_132 : vector<16xf32>
      %mul3A_134 = arith.constant 16 : i32
      %mul3A_135 = arith.muli %scan3A_36, %mul3A_134 : i32
      %get3A_136 = arith.constant 14 : i32
      %get3A_137 = arith.index_cast %get3A_136 : i32 to index
      %get3A_138 = arith.index_cast %mul3A_135 : i32 to index
      %get3A_139 = tpu.vector_load %arg11[%get3A_137, %get3A_138] {strides = array<i32>} : memref<16x640xf32, #tpu.memory_space<vmem>>, vector<16xf32>,
      %add3A_140 = arith.addf %add3A_133, %get3A_139 : vector<16xf32>
      %mul3A_141 = arith.constant 16 : i32
      %mul3A_142 = arith.muli %scan3A_36, %mul3A_141 : i32
      %get3A_143 = arith.constant 15 : i32
      %get3A_144 = arith.index_cast %get3A_143 : i32 to index
      %get3A_145 = arith.index_cast %mul3A_142 : i32 to index
      %get3A_146 = tpu.vector_load %arg11[%get3A_144, %get3A_145] {strides = array<i32>} : memref<16x640xf32, #tpu.memory_space<vmem>>, vector<16xf32>,
      %add3A_147 = arith.addf %add3A_140, %get3A_146 : vector<16xf32>
      %add3A_148 = arith.constant 1.000000e+00 : f32
      %add3A_149 = vector.broadcast %add3A_148 : f32 to vector<16xf32>
      %add3A_150 = arith.addf %add3A_147, %add3A_149 : vector<16xf32>
      %bitcast3A = vector.bitcast %add3A_150 : vector<16xf32> to vector<16xi32>
      %shift_right_arithmetic3A = arith.constant 1 : i32
      %shift_right_arithmetic3A_151 = vector.broadcast %shift_right_arithmetic3A : i32 to vector<16xi32>
      %shift_right_arithmetic3A_152 = arith.shrsi %bitcast3A, %shift_right_arithmetic3A_151 : vector<16xi32>
      %sub3A = arith.constant 1597463007 : i32
      %sub3A_153 = vector.broadcast %sub3A : i32 to vector<16xi32>
      %sub3A_154 = arith.subi %sub3A_153, %shift_right_arithmetic3A_152 : vector<16xi32>
      %bitcast3A_155 = vector.bitcast %sub3A_154 : vector<16xi32> to vector<16xf32>
      %mul3A_156 = arith.constant 5.000000e-01 : f32
      %mul3A_157 = vector.broadcast %mul3A_156 : f32 to vector<16xf32>
      %mul3A_158 = arith.mulf %mul3A_157, %add3A_150 : vector<16xf32>
      %mul3A_159 = arith.mulf %mul3A_158, %bitcast3A_155 : vector<16xf32>
      %mul3A_160 = arith.mulf %mul3A_159, %bitcast3A_155 : vector<16xf32>
      %sub3A_161 = arith.constant 1.500000e+00 : f32
      %sub3A_162 = vector.broadcast %sub3A_161 : f32 to vector<16xf32>
      %sub3A_163 = arith.subf %sub3A_162, %mul3A_160 : vector<16xf32>
      %mul3A_164 = arith.mulf %bitcast3A_155, %sub3A_163 : vector<16xf32>
      %mul3A_165 = arith.constant 5.000000e-01 : f32
      %mul3A_166 = vector.broadcast %mul3A_165 : f32 to vector<16xf32>
      %mul3A_167 = arith.mulf %mul3A_166, %add3A_150 : vector<16xf32>
      %mul3A_168 = arith.mulf %mul3A_167, %mul3A_164 : vector<16xf32>
      %mul3A_169 = arith.mulf %mul3A_168, %mul3A_164 : vector<16xf32>
      %sub3A_170 = arith.constant 1.500000e+00 : f32
      %sub3A_171 = vector.broadcast %sub3A_170 : f32 to vector<16xf32>
      %sub3A_172 = arith.subf %sub3A_171, %mul3A_169 : vector<16xf32>
      %mul3A_173 = arith.mulf %mul3A_164, %sub3A_172 : vector<16xf32>
      %mul3A_174 = arith.constant 5.000000e-01 : f32
      %mul3A_175 = vector.broadcast %mul3A_174 : f32 to vector<16xf32>
      %mul3A_176 = arith.mulf %mul3A_175, %add3A_150 : vector<16xf32>
      %mul3A_177 = arith.mulf %mul3A_176, %mul3A_173 : vector<16xf32>
      %mul3A_178 = arith.mulf %mul3A_177, %mul3A_173 : vector<16xf32>
      %sub3A_179 = arith.constant 1.500000e+00 : f32
      %sub3A_180 = vector.broadcast %sub3A_179 : f32 to vector<16xf32>
      %sub3A_181 = arith.subf %sub3A_180, %mul3A_178 : vector<16xf32>
      %mul3A_182 = arith.mulf %mul3A_173, %sub3A_181 : vector<16xf32>
      %mul3A_183 = arith.constant 16 : i32
      %mul3A_184 = arith.muli %scan3A_36, %mul3A_183 : i32
      %swap3A = arith.index_cast %mul3A_184 : i32 to index
      %swap3A_185 = tpu.vector_load %arg12[%swap3A] {strides = array<i32>} : memref<640xf32, #tpu.memory_space<vmem>>, vector<16xf32>,
      tpu.vector_store %arg12[%swap3A], %mul3A_182 {strides = array<i32>} : memref<640xf32, #tpu.memory_space<vmem>>, vector<16xf32>,
      %scan3A_186 = arith.constant 0 : i32
      scf.yield %scan3A_186 : i32
    }
    %scan3A_21 = arith.constant 40 : i32
    %mul3A_22 = arith.constant 640 : i32
    %mul3A_23 = arith.muli %arg1, %mul3A_22 : i32
    "tpu.region"() ({
      %run_scoped3A = tpu.sem_alloc : memref<!tpu.dma_semaphore, #tpu.memory_space<semaphore_mem>>
      %dma_start3A = tpu.memref_slice %arg15[%mul3A_23] : memref<10240xf32, #tpu.memory_space<vmem_shared>> -> memref<640xf32, #tpu.memory_space<vmem_shared>>
      %dma_start3A_36 = tpu.memref_slice %arg15[%mul3A_23] : memref<10240xf32, #tpu.memory_space<vmem_shared>> -> memref<640xf32, #tpu.memory_space<vmem_shared>>
      tpu.enqueue_dma source(%arg12 : memref<640xf32, #tpu.memory_space<vmem>>) target(%dma_start3A_36 : memref<640xf32, #tpu.memory_space<vmem_shared>>) target_semaphore(%run_scoped3A : memref<!tpu.dma_semaphore, #tpu.memory_space<semaphore_mem>>)
      %dma_wait3A = tpu.memref_slice %arg15[%mul3A_23] : memref<10240xf32, #tpu.memory_space<vmem_shared>> -> memref<640xf32, #tpu.memory_space<vmem_shared>>
      %dma_wait3A_37 = tpu.memref_slice %arg15[%mul3A_23] : memref<10240xf32, #tpu.memory_space<vmem_shared>> -> memref<640xf32, #tpu.memory_space<vmem_shared>>
      tpu.wait_dma2 semaphore(%run_scoped3A : memref<!tpu.dma_semaphore, #tpu.memory_space<semaphore_mem>>) src(%arg12 : memref<640xf32, #tpu.memory_space<vmem>>) dst(%dma_wait3A_37 : memref<640xf32, #tpu.memory_space<vmem_shared>>)
      tpu.yield
    }) : () -> ()
    %eq3A = arith.constant 0 : i32
    %eq3A_24 = arith.cmpi eq, %arg0, %eq3A : i32
    %convert_element_type3A = arith.extui %eq3A_24 : i1 to i32
    %cond3A = arith.constant 0 : i32
    %cond3A_25 = arith.cmpi ne, %convert_element_type3A, %cond3A : i32
    scf.if %cond3A_25 {
      %mul3A_36 = arith.constant 640 : i32
      %mul3A_37 = arith.muli %arg1, %mul3A_36 : i32
      "tpu.region"() ({
        %run_scoped3A = tpu.sem_alloc : memref<!tpu.dma_semaphore, #tpu.memory_space<semaphore_mem>>
        %dma_start3A = tpu.memref_slice %arg5[%mul3A_37] : memref<10240xf32, #tpu.memory_space<hbm>> -> memref<640xf32, #tpu.memory_space<hbm>>
        %dma_start3A_38 = tpu.memref_slice %arg5[%mul3A_37] : memref<10240xf32, #tpu.memory_space<hbm>> -> memref<640xf32, #tpu.memory_space<hbm>>
        tpu.enqueue_dma source(%arg12 : memref<640xf32, #tpu.memory_space<vmem>>) target(%dma_start3A_38 : memref<640xf32, #tpu.memory_space<hbm>>) target_semaphore(%run_scoped3A : memref<!tpu.dma_semaphore, #tpu.memory_space<semaphore_mem>>)
        %dma_wait3A = tpu.memref_slice %arg5[%mul3A_37] : memref<10240xf32, #tpu.memory_space<hbm>> -> memref<640xf32, #tpu.memory_space<hbm>>
        %dma_wait3A_39 = tpu.memref_slice %arg5[%mul3A_37] : memref<10240xf32, #tpu.memory_space<hbm>> -> memref<640xf32, #tpu.memory_space<hbm>>
        tpu.wait_dma2 semaphore(%run_scoped3A : memref<!tpu.dma_semaphore, #tpu.memory_space<semaphore_mem>>) src(%arg12 : memref<640xf32, #tpu.memory_space<vmem>>) dst(%dma_wait3A_39 : memref<640xf32, #tpu.memory_space<hbm>>)
        tpu.yield
      }) : () -> ()
    } else {
    }
    %barrier3A_26 = arith.constant 0 : index
    tpu.barrier barrier_id(%barrier3A_26)
    "tpu.region"() ({
      %run_scoped3A = tpu.sem_alloc : memref<!tpu.dma_semaphore, #tpu.memory_space<semaphore_mem>>
      tpu.enqueue_dma source(%arg15 : memref<10240xf32, #tpu.memory_space<vmem_shared>>) target(%arg13 : memref<10240xf32, #tpu.memory_space<vmem>>) target_semaphore(%run_scoped3A : memref<!tpu.dma_semaphore, #tpu.memory_space<semaphore_mem>>)
      tpu.wait_dma2 semaphore(%run_scoped3A : memref<!tpu.dma_semaphore, #tpu.memory_space<semaphore_mem>>) src(%arg15 : memref<10240xf32, #tpu.memory_space<vmem_shared>>) dst(%arg13 : memref<10240xf32, #tpu.memory_space<vmem>>)
      tpu.yield
    }) : () -> ()
    %mul3A_27 = arith.constant 16 : i32
    %mul3A_28 = arith.muli %arg0, %mul3A_27 : i32
    %add3A = arith.addi %mul3A_28, %arg1 : i32
    %scan3A_29 = arith.constant 0 : i32
    %scan3A_30 = arith.constant 0 : i32
    %scan3A_31 = arith.constant 5 : i32
    %scan3A_32 = arith.addi %scan3A_30, %scan3A_31 : i32
    %scan3A_33 = arith.constant 1 : i32
    %scan3A_34 = scf.for %scan3A_36 = %scan3A_30 to %scan3A_32 step %scan3A_33 iter_args(%scan3A_37 = %scan3A_29) -> (i32)  : i32 {
      %mul3A_38 = arith.constant 5120 : i32
      %mul3A_39 = arith.muli %add3A, %mul3A_38 : i32
      %mul3A_40 = arith.constant 1024 : i32
      %mul3A_41 = arith.muli %scan3A_36, %mul3A_40 : i32
      %add3A_42 = arith.addi %mul3A_39, %mul3A_41 : i32
      "tpu.region"() ({
        %run_scoped3A = tpu.sem_alloc : memref<!tpu.dma_semaphore, #tpu.memory_space<semaphore_mem>>
        %dma_start3A = tpu.memref_slice %arg2[%add3A_42] : memref<163840xi32, #tpu.memory_space<hbm>> -> memref<1024xi32, #tpu.memory_space<hbm>>
        %dma_start3A_51 = tpu.memref_slice %arg2[%add3A_42] : memref<163840xi32, #tpu.memory_space<hbm>> -> memref<1024xi32, #tpu.memory_space<hbm>>
        tpu.enqueue_dma source(%dma_start3A_51 : memref<1024xi32, #tpu.memory_space<hbm>>) target(%arg8 : memref<1024xi32, #tpu.memory_space<vmem>>) target_semaphore(%run_scoped3A : memref<!tpu.dma_semaphore, #tpu.memory_space<semaphore_mem>>)
        %dma_wait3A = tpu.memref_slice %arg2[%add3A_42] : memref<163840xi32, #tpu.memory_space<hbm>> -> memref<1024xi32, #tpu.memory_space<hbm>>
        %dma_wait3A_52 = tpu.memref_slice %arg2[%add3A_42] : memref<163840xi32, #tpu.memory_space<hbm>> -> memref<1024xi32, #tpu.memory_space<hbm>>
        tpu.wait_dma2 semaphore(%run_scoped3A : memref<!tpu.dma_semaphore, #tpu.memory_space<semaphore_mem>>) src(%dma_wait3A_52 : memref<1024xi32, #tpu.memory_space<hbm>>) dst(%arg8 : memref<1024xi32, #tpu.memory_space<vmem>>)
        tpu.yield
      }) : () -> ()
      "tpu.region"() ({
        %run_scoped3A = tpu.sem_alloc : memref<!tpu.dma_semaphore, #tpu.memory_space<semaphore_mem>>
        %dma_start3A = tpu.memref_slice %arg4[%add3A_42] : memref<163840xf32, #tpu.memory_space<hbm>> -> memref<1024xf32, #tpu.memory_space<hbm>>
        %dma_start3A_51 = tpu.memref_slice %arg4[%add3A_42] : memref<163840xf32, #tpu.memory_space<hbm>> -> memref<1024xf32, #tpu.memory_space<hbm>>
        tpu.enqueue_dma source(%dma_start3A_51 : memref<1024xf32, #tpu.memory_space<hbm>>) target(%arg9 : memref<1024xf32, #tpu.memory_space<vmem>>) target_semaphore(%run_scoped3A : memref<!tpu.dma_semaphore, #tpu.memory_space<semaphore_mem>>)
        %dma_wait3A = tpu.memref_slice %arg4[%add3A_42] : memref<163840xf32, #tpu.memory_space<hbm>> -> memref<1024xf32, #tpu.memory_space<hbm>>
        %dma_wait3A_52 = tpu.memref_slice %arg4[%add3A_42] : memref<163840xf32, #tpu.memory_space<hbm>> -> memref<1024xf32, #tpu.memory_space<hbm>>
        tpu.wait_dma2 semaphore(%run_scoped3A : memref<!tpu.dma_semaphore, #tpu.memory_space<semaphore_mem>>) src(%dma_wait3A_52 : memref<1024xf32, #tpu.memory_space<hbm>>) dst(%arg9 : memref<1024xf32, #tpu.memory_space<vmem>>)
        tpu.yield
      }) : () -> ()
      %scan3A_43 = arith.constant 0 : i32
      %scan3A_44 = arith.constant 0 : i32
      %scan3A_45 = arith.constant 64 : i32
      %scan3A_46 = arith.addi %scan3A_44, %scan3A_45 : i32
      %scan3A_47 = arith.constant 1 : i32
      %scan3A_48 = scf.for %scan3A_51 = %scan3A_44 to %scan3A_46 step %scan3A_47 iter_args(%scan3A_52 = %scan3A_43) -> (i32)  : i32 {
        %mul3A_53 = arith.constant 16 : i32
        %mul3A_54 = arith.muli %scan3A_51, %mul3A_53 : i32
        %get3A = arith.index_cast %mul3A_54 : i32 to index
        %get3A_55 = tpu.vector_load %arg8[%get3A] {strides = array<i32>} : memref<1024xi32, #tpu.memory_space<vmem>>, vector<16xi32>,
        %gather3A = tpu.vector_load_idx %arg13[%get3A_55] : memref<10240xf32, #tpu.memory_space<vmem>>[vector<16xi32>], vector<16xf32>,
        %mul3A_56 = arith.constant 16 : i32
        %mul3A_57 = arith.muli %scan3A_51, %mul3A_56 : i32
        %get3A_58 = arith.index_cast %mul3A_57 : i32 to index
        %get3A_59 = tpu.vector_load %arg9[%get3A_58] {strides = array<i32>} : memref<1024xf32, #tpu.memory_space<vmem>>, vector<16xf32>,
        %mul3A_60 = arith.mulf %get3A_59, %gather3A : vector<16xf32>
        %mul3A_61 = arith.constant 16 : i32
        %mul3A_62 = arith.muli %scan3A_51, %mul3A_61 : i32
        %swap3A = arith.index_cast %mul3A_62 : i32 to index
        %swap3A_63 = tpu.vector_load %arg10[%swap3A] {strides = array<i32>} : memref<1024xf32, #tpu.memory_space<vmem>>, vector<16xf32>,
        tpu.vector_store %arg10[%swap3A], %mul3A_60 {strides = array<i32>} : memref<1024xf32, #tpu.memory_space<vmem>>, vector<16xf32>,
        %scan3A_64 = arith.constant 0 : i32
        scf.yield %scan3A_64 : i32
      }
      %scan3A_49 = arith.constant 64 : i32
      "tpu.region"() ({
        %run_scoped3A = tpu.sem_alloc : memref<!tpu.dma_semaphore, #tpu.memory_space<semaphore_mem>>
        %dma_start3A = tpu.memref_slice %arg6[%add3A_42] : memref<163840xf32, #tpu.memory_space<hbm>> -> memref<1024xf32, #tpu.memory_space<hbm>>
        %dma_start3A_51 = tpu.memref_slice %arg6[%add3A_42] : memref<163840xf32, #tpu.memory_space<hbm>> -> memref<1024xf32, #tpu.memory_space<hbm>>
        tpu.enqueue_dma source(%arg10 : memref<1024xf32, #tpu.memory_space<vmem>>) target(%dma_start3A_51 : memref<1024xf32, #tpu.memory_space<hbm>>) target_semaphore(%run_scoped3A : memref<!tpu.dma_semaphore, #tpu.memory_space<semaphore_mem>>)
        %dma_wait3A = tpu.memref_slice %arg6[%add3A_42] : memref<163840xf32, #tpu.memory_space<hbm>> -> memref<1024xf32, #tpu.memory_space<hbm>>
        %dma_wait3A_52 = tpu.memref_slice %arg6[%add3A_42] : memref<163840xf32, #tpu.memory_space<hbm>> -> memref<1024xf32, #tpu.memory_space<hbm>>
        tpu.wait_dma2 semaphore(%run_scoped3A : memref<!tpu.dma_semaphore, #tpu.memory_space<semaphore_mem>>) src(%arg10 : memref<1024xf32, #tpu.memory_space<vmem>>) dst(%dma_wait3A_52 : memref<1024xf32, #tpu.memory_space<hbm>>)
        tpu.yield
      }) : () -> ()
      %scan3A_50 = arith.constant 0 : i32
      scf.yield %scan3A_50 : i32
    }
    %scan3A_35 = arith.constant 5 : i32
    return
  }
}

#map = affine_map<(d0, d1) -> (0, 0)>
#map1 = affine_map<(d0, d1) -> (0, 0, 0)>
module attributes {stable_mosaic.version = 14 : i64} {
  func.func @_agg(%arg0: i32, %arg1: i32, %arg2: memref<10000x64xi32, #tpu.memory_space<hbm>>, %arg3: memref<10000x64xi32, #tpu.memory_space<hbm>>, %arg4: memref<16x80x128xi32, #tpu.memory_space<hbm>>, %arg5: memref<16x80x128xi32, #tpu.memory_space<hbm>>, %arg6: memref<16x80x128xf32, #tpu.memory_space<hbm>>, %arg7: memref<10000x128xf32, #tpu.memory_space<hbm>>, %arg8: memref<10000x128xf32, #tpu.memory_space<hbm>>, %arg9: memref<10000x128xf32, #tpu.memory_space<hbm>>, %arg10: memref<2x128x64xi32, #tpu.memory_space<vmem>>, %arg11: memref<2x128x128xf32, #tpu.memory_space<vmem>>, %arg12: memref<3x128xi32, #tpu.memory_space<vmem>>, %arg13: memref<3x128xi32, #tpu.memory_space<vmem>>, %arg14: memref<3x128xf32, #tpu.memory_space<vmem>>, %arg15: memref<128xf32, #tpu.memory_space<vmem>>, %arg16: memref<!tpu.dma_semaphore, #tpu.memory_space<semaphore_mem>>, %arg17: memref<!tpu.dma_semaphore, #tpu.memory_space<semaphore_mem>>, %arg18: memref<!tpu.dma_semaphore, #tpu.memory_space<semaphore_mem>>, %arg19: memref<10000x128xf32, #tpu.memory_space<vmem_shared>>) attributes {dimension_semantics = [#tpu.dimension_semantics<core_parallel>, #tpu.dimension_semantics<subcore_parallel>], iteration_bounds = array<i64: 2, 16>, scalar_prefetch = 0 : i64, scratch_operands = 10 : i64, tpu.core_type = #tpu.core_type<sc_vector_subcore>, window_params = [{transform_indices = #map}, {transform_indices = #map}, {transform_indices = #map1}, {transform_indices = #map1}, {transform_indices = #map1}, {transform_indices = #map}, {transform_indices = #map}, {transform_indices = #map}]} {
    %lt3A = arith.constant 15 : i32
    %lt3A_0 = arith.cmpi slt, %arg1, %lt3A : i32
    %convert_element_type3A = arith.extui %lt3A_0 : i1 to i32
    %cond3A = arith.constant 0 : i32
    %cond3A_1 = arith.cmpi ne, %convert_element_type3A, %cond3A : i32
    scf.if %cond3A_1 {
      %mul3A = arith.constant 632 : i32
      %mul3A_27 = arith.muli %arg1, %mul3A : i32
      %mul3A_28 = arith.constant 632 : i32
      %mul3A_29 = arith.muli %arg1, %mul3A_28 : i32
      "tpu.region"() ({
        %run_scoped3A = tpu.sem_alloc : memref<!tpu.dma_semaphore, #tpu.memory_space<semaphore_mem>>
        %dma_start3A = arith.constant 0 : i32
        %dma_start3A_30 = tpu.memref_slice %arg19[%mul3A_29, %dma_start3A] : memref<10000x128xf32, #tpu.memory_space<vmem_shared>> -> memref<632x128xf32, #tpu.memory_space<vmem_shared>>
        %dma_start3A_31 = arith.constant 0 : i32
        %dma_start3A_32 = tpu.memref_slice %arg7[%mul3A_27, %dma_start3A_31] : memref<10000x128xf32, #tpu.memory_space<hbm>> -> memref<632x128xf32, #tpu.memory_space<hbm>>
        tpu.enqueue_dma source(%dma_start3A_32 : memref<632x128xf32, #tpu.memory_space<hbm>>) target(%dma_start3A_30 : memref<632x128xf32, #tpu.memory_space<vmem_shared>>) target_semaphore(%run_scoped3A : memref<!tpu.dma_semaphore, #tpu.memory_space<semaphore_mem>>)
        %dma_wait3A = arith.constant 0 : i32
        %dma_wait3A_33 = tpu.memref_slice %arg19[%mul3A_29, %dma_wait3A] : memref<10000x128xf32, #tpu.memory_space<vmem_shared>> -> memref<632x128xf32, #tpu.memory_space<vmem_shared>>
        %dma_wait3A_34 = arith.constant 0 : i32
        %dma_wait3A_35 = tpu.memref_slice %arg7[%mul3A_27, %dma_wait3A_34] : memref<10000x128xf32, #tpu.memory_space<hbm>> -> memref<632x128xf32, #tpu.memory_space<hbm>>
        tpu.wait_dma2 semaphore(%run_scoped3A : memref<!tpu.dma_semaphore, #tpu.memory_space<semaphore_mem>>) src(%dma_wait3A_35 : memref<632x128xf32, #tpu.memory_space<hbm>>) dst(%dma_wait3A_33 : memref<632x128xf32, #tpu.memory_space<vmem_shared>>)
        tpu.yield
      }) : () -> ()
    } else {
    }
    %eq3A = arith.constant 15 : i32
    %eq3A_2 = arith.cmpi eq, %arg1, %eq3A : i32
    %convert_element_type3A_3 = arith.extui %eq3A_2 : i1 to i32
    %cond3A_4 = arith.constant 0 : i32
    %cond3A_5 = arith.cmpi ne, %convert_element_type3A_3, %cond3A_4 : i32
    scf.if %cond3A_5 {
      "tpu.region"() ({
        %run_scoped3A = tpu.sem_alloc : memref<!tpu.dma_semaphore, #tpu.memory_space<semaphore_mem>>
        %dma_start3A = arith.constant 9480 : i32
        %dma_start3A_27 = arith.constant 0 : i32
        %dma_start3A_28 = tpu.memref_slice %arg19[%dma_start3A, %dma_start3A_27] : memref<10000x128xf32, #tpu.memory_space<vmem_shared>> -> memref<520x128xf32, #tpu.memory_space<vmem_shared>>
        %dma_start3A_29 = arith.constant 9480 : i32
        %dma_start3A_30 = arith.constant 0 : i32
        %dma_start3A_31 = tpu.memref_slice %arg7[%dma_start3A_29, %dma_start3A_30] : memref<10000x128xf32, #tpu.memory_space<hbm>> -> memref<520x128xf32, #tpu.memory_space<hbm>>
        tpu.enqueue_dma source(%dma_start3A_31 : memref<520x128xf32, #tpu.memory_space<hbm>>) target(%dma_start3A_28 : memref<520x128xf32, #tpu.memory_space<vmem_shared>>) target_semaphore(%run_scoped3A : memref<!tpu.dma_semaphore, #tpu.memory_space<semaphore_mem>>)
        %dma_wait3A = arith.constant 9480 : i32
        %dma_wait3A_32 = arith.constant 0 : i32
        %dma_wait3A_33 = tpu.memref_slice %arg19[%dma_wait3A, %dma_wait3A_32] : memref<10000x128xf32, #tpu.memory_space<vmem_shared>> -> memref<520x128xf32, #tpu.memory_space<vmem_shared>>
        %dma_wait3A_34 = arith.constant 9480 : i32
        %dma_wait3A_35 = arith.constant 0 : i32
        %dma_wait3A_36 = tpu.memref_slice %arg7[%dma_wait3A_34, %dma_wait3A_35] : memref<10000x128xf32, #tpu.memory_space<hbm>> -> memref<520x128xf32, #tpu.memory_space<hbm>>
        tpu.wait_dma2 semaphore(%run_scoped3A : memref<!tpu.dma_semaphore, #tpu.memory_space<semaphore_mem>>) src(%dma_wait3A_36 : memref<520x128xf32, #tpu.memory_space<hbm>>) dst(%dma_wait3A_33 : memref<520x128xf32, #tpu.memory_space<vmem_shared>>)
        tpu.yield
      }) : () -> ()
    } else {
    }
    %barrier3A = arith.constant 0 : index
    tpu.barrier barrier_id(%barrier3A)
    %eq3A_6 = arith.constant 0 : i32
    %eq3A_7 = arith.cmpi eq, %arg0, %eq3A_6 : i32
    %convert_element_type3A_8 = arith.extui %eq3A_7 : i1 to i32
    %cond3A_9 = arith.constant 0 : i32
    %cond3A_10 = arith.cmpi ne, %convert_element_type3A_8, %cond3A_9 : i32
    scf.if %cond3A_10 {
      %rem3A = arith.constant 0 : i32
      %rem3A_27 = arith.constant 3 : i32
      %rem3A_28 = arith.remsi %rem3A, %rem3A_27 : i32
      %dma_start3A = arith.constant 0 : i32
      %dma_start3A_29 = arith.constant 0 : i32
      %dma_start3A_30 = tpu.memref_slice %arg12[%rem3A_28, %dma_start3A_29] : memref<3x128xi32, #tpu.memory_space<vmem>> -> memref<1x128xi32, #tpu.memory_space<vmem>>
      %dma_start3A_31 = tpu.memref_squeeze %dma_start3A_30 : memref<1x128xi32, #tpu.memory_space<vmem>> -> memref<128xi32, #tpu.memory_space<vmem>>
      %dma_start3A_32 = arith.constant 0 : i32
      %dma_start3A_33 = tpu.memref_slice %arg4[%arg1, %dma_start3A, %dma_start3A_32] : memref<16x80x128xi32, #tpu.memory_space<hbm>> -> memref<1x1x128xi32, #tpu.memory_space<hbm>>
      %dma_start3A_34 = tpu.memref_squeeze %dma_start3A_33 : memref<1x1x128xi32, #tpu.memory_space<hbm>> -> memref<128xi32, #tpu.memory_space<hbm>>
      %dma_start3A_35 = arith.constant 0 : i32
      %dma_start3A_36 = tpu.memref_slice %arg12[%rem3A_28, %dma_start3A_35] : memref<3x128xi32, #tpu.memory_space<vmem>> -> memref<1x128xi32, #tpu.memory_space<vmem>>
      %dma_start3A_37 = tpu.memref_squeeze %dma_start3A_36 : memref<1x128xi32, #tpu.memory_space<vmem>> -> memref<128xi32, #tpu.memory_space<vmem>>
      %dma_start3A_38 = arith.constant 0 : i32
      %dma_start3A_39 = tpu.memref_slice %arg4[%arg1, %dma_start3A, %dma_start3A_38] : memref<16x80x128xi32, #tpu.memory_space<hbm>> -> memref<1x1x128xi32, #tpu.memory_space<hbm>>
      %dma_start3A_40 = tpu.memref_squeeze %dma_start3A_39 : memref<1x1x128xi32, #tpu.memory_space<hbm>> -> memref<128xi32, #tpu.memory_space<hbm>>
      tpu.enqueue_dma source(%dma_start3A_40 : memref<128xi32, #tpu.memory_space<hbm>>) target(%dma_start3A_37 : memref<128xi32, #tpu.memory_space<vmem>>) target_semaphore(%arg18 : memref<!tpu.dma_semaphore, #tpu.memory_space<semaphore_mem>>)
      %dma_start3A_41 = arith.constant 0 : i32
      %dma_start3A_42 = arith.constant 0 : i32
      %dma_start3A_43 = tpu.memref_slice %arg13[%rem3A_28, %dma_start3A_42] : memref<3x128xi32, #tpu.memory_space<vmem>> -> memref<1x128xi32, #tpu.memory_space<vmem>>
      %dma_start3A_44 = tpu.memref_squeeze %dma_start3A_43 : memref<1x128xi32, #tpu.memory_space<vmem>> -> memref<128xi32, #tpu.memory_space<vmem>>
      %dma_start3A_45 = arith.constant 0 : i32
      %dma_start3A_46 = tpu.memref_slice %arg5[%arg1, %dma_start3A_41, %dma_start3A_45] : memref<16x80x128xi32, #tpu.memory_space<hbm>> -> memref<1x1x128xi32, #tpu.memory_space<hbm>>
      %dma_start3A_47 = tpu.memref_squeeze %dma_start3A_46 : memref<1x1x128xi32, #tpu.memory_space<hbm>> -> memref<128xi32, #tpu.memory_space<hbm>>
      %dma_start3A_48 = arith.constant 0 : i32
      %dma_start3A_49 = tpu.memref_slice %arg13[%rem3A_28, %dma_start3A_48] : memref<3x128xi32, #tpu.memory_space<vmem>> -> memref<1x128xi32, #tpu.memory_space<vmem>>
      %dma_start3A_50 = tpu.memref_squeeze %dma_start3A_49 : memref<1x128xi32, #tpu.memory_space<vmem>> -> memref<128xi32, #tpu.memory_space<vmem>>
      %dma_start3A_51 = arith.constant 0 : i32
      %dma_start3A_52 = tpu.memref_slice %arg5[%arg1, %dma_start3A_41, %dma_start3A_51] : memref<16x80x128xi32, #tpu.memory_space<hbm>> -> memref<1x1x128xi32, #tpu.memory_space<hbm>>
      %dma_start3A_53 = tpu.memref_squeeze %dma_start3A_52 : memref<1x1x128xi32, #tpu.memory_space<hbm>> -> memref<128xi32, #tpu.memory_space<hbm>>
      tpu.enqueue_dma source(%dma_start3A_53 : memref<128xi32, #tpu.memory_space<hbm>>) target(%dma_start3A_50 : memref<128xi32, #tpu.memory_space<vmem>>) target_semaphore(%arg18 : memref<!tpu.dma_semaphore, #tpu.memory_space<semaphore_mem>>)
      %dma_start3A_54 = arith.constant 0 : i32
      %dma_start3A_55 = arith.constant 0 : i32
      %dma_start3A_56 = tpu.memref_slice %arg14[%rem3A_28, %dma_start3A_55] : memref<3x128xf32, #tpu.memory_space<vmem>> -> memref<1x128xf32, #tpu.memory_space<vmem>>
      %dma_start3A_57 = tpu.memref_squeeze %dma_start3A_56 : memref<1x128xf32, #tpu.memory_space<vmem>> -> memref<128xf32, #tpu.memory_space<vmem>>
      %dma_start3A_58 = arith.constant 0 : i32
      %dma_start3A_59 = tpu.memref_slice %arg6[%arg1, %dma_start3A_54, %dma_start3A_58] : memref<16x80x128xf32, #tpu.memory_space<hbm>> -> memref<1x1x128xf32, #tpu.memory_space<hbm>>
      %dma_start3A_60 = tpu.memref_squeeze %dma_start3A_59 : memref<1x1x128xf32, #tpu.memory_space<hbm>> -> memref<128xf32, #tpu.memory_space<hbm>>
      %dma_start3A_61 = arith.constant 0 : i32
      %dma_start3A_62 = tpu.memref_slice %arg14[%rem3A_28, %dma_start3A_61] : memref<3x128xf32, #tpu.memory_space<vmem>> -> memref<1x128xf32, #tpu.memory_space<vmem>>
      %dma_start3A_63 = tpu.memref_squeeze %dma_start3A_62 : memref<1x128xf32, #tpu.memory_space<vmem>> -> memref<128xf32, #tpu.memory_space<vmem>>
      %dma_start3A_64 = arith.constant 0 : i32
      %dma_start3A_65 = tpu.memref_slice %arg6[%arg1, %dma_start3A_54, %dma_start3A_64] : memref<16x80x128xf32, #tpu.memory_space<hbm>> -> memref<1x1x128xf32, #tpu.memory_space<hbm>>
      %dma_start3A_66 = tpu.memref_squeeze %dma_start3A_65 : memref<1x1x128xf32, #tpu.memory_space<hbm>> -> memref<128xf32, #tpu.memory_space<hbm>>
      tpu.enqueue_dma source(%dma_start3A_66 : memref<128xf32, #tpu.memory_space<hbm>>) target(%dma_start3A_63 : memref<128xf32, #tpu.memory_space<vmem>>) target_semaphore(%arg18 : memref<!tpu.dma_semaphore, #tpu.memory_space<semaphore_mem>>)
      %rem3A_67 = arith.constant 1 : i32
      %rem3A_68 = arith.constant 3 : i32
      %rem3A_69 = arith.remsi %rem3A_67, %rem3A_68 : i32
      %dma_start3A_70 = arith.constant 1 : i32
      %dma_start3A_71 = arith.constant 0 : i32
      %dma_start3A_72 = tpu.memref_slice %arg12[%rem3A_69, %dma_start3A_71] : memref<3x128xi32, #tpu.memory_space<vmem>> -> memref<1x128xi32, #tpu.memory_space<vmem>>
      %dma_start3A_73 = tpu.memref_squeeze %dma_start3A_72 : memref<1x128xi32, #tpu.memory_space<vmem>> -> memref<128xi32, #tpu.memory_space<vmem>>
      %dma_start3A_74 = arith.constant 0 : i32
      %dma_start3A_75 = tpu.memref_slice %arg4[%arg1, %dma_start3A_70, %dma_start3A_74] : memref<16x80x128xi32, #tpu.memory_space<hbm>> -> memref<1x1x128xi32, #tpu.memory_space<hbm>>
      %dma_start3A_76 = tpu.memref_squeeze %dma_start3A_75 : memref<1x1x128xi32, #tpu.memory_space<hbm>> -> memref<128xi32, #tpu.memory_space<hbm>>
      %dma_start3A_77 = arith.constant 0 : i32
      %dma_start3A_78 = tpu.memref_slice %arg12[%rem3A_69, %dma_start3A_77] : memref<3x128xi32, #tpu.memory_space<vmem>> -> memref<1x128xi32, #tpu.memory_space<vmem>>
      %dma_start3A_79 = tpu.memref_squeeze %dma_start3A_78 : memref<1x128xi32, #tpu.memory_space<vmem>> -> memref<128xi32, #tpu.memory_space<vmem>>
      %dma_start3A_80 = arith.constant 0 : i32
      %dma_start3A_81 = tpu.memref_slice %arg4[%arg1, %dma_start3A_70, %dma_start3A_80] : memref<16x80x128xi32, #tpu.memory_space<hbm>> -> memref<1x1x128xi32, #tpu.memory_space<hbm>>
      %dma_start3A_82 = tpu.memref_squeeze %dma_start3A_81 : memref<1x1x128xi32, #tpu.memory_space<hbm>> -> memref<128xi32, #tpu.memory_space<hbm>>
      tpu.enqueue_dma source(%dma_start3A_82 : memref<128xi32, #tpu.memory_space<hbm>>) target(%dma_start3A_79 : memref<128xi32, #tpu.memory_space<vmem>>) target_semaphore(%arg18 : memref<!tpu.dma_semaphore, #tpu.memory_space<semaphore_mem>>)
      %dma_start3A_83 = arith.constant 1 : i32
      %dma_start3A_84 = arith.constant 0 : i32
      %dma_start3A_85 = tpu.memref_slice %arg13[%rem3A_69, %dma_start3A_84] : memref<3x128xi32, #tpu.memory_space<vmem>> -> memref<1x128xi32, #tpu.memory_space<vmem>>
      %dma_start3A_86 = tpu.memref_squeeze %dma_start3A_85 : memref<1x128xi32, #tpu.memory_space<vmem>> -> memref<128xi32, #tpu.memory_space<vmem>>
      %dma_start3A_87 = arith.constant 0 : i32
      %dma_start3A_88 = tpu.memref_slice %arg5[%arg1, %dma_start3A_83, %dma_start3A_87] : memref<16x80x128xi32, #tpu.memory_space<hbm>> -> memref<1x1x128xi32, #tpu.memory_space<hbm>>
      %dma_start3A_89 = tpu.memref_squeeze %dma_start3A_88 : memref<1x1x128xi32, #tpu.memory_space<hbm>> -> memref<128xi32, #tpu.memory_space<hbm>>
      %dma_start3A_90 = arith.constant 0 : i32
      %dma_start3A_91 = tpu.memref_slice %arg13[%rem3A_69, %dma_start3A_90] : memref<3x128xi32, #tpu.memory_space<vmem>> -> memref<1x128xi32, #tpu.memory_space<vmem>>
      %dma_start3A_92 = tpu.memref_squeeze %dma_start3A_91 : memref<1x128xi32, #tpu.memory_space<vmem>> -> memref<128xi32, #tpu.memory_space<vmem>>
      %dma_start3A_93 = arith.constant 0 : i32
      %dma_start3A_94 = tpu.memref_slice %arg5[%arg1, %dma_start3A_83, %dma_start3A_93] : memref<16x80x128xi32, #tpu.memory_space<hbm>> -> memref<1x1x128xi32, #tpu.memory_space<hbm>>
      %dma_start3A_95 = tpu.memref_squeeze %dma_start3A_94 : memref<1x1x128xi32, #tpu.memory_space<hbm>> -> memref<128xi32, #tpu.memory_space<hbm>>
      tpu.enqueue_dma source(%dma_start3A_95 : memref<128xi32, #tpu.memory_space<hbm>>) target(%dma_start3A_92 : memref<128xi32, #tpu.memory_space<vmem>>) target_semaphore(%arg18 : memref<!tpu.dma_semaphore, #tpu.memory_space<semaphore_mem>>)
      %dma_start3A_96 = arith.constant 1 : i32
      %dma_start3A_97 = arith.constant 0 : i32
      %dma_start3A_98 = tpu.memref_slice %arg14[%rem3A_69, %dma_start3A_97] : memref<3x128xf32, #tpu.memory_space<vmem>> -> memref<1x128xf32, #tpu.memory_space<vmem>>
      %dma_start3A_99 = tpu.memref_squeeze %dma_start3A_98 : memref<1x128xf32, #tpu.memory_space<vmem>> -> memref<128xf32, #tpu.memory_space<vmem>>
      %dma_start3A_100 = arith.constant 0 : i32
      %dma_start3A_101 = tpu.memref_slice %arg6[%arg1, %dma_start3A_96, %dma_start3A_100] : memref<16x80x128xf32, #tpu.memory_space<hbm>> -> memref<1x1x128xf32, #tpu.memory_space<hbm>>
      %dma_start3A_102 = tpu.memref_squeeze %dma_start3A_101 : memref<1x1x128xf32, #tpu.memory_space<hbm>> -> memref<128xf32, #tpu.memory_space<hbm>>
      %dma_start3A_103 = arith.constant 0 : i32
      %dma_start3A_104 = tpu.memref_slice %arg14[%rem3A_69, %dma_start3A_103] : memref<3x128xf32, #tpu.memory_space<vmem>> -> memref<1x128xf32, #tpu.memory_space<vmem>>
      %dma_start3A_105 = tpu.memref_squeeze %dma_start3A_104 : memref<1x128xf32, #tpu.memory_space<vmem>> -> memref<128xf32, #tpu.memory_space<vmem>>
      %dma_start3A_106 = arith.constant 0 : i32
      %dma_start3A_107 = tpu.memref_slice %arg6[%arg1, %dma_start3A_96, %dma_start3A_106] : memref<16x80x128xf32, #tpu.memory_space<hbm>> -> memref<1x1x128xf32, #tpu.memory_space<hbm>>
      %dma_start3A_108 = tpu.memref_squeeze %dma_start3A_107 : memref<1x1x128xf32, #tpu.memory_space<hbm>> -> memref<128xf32, #tpu.memory_space<hbm>>
      tpu.enqueue_dma source(%dma_start3A_108 : memref<128xf32, #tpu.memory_space<hbm>>) target(%dma_start3A_105 : memref<128xf32, #tpu.memory_space<vmem>>) target_semaphore(%arg18 : memref<!tpu.dma_semaphore, #tpu.memory_space<semaphore_mem>>)
      %dma_wait3A = arith.constant 0 : i32
      %dma_wait3A_109 = arith.constant 0 : i32
      %dma_wait3A_110 = arith.constant 0 : i32
      %dma_wait3A_111 = tpu.memref_slice %arg12[%dma_wait3A_109, %dma_wait3A_110] : memref<3x128xi32, #tpu.memory_space<vmem>> -> memref<1x128xi32, #tpu.memory_space<vmem>>
      %dma_wait3A_112 = tpu.memref_squeeze %dma_wait3A_111 : memref<1x128xi32, #tpu.memory_space<vmem>> -> memref<128xi32, #tpu.memory_space<vmem>>
      %dma_wait3A_113 = arith.constant 0 : i32
      %dma_wait3A_114 = tpu.memref_slice %arg4[%arg1, %dma_wait3A, %dma_wait3A_113] : memref<16x80x128xi32, #tpu.memory_space<hbm>> -> memref<1x1x128xi32, #tpu.memory_space<hbm>>
      %dma_wait3A_115 = tpu.memref_squeeze %dma_wait3A_114 : memref<1x1x128xi32, #tpu.memory_space<hbm>> -> memref<128xi32, #tpu.memory_space<hbm>>
      %dma_wait3A_116 = arith.constant 0 : i32
      %dma_wait3A_117 = tpu.memref_slice %arg12[%dma_wait3A_109, %dma_wait3A_116] : memref<3x128xi32, #tpu.memory_space<vmem>> -> memref<1x128xi32, #tpu.memory_space<vmem>>
      %dma_wait3A_118 = tpu.memref_squeeze %dma_wait3A_117 : memref<1x128xi32, #tpu.memory_space<vmem>> -> memref<128xi32, #tpu.memory_space<vmem>>
      %dma_wait3A_119 = arith.constant 0 : i32
      %dma_wait3A_120 = tpu.memref_slice %arg4[%arg1, %dma_wait3A, %dma_wait3A_119] : memref<16x80x128xi32, #tpu.memory_space<hbm>> -> memref<1x1x128xi32, #tpu.memory_space<hbm>>
      %dma_wait3A_121 = tpu.memref_squeeze %dma_wait3A_120 : memref<1x1x128xi32, #tpu.memory_space<hbm>> -> memref<128xi32, #tpu.memory_space<hbm>>
      tpu.wait_dma2 semaphore(%arg18 : memref<!tpu.dma_semaphore, #tpu.memory_space<semaphore_mem>>) src(%dma_wait3A_121 : memref<128xi32, #tpu.memory_space<hbm>>) dst(%dma_wait3A_118 : memref<128xi32, #tpu.memory_space<vmem>>)
      %dma_wait3A_122 = arith.constant 0 : i32
      %dma_wait3A_123 = arith.constant 0 : i32
      %dma_wait3A_124 = arith.constant 0 : i32
      %dma_wait3A_125 = tpu.memref_slice %arg13[%dma_wait3A_123, %dma_wait3A_124] : memref<3x128xi32, #tpu.memory_space<vmem>> -> memref<1x128xi32, #tpu.memory_space<vmem>>
      %dma_wait3A_126 = tpu.memref_squeeze %dma_wait3A_125 : memref<1x128xi32, #tpu.memory_space<vmem>> -> memref<128xi32, #tpu.memory_space<vmem>>
      %dma_wait3A_127 = arith.constant 0 : i32
      %dma_wait3A_128 = tpu.memref_slice %arg5[%arg1, %dma_wait3A_122, %dma_wait3A_127] : memref<16x80x128xi32, #tpu.memory_space<hbm>> -> memref<1x1x128xi32, #tpu.memory_space<hbm>>
      %dma_wait3A_129 = tpu.memref_squeeze %dma_wait3A_128 : memref<1x1x128xi32, #tpu.memory_space<hbm>> -> memref<128xi32, #tpu.memory_space<hbm>>
      %dma_wait3A_130 = arith.constant 0 : i32
      %dma_wait3A_131 = tpu.memref_slice %arg13[%dma_wait3A_123, %dma_wait3A_130] : memref<3x128xi32, #tpu.memory_space<vmem>> -> memref<1x128xi32, #tpu.memory_space<vmem>>
      %dma_wait3A_132 = tpu.memref_squeeze %dma_wait3A_131 : memref<1x128xi32, #tpu.memory_space<vmem>> -> memref<128xi32, #tpu.memory_space<vmem>>
      %dma_wait3A_133 = arith.constant 0 : i32
      %dma_wait3A_134 = tpu.memref_slice %arg5[%arg1, %dma_wait3A_122, %dma_wait3A_133] : memref<16x80x128xi32, #tpu.memory_space<hbm>> -> memref<1x1x128xi32, #tpu.memory_space<hbm>>
      %dma_wait3A_135 = tpu.memref_squeeze %dma_wait3A_134 : memref<1x1x128xi32, #tpu.memory_space<hbm>> -> memref<128xi32, #tpu.memory_space<hbm>>
      tpu.wait_dma2 semaphore(%arg18 : memref<!tpu.dma_semaphore, #tpu.memory_space<semaphore_mem>>) src(%dma_wait3A_135 : memref<128xi32, #tpu.memory_space<hbm>>) dst(%dma_wait3A_132 : memref<128xi32, #tpu.memory_space<vmem>>)
      %dma_wait3A_136 = arith.constant 0 : i32
      %dma_wait3A_137 = arith.constant 0 : i32
      %dma_wait3A_138 = arith.constant 0 : i32
      %dma_wait3A_139 = tpu.memref_slice %arg14[%dma_wait3A_137, %dma_wait3A_138] : memref<3x128xf32, #tpu.memory_space<vmem>> -> memref<1x128xf32, #tpu.memory_space<vmem>>
      %dma_wait3A_140 = tpu.memref_squeeze %dma_wait3A_139 : memref<1x128xf32, #tpu.memory_space<vmem>> -> memref<128xf32, #tpu.memory_space<vmem>>
      %dma_wait3A_141 = arith.constant 0 : i32
      %dma_wait3A_142 = tpu.memref_slice %arg6[%arg1, %dma_wait3A_136, %dma_wait3A_141] : memref<16x80x128xf32, #tpu.memory_space<hbm>> -> memref<1x1x128xf32, #tpu.memory_space<hbm>>
      %dma_wait3A_143 = tpu.memref_squeeze %dma_wait3A_142 : memref<1x1x128xf32, #tpu.memory_space<hbm>> -> memref<128xf32, #tpu.memory_space<hbm>>
      %dma_wait3A_144 = arith.constant 0 : i32
      %dma_wait3A_145 = tpu.memref_slice %arg14[%dma_wait3A_137, %dma_wait3A_144] : memref<3x128xf32, #tpu.memory_space<vmem>> -> memref<1x128xf32, #tpu.memory_space<vmem>>
      %dma_wait3A_146 = tpu.memref_squeeze %dma_wait3A_145 : memref<1x128xf32, #tpu.memory_space<vmem>> -> memref<128xf32, #tpu.memory_space<vmem>>
      %dma_wait3A_147 = arith.constant 0 : i32
      %dma_wait3A_148 = tpu.memref_slice %arg6[%arg1, %dma_wait3A_136, %dma_wait3A_147] : memref<16x80x128xf32, #tpu.memory_space<hbm>> -> memref<1x1x128xf32, #tpu.memory_space<hbm>>
      %dma_wait3A_149 = tpu.memref_squeeze %dma_wait3A_148 : memref<1x1x128xf32, #tpu.memory_space<hbm>> -> memref<128xf32, #tpu.memory_space<hbm>>
      tpu.wait_dma2 semaphore(%arg18 : memref<!tpu.dma_semaphore, #tpu.memory_space<semaphore_mem>>) src(%dma_wait3A_149 : memref<128xf32, #tpu.memory_space<hbm>>) dst(%dma_wait3A_146 : memref<128xf32, #tpu.memory_space<vmem>>)
      %dma_start3A_150 = arith.constant 0 : i32
      %dma_start3A_151 = arith.constant 0 : i32
      %dma_start3A_152 = arith.constant 0 : i32
      %dma_start3A_153 = arith.constant 0 : i32
      %dma_start3A_154 = tpu.memref_slice %arg10[%dma_start3A_151, %dma_start3A_152, %dma_start3A_153] : memref<2x128x64xi32, #tpu.memory_space<vmem>> -> memref<1x128x64xi32, #tpu.memory_space<vmem>>
      %dma_start3A_155 = tpu.memref_squeeze %dma_start3A_154 : memref<1x128x64xi32, #tpu.memory_space<vmem>> -> memref<128x64xi32, #tpu.memory_space<vmem>>
      %dma_start3A_156 = arith.constant 0 : i32
      %dma_start3A_157 = tpu.memref_slice %arg12[%dma_start3A_150, %dma_start3A_156] : memref<3x128xi32, #tpu.memory_space<vmem>> -> memref<1x128xi32, #tpu.memory_space<vmem>>
      %dma_start3A_158 = tpu.memref_squeeze %dma_start3A_157 : memref<1x128xi32, #tpu.memory_space<vmem>> -> memref<128xi32, #tpu.memory_space<vmem>>
      %dma_start3A_159 = arith.constant 0 : i32
      %dma_start3A_160 = arith.constant 0 : i32
      %dma_start3A_161 = tpu.memref_slice %arg2[%dma_start3A_159, %dma_start3A_160] : memref<10000x64xi32, #tpu.memory_space<hbm>> -> memref<10000x64xi32, #tpu.memory_space<hbm>>
      tpu.enqueue_indirect_dma source(%dma_start3A_161 : memref<10000x64xi32, #tpu.memory_space<hbm>>) target(%dma_start3A_155 : memref<128x64xi32, #tpu.memory_space<vmem>>) offsets(%dma_start3A_158 : memref<128xi32, #tpu.memory_space<vmem>>) semaphore(%arg16 : memref<!tpu.dma_semaphore, #tpu.memory_space<semaphore_mem>>)
      %scan3A = arith.constant 0 : i32
      %scan3A_162 = arith.constant 0 : i32
      %scan3A_163 = arith.constant 80 : i32
      %scan3A_164 = arith.addi %scan3A_162, %scan3A_163 : i32
      %scan3A_165 = arith.constant 1 : i32
      %scan3A_166 = scf.for %scan3A_198 = %scan3A_162 to %scan3A_164 step %scan3A_165 iter_args(%scan3A_199 = %scan3A) -> (i32)  : i32 {
        %rem3A_200 = arith.constant 2 : i32
        %rem3A_201 = arith.remsi %scan3A_198, %rem3A_200 : i32
        %add3A = arith.constant 1 : i32
        %add3A_202 = arith.addi %scan3A_198, %add3A : i32
        %rem3A_203 = arith.constant 2 : i32
        %rem3A_204 = arith.remsi %add3A_202, %rem3A_203 : i32
        %rem3A_205 = arith.constant 3 : i32
        %rem3A_206 = arith.remsi %scan3A_198, %rem3A_205 : i32
        %add3A_207 = arith.constant 1 : i32
        %add3A_208 = arith.addi %scan3A_198, %add3A_207 : i32
        %lt3A_209 = arith.constant 80 : i32
        %lt3A_210 = arith.cmpi slt, %add3A_208, %lt3A_209 : i32
        %convert_element_type3A_211 = arith.extui %lt3A_210 : i1 to i32
        %cond3A_212 = arith.constant 0 : i32
        %cond3A_213 = arith.cmpi ne, %convert_element_type3A_211, %cond3A_212 : i32
        scf.if %cond3A_213 {
          %dma_wait3A_305 = arith.constant 0 : i32
          %dma_wait3A_306 = arith.constant 0 : i32
          %dma_wait3A_307 = arith.constant 0 : i32
          %dma_wait3A_308 = tpu.memref_slice %arg12[%dma_wait3A_306, %dma_wait3A_307] : memref<3x128xi32, #tpu.memory_space<vmem>> -> memref<1x128xi32, #tpu.memory_space<vmem>>
          %dma_wait3A_309 = tpu.memref_squeeze %dma_wait3A_308 : memref<1x128xi32, #tpu.memory_space<vmem>> -> memref<128xi32, #tpu.memory_space<vmem>>
          %dma_wait3A_310 = arith.constant 0 : i32
          %dma_wait3A_311 = tpu.memref_slice %arg4[%arg1, %dma_wait3A_305, %dma_wait3A_310] : memref<16x80x128xi32, #tpu.memory_space<hbm>> -> memref<1x1x128xi32, #tpu.memory_space<hbm>>
          %dma_wait3A_312 = tpu.memref_squeeze %dma_wait3A_311 : memref<1x1x128xi32, #tpu.memory_space<hbm>> -> memref<128xi32, #tpu.memory_space<hbm>>
          %dma_wait3A_313 = arith.constant 0 : i32
          %dma_wait3A_314 = tpu.memref_slice %arg12[%dma_wait3A_306, %dma_wait3A_313] : memref<3x128xi32, #tpu.memory_space<vmem>> -> memref<1x128xi32, #tpu.memory_space<vmem>>
          %dma_wait3A_315 = tpu.memref_squeeze %dma_wait3A_314 : memref<1x128xi32, #tpu.memory_space<vmem>> -> memref<128xi32, #tpu.memory_space<vmem>>
          %dma_wait3A_316 = arith.constant 0 : i32
          %dma_wait3A_317 = tpu.memref_slice %arg4[%arg1, %dma_wait3A_305, %dma_wait3A_316] : memref<16x80x128xi32, #tpu.memory_space<hbm>> -> memref<1x1x128xi32, #tpu.memory_space<hbm>>
          %dma_wait3A_318 = tpu.memref_squeeze %dma_wait3A_317 : memref<1x1x128xi32, #tpu.memory_space<hbm>> -> memref<128xi32, #tpu.memory_space<hbm>>
          tpu.wait_dma2 semaphore(%arg18 : memref<!tpu.dma_semaphore, #tpu.memory_space<semaphore_mem>>) src(%dma_wait3A_318 : memref<128xi32, #tpu.memory_space<hbm>>) dst(%dma_wait3A_315 : memref<128xi32, #tpu.memory_space<vmem>>)
          %dma_wait3A_319 = arith.constant 0 : i32
          %dma_wait3A_320 = arith.constant 0 : i32
          %dma_wait3A_321 = arith.constant 0 : i32
          %dma_wait3A_322 = tpu.memref_slice %arg13[%dma_wait3A_320, %dma_wait3A_321] : memref<3x128xi32, #tpu.memory_space<vmem>> -> memref<1x128xi32, #tpu.memory_space<vmem>>
          %dma_wait3A_323 = tpu.memref_squeeze %dma_wait3A_322 : memref<1x128xi32, #tpu.memory_space<vmem>> -> memref<128xi32, #tpu.memory_space<vmem>>
          %dma_wait3A_324 = arith.constant 0 : i32
          %dma_wait3A_325 = tpu.memref_slice %arg5[%arg1, %dma_wait3A_319, %dma_wait3A_324] : memref<16x80x128xi32, #tpu.memory_space<hbm>> -> memref<1x1x128xi32, #tpu.memory_space<hbm>>
          %dma_wait3A_326 = tpu.memref_squeeze %dma_wait3A_325 : memref<1x1x128xi32, #tpu.memory_space<hbm>> -> memref<128xi32, #tpu.memory_space<hbm>>
          %dma_wait3A_327 = arith.constant 0 : i32
          %dma_wait3A_328 = tpu.memref_slice %arg13[%dma_wait3A_320, %dma_wait3A_327] : memref<3x128xi32, #tpu.memory_space<vmem>> -> memref<1x128xi32, #tpu.memory_space<vmem>>
          %dma_wait3A_329 = tpu.memref_squeeze %dma_wait3A_328 : memref<1x128xi32, #tpu.memory_space<vmem>> -> memref<128xi32, #tpu.memory_space<vmem>>
          %dma_wait3A_330 = arith.constant 0 : i32
          %dma_wait3A_331 = tpu.memref_slice %arg5[%arg1, %dma_wait3A_319, %dma_wait3A_330] : memref<16x80x128xi32, #tpu.memory_space<hbm>> -> memref<1x1x128xi32, #tpu.memory_space<hbm>>
          %dma_wait3A_332 = tpu.memref_squeeze %dma_wait3A_331 : memref<1x1x128xi32, #tpu.memory_space<hbm>> -> memref<128xi32, #tpu.memory_space<hbm>>
          tpu.wait_dma2 semaphore(%arg18 : memref<!tpu.dma_semaphore, #tpu.memory_space<semaphore_mem>>) src(%dma_wait3A_332 : memref<128xi32, #tpu.memory_space<hbm>>) dst(%dma_wait3A_329 : memref<128xi32, #tpu.memory_space<vmem>>)
          %dma_wait3A_333 = arith.constant 0 : i32
          %dma_wait3A_334 = arith.constant 0 : i32
          %dma_wait3A_335 = arith.constant 0 : i32
          %dma_wait3A_336 = tpu.memref_slice %arg14[%dma_wait3A_334, %dma_wait3A_335] : memref<3x128xf32, #tpu.memory_space<vmem>> -> memref<1x128xf32, #tpu.memory_space<vmem>>
          %dma_wait3A_337 = tpu.memref_squeeze %dma_wait3A_336 : memref<1x128xf32, #tpu.memory_space<vmem>> -> memref<128xf32, #tpu.memory_space<vmem>>
          %dma_wait3A_338 = arith.constant 0 : i32
          %dma_wait3A_339 = tpu.memref_slice %arg6[%arg1, %dma_wait3A_333, %dma_wait3A_338] : memref<16x80x128xf32, #tpu.memory_space<hbm>> -> memref<1x1x128xf32, #tpu.memory_space<hbm>>
          %dma_wait3A_340 = tpu.memref_squeeze %dma_wait3A_339 : memref<1x1x128xf32, #tpu.memory_space<hbm>> -> memref<128xf32, #tpu.memory_space<hbm>>
          %dma_wait3A_341 = arith.constant 0 : i32
          %dma_wait3A_342 = tpu.memref_slice %arg14[%dma_wait3A_334, %dma_wait3A_341] : memref<3x128xf32, #tpu.memory_space<vmem>> -> memref<1x128xf32, #tpu.memory_space<vmem>>
          %dma_wait3A_343 = tpu.memref_squeeze %dma_wait3A_342 : memref<1x128xf32, #tpu.memory_space<vmem>> -> memref<128xf32, #tpu.memory_space<vmem>>
          %dma_wait3A_344 = arith.constant 0 : i32
          %dma_wait3A_345 = tpu.memref_slice %arg6[%arg1, %dma_wait3A_333, %dma_wait3A_344] : memref<16x80x128xf32, #tpu.memory_space<hbm>> -> memref<1x1x128xf32, #tpu.memory_space<hbm>>
          %dma_wait3A_346 = tpu.memref_squeeze %dma_wait3A_345 : memref<1x1x128xf32, #tpu.memory_space<hbm>> -> memref<128xf32, #tpu.memory_space<hbm>>
          tpu.wait_dma2 semaphore(%arg18 : memref<!tpu.dma_semaphore, #tpu.memory_space<semaphore_mem>>) src(%dma_wait3A_346 : memref<128xf32, #tpu.memory_space<hbm>>) dst(%dma_wait3A_343 : memref<128xf32, #tpu.memory_space<vmem>>)
        } else {
        }
        %add3A_214 = arith.constant 2 : i32
        %add3A_215 = arith.addi %scan3A_198, %add3A_214 : i32
        %lt3A_216 = arith.constant 80 : i32
        %lt3A_217 = arith.cmpi slt, %add3A_215, %lt3A_216 : i32
        %convert_element_type3A_218 = arith.extui %lt3A_217 : i1 to i32
        %cond3A_219 = arith.constant 0 : i32
        %cond3A_220 = arith.cmpi ne, %convert_element_type3A_218, %cond3A_219 : i32
        scf.if %cond3A_220 {
          %add3A_305 = arith.constant 2 : i32
          %add3A_306 = arith.addi %scan3A_198, %add3A_305 : i32
          %rem3A_307 = arith.constant 3 : i32
          %rem3A_308 = arith.remsi %add3A_306, %rem3A_307 : i32
          %dma_start3A_309 = arith.constant 0 : i32
          %dma_start3A_310 = tpu.memref_slice %arg12[%rem3A_308, %dma_start3A_309] : memref<3x128xi32, #tpu.memory_space<vmem>> -> memref<1x128xi32, #tpu.memory_space<vmem>>
          %dma_start3A_311 = tpu.memref_squeeze %dma_start3A_310 : memref<1x128xi32, #tpu.memory_space<vmem>> -> memref<128xi32, #tpu.memory_space<vmem>>
          %dma_start3A_312 = arith.constant 0 : i32
          %dma_start3A_313 = tpu.memref_slice %arg4[%arg1, %add3A_306, %dma_start3A_312] : memref<16x80x128xi32, #tpu.memory_space<hbm>> -> memref<1x1x128xi32, #tpu.memory_space<hbm>>
          %dma_start3A_314 = tpu.memref_squeeze %dma_start3A_313 : memref<1x1x128xi32, #tpu.memory_space<hbm>> -> memref<128xi32, #tpu.memory_space<hbm>>
          %dma_start3A_315 = arith.constant 0 : i32
          %dma_start3A_316 = tpu.memref_slice %arg12[%rem3A_308, %dma_start3A_315] : memref<3x128xi32, #tpu.memory_space<vmem>> -> memref<1x128xi32, #tpu.memory_space<vmem>>
          %dma_start3A_317 = tpu.memref_squeeze %dma_start3A_316 : memref<1x128xi32, #tpu.memory_space<vmem>> -> memref<128xi32, #tpu.memory_space<vmem>>
          %dma_start3A_318 = arith.constant 0 : i32
          %dma_start3A_319 = tpu.memref_slice %arg4[%arg1, %add3A_306, %dma_start3A_318] : memref<16x80x128xi32, #tpu.memory_space<hbm>> -> memref<1x1x128xi32, #tpu.memory_space<hbm>>
          %dma_start3A_320 = tpu.memref_squeeze %dma_start3A_319 : memref<1x1x128xi32, #tpu.memory_space<hbm>> -> memref<128xi32, #tpu.memory_space<hbm>>
          tpu.enqueue_dma source(%dma_start3A_320 : memref<128xi32, #tpu.memory_space<hbm>>) target(%dma_start3A_317 : memref<128xi32, #tpu.memory_space<vmem>>) target_semaphore(%arg18 : memref<!tpu.dma_semaphore, #tpu.memory_space<semaphore_mem>>)
          %dma_start3A_321 = arith.constant 0 : i32
          %dma_start3A_322 = tpu.memref_slice %arg13[%rem3A_308, %dma_start3A_321] : memref<3x128xi32, #tpu.memory_space<vmem>> -> memref<1x128xi32, #tpu.memory_space<vmem>>
          %dma_start3A_323 = tpu.memref_squeeze %dma_start3A_322 : memref<1x128xi32, #tpu.memory_space<vmem>> -> memref<128xi32, #tpu.memory_space<vmem>>
          %dma_start3A_324 = arith.constant 0 : i32
          %dma_start3A_325 = tpu.memref_slice %arg5[%arg1, %add3A_306, %dma_start3A_324] : memref<16x80x128xi32, #tpu.memory_space<hbm>> -> memref<1x1x128xi32, #tpu.memory_space<hbm>>
          %dma_start3A_326 = tpu.memref_squeeze %dma_start3A_325 : memref<1x1x128xi32, #tpu.memory_space<hbm>> -> memref<128xi32, #tpu.memory_space<hbm>>
          %dma_start3A_327 = arith.constant 0 : i32
          %dma_start3A_328 = tpu.memref_slice %arg13[%rem3A_308, %dma_start3A_327] : memref<3x128xi32, #tpu.memory_space<vmem>> -> memref<1x128xi32, #tpu.memory_space<vmem>>
          %dma_start3A_329 = tpu.memref_squeeze %dma_start3A_328 : memref<1x128xi32, #tpu.memory_space<vmem>> -> memref<128xi32, #tpu.memory_space<vmem>>
          %dma_start3A_330 = arith.constant 0 : i32
          %dma_start3A_331 = tpu.memref_slice %arg5[%arg1, %add3A_306, %dma_start3A_330] : memref<16x80x128xi32, #tpu.memory_space<hbm>> -> memref<1x1x128xi32, #tpu.memory_space<hbm>>
          %dma_start3A_332 = tpu.memref_squeeze %dma_start3A_331 : memref<1x1x128xi32, #tpu.memory_space<hbm>> -> memref<128xi32, #tpu.memory_space<hbm>>
          tpu.enqueue_dma source(%dma_start3A_332 : memref<128xi32, #tpu.memory_space<hbm>>) target(%dma_start3A_329 : memref<128xi32, #tpu.memory_space<vmem>>) target_semaphore(%arg18 : memref<!tpu.dma_semaphore, #tpu.memory_space<semaphore_mem>>)
          %dma_start3A_333 = arith.constant 0 : i32
          %dma_start3A_334 = tpu.memref_slice %arg14[%rem3A_308, %dma_start3A_333] : memref<3x128xf32, #tpu.memory_space<vmem>> -> memref<1x128xf32, #tpu.memory_space<vmem>>
          %dma_start3A_335 = tpu.memref_squeeze %dma_start3A_334 : memref<1x128xf32, #tpu.memory_space<vmem>> -> memref<128xf32, #tpu.memory_space<vmem>>
          %dma_start3A_336 = arith.constant 0 : i32
          %dma_start3A_337 = tpu.memref_slice %arg6[%arg1, %add3A_306, %dma_start3A_336] : memref<16x80x128xf32, #tpu.memory_space<hbm>> -> memref<1x1x128xf32, #tpu.memory_space<hbm>>
          %dma_start3A_338 = tpu.memref_squeeze %dma_start3A_337 : memref<1x1x128xf32, #tpu.memory_space<hbm>> -> memref<128xf32, #tpu.memory_space<hbm>>
          %dma_start3A_339 = arith.constant 0 : i32
          %dma_start3A_340 = tpu.memref_slice %arg14[%rem3A_308, %dma_start3A_339] : memref<3x128xf32, #tpu.memory_space<vmem>> -> memref<1x128xf32, #tpu.memory_space<vmem>>
          %dma_start3A_341 = tpu.memref_squeeze %dma_start3A_340 : memref<1x128xf32, #tpu.memory_space<vmem>> -> memref<128xf32, #tpu.memory_space<vmem>>
          %dma_start3A_342 = arith.constant 0 : i32
          %dma_start3A_343 = tpu.memref_slice %arg6[%arg1, %add3A_306, %dma_start3A_342] : memref<16x80x128xf32, #tpu.memory_space<hbm>> -> memref<1x1x128xf32, #tpu.memory_space<hbm>>
          %dma_start3A_344 = tpu.memref_squeeze %dma_start3A_343 : memref<1x1x128xf32, #tpu.memory_space<hbm>> -> memref<128xf32, #tpu.memory_space<hbm>>
          tpu.enqueue_dma source(%dma_start3A_344 : memref<128xf32, #tpu.memory_space<hbm>>) target(%dma_start3A_341 : memref<128xf32, #tpu.memory_space<vmem>>) target_semaphore(%arg18 : memref<!tpu.dma_semaphore, #tpu.memory_space<semaphore_mem>>)
        } else {
        }
        %add3A_221 = arith.constant 1 : i32
        %add3A_222 = arith.addi %scan3A_198, %add3A_221 : i32
        %lt3A_223 = arith.constant 80 : i32
        %lt3A_224 = arith.cmpi slt, %add3A_222, %lt3A_223 : i32
        %convert_element_type3A_225 = arith.extui %lt3A_224 : i1 to i32
        %cond3A_226 = arith.constant 0 : i32
        %cond3A_227 = arith.cmpi ne, %convert_element_type3A_225, %cond3A_226 : i32
        scf.if %cond3A_227 {
          %add3A_305 = arith.constant 1 : i32
          %add3A_306 = arith.addi %scan3A_198, %add3A_305 : i32
          %rem3A_307 = arith.constant 3 : i32
          %rem3A_308 = arith.remsi %add3A_306, %rem3A_307 : i32
          %dma_start3A_309 = arith.constant 0 : i32
          %dma_start3A_310 = arith.constant 0 : i32
          %dma_start3A_311 = tpu.memref_slice %arg10[%rem3A_204, %dma_start3A_309, %dma_start3A_310] : memref<2x128x64xi32, #tpu.memory_space<vmem>> -> memref<1x128x64xi32, #tpu.memory_space<vmem>>
          %dma_start3A_312 = tpu.memref_squeeze %dma_start3A_311 : memref<1x128x64xi32, #tpu.memory_space<vmem>> -> memref<128x64xi32, #tpu.memory_space<vmem>>
          %dma_start3A_313 = arith.constant 0 : i32
          %dma_start3A_314 = tpu.memref_slice %arg12[%rem3A_308, %dma_start3A_313] : memref<3x128xi32, #tpu.memory_space<vmem>> -> memref<1x128xi32, #tpu.memory_space<vmem>>
          %dma_start3A_315 = tpu.memref_squeeze %dma_start3A_314 : memref<1x128xi32, #tpu.memory_space<vmem>> -> memref<128xi32, #tpu.memory_space<vmem>>
          %dma_start3A_316 = arith.constant 0 : i32
          %dma_start3A_317 = arith.constant 0 : i32
          %dma_start3A_318 = tpu.memref_slice %arg2[%dma_start3A_316, %dma_start3A_317] : memref<10000x64xi32, #tpu.memory_space<hbm>> -> memref<10000x64xi32, #tpu.memory_space<hbm>>
          tpu.enqueue_indirect_dma source(%dma_start3A_318 : memref<10000x64xi32, #tpu.memory_space<hbm>>) target(%dma_start3A_312 : memref<128x64xi32, #tpu.memory_space<vmem>>) offsets(%dma_start3A_315 : memref<128xi32, #tpu.memory_space<vmem>>) semaphore(%arg16 : memref<!tpu.dma_semaphore, #tpu.memory_space<semaphore_mem>>)
        } else {
        }
        %dma_wait3A_228 = arith.constant 0 : i32
        %dma_wait3A_229 = arith.constant 0 : i32
        %dma_wait3A_230 = arith.constant 0 : i32
        %dma_wait3A_231 = tpu.memref_slice %arg10[%dma_wait3A_228, %dma_wait3A_229, %dma_wait3A_230] : memref<2x128x64xi32, #tpu.memory_space<vmem>> -> memref<1x128x64xi32, #tpu.memory_space<vmem>>
        %dma_wait3A_232 = tpu.memref_squeeze %dma_wait3A_231 : memref<1x128x64xi32, #tpu.memory_space<vmem>> -> memref<128x64xi32, #tpu.memory_space<vmem>>
        %dma_wait3A_233 = arith.constant 0 : i32
        %dma_wait3A_234 = arith.constant 0 : i32
        %dma_wait3A_235 = tpu.memref_slice %arg2[%dma_wait3A_233, %dma_wait3A_234] : memref<10000x64xi32, #tpu.memory_space<hbm>> -> memref<128x64xi32, #tpu.memory_space<hbm>>
        %dma_wait3A_236 = arith.constant 0 : i32
        %dma_wait3A_237 = arith.constant 0 : i32
        %dma_wait3A_238 = tpu.memref_slice %arg10[%dma_wait3A_228, %dma_wait3A_236, %dma_wait3A_237] : memref<2x128x64xi32, #tpu.memory_space<vmem>> -> memref<1x128x64xi32, #tpu.memory_space<vmem>>
        %dma_wait3A_239 = tpu.memref_squeeze %dma_wait3A_238 : memref<1x128x64xi32, #tpu.memory_space<vmem>> -> memref<128x64xi32, #tpu.memory_space<vmem>>
        %dma_wait3A_240 = arith.constant 0 : i32
        %dma_wait3A_241 = arith.constant 0 : i32
        %dma_wait3A_242 = tpu.memref_slice %arg2[%dma_wait3A_240, %dma_wait3A_241] : memref<10000x64xi32, #tpu.memory_space<hbm>> -> memref<128x64xi32, #tpu.memory_space<hbm>>
        tpu.wait_dma2 semaphore(%arg16 : memref<!tpu.dma_semaphore, #tpu.memory_space<semaphore_mem>>) src(%dma_wait3A_242 : memref<128x64xi32, #tpu.memory_space<hbm>>) dst(%dma_wait3A_239 : memref<128x64xi32, #tpu.memory_space<vmem>>)
        %ge3A = arith.constant 2 : i32
        %ge3A_243 = arith.cmpi sge, %scan3A_198, %ge3A : i32
        %convert_element_type3A_244 = arith.extui %ge3A_243 : i1 to i32
        %cond3A_245 = arith.constant 0 : i32
        %cond3A_246 = arith.cmpi ne, %convert_element_type3A_244, %cond3A_245 : i32
        scf.if %cond3A_246 {
          %dma_wait3A_305 = arith.constant 0 : i32
          %dma_wait3A_306 = arith.constant 0 : i32
          %dma_wait3A_307 = arith.constant 0 : i32
          %dma_wait3A_308 = tpu.memref_slice %arg11[%dma_wait3A_305, %dma_wait3A_306, %dma_wait3A_307] : memref<2x128x128xf32, #tpu.memory_space<vmem>> -> memref<1x128x128xf32, #tpu.memory_space<vmem>>
          %dma_wait3A_309 = tpu.memref_squeeze %dma_wait3A_308 : memref<1x128x128xf32, #tpu.memory_space<vmem>> -> memref<128x128xf32, #tpu.memory_space<vmem>>
          %dma_wait3A_310 = arith.constant 0 : i32
          %dma_wait3A_311 = arith.constant 0 : i32
          %dma_wait3A_312 = tpu.memref_slice %arg7[%dma_wait3A_310, %dma_wait3A_311] : memref<10000x128xf32, #tpu.memory_space<hbm>> -> memref<128x128xf32, #tpu.memory_space<hbm>>
          %dma_wait3A_313 = arith.constant 0 : i32
          %dma_wait3A_314 = arith.constant 0 : i32
          %dma_wait3A_315 = tpu.memref_slice %arg11[%dma_wait3A_305, %dma_wait3A_313, %dma_wait3A_314] : memref<2x128x128xf32, #tpu.memory_space<vmem>> -> memref<1x128x128xf32, #tpu.memory_space<vmem>>
          %dma_wait3A_316 = tpu.memref_squeeze %dma_wait3A_315 : memref<1x128x128xf32, #tpu.memory_space<vmem>> -> memref<128x128xf32, #tpu.memory_space<vmem>>
          %dma_wait3A_317 = arith.constant 0 : i32
          %dma_wait3A_318 = arith.constant 0 : i32
          %dma_wait3A_319 = tpu.memref_slice %arg7[%dma_wait3A_317, %dma_wait3A_318] : memref<10000x128xf32, #tpu.memory_space<hbm>> -> memref<128x128xf32, #tpu.memory_space<hbm>>
          tpu.wait_dma2 semaphore(%arg17 : memref<!tpu.dma_semaphore, #tpu.memory_space<semaphore_mem>>) src(%dma_wait3A_319 : memref<128x128xf32, #tpu.memory_space<hbm>>) dst(%dma_wait3A_316 : memref<128x128xf32, #tpu.memory_space<vmem>>)
        } else {
        }
        %get3A = arith.index_cast %rem3A_206 : i32 to index
        %get3A_247 = arith.constant 0 : index
        %get3A_248 = tpu.vector_load %arg14[%get3A, %get3A_247] {strides = array<i32>} : memref<3x128xf32, #tpu.memory_space<vmem>>, vector<16xf32>,
        %swap3A = arith.constant 0 : index
        %swap3A_249 = tpu.vector_load %arg15[%swap3A] {strides = array<i32>} : memref<128xf32, #tpu.memory_space<vmem>>, vector<16xf32>,
        tpu.vector_store %arg15[%swap3A], %get3A_248 {strides = array<i32>} : memref<128xf32, #tpu.memory_space<vmem>>, vector<16xf32>,
        %get3A_250 = arith.index_cast %rem3A_206 : i32 to index
        %get3A_251 = arith.constant 16 : index
        %get3A_252 = tpu.vector_load %arg14[%get3A_250, %get3A_251] {strides = array<i32>} : memref<3x128xf32, #tpu.memory_space<vmem>>, vector<16xf32>,
        %swap3A_253 = arith.constant 16 : index
        %swap3A_254 = tpu.vector_load %arg15[%swap3A_253] {strides = array<i32>} : memref<128xf32, #tpu.memory_space<vmem>>, vector<16xf32>,
        tpu.vector_store %arg15[%swap3A_253], %get3A_252 {strides = array<i32>} : memref<128xf32, #tpu.memory_space<vmem>>, vector<16xf32>,
        %get3A_255 = arith.index_cast %rem3A_206 : i32 to index
        %get3A_256 = arith.constant 32 : index
        %get3A_257 = tpu.vector_load %arg14[%get3A_255, %get3A_256] {strides = array<i32>} : memref<3x128xf32, #tpu.memory_space<vmem>>, vector<16xf32>,
        %swap3A_258 = arith.constant 32 : index
        %swap3A_259 = tpu.vector_load %arg15[%swap3A_258] {strides = array<i32>} : memref<128xf32, #tpu.memory_space<vmem>>, vector<16xf32>,
        tpu.vector_store %arg15[%swap3A_258], %get3A_257 {strides = array<i32>} : memref<128xf32, #tpu.memory_space<vmem>>, vector<16xf32>,
        %get3A_260 = arith.index_cast %rem3A_206 : i32 to index
        %get3A_261 = arith.constant 48 : index
        %get3A_262 = tpu.vector_load %arg14[%get3A_260, %get3A_261] {strides = array<i32>} : memref<3x128xf32, #tpu.memory_space<vmem>>, vector<16xf32>,
        %swap3A_263 = arith.constant 48 : index
        %swap3A_264 = tpu.vector_load %arg15[%swap3A_263] {strides = array<i32>} : memref<128xf32, #tpu.memory_space<vmem>>, vector<16xf32>,
        tpu.vector_store %arg15[%swap3A_263], %get3A_262 {strides = array<i32>} : memref<128xf32, #tpu.memory_space<vmem>>, vector<16xf32>,
        %get3A_265 = arith.index_cast %rem3A_206 : i32 to index
        %get3A_266 = arith.constant 64 : index
        %get3A_267 = tpu.vector_load %arg14[%get3A_265, %get3A_266] {strides = array<i32>} : memref<3x128xf32, #tpu.memory_space<vmem>>, vector<16xf32>,
        %swap3A_268 = arith.constant 64 : index
        %swap3A_269 = tpu.vector_load %arg15[%swap3A_268] {strides = array<i32>} : memref<128xf32, #tpu.memory_space<vmem>>, vector<16xf32>,
        tpu.vector_store %arg15[%swap3A_268], %get3A_267 {strides = array<i32>} : memref<128xf32, #tpu.memory_space<vmem>>, vector<16xf32>,
        %get3A_270 = arith.index_cast %rem3A_206 : i32 to index
        %get3A_271 = arith.constant 80 : index
        %get3A_272 = tpu.vector_load %arg14[%get3A_270, %get3A_271] {strides = array<i32>} : memref<3x128xf32, #tpu.memory_space<vmem>>, vector<16xf32>,
        %swap3A_273 = arith.constant 80 : index
        %swap3A_274 = tpu.vector_load %arg15[%swap3A_273] {strides = array<i32>} : memref<128xf32, #tpu.memory_space<vmem>>, vector<16xf32>,
        tpu.vector_store %arg15[%swap3A_273], %get3A_272 {strides = array<i32>} : memref<128xf32, #tpu.memory_space<vmem>>, vector<16xf32>,
        %get3A_275 = arith.index_cast %rem3A_206 : i32 to index
        %get3A_276 = arith.constant 96 : index
        %get3A_277 = tpu.vector_load %arg14[%get3A_275, %get3A_276] {strides = array<i32>} : memref<3x128xf32, #tpu.memory_space<vmem>>, vector<16xf32>,
        %swap3A_278 = arith.constant 96 : index
        %swap3A_279 = tpu.vector_load %arg15[%swap3A_278] {strides = array<i32>} : memref<128xf32, #tpu.memory_space<vmem>>, vector<16xf32>,
        tpu.vector_store %arg15[%swap3A_278], %get3A_277 {strides = array<i32>} : memref<128xf32, #tpu.memory_space<vmem>>, vector<16xf32>,
        %get3A_280 = arith.index_cast %rem3A_206 : i32 to index
        %get3A_281 = arith.constant 112 : index
        %get3A_282 = tpu.vector_load %arg14[%get3A_280, %get3A_281] {strides = array<i32>} : memref<3x128xf32, #tpu.memory_space<vmem>>, vector<16xf32>,
        %swap3A_283 = arith.constant 112 : index
        %swap3A_284 = tpu.vector_load %arg15[%swap3A_283] {strides = array<i32>} : memref<128xf32, #tpu.memory_space<vmem>>, vector<16xf32>,
        tpu.vector_store %arg15[%swap3A_283], %get3A_282 {strides = array<i32>} : memref<128xf32, #tpu.memory_space<vmem>>, vector<16xf32>,
        %broadcast_in_dim3A = vector.broadcast %rem3A_201 : i32 to vector<16xi32>
        %iota3A = tpu.iota {dimensions = array<i32: 0>} : vector<16xi32>
        %mul3A = arith.constant 2 : i32
        %mul3A_285 = vector.broadcast %mul3A : i32 to vector<16xi32>
        %mul3A_286 = arith.muli %iota3A, %mul3A_285 : vector<16xi32>
        %scan3A_287 = arith.constant 0 : i32
        %scan3A_288 = arith.constant 0 : i32
        %scan3A_289 = arith.constant 128 : i32
        %scan3A_290 = arith.addi %scan3A_288, %scan3A_289 : i32
        %scan3A_291 = arith.constant 1 : i32
        %scan3A_292 = scf.for %scan3A_305 = %scan3A_288 to %scan3A_290 step %scan3A_291 iter_args(%scan3A_306 = %scan3A_287) -> (i32)  : i32 {
          %broadcast_in_dim3A_307 = vector.broadcast %scan3A_305 : i32 to vector<16xi32>
          %gather3A = tpu.vector_load_idx %arg15[%broadcast_in_dim3A_307] : memref<128xf32, #tpu.memory_space<vmem>>[vector<16xi32>], vector<16xf32>,
          %broadcast_in_dim3A_308 = vector.broadcast %scan3A_305 : i32 to vector<16xi32>
          %get3A_309 = arith.index_cast %rem3A_201 : i32 to index
          %get3A_310 = arith.index_cast %scan3A_305 : i32 to index
          %get3A_311 = arith.constant 0 : index
          %get3A_312 = tpu.vector_load %arg10[%get3A_309, %get3A_310, %get3A_311] {strides = array<i32>} : memref<2x128x64xi32, #tpu.memory_space<vmem>>, vector<16xi32>,
          %bitcast3A = vector.bitcast %get3A_312 : vector<16xi32> to vector<32xbf16>
          %unpack3A = tpu.unpack_subelements %bitcast3A, 0 {pack_format = #tpu.pack_format<interleaved>} : vector<32xbf16> -> vector<16xf32>
          %unpack3A_313 = tpu.unpack_subelements %bitcast3A, 1 {pack_format = #tpu.pack_format<interleaved>} : vector<32xbf16> -> vector<16xf32>
          %add3A_314 = arith.constant 0 : i32
          %add3A_315 = vector.broadcast %add3A_314 : i32 to vector<16xi32>
          %add3A_316 = arith.addi %mul3A_286, %add3A_315 : vector<16xi32>
          %mul3A_317 = arith.mulf %unpack3A, %gather3A : vector<16xf32>
          tpu.vector_store_idx %arg11[%broadcast_in_dim3A, %broadcast_in_dim3A_308, %add3A_316], %mul3A_317 : memref<2x128x128xf32, #tpu.memory_space<vmem>>[vector<16xi32>, vector<16xi32>, vector<16xi32>], vector<16xf32>,
          %add3A_318 = arith.constant 1 : i32
          %add3A_319 = vector.broadcast %add3A_318 : i32 to vector<16xi32>
          %add3A_320 = arith.addi %mul3A_286, %add3A_319 : vector<16xi32>
          %mul3A_321 = arith.mulf %unpack3A_313, %gather3A : vector<16xf32>
          tpu.vector_store_idx %arg11[%broadcast_in_dim3A, %broadcast_in_dim3A_308, %add3A_320], %mul3A_321 : memref<2x128x128xf32, #tpu.memory_space<vmem>>[vector<16xi32>, vector<16xi32>, vector<16xi32>], vector<16xf32>,
          %get3A_322 = arith.index_cast %rem3A_201 : i32 to index
          %get3A_323 = arith.index_cast %scan3A_305 : i32 to index
          %get3A_324 = arith.constant 16 : index
          %get3A_325 = tpu.vector_load %arg10[%get3A_322, %get3A_323, %get3A_324] {strides = array<i32>} : memref<2x128x64xi32, #tpu.memory_space<vmem>>, vector<16xi32>,
          %bitcast3A_326 = vector.bitcast %get3A_325 : vector<16xi32> to vector<32xbf16>
          %unpack3A_327 = tpu.unpack_subelements %bitcast3A_326, 0 {pack_format = #tpu.pack_format<interleaved>} : vector<32xbf16> -> vector<16xf32>
          %unpack3A_328 = tpu.unpack_subelements %bitcast3A_326, 1 {pack_format = #tpu.pack_format<interleaved>} : vector<32xbf16> -> vector<16xf32>
          %add3A_329 = arith.constant 32 : i32
          %add3A_330 = vector.broadcast %add3A_329 : i32 to vector<16xi32>
          %add3A_331 = arith.addi %mul3A_286, %add3A_330 : vector<16xi32>
          %mul3A_332 = arith.mulf %unpack3A_327, %gather3A : vector<16xf32>
          tpu.vector_store_idx %arg11[%broadcast_in_dim3A, %broadcast_in_dim3A_308, %add3A_331], %mul3A_332 : memref<2x128x128xf32, #tpu.memory_space<vmem>>[vector<16xi32>, vector<16xi32>, vector<16xi32>], vector<16xf32>,
          %add3A_333 = arith.constant 33 : i32
          %add3A_334 = vector.broadcast %add3A_333 : i32 to vector<16xi32>
          %add3A_335 = arith.addi %mul3A_286, %add3A_334 : vector<16xi32>
          %mul3A_336 = arith.mulf %unpack3A_328, %gather3A : vector<16xf32>
          tpu.vector_store_idx %arg11[%broadcast_in_dim3A, %broadcast_in_dim3A_308, %add3A_335], %mul3A_336 : memref<2x128x128xf32, #tpu.memory_space<vmem>>[vector<16xi32>, vector<16xi32>, vector<16xi32>], vector<16xf32>,
          %get3A_337 = arith.index_cast %rem3A_201 : i32 to index
          %get3A_338 = arith.index_cast %scan3A_305 : i32 to index
          %get3A_339 = arith.constant 32 : index
          %get3A_340 = tpu.vector_load %arg10[%get3A_337, %get3A_338, %get3A_339] {strides = array<i32>} : memref<2x128x64xi32, #tpu.memory_space<vmem>>, vector<16xi32>,
          %bitcast3A_341 = vector.bitcast %get3A_340 : vector<16xi32> to vector<32xbf16>
          %unpack3A_342 = tpu.unpack_subelements %bitcast3A_341, 0 {pack_format = #tpu.pack_format<interleaved>} : vector<32xbf16> -> vector<16xf32>
          %unpack3A_343 = tpu.unpack_subelements %bitcast3A_341, 1 {pack_format = #tpu.pack_format<interleaved>} : vector<32xbf16> -> vector<16xf32>
          %add3A_344 = arith.constant 64 : i32
          %add3A_345 = vector.broadcast %add3A_344 : i32 to vector<16xi32>
          %add3A_346 = arith.addi %mul3A_286, %add3A_345 : vector<16xi32>
          %mul3A_347 = arith.mulf %unpack3A_342, %gather3A : vector<16xf32>
          tpu.vector_store_idx %arg11[%broadcast_in_dim3A, %broadcast_in_dim3A_308, %add3A_346], %mul3A_347 : memref<2x128x128xf32, #tpu.memory_space<vmem>>[vector<16xi32>, vector<16xi32>, vector<16xi32>], vector<16xf32>,
          %add3A_348 = arith.constant 65 : i32
          %add3A_349 = vector.broadcast %add3A_348 : i32 to vector<16xi32>
          %add3A_350 = arith.addi %mul3A_286, %add3A_349 : vector<16xi32>
          %mul3A_351 = arith.mulf %unpack3A_343, %gather3A : vector<16xf32>
          tpu.vector_store_idx %arg11[%broadcast_in_dim3A, %broadcast_in_dim3A_308, %add3A_350], %mul3A_351 : memref<2x128x128xf32, #tpu.memory_space<vmem>>[vector<16xi32>, vector<16xi32>, vector<16xi32>], vector<16xf32>,
          %get3A_352 = arith.index_cast %rem3A_201 : i32 to index
          %get3A_353 = arith.index_cast %scan3A_305 : i32 to index
          %get3A_354 = arith.constant 48 : index
          %get3A_355 = tpu.vector_load %arg10[%get3A_352, %get3A_353, %get3A_354] {strides = array<i32>} : memref<2x128x64xi32, #tpu.memory_space<vmem>>, vector<16xi32>,
          %bitcast3A_356 = vector.bitcast %get3A_355 : vector<16xi32> to vector<32xbf16>
          %unpack3A_357 = tpu.unpack_subelements %bitcast3A_356, 0 {pack_format = #tpu.pack_format<interleaved>} : vector<32xbf16> -> vector<16xf32>
          %unpack3A_358 = tpu.unpack_subelements %bitcast3A_356, 1 {pack_format = #tpu.pack_format<interleaved>} : vector<32xbf16> -> vector<16xf32>
          %add3A_359 = arith.constant 96 : i32
          %add3A_360 = vector.broadcast %add3A_359 : i32 to vector<16xi32>
          %add3A_361 = arith.addi %mul3A_286, %add3A_360 : vector<16xi32>
          %mul3A_362 = arith.mulf %unpack3A_357, %gather3A : vector<16xf32>
          tpu.vector_store_idx %arg11[%broadcast_in_dim3A, %broadcast_in_dim3A_308, %add3A_361], %mul3A_362 : memref<2x128x128xf32, #tpu.memory_space<vmem>>[vector<16xi32>, vector<16xi32>, vector<16xi32>], vector<16xf32>,
          %add3A_363 = arith.constant 97 : i32
          %add3A_364 = vector.broadcast %add3A_363 : i32 to vector<16xi32>
          %add3A_365 = arith.addi %mul3A_286, %add3A_364 : vector<16xi32>
          %mul3A_366 = arith.mulf %unpack3A_358, %gather3A : vector<16xf32>
          tpu.vector_store_idx %arg11[%broadcast_in_dim3A, %broadcast_in_dim3A_308, %add3A_365], %mul3A_366 : memref<2x128x128xf32, #tpu.memory_space<vmem>>[vector<16xi32>, vector<16xi32>, vector<16xi32>], vector<16xf32>,
          %scan3A_367 = arith.constant 0 : i32
          scf.yield %scan3A_367 : i32
        }
        %scan3A_293 = arith.constant 128 : i32
        %dma_start3A_294 = arith.constant 0 : i32
        %dma_start3A_295 = arith.constant 0 : i32
        %dma_start3A_296 = tpu.memref_slice %arg11[%rem3A_201, %dma_start3A_294, %dma_start3A_295] : memref<2x128x128xf32, #tpu.memory_space<vmem>> -> memref<1x128x128xf32, #tpu.memory_space<vmem>>
        %dma_start3A_297 = tpu.memref_squeeze %dma_start3A_296 : memref<1x128x128xf32, #tpu.memory_space<vmem>> -> memref<128x128xf32, #tpu.memory_space<vmem>>
        %dma_start3A_298 = arith.constant 0 : i32
        %dma_start3A_299 = tpu.memref_slice %arg13[%rem3A_206, %dma_start3A_298] : memref<3x128xi32, #tpu.memory_space<vmem>> -> memref<1x128xi32, #tpu.memory_space<vmem>>
        %dma_start3A_300 = tpu.memref_squeeze %dma_start3A_299 : memref<1x128xi32, #tpu.memory_space<vmem>> -> memref<128xi32, #tpu.memory_space<vmem>>
        %dma_start3A_301 = arith.constant 0 : i32
        %dma_start3A_302 = arith.constant 0 : i32
        %dma_start3A_303 = tpu.memref_slice %arg19[%dma_start3A_301, %dma_start3A_302] : memref<10000x128xf32, #tpu.memory_space<vmem_shared>> -> memref<10000x128xf32, #tpu.memory_space<vmem_shared>>
        tpu.enqueue_indirect_dma source(%dma_start3A_297 : memref<128x128xf32, #tpu.memory_space<vmem>>) target(%dma_start3A_303 : memref<10000x128xf32, #tpu.memory_space<vmem_shared>>) offsets(%dma_start3A_300 : memref<128xi32, #tpu.memory_space<vmem>>) semaphore(%arg17 : memref<!tpu.dma_semaphore, #tpu.memory_space<semaphore_mem>>) {add = true}
        %scan3A_304 = arith.constant 0 : i32
        scf.yield %scan3A_304 : i32
      }
      %scan3A_167 = arith.constant 80 : i32
      %dma_wait3A_168 = arith.constant 0 : i32
      %dma_wait3A_169 = arith.constant 0 : i32
      %dma_wait3A_170 = arith.constant 0 : i32
      %dma_wait3A_171 = tpu.memref_slice %arg11[%dma_wait3A_168, %dma_wait3A_169, %dma_wait3A_170] : memref<2x128x128xf32, #tpu.memory_space<vmem>> -> memref<1x128x128xf32, #tpu.memory_space<vmem>>
      %dma_wait3A_172 = tpu.memref_squeeze %dma_wait3A_171 : memref<1x128x128xf32, #tpu.memory_space<vmem>> -> memref<128x128xf32, #tpu.memory_space<vmem>>
      %dma_wait3A_173 = arith.constant 0 : i32
      %dma_wait3A_174 = arith.constant 0 : i32
      %dma_wait3A_175 = tpu.memref_slice %arg7[%dma_wait3A_173, %dma_wait3A_174] : memref<10000x128xf32, #tpu.memory_space<hbm>> -> memref<128x128xf32, #tpu.memory_space<hbm>>
      %dma_wait3A_176 = arith.constant 0 : i32
      %dma_wait3A_177 = arith.constant 0 : i32
      %dma_wait3A_178 = tpu.memref_slice %arg11[%dma_wait3A_168, %dma_wait3A_176, %dma_wait3A_177] : memref<2x128x128xf32, #tpu.memory_space<vmem>> -> memref<1x128x128xf32, #tpu.memory_space<vmem>>
      %dma_wait3A_179 = tpu.memref_squeeze %dma_wait3A_178 : memref<1x128x128xf32, #tpu.memory_space<vmem>> -> memref<128x128xf32, #tpu.memory_space<vmem>>
      %dma_wait3A_180 = arith.constant 0 : i32
      %dma_wait3A_181 = arith.constant 0 : i32
      %dma_wait3A_182 = tpu.memref_slice %arg7[%dma_wait3A_180, %dma_wait3A_181] : memref<10000x128xf32, #tpu.memory_space<hbm>> -> memref<128x128xf32, #tpu.memory_space<hbm>>
      tpu.wait_dma2 semaphore(%arg17 : memref<!tpu.dma_semaphore, #tpu.memory_space<semaphore_mem>>) src(%dma_wait3A_182 : memref<128x128xf32, #tpu.memory_space<hbm>>) dst(%dma_wait3A_179 : memref<128x128xf32, #tpu.memory_space<vmem>>)
      %dma_wait3A_183 = arith.constant 0 : i32
      %dma_wait3A_184 = arith.constant 0 : i32
      %dma_wait3A_185 = arith.constant 0 : i32
      %dma_wait3A_186 = tpu.memref_slice %arg11[%dma_wait3A_183, %dma_wait3A_184, %dma_wait3A_185] : memref<2x128x128xf32, #tpu.memory_space<vmem>> -> memref<1x128x128xf32, #tpu.memory_space<vmem>>
      %dma_wait3A_187 = tpu.memref_squeeze %dma_wait3A_186 : memref<1x128x128xf32, #tpu.memory_space<vmem>> -> memref<128x128xf32, #tpu.memory_space<vmem>>
      %dma_wait3A_188 = arith.constant 0 : i32
      %dma_wait3A_189 = arith.constant 0 : i32
      %dma_wait3A_190 = tpu.memref_slice %arg7[%dma_wait3A_188, %dma_wait3A_189] : memref<10000x128xf32, #tpu.memory_space<hbm>> -> memref<128x128xf32, #tpu.memory_space<hbm>>
      %dma_wait3A_191 = arith.constant 0 : i32
      %dma_wait3A_192 = arith.constant 0 : i32
      %dma_wait3A_193 = tpu.memref_slice %arg11[%dma_wait3A_183, %dma_wait3A_191, %dma_wait3A_192] : memref<2x128x128xf32, #tpu.memory_space<vmem>> -> memref<1x128x128xf32, #tpu.memory_space<vmem>>
      %dma_wait3A_194 = tpu.memref_squeeze %dma_wait3A_193 : memref<1x128x128xf32, #tpu.memory_space<vmem>> -> memref<128x128xf32, #tpu.memory_space<vmem>>
      %dma_wait3A_195 = arith.constant 0 : i32
      %dma_wait3A_196 = arith.constant 0 : i32
      %dma_wait3A_197 = tpu.memref_slice %arg7[%dma_wait3A_195, %dma_wait3A_196] : memref<10000x128xf32, #tpu.memory_space<hbm>> -> memref<128x128xf32, #tpu.memory_space<hbm>>
      tpu.wait_dma2 semaphore(%arg17 : memref<!tpu.dma_semaphore, #tpu.memory_space<semaphore_mem>>) src(%dma_wait3A_197 : memref<128x128xf32, #tpu.memory_space<hbm>>) dst(%dma_wait3A_194 : memref<128x128xf32, #tpu.memory_space<vmem>>)
    } else {
    }
    %eq3A_11 = arith.constant 1 : i32
    %eq3A_12 = arith.cmpi eq, %arg0, %eq3A_11 : i32
    %convert_element_type3A_13 = arith.extui %eq3A_12 : i1 to i32
    %cond3A_14 = arith.constant 0 : i32
    %cond3A_15 = arith.cmpi ne, %convert_element_type3A_13, %cond3A_14 : i32
    scf.if %cond3A_15 {
      %rem3A = arith.constant 0 : i32
      %rem3A_27 = arith.constant 3 : i32
      %rem3A_28 = arith.remsi %rem3A, %rem3A_27 : i32
      %dma_start3A = arith.constant 0 : i32
      %dma_start3A_29 = arith.constant 0 : i32
      %dma_start3A_30 = tpu.memref_slice %arg12[%rem3A_28, %dma_start3A_29] : memref<3x128xi32, #tpu.memory_space<vmem>> -> memref<1x128xi32, #tpu.memory_space<vmem>>
      %dma_start3A_31 = tpu.memref_squeeze %dma_start3A_30 : memref<1x128xi32, #tpu.memory_space<vmem>> -> memref<128xi32, #tpu.memory_space<vmem>>
      %dma_start3A_32 = arith.constant 0 : i32
      %dma_start3A_33 = tpu.memref_slice %arg4[%arg1, %dma_start3A, %dma_start3A_32] : memref<16x80x128xi32, #tpu.memory_space<hbm>> -> memref<1x1x128xi32, #tpu.memory_space<hbm>>
      %dma_start3A_34 = tpu.memref_squeeze %dma_start3A_33 : memref<1x1x128xi32, #tpu.memory_space<hbm>> -> memref<128xi32, #tpu.memory_space<hbm>>
      %dma_start3A_35 = arith.constant 0 : i32
      %dma_start3A_36 = tpu.memref_slice %arg12[%rem3A_28, %dma_start3A_35] : memref<3x128xi32, #tpu.memory_space<vmem>> -> memref<1x128xi32, #tpu.memory_space<vmem>>
      %dma_start3A_37 = tpu.memref_squeeze %dma_start3A_36 : memref<1x128xi32, #tpu.memory_space<vmem>> -> memref<128xi32, #tpu.memory_space<vmem>>
      %dma_start3A_38 = arith.constant 0 : i32
      %dma_start3A_39 = tpu.memref_slice %arg4[%arg1, %dma_start3A, %dma_start3A_38] : memref<16x80x128xi32, #tpu.memory_space<hbm>> -> memref<1x1x128xi32, #tpu.memory_space<hbm>>
      %dma_start3A_40 = tpu.memref_squeeze %dma_start3A_39 : memref<1x1x128xi32, #tpu.memory_space<hbm>> -> memref<128xi32, #tpu.memory_space<hbm>>
      tpu.enqueue_dma source(%dma_start3A_40 : memref<128xi32, #tpu.memory_space<hbm>>) target(%dma_start3A_37 : memref<128xi32, #tpu.memory_space<vmem>>) target_semaphore(%arg18 : memref<!tpu.dma_semaphore, #tpu.memory_space<semaphore_mem>>)
      %dma_start3A_41 = arith.constant 0 : i32
      %dma_start3A_42 = arith.constant 0 : i32
      %dma_start3A_43 = tpu.memref_slice %arg13[%rem3A_28, %dma_start3A_42] : memref<3x128xi32, #tpu.memory_space<vmem>> -> memref<1x128xi32, #tpu.memory_space<vmem>>
      %dma_start3A_44 = tpu.memref_squeeze %dma_start3A_43 : memref<1x128xi32, #tpu.memory_space<vmem>> -> memref<128xi32, #tpu.memory_space<vmem>>
      %dma_start3A_45 = arith.constant 0 : i32
      %dma_start3A_46 = tpu.memref_slice %arg5[%arg1, %dma_start3A_41, %dma_start3A_45] : memref<16x80x128xi32, #tpu.memory_space<hbm>> -> memref<1x1x128xi32, #tpu.memory_space<hbm>>
      %dma_start3A_47 = tpu.memref_squeeze %dma_start3A_46 : memref<1x1x128xi32, #tpu.memory_space<hbm>> -> memref<128xi32, #tpu.memory_space<hbm>>
      %dma_start3A_48 = arith.constant 0 : i32
      %dma_start3A_49 = tpu.memref_slice %arg13[%rem3A_28, %dma_start3A_48] : memref<3x128xi32, #tpu.memory_space<vmem>> -> memref<1x128xi32, #tpu.memory_space<vmem>>
      %dma_start3A_50 = tpu.memref_squeeze %dma_start3A_49 : memref<1x128xi32, #tpu.memory_space<vmem>> -> memref<128xi32, #tpu.memory_space<vmem>>
      %dma_start3A_51 = arith.constant 0 : i32
      %dma_start3A_52 = tpu.memref_slice %arg5[%arg1, %dma_start3A_41, %dma_start3A_51] : memref<16x80x128xi32, #tpu.memory_space<hbm>> -> memref<1x1x128xi32, #tpu.memory_space<hbm>>
      %dma_start3A_53 = tpu.memref_squeeze %dma_start3A_52 : memref<1x1x128xi32, #tpu.memory_space<hbm>> -> memref<128xi32, #tpu.memory_space<hbm>>
      tpu.enqueue_dma source(%dma_start3A_53 : memref<128xi32, #tpu.memory_space<hbm>>) target(%dma_start3A_50 : memref<128xi32, #tpu.memory_space<vmem>>) target_semaphore(%arg18 : memref<!tpu.dma_semaphore, #tpu.memory_space<semaphore_mem>>)
      %dma_start3A_54 = arith.constant 0 : i32
      %dma_start3A_55 = arith.constant 0 : i32
      %dma_start3A_56 = tpu.memref_slice %arg14[%rem3A_28, %dma_start3A_55] : memref<3x128xf32, #tpu.memory_space<vmem>> -> memref<1x128xf32, #tpu.memory_space<vmem>>
      %dma_start3A_57 = tpu.memref_squeeze %dma_start3A_56 : memref<1x128xf32, #tpu.memory_space<vmem>> -> memref<128xf32, #tpu.memory_space<vmem>>
      %dma_start3A_58 = arith.constant 0 : i32
      %dma_start3A_59 = tpu.memref_slice %arg6[%arg1, %dma_start3A_54, %dma_start3A_58] : memref<16x80x128xf32, #tpu.memory_space<hbm>> -> memref<1x1x128xf32, #tpu.memory_space<hbm>>
      %dma_start3A_60 = tpu.memref_squeeze %dma_start3A_59 : memref<1x1x128xf32, #tpu.memory_space<hbm>> -> memref<128xf32, #tpu.memory_space<hbm>>
      %dma_start3A_61 = arith.constant 0 : i32
      %dma_start3A_62 = tpu.memref_slice %arg14[%rem3A_28, %dma_start3A_61] : memref<3x128xf32, #tpu.memory_space<vmem>> -> memref<1x128xf32, #tpu.memory_space<vmem>>
      %dma_start3A_63 = tpu.memref_squeeze %dma_start3A_62 : memref<1x128xf32, #tpu.memory_space<vmem>> -> memref<128xf32, #tpu.memory_space<vmem>>
      %dma_start3A_64 = arith.constant 0 : i32
      %dma_start3A_65 = tpu.memref_slice %arg6[%arg1, %dma_start3A_54, %dma_start3A_64] : memref<16x80x128xf32, #tpu.memory_space<hbm>> -> memref<1x1x128xf32, #tpu.memory_space<hbm>>
      %dma_start3A_66 = tpu.memref_squeeze %dma_start3A_65 : memref<1x1x128xf32, #tpu.memory_space<hbm>> -> memref<128xf32, #tpu.memory_space<hbm>>
      tpu.enqueue_dma source(%dma_start3A_66 : memref<128xf32, #tpu.memory_space<hbm>>) target(%dma_start3A_63 : memref<128xf32, #tpu.memory_space<vmem>>) target_semaphore(%arg18 : memref<!tpu.dma_semaphore, #tpu.memory_space<semaphore_mem>>)
      %rem3A_67 = arith.constant 1 : i32
      %rem3A_68 = arith.constant 3 : i32
      %rem3A_69 = arith.remsi %rem3A_67, %rem3A_68 : i32
      %dma_start3A_70 = arith.constant 1 : i32
      %dma_start3A_71 = arith.constant 0 : i32
      %dma_start3A_72 = tpu.memref_slice %arg12[%rem3A_69, %dma_start3A_71] : memref<3x128xi32, #tpu.memory_space<vmem>> -> memref<1x128xi32, #tpu.memory_space<vmem>>
      %dma_start3A_73 = tpu.memref_squeeze %dma_start3A_72 : memref<1x128xi32, #tpu.memory_space<vmem>> -> memref<128xi32, #tpu.memory_space<vmem>>
      %dma_start3A_74 = arith.constant 0 : i32
      %dma_start3A_75 = tpu.memref_slice %arg4[%arg1, %dma_start3A_70, %dma_start3A_74] : memref<16x80x128xi32, #tpu.memory_space<hbm>> -> memref<1x1x128xi32, #tpu.memory_space<hbm>>
      %dma_start3A_76 = tpu.memref_squeeze %dma_start3A_75 : memref<1x1x128xi32, #tpu.memory_space<hbm>> -> memref<128xi32, #tpu.memory_space<hbm>>
      %dma_start3A_77 = arith.constant 0 : i32
      %dma_start3A_78 = tpu.memref_slice %arg12[%rem3A_69, %dma_start3A_77] : memref<3x128xi32, #tpu.memory_space<vmem>> -> memref<1x128xi32, #tpu.memory_space<vmem>>
      %dma_start3A_79 = tpu.memref_squeeze %dma_start3A_78 : memref<1x128xi32, #tpu.memory_space<vmem>> -> memref<128xi32, #tpu.memory_space<vmem>>
      %dma_start3A_80 = arith.constant 0 : i32
      %dma_start3A_81 = tpu.memref_slice %arg4[%arg1, %dma_start3A_70, %dma_start3A_80] : memref<16x80x128xi32, #tpu.memory_space<hbm>> -> memref<1x1x128xi32, #tpu.memory_space<hbm>>
      %dma_start3A_82 = tpu.memref_squeeze %dma_start3A_81 : memref<1x1x128xi32, #tpu.memory_space<hbm>> -> memref<128xi32, #tpu.memory_space<hbm>>
      tpu.enqueue_dma source(%dma_start3A_82 : memref<128xi32, #tpu.memory_space<hbm>>) target(%dma_start3A_79 : memref<128xi32, #tpu.memory_space<vmem>>) target_semaphore(%arg18 : memref<!tpu.dma_semaphore, #tpu.memory_space<semaphore_mem>>)
      %dma_start3A_83 = arith.constant 1 : i32
      %dma_start3A_84 = arith.constant 0 : i32
      %dma_start3A_85 = tpu.memref_slice %arg13[%rem3A_69, %dma_start3A_84] : memref<3x128xi32, #tpu.memory_space<vmem>> -> memref<1x128xi32, #tpu.memory_space<vmem>>
      %dma_start3A_86 = tpu.memref_squeeze %dma_start3A_85 : memref<1x128xi32, #tpu.memory_space<vmem>> -> memref<128xi32, #tpu.memory_space<vmem>>
      %dma_start3A_87 = arith.constant 0 : i32
      %dma_start3A_88 = tpu.memref_slice %arg5[%arg1, %dma_start3A_83, %dma_start3A_87] : memref<16x80x128xi32, #tpu.memory_space<hbm>> -> memref<1x1x128xi32, #tpu.memory_space<hbm>>
      %dma_start3A_89 = tpu.memref_squeeze %dma_start3A_88 : memref<1x1x128xi32, #tpu.memory_space<hbm>> -> memref<128xi32, #tpu.memory_space<hbm>>
      %dma_start3A_90 = arith.constant 0 : i32
      %dma_start3A_91 = tpu.memref_slice %arg13[%rem3A_69, %dma_start3A_90] : memref<3x128xi32, #tpu.memory_space<vmem>> -> memref<1x128xi32, #tpu.memory_space<vmem>>
      %dma_start3A_92 = tpu.memref_squeeze %dma_start3A_91 : memref<1x128xi32, #tpu.memory_space<vmem>> -> memref<128xi32, #tpu.memory_space<vmem>>
      %dma_start3A_93 = arith.constant 0 : i32
      %dma_start3A_94 = tpu.memref_slice %arg5[%arg1, %dma_start3A_83, %dma_start3A_93] : memref<16x80x128xi32, #tpu.memory_space<hbm>> -> memref<1x1x128xi32, #tpu.memory_space<hbm>>
      %dma_start3A_95 = tpu.memref_squeeze %dma_start3A_94 : memref<1x1x128xi32, #tpu.memory_space<hbm>> -> memref<128xi32, #tpu.memory_space<hbm>>
      tpu.enqueue_dma source(%dma_start3A_95 : memref<128xi32, #tpu.memory_space<hbm>>) target(%dma_start3A_92 : memref<128xi32, #tpu.memory_space<vmem>>) target_semaphore(%arg18 : memref<!tpu.dma_semaphore, #tpu.memory_space<semaphore_mem>>)
      %dma_start3A_96 = arith.constant 1 : i32
      %dma_start3A_97 = arith.constant 0 : i32
      %dma_start3A_98 = tpu.memref_slice %arg14[%rem3A_69, %dma_start3A_97] : memref<3x128xf32, #tpu.memory_space<vmem>> -> memref<1x128xf32, #tpu.memory_space<vmem>>
      %dma_start3A_99 = tpu.memref_squeeze %dma_start3A_98 : memref<1x128xf32, #tpu.memory_space<vmem>> -> memref<128xf32, #tpu.memory_space<vmem>>
      %dma_start3A_100 = arith.constant 0 : i32
      %dma_start3A_101 = tpu.memref_slice %arg6[%arg1, %dma_start3A_96, %dma_start3A_100] : memref<16x80x128xf32, #tpu.memory_space<hbm>> -> memref<1x1x128xf32, #tpu.memory_space<hbm>>
      %dma_start3A_102 = tpu.memref_squeeze %dma_start3A_101 : memref<1x1x128xf32, #tpu.memory_space<hbm>> -> memref<128xf32, #tpu.memory_space<hbm>>
      %dma_start3A_103 = arith.constant 0 : i32
      %dma_start3A_104 = tpu.memref_slice %arg14[%rem3A_69, %dma_start3A_103] : memref<3x128xf32, #tpu.memory_space<vmem>> -> memref<1x128xf32, #tpu.memory_space<vmem>>
      %dma_start3A_105 = tpu.memref_squeeze %dma_start3A_104 : memref<1x128xf32, #tpu.memory_space<vmem>> -> memref<128xf32, #tpu.memory_space<vmem>>
      %dma_start3A_106 = arith.constant 0 : i32
      %dma_start3A_107 = tpu.memref_slice %arg6[%arg1, %dma_start3A_96, %dma_start3A_106] : memref<16x80x128xf32, #tpu.memory_space<hbm>> -> memref<1x1x128xf32, #tpu.memory_space<hbm>>
      %dma_start3A_108 = tpu.memref_squeeze %dma_start3A_107 : memref<1x1x128xf32, #tpu.memory_space<hbm>> -> memref<128xf32, #tpu.memory_space<hbm>>
      tpu.enqueue_dma source(%dma_start3A_108 : memref<128xf32, #tpu.memory_space<hbm>>) target(%dma_start3A_105 : memref<128xf32, #tpu.memory_space<vmem>>) target_semaphore(%arg18 : memref<!tpu.dma_semaphore, #tpu.memory_space<semaphore_mem>>)
      %dma_wait3A = arith.constant 0 : i32
      %dma_wait3A_109 = arith.constant 0 : i32
      %dma_wait3A_110 = arith.constant 0 : i32
      %dma_wait3A_111 = tpu.memref_slice %arg12[%dma_wait3A_109, %dma_wait3A_110] : memref<3x128xi32, #tpu.memory_space<vmem>> -> memref<1x128xi32, #tpu.memory_space<vmem>>
      %dma_wait3A_112 = tpu.memref_squeeze %dma_wait3A_111 : memref<1x128xi32, #tpu.memory_space<vmem>> -> memref<128xi32, #tpu.memory_space<vmem>>
      %dma_wait3A_113 = arith.constant 0 : i32
      %dma_wait3A_114 = tpu.memref_slice %arg4[%arg1, %dma_wait3A, %dma_wait3A_113] : memref<16x80x128xi32, #tpu.memory_space<hbm>> -> memref<1x1x128xi32, #tpu.memory_space<hbm>>
      %dma_wait3A_115 = tpu.memref_squeeze %dma_wait3A_114 : memref<1x1x128xi32, #tpu.memory_space<hbm>> -> memref<128xi32, #tpu.memory_space<hbm>>
      %dma_wait3A_116 = arith.constant 0 : i32
      %dma_wait3A_117 = tpu.memref_slice %arg12[%dma_wait3A_109, %dma_wait3A_116] : memref<3x128xi32, #tpu.memory_space<vmem>> -> memref<1x128xi32, #tpu.memory_space<vmem>>
      %dma_wait3A_118 = tpu.memref_squeeze %dma_wait3A_117 : memref<1x128xi32, #tpu.memory_space<vmem>> -> memref<128xi32, #tpu.memory_space<vmem>>
      %dma_wait3A_119 = arith.constant 0 : i32
      %dma_wait3A_120 = tpu.memref_slice %arg4[%arg1, %dma_wait3A, %dma_wait3A_119] : memref<16x80x128xi32, #tpu.memory_space<hbm>> -> memref<1x1x128xi32, #tpu.memory_space<hbm>>
      %dma_wait3A_121 = tpu.memref_squeeze %dma_wait3A_120 : memref<1x1x128xi32, #tpu.memory_space<hbm>> -> memref<128xi32, #tpu.memory_space<hbm>>
      tpu.wait_dma2 semaphore(%arg18 : memref<!tpu.dma_semaphore, #tpu.memory_space<semaphore_mem>>) src(%dma_wait3A_121 : memref<128xi32, #tpu.memory_space<hbm>>) dst(%dma_wait3A_118 : memref<128xi32, #tpu.memory_space<vmem>>)
      %dma_wait3A_122 = arith.constant 0 : i32
      %dma_wait3A_123 = arith.constant 0 : i32
      %dma_wait3A_124 = arith.constant 0 : i32
      %dma_wait3A_125 = tpu.memref_slice %arg13[%dma_wait3A_123, %dma_wait3A_124] : memref<3x128xi32, #tpu.memory_space<vmem>> -> memref<1x128xi32, #tpu.memory_space<vmem>>
      %dma_wait3A_126 = tpu.memref_squeeze %dma_wait3A_125 : memref<1x128xi32, #tpu.memory_space<vmem>> -> memref<128xi32, #tpu.memory_space<vmem>>
      %dma_wait3A_127 = arith.constant 0 : i32
      %dma_wait3A_128 = tpu.memref_slice %arg5[%arg1, %dma_wait3A_122, %dma_wait3A_127] : memref<16x80x128xi32, #tpu.memory_space<hbm>> -> memref<1x1x128xi32, #tpu.memory_space<hbm>>
      %dma_wait3A_129 = tpu.memref_squeeze %dma_wait3A_128 : memref<1x1x128xi32, #tpu.memory_space<hbm>> -> memref<128xi32, #tpu.memory_space<hbm>>
      %dma_wait3A_130 = arith.constant 0 : i32
      %dma_wait3A_131 = tpu.memref_slice %arg13[%dma_wait3A_123, %dma_wait3A_130] : memref<3x128xi32, #tpu.memory_space<vmem>> -> memref<1x128xi32, #tpu.memory_space<vmem>>
      %dma_wait3A_132 = tpu.memref_squeeze %dma_wait3A_131 : memref<1x128xi32, #tpu.memory_space<vmem>> -> memref<128xi32, #tpu.memory_space<vmem>>
      %dma_wait3A_133 = arith.constant 0 : i32
      %dma_wait3A_134 = tpu.memref_slice %arg5[%arg1, %dma_wait3A_122, %dma_wait3A_133] : memref<16x80x128xi32, #tpu.memory_space<hbm>> -> memref<1x1x128xi32, #tpu.memory_space<hbm>>
      %dma_wait3A_135 = tpu.memref_squeeze %dma_wait3A_134 : memref<1x1x128xi32, #tpu.memory_space<hbm>> -> memref<128xi32, #tpu.memory_space<hbm>>
      tpu.wait_dma2 semaphore(%arg18 : memref<!tpu.dma_semaphore, #tpu.memory_space<semaphore_mem>>) src(%dma_wait3A_135 : memref<128xi32, #tpu.memory_space<hbm>>) dst(%dma_wait3A_132 : memref<128xi32, #tpu.memory_space<vmem>>)
      %dma_wait3A_136 = arith.constant 0 : i32
      %dma_wait3A_137 = arith.constant 0 : i32
      %dma_wait3A_138 = arith.constant 0 : i32
      %dma_wait3A_139 = tpu.memref_slice %arg14[%dma_wait3A_137, %dma_wait3A_138] : memref<3x128xf32, #tpu.memory_space<vmem>> -> memref<1x128xf32, #tpu.memory_space<vmem>>
      %dma_wait3A_140 = tpu.memref_squeeze %dma_wait3A_139 : memref<1x128xf32, #tpu.memory_space<vmem>> -> memref<128xf32, #tpu.memory_space<vmem>>
      %dma_wait3A_141 = arith.constant 0 : i32
      %dma_wait3A_142 = tpu.memref_slice %arg6[%arg1, %dma_wait3A_136, %dma_wait3A_141] : memref<16x80x128xf32, #tpu.memory_space<hbm>> -> memref<1x1x128xf32, #tpu.memory_space<hbm>>
      %dma_wait3A_143 = tpu.memref_squeeze %dma_wait3A_142 : memref<1x1x128xf32, #tpu.memory_space<hbm>> -> memref<128xf32, #tpu.memory_space<hbm>>
      %dma_wait3A_144 = arith.constant 0 : i32
      %dma_wait3A_145 = tpu.memref_slice %arg14[%dma_wait3A_137, %dma_wait3A_144] : memref<3x128xf32, #tpu.memory_space<vmem>> -> memref<1x128xf32, #tpu.memory_space<vmem>>
      %dma_wait3A_146 = tpu.memref_squeeze %dma_wait3A_145 : memref<1x128xf32, #tpu.memory_space<vmem>> -> memref<128xf32, #tpu.memory_space<vmem>>
      %dma_wait3A_147 = arith.constant 0 : i32
      %dma_wait3A_148 = tpu.memref_slice %arg6[%arg1, %dma_wait3A_136, %dma_wait3A_147] : memref<16x80x128xf32, #tpu.memory_space<hbm>> -> memref<1x1x128xf32, #tpu.memory_space<hbm>>
      %dma_wait3A_149 = tpu.memref_squeeze %dma_wait3A_148 : memref<1x1x128xf32, #tpu.memory_space<hbm>> -> memref<128xf32, #tpu.memory_space<hbm>>
      tpu.wait_dma2 semaphore(%arg18 : memref<!tpu.dma_semaphore, #tpu.memory_space<semaphore_mem>>) src(%dma_wait3A_149 : memref<128xf32, #tpu.memory_space<hbm>>) dst(%dma_wait3A_146 : memref<128xf32, #tpu.memory_space<vmem>>)
      %dma_start3A_150 = arith.constant 0 : i32
      %dma_start3A_151 = arith.constant 0 : i32
      %dma_start3A_152 = arith.constant 0 : i32
      %dma_start3A_153 = arith.constant 0 : i32
      %dma_start3A_154 = tpu.memref_slice %arg10[%dma_start3A_151, %dma_start3A_152, %dma_start3A_153] : memref<2x128x64xi32, #tpu.memory_space<vmem>> -> memref<1x128x64xi32, #tpu.memory_space<vmem>>
      %dma_start3A_155 = tpu.memref_squeeze %dma_start3A_154 : memref<1x128x64xi32, #tpu.memory_space<vmem>> -> memref<128x64xi32, #tpu.memory_space<vmem>>
      %dma_start3A_156 = arith.constant 0 : i32
      %dma_start3A_157 = tpu.memref_slice %arg12[%dma_start3A_150, %dma_start3A_156] : memref<3x128xi32, #tpu.memory_space<vmem>> -> memref<1x128xi32, #tpu.memory_space<vmem>>
      %dma_start3A_158 = tpu.memref_squeeze %dma_start3A_157 : memref<1x128xi32, #tpu.memory_space<vmem>> -> memref<128xi32, #tpu.memory_space<vmem>>
      %dma_start3A_159 = arith.constant 0 : i32
      %dma_start3A_160 = arith.constant 0 : i32
      %dma_start3A_161 = tpu.memref_slice %arg3[%dma_start3A_159, %dma_start3A_160] : memref<10000x64xi32, #tpu.memory_space<hbm>> -> memref<10000x64xi32, #tpu.memory_space<hbm>>
      tpu.enqueue_indirect_dma source(%dma_start3A_161 : memref<10000x64xi32, #tpu.memory_space<hbm>>) target(%dma_start3A_155 : memref<128x64xi32, #tpu.memory_space<vmem>>) offsets(%dma_start3A_158 : memref<128xi32, #tpu.memory_space<vmem>>) semaphore(%arg16 : memref<!tpu.dma_semaphore, #tpu.memory_space<semaphore_mem>>)
      %scan3A = arith.constant 0 : i32
      %scan3A_162 = arith.constant 0 : i32
      %scan3A_163 = arith.constant 80 : i32
      %scan3A_164 = arith.addi %scan3A_162, %scan3A_163 : i32
      %scan3A_165 = arith.constant 1 : i32
      %scan3A_166 = scf.for %scan3A_198 = %scan3A_162 to %scan3A_164 step %scan3A_165 iter_args(%scan3A_199 = %scan3A) -> (i32)  : i32 {
        %rem3A_200 = arith.constant 2 : i32
        %rem3A_201 = arith.remsi %scan3A_198, %rem3A_200 : i32
        %add3A = arith.constant 1 : i32
        %add3A_202 = arith.addi %scan3A_198, %add3A : i32
        %rem3A_203 = arith.constant 2 : i32
        %rem3A_204 = arith.remsi %add3A_202, %rem3A_203 : i32
        %rem3A_205 = arith.constant 3 : i32
        %rem3A_206 = arith.remsi %scan3A_198, %rem3A_205 : i32
        %add3A_207 = arith.constant 1 : i32
        %add3A_208 = arith.addi %scan3A_198, %add3A_207 : i32
        %lt3A_209 = arith.constant 80 : i32
        %lt3A_210 = arith.cmpi slt, %add3A_208, %lt3A_209 : i32
        %convert_element_type3A_211 = arith.extui %lt3A_210 : i1 to i32
        %cond3A_212 = arith.constant 0 : i32
        %cond3A_213 = arith.cmpi ne, %convert_element_type3A_211, %cond3A_212 : i32
        scf.if %cond3A_213 {
          %dma_wait3A_305 = arith.constant 0 : i32
          %dma_wait3A_306 = arith.constant 0 : i32
          %dma_wait3A_307 = arith.constant 0 : i32
          %dma_wait3A_308 = tpu.memref_slice %arg12[%dma_wait3A_306, %dma_wait3A_307] : memref<3x128xi32, #tpu.memory_space<vmem>> -> memref<1x128xi32, #tpu.memory_space<vmem>>
          %dma_wait3A_309 = tpu.memref_squeeze %dma_wait3A_308 : memref<1x128xi32, #tpu.memory_space<vmem>> -> memref<128xi32, #tpu.memory_space<vmem>>
          %dma_wait3A_310 = arith.constant 0 : i32
          %dma_wait3A_311 = tpu.memref_slice %arg4[%arg1, %dma_wait3A_305, %dma_wait3A_310] : memref<16x80x128xi32, #tpu.memory_space<hbm>> -> memref<1x1x128xi32, #tpu.memory_space<hbm>>
          %dma_wait3A_312 = tpu.memref_squeeze %dma_wait3A_311 : memref<1x1x128xi32, #tpu.memory_space<hbm>> -> memref<128xi32, #tpu.memory_space<hbm>>
          %dma_wait3A_313 = arith.constant 0 : i32
          %dma_wait3A_314 = tpu.memref_slice %arg12[%dma_wait3A_306, %dma_wait3A_313] : memref<3x128xi32, #tpu.memory_space<vmem>> -> memref<1x128xi32, #tpu.memory_space<vmem>>
          %dma_wait3A_315 = tpu.memref_squeeze %dma_wait3A_314 : memref<1x128xi32, #tpu.memory_space<vmem>> -> memref<128xi32, #tpu.memory_space<vmem>>
          %dma_wait3A_316 = arith.constant 0 : i32
          %dma_wait3A_317 = tpu.memref_slice %arg4[%arg1, %dma_wait3A_305, %dma_wait3A_316] : memref<16x80x128xi32, #tpu.memory_space<hbm>> -> memref<1x1x128xi32, #tpu.memory_space<hbm>>
          %dma_wait3A_318 = tpu.memref_squeeze %dma_wait3A_317 : memref<1x1x128xi32, #tpu.memory_space<hbm>> -> memref<128xi32, #tpu.memory_space<hbm>>
          tpu.wait_dma2 semaphore(%arg18 : memref<!tpu.dma_semaphore, #tpu.memory_space<semaphore_mem>>) src(%dma_wait3A_318 : memref<128xi32, #tpu.memory_space<hbm>>) dst(%dma_wait3A_315 : memref<128xi32, #tpu.memory_space<vmem>>)
          %dma_wait3A_319 = arith.constant 0 : i32
          %dma_wait3A_320 = arith.constant 0 : i32
          %dma_wait3A_321 = arith.constant 0 : i32
          %dma_wait3A_322 = tpu.memref_slice %arg13[%dma_wait3A_320, %dma_wait3A_321] : memref<3x128xi32, #tpu.memory_space<vmem>> -> memref<1x128xi32, #tpu.memory_space<vmem>>
          %dma_wait3A_323 = tpu.memref_squeeze %dma_wait3A_322 : memref<1x128xi32, #tpu.memory_space<vmem>> -> memref<128xi32, #tpu.memory_space<vmem>>
          %dma_wait3A_324 = arith.constant 0 : i32
          %dma_wait3A_325 = tpu.memref_slice %arg5[%arg1, %dma_wait3A_319, %dma_wait3A_324] : memref<16x80x128xi32, #tpu.memory_space<hbm>> -> memref<1x1x128xi32, #tpu.memory_space<hbm>>
          %dma_wait3A_326 = tpu.memref_squeeze %dma_wait3A_325 : memref<1x1x128xi32, #tpu.memory_space<hbm>> -> memref<128xi32, #tpu.memory_space<hbm>>
          %dma_wait3A_327 = arith.constant 0 : i32
          %dma_wait3A_328 = tpu.memref_slice %arg13[%dma_wait3A_320, %dma_wait3A_327] : memref<3x128xi32, #tpu.memory_space<vmem>> -> memref<1x128xi32, #tpu.memory_space<vmem>>
          %dma_wait3A_329 = tpu.memref_squeeze %dma_wait3A_328 : memref<1x128xi32, #tpu.memory_space<vmem>> -> memref<128xi32, #tpu.memory_space<vmem>>
          %dma_wait3A_330 = arith.constant 0 : i32
          %dma_wait3A_331 = tpu.memref_slice %arg5[%arg1, %dma_wait3A_319, %dma_wait3A_330] : memref<16x80x128xi32, #tpu.memory_space<hbm>> -> memref<1x1x128xi32, #tpu.memory_space<hbm>>
          %dma_wait3A_332 = tpu.memref_squeeze %dma_wait3A_331 : memref<1x1x128xi32, #tpu.memory_space<hbm>> -> memref<128xi32, #tpu.memory_space<hbm>>
          tpu.wait_dma2 semaphore(%arg18 : memref<!tpu.dma_semaphore, #tpu.memory_space<semaphore_mem>>) src(%dma_wait3A_332 : memref<128xi32, #tpu.memory_space<hbm>>) dst(%dma_wait3A_329 : memref<128xi32, #tpu.memory_space<vmem>>)
          %dma_wait3A_333 = arith.constant 0 : i32
          %dma_wait3A_334 = arith.constant 0 : i32
          %dma_wait3A_335 = arith.constant 0 : i32
          %dma_wait3A_336 = tpu.memref_slice %arg14[%dma_wait3A_334, %dma_wait3A_335] : memref<3x128xf32, #tpu.memory_space<vmem>> -> memref<1x128xf32, #tpu.memory_space<vmem>>
          %dma_wait3A_337 = tpu.memref_squeeze %dma_wait3A_336 : memref<1x128xf32, #tpu.memory_space<vmem>> -> memref<128xf32, #tpu.memory_space<vmem>>
          %dma_wait3A_338 = arith.constant 0 : i32
          %dma_wait3A_339 = tpu.memref_slice %arg6[%arg1, %dma_wait3A_333, %dma_wait3A_338] : memref<16x80x128xf32, #tpu.memory_space<hbm>> -> memref<1x1x128xf32, #tpu.memory_space<hbm>>
          %dma_wait3A_340 = tpu.memref_squeeze %dma_wait3A_339 : memref<1x1x128xf32, #tpu.memory_space<hbm>> -> memref<128xf32, #tpu.memory_space<hbm>>
          %dma_wait3A_341 = arith.constant 0 : i32
          %dma_wait3A_342 = tpu.memref_slice %arg14[%dma_wait3A_334, %dma_wait3A_341] : memref<3x128xf32, #tpu.memory_space<vmem>> -> memref<1x128xf32, #tpu.memory_space<vmem>>
          %dma_wait3A_343 = tpu.memref_squeeze %dma_wait3A_342 : memref<1x128xf32, #tpu.memory_space<vmem>> -> memref<128xf32, #tpu.memory_space<vmem>>
          %dma_wait3A_344 = arith.constant 0 : i32
          %dma_wait3A_345 = tpu.memref_slice %arg6[%arg1, %dma_wait3A_333, %dma_wait3A_344] : memref<16x80x128xf32, #tpu.memory_space<hbm>> -> memref<1x1x128xf32, #tpu.memory_space<hbm>>
          %dma_wait3A_346 = tpu.memref_squeeze %dma_wait3A_345 : memref<1x1x128xf32, #tpu.memory_space<hbm>> -> memref<128xf32, #tpu.memory_space<hbm>>
          tpu.wait_dma2 semaphore(%arg18 : memref<!tpu.dma_semaphore, #tpu.memory_space<semaphore_mem>>) src(%dma_wait3A_346 : memref<128xf32, #tpu.memory_space<hbm>>) dst(%dma_wait3A_343 : memref<128xf32, #tpu.memory_space<vmem>>)
        } else {
        }
        %add3A_214 = arith.constant 2 : i32
        %add3A_215 = arith.addi %scan3A_198, %add3A_214 : i32
        %lt3A_216 = arith.constant 80 : i32
        %lt3A_217 = arith.cmpi slt, %add3A_215, %lt3A_216 : i32
        %convert_element_type3A_218 = arith.extui %lt3A_217 : i1 to i32
        %cond3A_219 = arith.constant 0 : i32
        %cond3A_220 = arith.cmpi ne, %convert_element_type3A_218, %cond3A_219 : i32
        scf.if %cond3A_220 {
          %add3A_305 = arith.constant 2 : i32
          %add3A_306 = arith.addi %scan3A_198, %add3A_305 : i32
          %rem3A_307 = arith.constant 3 : i32
          %rem3A_308 = arith.remsi %add3A_306, %rem3A_307 : i32
          %dma_start3A_309 = arith.constant 0 : i32
          %dma_start3A_310 = tpu.memref_slice %arg12[%rem3A_308, %dma_start3A_309] : memref<3x128xi32, #tpu.memory_space<vmem>> -> memref<1x128xi32, #tpu.memory_space<vmem>>
          %dma_start3A_311 = tpu.memref_squeeze %dma_start3A_310 : memref<1x128xi32, #tpu.memory_space<vmem>> -> memref<128xi32, #tpu.memory_space<vmem>>
          %dma_start3A_312 = arith.constant 0 : i32
          %dma_start3A_313 = tpu.memref_slice %arg4[%arg1, %add3A_306, %dma_start3A_312] : memref<16x80x128xi32, #tpu.memory_space<hbm>> -> memref<1x1x128xi32, #tpu.memory_space<hbm>>
          %dma_start3A_314 = tpu.memref_squeeze %dma_start3A_313 : memref<1x1x128xi32, #tpu.memory_space<hbm>> -> memref<128xi32, #tpu.memory_space<hbm>>
          %dma_start3A_315 = arith.constant 0 : i32
          %dma_start3A_316 = tpu.memref_slice %arg12[%rem3A_308, %dma_start3A_315] : memref<3x128xi32, #tpu.memory_space<vmem>> -> memref<1x128xi32, #tpu.memory_space<vmem>>
          %dma_start3A_317 = tpu.memref_squeeze %dma_start3A_316 : memref<1x128xi32, #tpu.memory_space<vmem>> -> memref<128xi32, #tpu.memory_space<vmem>>
          %dma_start3A_318 = arith.constant 0 : i32
          %dma_start3A_319 = tpu.memref_slice %arg4[%arg1, %add3A_306, %dma_start3A_318] : memref<16x80x128xi32, #tpu.memory_space<hbm>> -> memref<1x1x128xi32, #tpu.memory_space<hbm>>
          %dma_start3A_320 = tpu.memref_squeeze %dma_start3A_319 : memref<1x1x128xi32, #tpu.memory_space<hbm>> -> memref<128xi32, #tpu.memory_space<hbm>>
          tpu.enqueue_dma source(%dma_start3A_320 : memref<128xi32, #tpu.memory_space<hbm>>) target(%dma_start3A_317 : memref<128xi32, #tpu.memory_space<vmem>>) target_semaphore(%arg18 : memref<!tpu.dma_semaphore, #tpu.memory_space<semaphore_mem>>)
          %dma_start3A_321 = arith.constant 0 : i32
          %dma_start3A_322 = tpu.memref_slice %arg13[%rem3A_308, %dma_start3A_321] : memref<3x128xi32, #tpu.memory_space<vmem>> -> memref<1x128xi32, #tpu.memory_space<vmem>>
          %dma_start3A_323 = tpu.memref_squeeze %dma_start3A_322 : memref<1x128xi32, #tpu.memory_space<vmem>> -> memref<128xi32, #tpu.memory_space<vmem>>
          %dma_start3A_324 = arith.constant 0 : i32
          %dma_start3A_325 = tpu.memref_slice %arg5[%arg1, %add3A_306, %dma_start3A_324] : memref<16x80x128xi32, #tpu.memory_space<hbm>> -> memref<1x1x128xi32, #tpu.memory_space<hbm>>
          %dma_start3A_326 = tpu.memref_squeeze %dma_start3A_325 : memref<1x1x128xi32, #tpu.memory_space<hbm>> -> memref<128xi32, #tpu.memory_space<hbm>>
          %dma_start3A_327 = arith.constant 0 : i32
          %dma_start3A_328 = tpu.memref_slice %arg13[%rem3A_308, %dma_start3A_327] : memref<3x128xi32, #tpu.memory_space<vmem>> -> memref<1x128xi32, #tpu.memory_space<vmem>>
          %dma_start3A_329 = tpu.memref_squeeze %dma_start3A_328 : memref<1x128xi32, #tpu.memory_space<vmem>> -> memref<128xi32, #tpu.memory_space<vmem>>
          %dma_start3A_330 = arith.constant 0 : i32
          %dma_start3A_331 = tpu.memref_slice %arg5[%arg1, %add3A_306, %dma_start3A_330] : memref<16x80x128xi32, #tpu.memory_space<hbm>> -> memref<1x1x128xi32, #tpu.memory_space<hbm>>
          %dma_start3A_332 = tpu.memref_squeeze %dma_start3A_331 : memref<1x1x128xi32, #tpu.memory_space<hbm>> -> memref<128xi32, #tpu.memory_space<hbm>>
          tpu.enqueue_dma source(%dma_start3A_332 : memref<128xi32, #tpu.memory_space<hbm>>) target(%dma_start3A_329 : memref<128xi32, #tpu.memory_space<vmem>>) target_semaphore(%arg18 : memref<!tpu.dma_semaphore, #tpu.memory_space<semaphore_mem>>)
          %dma_start3A_333 = arith.constant 0 : i32
          %dma_start3A_334 = tpu.memref_slice %arg14[%rem3A_308, %dma_start3A_333] : memref<3x128xf32, #tpu.memory_space<vmem>> -> memref<1x128xf32, #tpu.memory_space<vmem>>
          %dma_start3A_335 = tpu.memref_squeeze %dma_start3A_334 : memref<1x128xf32, #tpu.memory_space<vmem>> -> memref<128xf32, #tpu.memory_space<vmem>>
          %dma_start3A_336 = arith.constant 0 : i32
          %dma_start3A_337 = tpu.memref_slice %arg6[%arg1, %add3A_306, %dma_start3A_336] : memref<16x80x128xf32, #tpu.memory_space<hbm>> -> memref<1x1x128xf32, #tpu.memory_space<hbm>>
          %dma_start3A_338 = tpu.memref_squeeze %dma_start3A_337 : memref<1x1x128xf32, #tpu.memory_space<hbm>> -> memref<128xf32, #tpu.memory_space<hbm>>
          %dma_start3A_339 = arith.constant 0 : i32
          %dma_start3A_340 = tpu.memref_slice %arg14[%rem3A_308, %dma_start3A_339] : memref<3x128xf32, #tpu.memory_space<vmem>> -> memref<1x128xf32, #tpu.memory_space<vmem>>
          %dma_start3A_341 = tpu.memref_squeeze %dma_start3A_340 : memref<1x128xf32, #tpu.memory_space<vmem>> -> memref<128xf32, #tpu.memory_space<vmem>>
          %dma_start3A_342 = arith.constant 0 : i32
          %dma_start3A_343 = tpu.memref_slice %arg6[%arg1, %add3A_306, %dma_start3A_342] : memref<16x80x128xf32, #tpu.memory_space<hbm>> -> memref<1x1x128xf32, #tpu.memory_space<hbm>>
          %dma_start3A_344 = tpu.memref_squeeze %dma_start3A_343 : memref<1x1x128xf32, #tpu.memory_space<hbm>> -> memref<128xf32, #tpu.memory_space<hbm>>
          tpu.enqueue_dma source(%dma_start3A_344 : memref<128xf32, #tpu.memory_space<hbm>>) target(%dma_start3A_341 : memref<128xf32, #tpu.memory_space<vmem>>) target_semaphore(%arg18 : memref<!tpu.dma_semaphore, #tpu.memory_space<semaphore_mem>>)
        } else {
        }
        %add3A_221 = arith.constant 1 : i32
        %add3A_222 = arith.addi %scan3A_198, %add3A_221 : i32
        %lt3A_223 = arith.constant 80 : i32
        %lt3A_224 = arith.cmpi slt, %add3A_222, %lt3A_223 : i32
        %convert_element_type3A_225 = arith.extui %lt3A_224 : i1 to i32
        %cond3A_226 = arith.constant 0 : i32
        %cond3A_227 = arith.cmpi ne, %convert_element_type3A_225, %cond3A_226 : i32
        scf.if %cond3A_227 {
          %add3A_305 = arith.constant 1 : i32
          %add3A_306 = arith.addi %scan3A_198, %add3A_305 : i32
          %rem3A_307 = arith.constant 3 : i32
          %rem3A_308 = arith.remsi %add3A_306, %rem3A_307 : i32
          %dma_start3A_309 = arith.constant 0 : i32
          %dma_start3A_310 = arith.constant 0 : i32
          %dma_start3A_311 = tpu.memref_slice %arg10[%rem3A_204, %dma_start3A_309, %dma_start3A_310] : memref<2x128x64xi32, #tpu.memory_space<vmem>> -> memref<1x128x64xi32, #tpu.memory_space<vmem>>
          %dma_start3A_312 = tpu.memref_squeeze %dma_start3A_311 : memref<1x128x64xi32, #tpu.memory_space<vmem>> -> memref<128x64xi32, #tpu.memory_space<vmem>>
          %dma_start3A_313 = arith.constant 0 : i32
          %dma_start3A_314 = tpu.memref_slice %arg12[%rem3A_308, %dma_start3A_313] : memref<3x128xi32, #tpu.memory_space<vmem>> -> memref<1x128xi32, #tpu.memory_space<vmem>>
          %dma_start3A_315 = tpu.memref_squeeze %dma_start3A_314 : memref<1x128xi32, #tpu.memory_space<vmem>> -> memref<128xi32, #tpu.memory_space<vmem>>
          %dma_start3A_316 = arith.constant 0 : i32
          %dma_start3A_317 = arith.constant 0 : i32
          %dma_start3A_318 = tpu.memref_slice %arg3[%dma_start3A_316, %dma_start3A_317] : memref<10000x64xi32, #tpu.memory_space<hbm>> -> memref<10000x64xi32, #tpu.memory_space<hbm>>
          tpu.enqueue_indirect_dma source(%dma_start3A_318 : memref<10000x64xi32, #tpu.memory_space<hbm>>) target(%dma_start3A_312 : memref<128x64xi32, #tpu.memory_space<vmem>>) offsets(%dma_start3A_315 : memref<128xi32, #tpu.memory_space<vmem>>) semaphore(%arg16 : memref<!tpu.dma_semaphore, #tpu.memory_space<semaphore_mem>>)
        } else {
        }
        %dma_wait3A_228 = arith.constant 0 : i32
        %dma_wait3A_229 = arith.constant 0 : i32
        %dma_wait3A_230 = arith.constant 0 : i32
        %dma_wait3A_231 = tpu.memref_slice %arg10[%dma_wait3A_228, %dma_wait3A_229, %dma_wait3A_230] : memref<2x128x64xi32, #tpu.memory_space<vmem>> -> memref<1x128x64xi32, #tpu.memory_space<vmem>>
        %dma_wait3A_232 = tpu.memref_squeeze %dma_wait3A_231 : memref<1x128x64xi32, #tpu.memory_space<vmem>> -> memref<128x64xi32, #tpu.memory_space<vmem>>
        %dma_wait3A_233 = arith.constant 0 : i32
        %dma_wait3A_234 = arith.constant 0 : i32
        %dma_wait3A_235 = tpu.memref_slice %arg3[%dma_wait3A_233, %dma_wait3A_234] : memref<10000x64xi32, #tpu.memory_space<hbm>> -> memref<128x64xi32, #tpu.memory_space<hbm>>
        %dma_wait3A_236 = arith.constant 0 : i32
        %dma_wait3A_237 = arith.constant 0 : i32
        %dma_wait3A_238 = tpu.memref_slice %arg10[%dma_wait3A_228, %dma_wait3A_236, %dma_wait3A_237] : memref<2x128x64xi32, #tpu.memory_space<vmem>> -> memref<1x128x64xi32, #tpu.memory_space<vmem>>
        %dma_wait3A_239 = tpu.memref_squeeze %dma_wait3A_238 : memref<1x128x64xi32, #tpu.memory_space<vmem>> -> memref<128x64xi32, #tpu.memory_space<vmem>>
        %dma_wait3A_240 = arith.constant 0 : i32
        %dma_wait3A_241 = arith.constant 0 : i32
        %dma_wait3A_242 = tpu.memref_slice %arg3[%dma_wait3A_240, %dma_wait3A_241] : memref<10000x64xi32, #tpu.memory_space<hbm>> -> memref<128x64xi32, #tpu.memory_space<hbm>>
        tpu.wait_dma2 semaphore(%arg16 : memref<!tpu.dma_semaphore, #tpu.memory_space<semaphore_mem>>) src(%dma_wait3A_242 : memref<128x64xi32, #tpu.memory_space<hbm>>) dst(%dma_wait3A_239 : memref<128x64xi32, #tpu.memory_space<vmem>>)
        %ge3A = arith.constant 2 : i32
        %ge3A_243 = arith.cmpi sge, %scan3A_198, %ge3A : i32
        %convert_element_type3A_244 = arith.extui %ge3A_243 : i1 to i32
        %cond3A_245 = arith.constant 0 : i32
        %cond3A_246 = arith.cmpi ne, %convert_element_type3A_244, %cond3A_245 : i32
        scf.if %cond3A_246 {
          %dma_wait3A_305 = arith.constant 0 : i32
          %dma_wait3A_306 = arith.constant 0 : i32
          %dma_wait3A_307 = arith.constant 0 : i32
          %dma_wait3A_308 = tpu.memref_slice %arg11[%dma_wait3A_305, %dma_wait3A_306, %dma_wait3A_307] : memref<2x128x128xf32, #tpu.memory_space<vmem>> -> memref<1x128x128xf32, #tpu.memory_space<vmem>>
          %dma_wait3A_309 = tpu.memref_squeeze %dma_wait3A_308 : memref<1x128x128xf32, #tpu.memory_space<vmem>> -> memref<128x128xf32, #tpu.memory_space<vmem>>
          %dma_wait3A_310 = arith.constant 0 : i32
          %dma_wait3A_311 = arith.constant 0 : i32
          %dma_wait3A_312 = tpu.memref_slice %arg7[%dma_wait3A_310, %dma_wait3A_311] : memref<10000x128xf32, #tpu.memory_space<hbm>> -> memref<128x128xf32, #tpu.memory_space<hbm>>
          %dma_wait3A_313 = arith.constant 0 : i32
          %dma_wait3A_314 = arith.constant 0 : i32
          %dma_wait3A_315 = tpu.memref_slice %arg11[%dma_wait3A_305, %dma_wait3A_313, %dma_wait3A_314] : memref<2x128x128xf32, #tpu.memory_space<vmem>> -> memref<1x128x128xf32, #tpu.memory_space<vmem>>
          %dma_wait3A_316 = tpu.memref_squeeze %dma_wait3A_315 : memref<1x128x128xf32, #tpu.memory_space<vmem>> -> memref<128x128xf32, #tpu.memory_space<vmem>>
          %dma_wait3A_317 = arith.constant 0 : i32
          %dma_wait3A_318 = arith.constant 0 : i32
          %dma_wait3A_319 = tpu.memref_slice %arg7[%dma_wait3A_317, %dma_wait3A_318] : memref<10000x128xf32, #tpu.memory_space<hbm>> -> memref<128x128xf32, #tpu.memory_space<hbm>>
          tpu.wait_dma2 semaphore(%arg17 : memref<!tpu.dma_semaphore, #tpu.memory_space<semaphore_mem>>) src(%dma_wait3A_319 : memref<128x128xf32, #tpu.memory_space<hbm>>) dst(%dma_wait3A_316 : memref<128x128xf32, #tpu.memory_space<vmem>>)
        } else {
        }
        %get3A = arith.index_cast %rem3A_206 : i32 to index
        %get3A_247 = arith.constant 0 : index
        %get3A_248 = tpu.vector_load %arg14[%get3A, %get3A_247] {strides = array<i32>} : memref<3x128xf32, #tpu.memory_space<vmem>>, vector<16xf32>,
        %swap3A = arith.constant 0 : index
        %swap3A_249 = tpu.vector_load %arg15[%swap3A] {strides = array<i32>} : memref<128xf32, #tpu.memory_space<vmem>>, vector<16xf32>,
        tpu.vector_store %arg15[%swap3A], %get3A_248 {strides = array<i32>} : memref<128xf32, #tpu.memory_space<vmem>>, vector<16xf32>,
        %get3A_250 = arith.index_cast %rem3A_206 : i32 to index
        %get3A_251 = arith.constant 16 : index
        %get3A_252 = tpu.vector_load %arg14[%get3A_250, %get3A_251] {strides = array<i32>} : memref<3x128xf32, #tpu.memory_space<vmem>>, vector<16xf32>,
        %swap3A_253 = arith.constant 16 : index
        %swap3A_254 = tpu.vector_load %arg15[%swap3A_253] {strides = array<i32>} : memref<128xf32, #tpu.memory_space<vmem>>, vector<16xf32>,
        tpu.vector_store %arg15[%swap3A_253], %get3A_252 {strides = array<i32>} : memref<128xf32, #tpu.memory_space<vmem>>, vector<16xf32>,
        %get3A_255 = arith.index_cast %rem3A_206 : i32 to index
        %get3A_256 = arith.constant 32 : index
        %get3A_257 = tpu.vector_load %arg14[%get3A_255, %get3A_256] {strides = array<i32>} : memref<3x128xf32, #tpu.memory_space<vmem>>, vector<16xf32>,
        %swap3A_258 = arith.constant 32 : index
        %swap3A_259 = tpu.vector_load %arg15[%swap3A_258] {strides = array<i32>} : memref<128xf32, #tpu.memory_space<vmem>>, vector<16xf32>,
        tpu.vector_store %arg15[%swap3A_258], %get3A_257 {strides = array<i32>} : memref<128xf32, #tpu.memory_space<vmem>>, vector<16xf32>,
        %get3A_260 = arith.index_cast %rem3A_206 : i32 to index
        %get3A_261 = arith.constant 48 : index
        %get3A_262 = tpu.vector_load %arg14[%get3A_260, %get3A_261] {strides = array<i32>} : memref<3x128xf32, #tpu.memory_space<vmem>>, vector<16xf32>,
        %swap3A_263 = arith.constant 48 : index
        %swap3A_264 = tpu.vector_load %arg15[%swap3A_263] {strides = array<i32>} : memref<128xf32, #tpu.memory_space<vmem>>, vector<16xf32>,
        tpu.vector_store %arg15[%swap3A_263], %get3A_262 {strides = array<i32>} : memref<128xf32, #tpu.memory_space<vmem>>, vector<16xf32>,
        %get3A_265 = arith.index_cast %rem3A_206 : i32 to index
        %get3A_266 = arith.constant 64 : index
        %get3A_267 = tpu.vector_load %arg14[%get3A_265, %get3A_266] {strides = array<i32>} : memref<3x128xf32, #tpu.memory_space<vmem>>, vector<16xf32>,
        %swap3A_268 = arith.constant 64 : index
        %swap3A_269 = tpu.vector_load %arg15[%swap3A_268] {strides = array<i32>} : memref<128xf32, #tpu.memory_space<vmem>>, vector<16xf32>,
        tpu.vector_store %arg15[%swap3A_268], %get3A_267 {strides = array<i32>} : memref<128xf32, #tpu.memory_space<vmem>>, vector<16xf32>,
        %get3A_270 = arith.index_cast %rem3A_206 : i32 to index
        %get3A_271 = arith.constant 80 : index
        %get3A_272 = tpu.vector_load %arg14[%get3A_270, %get3A_271] {strides = array<i32>} : memref<3x128xf32, #tpu.memory_space<vmem>>, vector<16xf32>,
        %swap3A_273 = arith.constant 80 : index
        %swap3A_274 = tpu.vector_load %arg15[%swap3A_273] {strides = array<i32>} : memref<128xf32, #tpu.memory_space<vmem>>, vector<16xf32>,
        tpu.vector_store %arg15[%swap3A_273], %get3A_272 {strides = array<i32>} : memref<128xf32, #tpu.memory_space<vmem>>, vector<16xf32>,
        %get3A_275 = arith.index_cast %rem3A_206 : i32 to index
        %get3A_276 = arith.constant 96 : index
        %get3A_277 = tpu.vector_load %arg14[%get3A_275, %get3A_276] {strides = array<i32>} : memref<3x128xf32, #tpu.memory_space<vmem>>, vector<16xf32>,
        %swap3A_278 = arith.constant 96 : index
        %swap3A_279 = tpu.vector_load %arg15[%swap3A_278] {strides = array<i32>} : memref<128xf32, #tpu.memory_space<vmem>>, vector<16xf32>,
        tpu.vector_store %arg15[%swap3A_278], %get3A_277 {strides = array<i32>} : memref<128xf32, #tpu.memory_space<vmem>>, vector<16xf32>,
        %get3A_280 = arith.index_cast %rem3A_206 : i32 to index
        %get3A_281 = arith.constant 112 : index
        %get3A_282 = tpu.vector_load %arg14[%get3A_280, %get3A_281] {strides = array<i32>} : memref<3x128xf32, #tpu.memory_space<vmem>>, vector<16xf32>,
        %swap3A_283 = arith.constant 112 : index
        %swap3A_284 = tpu.vector_load %arg15[%swap3A_283] {strides = array<i32>} : memref<128xf32, #tpu.memory_space<vmem>>, vector<16xf32>,
        tpu.vector_store %arg15[%swap3A_283], %get3A_282 {strides = array<i32>} : memref<128xf32, #tpu.memory_space<vmem>>, vector<16xf32>,
        %broadcast_in_dim3A = vector.broadcast %rem3A_201 : i32 to vector<16xi32>
        %iota3A = tpu.iota {dimensions = array<i32: 0>} : vector<16xi32>
        %mul3A = arith.constant 2 : i32
        %mul3A_285 = vector.broadcast %mul3A : i32 to vector<16xi32>
        %mul3A_286 = arith.muli %iota3A, %mul3A_285 : vector<16xi32>
        %scan3A_287 = arith.constant 0 : i32
        %scan3A_288 = arith.constant 0 : i32
        %scan3A_289 = arith.constant 128 : i32
        %scan3A_290 = arith.addi %scan3A_288, %scan3A_289 : i32
        %scan3A_291 = arith.constant 1 : i32
        %scan3A_292 = scf.for %scan3A_305 = %scan3A_288 to %scan3A_290 step %scan3A_291 iter_args(%scan3A_306 = %scan3A_287) -> (i32)  : i32 {
          %broadcast_in_dim3A_307 = vector.broadcast %scan3A_305 : i32 to vector<16xi32>
          %gather3A = tpu.vector_load_idx %arg15[%broadcast_in_dim3A_307] : memref<128xf32, #tpu.memory_space<vmem>>[vector<16xi32>], vector<16xf32>,
          %broadcast_in_dim3A_308 = vector.broadcast %scan3A_305 : i32 to vector<16xi32>
          %get3A_309 = arith.index_cast %rem3A_201 : i32 to index
          %get3A_310 = arith.index_cast %scan3A_305 : i32 to index
          %get3A_311 = arith.constant 0 : index
          %get3A_312 = tpu.vector_load %arg10[%get3A_309, %get3A_310, %get3A_311] {strides = array<i32>} : memref<2x128x64xi32, #tpu.memory_space<vmem>>, vector<16xi32>,
          %bitcast3A = vector.bitcast %get3A_312 : vector<16xi32> to vector<32xbf16>
          %unpack3A = tpu.unpack_subelements %bitcast3A, 0 {pack_format = #tpu.pack_format<interleaved>} : vector<32xbf16> -> vector<16xf32>
          %unpack3A_313 = tpu.unpack_subelements %bitcast3A, 1 {pack_format = #tpu.pack_format<interleaved>} : vector<32xbf16> -> vector<16xf32>
          %add3A_314 = arith.constant 0 : i32
          %add3A_315 = vector.broadcast %add3A_314 : i32 to vector<16xi32>
          %add3A_316 = arith.addi %mul3A_286, %add3A_315 : vector<16xi32>
          %mul3A_317 = arith.mulf %unpack3A, %gather3A : vector<16xf32>
          tpu.vector_store_idx %arg11[%broadcast_in_dim3A, %broadcast_in_dim3A_308, %add3A_316], %mul3A_317 : memref<2x128x128xf32, #tpu.memory_space<vmem>>[vector<16xi32>, vector<16xi32>, vector<16xi32>], vector<16xf32>,
          %add3A_318 = arith.constant 1 : i32
          %add3A_319 = vector.broadcast %add3A_318 : i32 to vector<16xi32>
          %add3A_320 = arith.addi %mul3A_286, %add3A_319 : vector<16xi32>
          %mul3A_321 = arith.mulf %unpack3A_313, %gather3A : vector<16xf32>
          tpu.vector_store_idx %arg11[%broadcast_in_dim3A, %broadcast_in_dim3A_308, %add3A_320], %mul3A_321 : memref<2x128x128xf32, #tpu.memory_space<vmem>>[vector<16xi32>, vector<16xi32>, vector<16xi32>], vector<16xf32>,
          %get3A_322 = arith.index_cast %rem3A_201 : i32 to index
          %get3A_323 = arith.index_cast %scan3A_305 : i32 to index
          %get3A_324 = arith.constant 16 : index
          %get3A_325 = tpu.vector_load %arg10[%get3A_322, %get3A_323, %get3A_324] {strides = array<i32>} : memref<2x128x64xi32, #tpu.memory_space<vmem>>, vector<16xi32>,
          %bitcast3A_326 = vector.bitcast %get3A_325 : vector<16xi32> to vector<32xbf16>
          %unpack3A_327 = tpu.unpack_subelements %bitcast3A_326, 0 {pack_format = #tpu.pack_format<interleaved>} : vector<32xbf16> -> vector<16xf32>
          %unpack3A_328 = tpu.unpack_subelements %bitcast3A_326, 1 {pack_format = #tpu.pack_format<interleaved>} : vector<32xbf16> -> vector<16xf32>
          %add3A_329 = arith.constant 32 : i32
          %add3A_330 = vector.broadcast %add3A_329 : i32 to vector<16xi32>
          %add3A_331 = arith.addi %mul3A_286, %add3A_330 : vector<16xi32>
          %mul3A_332 = arith.mulf %unpack3A_327, %gather3A : vector<16xf32>
          tpu.vector_store_idx %arg11[%broadcast_in_dim3A, %broadcast_in_dim3A_308, %add3A_331], %mul3A_332 : memref<2x128x128xf32, #tpu.memory_space<vmem>>[vector<16xi32>, vector<16xi32>, vector<16xi32>], vector<16xf32>,
          %add3A_333 = arith.constant 33 : i32
          %add3A_334 = vector.broadcast %add3A_333 : i32 to vector<16xi32>
          %add3A_335 = arith.addi %mul3A_286, %add3A_334 : vector<16xi32>
          %mul3A_336 = arith.mulf %unpack3A_328, %gather3A : vector<16xf32>
          tpu.vector_store_idx %arg11[%broadcast_in_dim3A, %broadcast_in_dim3A_308, %add3A_335], %mul3A_336 : memref<2x128x128xf32, #tpu.memory_space<vmem>>[vector<16xi32>, vector<16xi32>, vector<16xi32>], vector<16xf32>,
          %get3A_337 = arith.index_cast %rem3A_201 : i32 to index
          %get3A_338 = arith.index_cast %scan3A_305 : i32 to index
          %get3A_339 = arith.constant 32 : index
          %get3A_340 = tpu.vector_load %arg10[%get3A_337, %get3A_338, %get3A_339] {strides = array<i32>} : memref<2x128x64xi32, #tpu.memory_space<vmem>>, vector<16xi32>,
          %bitcast3A_341 = vector.bitcast %get3A_340 : vector<16xi32> to vector<32xbf16>
          %unpack3A_342 = tpu.unpack_subelements %bitcast3A_341, 0 {pack_format = #tpu.pack_format<interleaved>} : vector<32xbf16> -> vector<16xf32>
          %unpack3A_343 = tpu.unpack_subelements %bitcast3A_341, 1 {pack_format = #tpu.pack_format<interleaved>} : vector<32xbf16> -> vector<16xf32>
          %add3A_344 = arith.constant 64 : i32
          %add3A_345 = vector.broadcast %add3A_344 : i32 to vector<16xi32>
          %add3A_346 = arith.addi %mul3A_286, %add3A_345 : vector<16xi32>
          %mul3A_347 = arith.mulf %unpack3A_342, %gather3A : vector<16xf32>
          tpu.vector_store_idx %arg11[%broadcast_in_dim3A, %broadcast_in_dim3A_308, %add3A_346], %mul3A_347 : memref<2x128x128xf32, #tpu.memory_space<vmem>>[vector<16xi32>, vector<16xi32>, vector<16xi32>], vector<16xf32>,
          %add3A_348 = arith.constant 65 : i32
          %add3A_349 = vector.broadcast %add3A_348 : i32 to vector<16xi32>
          %add3A_350 = arith.addi %mul3A_286, %add3A_349 : vector<16xi32>
          %mul3A_351 = arith.mulf %unpack3A_343, %gather3A : vector<16xf32>
          tpu.vector_store_idx %arg11[%broadcast_in_dim3A, %broadcast_in_dim3A_308, %add3A_350], %mul3A_351 : memref<2x128x128xf32, #tpu.memory_space<vmem>>[vector<16xi32>, vector<16xi32>, vector<16xi32>], vector<16xf32>,
          %get3A_352 = arith.index_cast %rem3A_201 : i32 to index
          %get3A_353 = arith.index_cast %scan3A_305 : i32 to index
          %get3A_354 = arith.constant 48 : index
          %get3A_355 = tpu.vector_load %arg10[%get3A_352, %get3A_353, %get3A_354] {strides = array<i32>} : memref<2x128x64xi32, #tpu.memory_space<vmem>>, vector<16xi32>,
          %bitcast3A_356 = vector.bitcast %get3A_355 : vector<16xi32> to vector<32xbf16>
          %unpack3A_357 = tpu.unpack_subelements %bitcast3A_356, 0 {pack_format = #tpu.pack_format<interleaved>} : vector<32xbf16> -> vector<16xf32>
          %unpack3A_358 = tpu.unpack_subelements %bitcast3A_356, 1 {pack_format = #tpu.pack_format<interleaved>} : vector<32xbf16> -> vector<16xf32>
          %add3A_359 = arith.constant 96 : i32
          %add3A_360 = vector.broadcast %add3A_359 : i32 to vector<16xi32>
          %add3A_361 = arith.addi %mul3A_286, %add3A_360 : vector<16xi32>
          %mul3A_362 = arith.mulf %unpack3A_357, %gather3A : vector<16xf32>
          tpu.vector_store_idx %arg11[%broadcast_in_dim3A, %broadcast_in_dim3A_308, %add3A_361], %mul3A_362 : memref<2x128x128xf32, #tpu.memory_space<vmem>>[vector<16xi32>, vector<16xi32>, vector<16xi32>], vector<16xf32>,
          %add3A_363 = arith.constant 97 : i32
          %add3A_364 = vector.broadcast %add3A_363 : i32 to vector<16xi32>
          %add3A_365 = arith.addi %mul3A_286, %add3A_364 : vector<16xi32>
          %mul3A_366 = arith.mulf %unpack3A_358, %gather3A : vector<16xf32>
          tpu.vector_store_idx %arg11[%broadcast_in_dim3A, %broadcast_in_dim3A_308, %add3A_365], %mul3A_366 : memref<2x128x128xf32, #tpu.memory_space<vmem>>[vector<16xi32>, vector<16xi32>, vector<16xi32>], vector<16xf32>,
          %scan3A_367 = arith.constant 0 : i32
          scf.yield %scan3A_367 : i32
        }
        %scan3A_293 = arith.constant 128 : i32
        %dma_start3A_294 = arith.constant 0 : i32
        %dma_start3A_295 = arith.constant 0 : i32
        %dma_start3A_296 = tpu.memref_slice %arg11[%rem3A_201, %dma_start3A_294, %dma_start3A_295] : memref<2x128x128xf32, #tpu.memory_space<vmem>> -> memref<1x128x128xf32, #tpu.memory_space<vmem>>
        %dma_start3A_297 = tpu.memref_squeeze %dma_start3A_296 : memref<1x128x128xf32, #tpu.memory_space<vmem>> -> memref<128x128xf32, #tpu.memory_space<vmem>>
        %dma_start3A_298 = arith.constant 0 : i32
        %dma_start3A_299 = tpu.memref_slice %arg13[%rem3A_206, %dma_start3A_298] : memref<3x128xi32, #tpu.memory_space<vmem>> -> memref<1x128xi32, #tpu.memory_space<vmem>>
        %dma_start3A_300 = tpu.memref_squeeze %dma_start3A_299 : memref<1x128xi32, #tpu.memory_space<vmem>> -> memref<128xi32, #tpu.memory_space<vmem>>
        %dma_start3A_301 = arith.constant 0 : i32
        %dma_start3A_302 = arith.constant 0 : i32
        %dma_start3A_303 = tpu.memref_slice %arg19[%dma_start3A_301, %dma_start3A_302] : memref<10000x128xf32, #tpu.memory_space<vmem_shared>> -> memref<10000x128xf32, #tpu.memory_space<vmem_shared>>
        tpu.enqueue_indirect_dma source(%dma_start3A_297 : memref<128x128xf32, #tpu.memory_space<vmem>>) target(%dma_start3A_303 : memref<10000x128xf32, #tpu.memory_space<vmem_shared>>) offsets(%dma_start3A_300 : memref<128xi32, #tpu.memory_space<vmem>>) semaphore(%arg17 : memref<!tpu.dma_semaphore, #tpu.memory_space<semaphore_mem>>) {add = true}
        %scan3A_304 = arith.constant 0 : i32
        scf.yield %scan3A_304 : i32
      }
      %scan3A_167 = arith.constant 80 : i32
      %dma_wait3A_168 = arith.constant 0 : i32
      %dma_wait3A_169 = arith.constant 0 : i32
      %dma_wait3A_170 = arith.constant 0 : i32
      %dma_wait3A_171 = tpu.memref_slice %arg11[%dma_wait3A_168, %dma_wait3A_169, %dma_wait3A_170] : memref<2x128x128xf32, #tpu.memory_space<vmem>> -> memref<1x128x128xf32, #tpu.memory_space<vmem>>
      %dma_wait3A_172 = tpu.memref_squeeze %dma_wait3A_171 : memref<1x128x128xf32, #tpu.memory_space<vmem>> -> memref<128x128xf32, #tpu.memory_space<vmem>>
      %dma_wait3A_173 = arith.constant 0 : i32
      %dma_wait3A_174 = arith.constant 0 : i32
      %dma_wait3A_175 = tpu.memref_slice %arg7[%dma_wait3A_173, %dma_wait3A_174] : memref<10000x128xf32, #tpu.memory_space<hbm>> -> memref<128x128xf32, #tpu.memory_space<hbm>>
      %dma_wait3A_176 = arith.constant 0 : i32
      %dma_wait3A_177 = arith.constant 0 : i32
      %dma_wait3A_178 = tpu.memref_slice %arg11[%dma_wait3A_168, %dma_wait3A_176, %dma_wait3A_177] : memref<2x128x128xf32, #tpu.memory_space<vmem>> -> memref<1x128x128xf32, #tpu.memory_space<vmem>>
      %dma_wait3A_179 = tpu.memref_squeeze %dma_wait3A_178 : memref<1x128x128xf32, #tpu.memory_space<vmem>> -> memref<128x128xf32, #tpu.memory_space<vmem>>
      %dma_wait3A_180 = arith.constant 0 : i32
      %dma_wait3A_181 = arith.constant 0 : i32
      %dma_wait3A_182 = tpu.memref_slice %arg7[%dma_wait3A_180, %dma_wait3A_181] : memref<10000x128xf32, #tpu.memory_space<hbm>> -> memref<128x128xf32, #tpu.memory_space<hbm>>
      tpu.wait_dma2 semaphore(%arg17 : memref<!tpu.dma_semaphore, #tpu.memory_space<semaphore_mem>>) src(%dma_wait3A_182 : memref<128x128xf32, #tpu.memory_space<hbm>>) dst(%dma_wait3A_179 : memref<128x128xf32, #tpu.memory_space<vmem>>)
      %dma_wait3A_183 = arith.constant 0 : i32
      %dma_wait3A_184 = arith.constant 0 : i32
      %dma_wait3A_185 = arith.constant 0 : i32
      %dma_wait3A_186 = tpu.memref_slice %arg11[%dma_wait3A_183, %dma_wait3A_184, %dma_wait3A_185] : memref<2x128x128xf32, #tpu.memory_space<vmem>> -> memref<1x128x128xf32, #tpu.memory_space<vmem>>
      %dma_wait3A_187 = tpu.memref_squeeze %dma_wait3A_186 : memref<1x128x128xf32, #tpu.memory_space<vmem>> -> memref<128x128xf32, #tpu.memory_space<vmem>>
      %dma_wait3A_188 = arith.constant 0 : i32
      %dma_wait3A_189 = arith.constant 0 : i32
      %dma_wait3A_190 = tpu.memref_slice %arg7[%dma_wait3A_188, %dma_wait3A_189] : memref<10000x128xf32, #tpu.memory_space<hbm>> -> memref<128x128xf32, #tpu.memory_space<hbm>>
      %dma_wait3A_191 = arith.constant 0 : i32
      %dma_wait3A_192 = arith.constant 0 : i32
      %dma_wait3A_193 = tpu.memref_slice %arg11[%dma_wait3A_183, %dma_wait3A_191, %dma_wait3A_192] : memref<2x128x128xf32, #tpu.memory_space<vmem>> -> memref<1x128x128xf32, #tpu.memory_space<vmem>>
      %dma_wait3A_194 = tpu.memref_squeeze %dma_wait3A_193 : memref<1x128x128xf32, #tpu.memory_space<vmem>> -> memref<128x128xf32, #tpu.memory_space<vmem>>
      %dma_wait3A_195 = arith.constant 0 : i32
      %dma_wait3A_196 = arith.constant 0 : i32
      %dma_wait3A_197 = tpu.memref_slice %arg7[%dma_wait3A_195, %dma_wait3A_196] : memref<10000x128xf32, #tpu.memory_space<hbm>> -> memref<128x128xf32, #tpu.memory_space<hbm>>
      tpu.wait_dma2 semaphore(%arg17 : memref<!tpu.dma_semaphore, #tpu.memory_space<semaphore_mem>>) src(%dma_wait3A_197 : memref<128x128xf32, #tpu.memory_space<hbm>>) dst(%dma_wait3A_194 : memref<128x128xf32, #tpu.memory_space<vmem>>)
    } else {
    }
    %barrier3A_16 = arith.constant 0 : index
    tpu.barrier barrier_id(%barrier3A_16)
    %eq3A_17 = arith.constant 0 : i32
    %eq3A_18 = arith.cmpi eq, %arg0, %eq3A_17 : i32
    %convert_element_type3A_19 = arith.extui %eq3A_18 : i1 to i32
    %cond3A_20 = arith.constant 0 : i32
    %cond3A_21 = arith.cmpi ne, %convert_element_type3A_19, %cond3A_20 : i32
    scf.if %cond3A_21 {
      %lt3A_27 = arith.constant 15 : i32
      %lt3A_28 = arith.cmpi slt, %arg1, %lt3A_27 : i32
      %convert_element_type3A_29 = arith.extui %lt3A_28 : i1 to i32
      %cond3A_30 = arith.constant 0 : i32
      %cond3A_31 = arith.cmpi ne, %convert_element_type3A_29, %cond3A_30 : i32
      scf.if %cond3A_31 {
        %mul3A = arith.constant 632 : i32
        %mul3A_37 = arith.muli %arg1, %mul3A : i32
        %mul3A_38 = arith.constant 632 : i32
        %mul3A_39 = arith.muli %arg1, %mul3A_38 : i32
        "tpu.region"() ({
          %run_scoped3A = tpu.sem_alloc : memref<!tpu.dma_semaphore, #tpu.memory_space<semaphore_mem>>
          %dma_start3A = arith.constant 0 : i32
          %dma_start3A_40 = tpu.memref_slice %arg8[%mul3A_39, %dma_start3A] : memref<10000x128xf32, #tpu.memory_space<hbm>> -> memref<632x128xf32, #tpu.memory_space<hbm>>
          %dma_start3A_41 = arith.constant 0 : i32
          %dma_start3A_42 = tpu.memref_slice %arg19[%mul3A_37, %dma_start3A_41] : memref<10000x128xf32, #tpu.memory_space<vmem_shared>> -> memref<632x128xf32, #tpu.memory_space<vmem_shared>>
          tpu.enqueue_dma source(%dma_start3A_42 : memref<632x128xf32, #tpu.memory_space<vmem_shared>>) target(%dma_start3A_40 : memref<632x128xf32, #tpu.memory_space<hbm>>) target_semaphore(%run_scoped3A : memref<!tpu.dma_semaphore, #tpu.memory_space<semaphore_mem>>)
          %dma_wait3A = arith.constant 0 : i32
          %dma_wait3A_43 = tpu.memref_slice %arg8[%mul3A_39, %dma_wait3A] : memref<10000x128xf32, #tpu.memory_space<hbm>> -> memref<632x128xf32, #tpu.memory_space<hbm>>
          %dma_wait3A_44 = arith.constant 0 : i32
          %dma_wait3A_45 = tpu.memref_slice %arg19[%mul3A_37, %dma_wait3A_44] : memref<10000x128xf32, #tpu.memory_space<vmem_shared>> -> memref<632x128xf32, #tpu.memory_space<vmem_shared>>
          tpu.wait_dma2 semaphore(%run_scoped3A : memref<!tpu.dma_semaphore, #tpu.memory_space<semaphore_mem>>) src(%dma_wait3A_45 : memref<632x128xf32, #tpu.memory_space<vmem_shared>>) dst(%dma_wait3A_43 : memref<632x128xf32, #tpu.memory_space<hbm>>)
          tpu.yield
        }) : () -> ()
      } else {
      }
      %eq3A_32 = arith.constant 15 : i32
      %eq3A_33 = arith.cmpi eq, %arg1, %eq3A_32 : i32
      %convert_element_type3A_34 = arith.extui %eq3A_33 : i1 to i32
      %cond3A_35 = arith.constant 0 : i32
      %cond3A_36 = arith.cmpi ne, %convert_element_type3A_34, %cond3A_35 : i32
      scf.if %cond3A_36 {
        "tpu.region"() ({
          %run_scoped3A = tpu.sem_alloc : memref<!tpu.dma_semaphore, #tpu.memory_space<semaphore_mem>>
          %dma_start3A = arith.constant 9480 : i32
          %dma_start3A_37 = arith.constant 0 : i32
          %dma_start3A_38 = tpu.memref_slice %arg8[%dma_start3A, %dma_start3A_37] : memref<10000x128xf32, #tpu.memory_space<hbm>> -> memref<520x128xf32, #tpu.memory_space<hbm>>
          %dma_start3A_39 = arith.constant 9480 : i32
          %dma_start3A_40 = arith.constant 0 : i32
          %dma_start3A_41 = tpu.memref_slice %arg19[%dma_start3A_39, %dma_start3A_40] : memref<10000x128xf32, #tpu.memory_space<vmem_shared>> -> memref<520x128xf32, #tpu.memory_space<vmem_shared>>
          tpu.enqueue_dma source(%dma_start3A_41 : memref<520x128xf32, #tpu.memory_space<vmem_shared>>) target(%dma_start3A_38 : memref<520x128xf32, #tpu.memory_space<hbm>>) target_semaphore(%run_scoped3A : memref<!tpu.dma_semaphore, #tpu.memory_space<semaphore_mem>>)
          %dma_wait3A = arith.constant 9480 : i32
          %dma_wait3A_42 = arith.constant 0 : i32
          %dma_wait3A_43 = tpu.memref_slice %arg8[%dma_wait3A, %dma_wait3A_42] : memref<10000x128xf32, #tpu.memory_space<hbm>> -> memref<520x128xf32, #tpu.memory_space<hbm>>
          %dma_wait3A_44 = arith.constant 9480 : i32
          %dma_wait3A_45 = arith.constant 0 : i32
          %dma_wait3A_46 = tpu.memref_slice %arg19[%dma_wait3A_44, %dma_wait3A_45] : memref<10000x128xf32, #tpu.memory_space<vmem_shared>> -> memref<520x128xf32, #tpu.memory_space<vmem_shared>>
          tpu.wait_dma2 semaphore(%run_scoped3A : memref<!tpu.dma_semaphore, #tpu.memory_space<semaphore_mem>>) src(%dma_wait3A_46 : memref<520x128xf32, #tpu.memory_space<vmem_shared>>) dst(%dma_wait3A_43 : memref<520x128xf32, #tpu.memory_space<hbm>>)
          tpu.yield
        }) : () -> ()
      } else {
      }
    } else {
    }
    %eq3A_22 = arith.constant 1 : i32
    %eq3A_23 = arith.cmpi eq, %arg0, %eq3A_22 : i32
    %convert_element_type3A_24 = arith.extui %eq3A_23 : i1 to i32
    %cond3A_25 = arith.constant 0 : i32
    %cond3A_26 = arith.cmpi ne, %convert_element_type3A_24, %cond3A_25 : i32
    scf.if %cond3A_26 {
      %lt3A_27 = arith.constant 15 : i32
      %lt3A_28 = arith.cmpi slt, %arg1, %lt3A_27 : i32
      %convert_element_type3A_29 = arith.extui %lt3A_28 : i1 to i32
      %cond3A_30 = arith.constant 0 : i32
      %cond3A_31 = arith.cmpi ne, %convert_element_type3A_29, %cond3A_30 : i32
      scf.if %cond3A_31 {
        %mul3A = arith.constant 632 : i32
        %mul3A_37 = arith.muli %arg1, %mul3A : i32
        %mul3A_38 = arith.constant 632 : i32
        %mul3A_39 = arith.muli %arg1, %mul3A_38 : i32
        "tpu.region"() ({
          %run_scoped3A = tpu.sem_alloc : memref<!tpu.dma_semaphore, #tpu.memory_space<semaphore_mem>>
          %dma_start3A = arith.constant 0 : i32
          %dma_start3A_40 = tpu.memref_slice %arg9[%mul3A_39, %dma_start3A] : memref<10000x128xf32, #tpu.memory_space<hbm>> -> memref<632x128xf32, #tpu.memory_space<hbm>>
          %dma_start3A_41 = arith.constant 0 : i32
          %dma_start3A_42 = tpu.memref_slice %arg19[%mul3A_37, %dma_start3A_41] : memref<10000x128xf32, #tpu.memory_space<vmem_shared>> -> memref<632x128xf32, #tpu.memory_space<vmem_shared>>
          tpu.enqueue_dma source(%dma_start3A_42 : memref<632x128xf32, #tpu.memory_space<vmem_shared>>) target(%dma_start3A_40 : memref<632x128xf32, #tpu.memory_space<hbm>>) target_semaphore(%run_scoped3A : memref<!tpu.dma_semaphore, #tpu.memory_space<semaphore_mem>>)
          %dma_wait3A = arith.constant 0 : i32
          %dma_wait3A_43 = tpu.memref_slice %arg9[%mul3A_39, %dma_wait3A] : memref<10000x128xf32, #tpu.memory_space<hbm>> -> memref<632x128xf32, #tpu.memory_space<hbm>>
          %dma_wait3A_44 = arith.constant 0 : i32
          %dma_wait3A_45 = tpu.memref_slice %arg19[%mul3A_37, %dma_wait3A_44] : memref<10000x128xf32, #tpu.memory_space<vmem_shared>> -> memref<632x128xf32, #tpu.memory_space<vmem_shared>>
          tpu.wait_dma2 semaphore(%run_scoped3A : memref<!tpu.dma_semaphore, #tpu.memory_space<semaphore_mem>>) src(%dma_wait3A_45 : memref<632x128xf32, #tpu.memory_space<vmem_shared>>) dst(%dma_wait3A_43 : memref<632x128xf32, #tpu.memory_space<hbm>>)
          tpu.yield
        }) : () -> ()
      } else {
      }
      %eq3A_32 = arith.constant 15 : i32
      %eq3A_33 = arith.cmpi eq, %arg1, %eq3A_32 : i32
      %convert_element_type3A_34 = arith.extui %eq3A_33 : i1 to i32
      %cond3A_35 = arith.constant 0 : i32
      %cond3A_36 = arith.cmpi ne, %convert_element_type3A_34, %cond3A_35 : i32
      scf.if %cond3A_36 {
        "tpu.region"() ({
          %run_scoped3A = tpu.sem_alloc : memref<!tpu.dma_semaphore, #tpu.memory_space<semaphore_mem>>
          %dma_start3A = arith.constant 9480 : i32
          %dma_start3A_37 = arith.constant 0 : i32
          %dma_start3A_38 = tpu.memref_slice %arg9[%dma_start3A, %dma_start3A_37] : memref<10000x128xf32, #tpu.memory_space<hbm>> -> memref<520x128xf32, #tpu.memory_space<hbm>>
          %dma_start3A_39 = arith.constant 9480 : i32
          %dma_start3A_40 = arith.constant 0 : i32
          %dma_start3A_41 = tpu.memref_slice %arg19[%dma_start3A_39, %dma_start3A_40] : memref<10000x128xf32, #tpu.memory_space<vmem_shared>> -> memref<520x128xf32, #tpu.memory_space<vmem_shared>>
          tpu.enqueue_dma source(%dma_start3A_41 : memref<520x128xf32, #tpu.memory_space<vmem_shared>>) target(%dma_start3A_38 : memref<520x128xf32, #tpu.memory_space<hbm>>) target_semaphore(%run_scoped3A : memref<!tpu.dma_semaphore, #tpu.memory_space<semaphore_mem>>)
          %dma_wait3A = arith.constant 9480 : i32
          %dma_wait3A_42 = arith.constant 0 : i32
          %dma_wait3A_43 = tpu.memref_slice %arg9[%dma_wait3A, %dma_wait3A_42] : memref<10000x128xf32, #tpu.memory_space<hbm>> -> memref<520x128xf32, #tpu.memory_space<hbm>>
          %dma_wait3A_44 = arith.constant 9480 : i32
          %dma_wait3A_45 = arith.constant 0 : i32
          %dma_wait3A_46 = tpu.memref_slice %arg19[%dma_wait3A_44, %dma_wait3A_45] : memref<10000x128xf32, #tpu.memory_space<vmem_shared>> -> memref<520x128xf32, #tpu.memory_space<vmem_shared>>
          tpu.wait_dma2 semaphore(%run_scoped3A : memref<!tpu.dma_semaphore, #tpu.memory_space<semaphore_mem>>) src(%dma_wait3A_46 : memref<520x128xf32, #tpu.memory_space<vmem_shared>>) dst(%dma_wait3A_43 : memref<520x128xf32, #tpu.memory_space<hbm>>)
          tpu.yield
        }) : () -> ()
      } else {
      }
    } else {
    }
    return
  }
}

module attributes {stable_mosaic.version = 14 : i64} {
  func.func @_mm_body(%arg0: i32, %arg1: memref<2000x256xf32, #tpu.memory_space<vmem>>, %arg2: memref<256x256xf32, #tpu.memory_space<vmem>>, %arg3: memref<2000x128xf32, #tpu.memory_space<vmem>>, %arg4: memref<2000x128xf32, #tpu.memory_space<vmem>>, %arg5: memref<2000x128xbf16, #tpu.memory_space<vmem>>, %arg6: memref<2000x128xbf16, #tpu.memory_space<vmem>>) attributes {dimension_semantics = [#tpu.dimension_semantics<arbitrary>], iteration_bounds = array<i64: 5>, scalar_prefetch = 0 : i64, scratch_operands = 0 : i64, tpu.core_type = #tpu.core_type<tc>, window_params = [{transform_indices = @transform_0, window_bounds = array<i64: 2000, 256>}, {pipeline_mode = #tpu.pipeline_mode<synchronous>, transform_indices = @transform_1, window_bounds = array<i64: 256, 256>}, {transform_indices = @transform_2, window_bounds = array<i64: 2000, 128>}, {transform_indices = @transform_3, window_bounds = array<i64: 2000, 128>}, {transform_indices = @transform_4, window_bounds = array<i64: 2000, 128>}, {transform_indices = @transform_5, window_bounds = array<i64: 2000, 128>}]} {
    %get3A = arith.constant 0 : index
    %get3A_0 = arith.constant 0 : index
    %get3A_1 = vector.load %arg1[%get3A, %get3A_0] : memref<2000x256xf32, #tpu.memory_space<vmem>>, vector<2000x256xf32>
    %get3A_2 = arith.constant 0 : index
    %get3A_3 = arith.constant 0 : index
    %get3A_4 = vector.load %arg2[%get3A_2, %get3A_3] : memref<256x256xf32, #tpu.memory_space<vmem>>, vector<256x256xf32>
    %dot_general3A = arith.constant dense<0.000000e+00> : vector<2000x256xf32>
    %dot_general3A_5 = tpu.matmul %get3A_1, %get3A_4, %dot_general3A {dimension_numbers = #tpu.dot_dimension_numbers<[1], [0], [0], [1], [0, 0, 1, 1], [], []>, precision = #tpu.contract_precision<fp32>, transpose_lhs_hint = false} : vector<2000x256xf32>, vector<256x256xf32>, vector<2000x256xf32> -> vector<2000x256xf32>
    %slice3A = vector.extract_strided_slice %dot_general3A_5 {offsets = [0, 0], sizes = [2000, 128], strides = [1, 1]} : vector<2000x256xf32> to vector<2000x128xf32>
    %slice3A_6 = vector.extract_strided_slice %dot_general3A_5 {offsets = [0, 128], sizes = [2000, 128], strides = [1, 1]} : vector<2000x256xf32> to vector<2000x128xf32>
    %swap3A = arith.constant 0 : index
    %swap3A_7 = arith.constant 0 : index
    %swap3A_8 = vector.load %arg3[%swap3A, %swap3A_7] : memref<2000x128xf32, #tpu.memory_space<vmem>>, vector<2000x128xf32>
    tpu.vector_store %arg3[%swap3A, %swap3A_7], %slice3A {strides = array<i32>} : memref<2000x128xf32, #tpu.memory_space<vmem>>, vector<2000x128xf32>,
    %swap3A_9 = arith.constant 0 : index
    %swap3A_10 = arith.constant 0 : index
    %swap3A_11 = vector.load %arg4[%swap3A_9, %swap3A_10] : memref<2000x128xf32, #tpu.memory_space<vmem>>, vector<2000x128xf32>
    tpu.vector_store %arg4[%swap3A_9, %swap3A_10], %slice3A_6 {strides = array<i32>} : memref<2000x128xf32, #tpu.memory_space<vmem>>, vector<2000x128xf32>,
    %convert_element_type3A = arith.truncf %slice3A : vector<2000x128xf32> to vector<2000x128xbf16>
    %swap3A_12 = arith.constant 0 : index
    %swap3A_13 = arith.constant 0 : index
    %swap3A_14 = vector.load %arg5[%swap3A_12, %swap3A_13] : memref<2000x128xbf16, #tpu.memory_space<vmem>>, vector<2000x128xbf16>
    tpu.vector_store %arg5[%swap3A_12, %swap3A_13], %convert_element_type3A {strides = array<i32>} : memref<2000x128xbf16, #tpu.memory_space<vmem>>, vector<2000x128xbf16>,
    %convert_element_type3A_15 = arith.truncf %slice3A_6 : vector<2000x128xf32> to vector<2000x128xbf16>
    %swap3A_16 = arith.constant 0 : index
    %swap3A_17 = arith.constant 0 : index
    %swap3A_18 = vector.load %arg6[%swap3A_16, %swap3A_17] : memref<2000x128xbf16, #tpu.memory_space<vmem>>, vector<2000x128xbf16>
    tpu.vector_store %arg6[%swap3A_16, %swap3A_17], %convert_element_type3A_15 {strides = array<i32>} : memref<2000x128xbf16, #tpu.memory_space<vmem>>, vector<2000x128xbf16>,
    return
  }
  func.func @transform_0(%arg0: i32) -> (i32, i32) {
    %c0_i32 = arith.constant 0 : i32
    %c0_i32_0 = arith.constant 0 : i32
    return %arg0, %c0_i32 : i32, i32
  }
  func.func @transform_1(%arg0: i32) -> (i32, i32) {
    %c0_i32 = arith.constant 0 : i32
    %c0_i32_0 = arith.constant 0 : i32
    %c0_i32_1 = arith.constant 0 : i32
    return %c0_i32, %c0_i32_0 : i32, i32
  }
  func.func @transform_2(%arg0: i32) -> (i32, i32) {
    %c0_i32 = arith.constant 0 : i32
    %c0_i32_0 = arith.constant 0 : i32
    return %arg0, %c0_i32 : i32, i32
  }
  func.func @transform_3(%arg0: i32) -> (i32, i32) {
    %c0_i32 = arith.constant 0 : i32
    %c0_i32_0 = arith.constant 0 : i32
    return %arg0, %c0_i32 : i32, i32
  }
  func.func @transform_4(%arg0: i32) -> (i32, i32) {
    %c0_i32 = arith.constant 0 : i32
    %c0_i32_0 = arith.constant 0 : i32
    return %arg0, %c0_i32 : i32, i32
  }
  func.func @transform_5(%arg0: i32) -> (i32, i32) {
    %c0_i32 = arith.constant 0 : i32
    %c0_i32_0 = arith.constant 0 : i32
    return %arg0, %c0_i32 : i32, i32
  }
}

module attributes {stable_mosaic.version = 14 : i64} {
  func.func @_emm_body(%arg0: i32, %arg1: memref<2000x128xf32, #tpu.memory_space<vmem>>, %arg2: memref<2000x128xf32, #tpu.memory_space<vmem>>, %arg3: memref<2000x128xf32, #tpu.memory_space<vmem>>, %arg4: memref<2000x128xf32, #tpu.memory_space<vmem>>, %arg5: memref<2000x1xf32, #tpu.memory_space<vmem>>, %arg6: memref<1x256xf32, #tpu.memory_space<vmem>>, %arg7: memref<256x256xf32, #tpu.memory_space<vmem>>, %arg8: memref<2000x128xf32, #tpu.memory_space<vmem>>, %arg9: memref<2000x128xf32, #tpu.memory_space<vmem>>, %arg10: memref<2000x128xbf16, #tpu.memory_space<vmem>>, %arg11: memref<2000x128xbf16, #tpu.memory_space<vmem>>) attributes {dimension_semantics = [#tpu.dimension_semantics<arbitrary>], iteration_bounds = array<i64: 5>, scalar_prefetch = 0 : i64, scratch_operands = 0 : i64, tpu.core_type = #tpu.core_type<tc>, window_params = [{transform_indices = @transform_0, window_bounds = array<i64: 2000, 128>}, {transform_indices = @transform_1, window_bounds = array<i64: 2000, 128>}, {transform_indices = @transform_2, window_bounds = array<i64: 2000, 128>}, {transform_indices = @transform_3, window_bounds = array<i64: 2000, 128>}, {transform_indices = @transform_4, window_bounds = array<i64: 2000, 1>}, {pipeline_mode = #tpu.pipeline_mode<synchronous>, transform_indices = @transform_5, window_bounds = array<i64: 1, 256>}, {pipeline_mode = #tpu.pipeline_mode<synchronous>, transform_indices = @transform_6, window_bounds = array<i64: 256, 256>}, {transform_indices = @transform_7, window_bounds = array<i64: 2000, 128>}, {transform_indices = @transform_8, window_bounds = array<i64: 2000, 128>}, {transform_indices = @transform_9, window_bounds = array<i64: 2000, 128>}, {transform_indices = @transform_10, window_bounds = array<i64: 2000, 128>}]} {
    %get3A = arith.constant 0 : index
    %get3A_0 = arith.constant 0 : index
    %get3A_1 = vector.load %arg5[%get3A, %get3A_0] : memref<2000x1xf32, #tpu.memory_space<vmem>>, vector<2000x1xf32>
    %mul3A = arith.mulf %get3A_1, %get3A_1 : vector<2000x1xf32>
    %get3A_2 = arith.constant 0 : index
    %get3A_3 = arith.constant 0 : index
    %get3A_4 = vector.load %arg6[%get3A_2, %get3A_3] : memref<1x256xf32, #tpu.memory_space<vmem>>, vector<1x256xf32>
    %get3A_5 = arith.constant 0 : index
    %get3A_6 = arith.constant 0 : index
    %get3A_7 = vector.load %arg1[%get3A_5, %get3A_6] : memref<2000x128xf32, #tpu.memory_space<vmem>>, vector<2000x128xf32>
    %mul3A_8 = vector.broadcast %get3A_1 : vector<2000x1xf32> to vector<2000x128xf32>
    %mul3A_9 = arith.mulf %mul3A_8, %get3A_7 : vector<2000x128xf32>
    %get3A_10 = arith.constant 0 : index
    %get3A_11 = arith.constant 0 : index
    %get3A_12 = vector.load %arg3[%get3A_10, %get3A_11] : memref<2000x128xf32, #tpu.memory_space<vmem>>, vector<2000x128xf32>
    %mul3A_13 = vector.broadcast %mul3A : vector<2000x1xf32> to vector<2000x128xf32>
    %mul3A_14 = arith.mulf %mul3A_13, %get3A_12 : vector<2000x128xf32>
    %add3A = arith.addf %mul3A_9, %mul3A_14 : vector<2000x128xf32>
    %slice3A = vector.extract_strided_slice %get3A_4 {offsets = [0, 0], sizes = [1, 128], strides = [1, 1]} : vector<1x256xf32> to vector<1x128xf32>
    %add3A_15 = vector.broadcast %slice3A : vector<1x128xf32> to vector<2000x128xf32>
    %add3A_16 = arith.addf %add3A, %add3A_15 : vector<2000x128xf32>
    %max3A = arith.constant 0.000000e+00 : f32
    %max3A_17 = vector.broadcast %max3A : f32 to vector<2000x128xf32>
    %max3A_18 = arith.maximumf %add3A_16, %max3A_17 : vector<2000x128xf32>
    %get3A_19 = arith.constant 0 : index
    %get3A_20 = arith.constant 0 : index
    %get3A_21 = vector.load %arg2[%get3A_19, %get3A_20] : memref<2000x128xf32, #tpu.memory_space<vmem>>, vector<2000x128xf32>
    %mul3A_22 = vector.broadcast %get3A_1 : vector<2000x1xf32> to vector<2000x128xf32>
    %mul3A_23 = arith.mulf %mul3A_22, %get3A_21 : vector<2000x128xf32>
    %get3A_24 = arith.constant 0 : index
    %get3A_25 = arith.constant 0 : index
    %get3A_26 = vector.load %arg4[%get3A_24, %get3A_25] : memref<2000x128xf32, #tpu.memory_space<vmem>>, vector<2000x128xf32>
    %mul3A_27 = vector.broadcast %mul3A : vector<2000x1xf32> to vector<2000x128xf32>
    %mul3A_28 = arith.mulf %mul3A_27, %get3A_26 : vector<2000x128xf32>
    %add3A_29 = arith.addf %mul3A_23, %mul3A_28 : vector<2000x128xf32>
    %slice3A_30 = vector.extract_strided_slice %get3A_4 {offsets = [0, 128], sizes = [1, 128], strides = [1, 1]} : vector<1x256xf32> to vector<1x128xf32>
    %add3A_31 = vector.broadcast %slice3A_30 : vector<1x128xf32> to vector<2000x128xf32>
    %add3A_32 = arith.addf %add3A_29, %add3A_31 : vector<2000x128xf32>
    %max3A_33 = arith.constant 0.000000e+00 : f32
    %max3A_34 = vector.broadcast %max3A_33 : f32 to vector<2000x128xf32>
    %max3A_35 = arith.maximumf %add3A_32, %max3A_34 : vector<2000x128xf32>
    %concatenate3A = tpu.concatenate %max3A_18, %max3A_35 in 1 : vector<2000x128xf32>, vector<2000x128xf32> -> vector<2000x256xf32>
    %get3A_36 = arith.constant 0 : index
    %get3A_37 = arith.constant 0 : index
    %get3A_38 = vector.load %arg7[%get3A_36, %get3A_37] : memref<256x256xf32, #tpu.memory_space<vmem>>, vector<256x256xf32>
    %dot_general3A = arith.constant dense<0.000000e+00> : vector<2000x256xf32>
    %dot_general3A_39 = tpu.matmul %concatenate3A, %get3A_38, %dot_general3A {dimension_numbers = #tpu.dot_dimension_numbers<[1], [0], [0], [1], [0, 0, 1, 1], [], []>, precision = #tpu.contract_precision<fp32>, transpose_lhs_hint = false} : vector<2000x256xf32>, vector<256x256xf32>, vector<2000x256xf32> -> vector<2000x256xf32>
    %slice3A_40 = vector.extract_strided_slice %dot_general3A_39 {offsets = [0, 0], sizes = [2000, 128], strides = [1, 1]} : vector<2000x256xf32> to vector<2000x128xf32>
    %slice3A_41 = vector.extract_strided_slice %dot_general3A_39 {offsets = [0, 128], sizes = [2000, 128], strides = [1, 1]} : vector<2000x256xf32> to vector<2000x128xf32>
    %swap3A = arith.constant 0 : index
    %swap3A_42 = arith.constant 0 : index
    %swap3A_43 = vector.load %arg8[%swap3A, %swap3A_42] : memref<2000x128xf32, #tpu.memory_space<vmem>>, vector<2000x128xf32>
    tpu.vector_store %arg8[%swap3A, %swap3A_42], %slice3A_40 {strides = array<i32>} : memref<2000x128xf32, #tpu.memory_space<vmem>>, vector<2000x128xf32>,
    %swap3A_44 = arith.constant 0 : index
    %swap3A_45 = arith.constant 0 : index
    %swap3A_46 = vector.load %arg9[%swap3A_44, %swap3A_45] : memref<2000x128xf32, #tpu.memory_space<vmem>>, vector<2000x128xf32>
    tpu.vector_store %arg9[%swap3A_44, %swap3A_45], %slice3A_41 {strides = array<i32>} : memref<2000x128xf32, #tpu.memory_space<vmem>>, vector<2000x128xf32>,
    %convert_element_type3A = arith.truncf %slice3A_40 : vector<2000x128xf32> to vector<2000x128xbf16>
    %swap3A_47 = arith.constant 0 : index
    %swap3A_48 = arith.constant 0 : index
    %swap3A_49 = vector.load %arg10[%swap3A_47, %swap3A_48] : memref<2000x128xbf16, #tpu.memory_space<vmem>>, vector<2000x128xbf16>
    tpu.vector_store %arg10[%swap3A_47, %swap3A_48], %convert_element_type3A {strides = array<i32>} : memref<2000x128xbf16, #tpu.memory_space<vmem>>, vector<2000x128xbf16>,
    %convert_element_type3A_50 = arith.truncf %slice3A_41 : vector<2000x128xf32> to vector<2000x128xbf16>
    %swap3A_51 = arith.constant 0 : index
    %swap3A_52 = arith.constant 0 : index
    %swap3A_53 = vector.load %arg11[%swap3A_51, %swap3A_52] : memref<2000x128xbf16, #tpu.memory_space<vmem>>, vector<2000x128xbf16>
    tpu.vector_store %arg11[%swap3A_51, %swap3A_52], %convert_element_type3A_50 {strides = array<i32>} : memref<2000x128xbf16, #tpu.memory_space<vmem>>, vector<2000x128xbf16>,
    return
  }
  func.func @transform_0(%arg0: i32) -> (i32, i32) {
    %c0_i32 = arith.constant 0 : i32
    %c0_i32_0 = arith.constant 0 : i32
    return %arg0, %c0_i32 : i32, i32
  }
  func.func @transform_1(%arg0: i32) -> (i32, i32) {
    %c0_i32 = arith.constant 0 : i32
    %c0_i32_0 = arith.constant 0 : i32
    return %arg0, %c0_i32 : i32, i32
  }
  func.func @transform_2(%arg0: i32) -> (i32, i32) {
    %c0_i32 = arith.constant 0 : i32
    %c0_i32_0 = arith.constant 0 : i32
    return %arg0, %c0_i32 : i32, i32
  }
  func.func @transform_3(%arg0: i32) -> (i32, i32) {
    %c0_i32 = arith.constant 0 : i32
    %c0_i32_0 = arith.constant 0 : i32
    return %arg0, %c0_i32 : i32, i32
  }
  func.func @transform_4(%arg0: i32) -> (i32, i32) {
    %c0_i32 = arith.constant 0 : i32
    %c0_i32_0 = arith.constant 0 : i32
    return %arg0, %c0_i32 : i32, i32
  }
  func.func @transform_5(%arg0: i32) -> (i32, i32) {
    %c0_i32 = arith.constant 0 : i32
    %c0_i32_0 = arith.constant 0 : i32
    %c0_i32_1 = arith.constant 0 : i32
    return %c0_i32, %c0_i32_0 : i32, i32
  }
  func.func @transform_6(%arg0: i32) -> (i32, i32) {
    %c0_i32 = arith.constant 0 : i32
    %c0_i32_0 = arith.constant 0 : i32
    %c0_i32_1 = arith.constant 0 : i32
    return %c0_i32, %c0_i32_0 : i32, i32
  }
  func.func @transform_7(%arg0: i32) -> (i32, i32) {
    %c0_i32 = arith.constant 0 : i32
    %c0_i32_0 = arith.constant 0 : i32
    return %arg0, %c0_i32 : i32, i32
  }
  func.func @transform_8(%arg0: i32) -> (i32, i32) {
    %c0_i32 = arith.constant 0 : i32
    %c0_i32_0 = arith.constant 0 : i32
    return %arg0, %c0_i32 : i32, i32
  }
  func.func @transform_9(%arg0: i32) -> (i32, i32) {
    %c0_i32 = arith.constant 0 : i32
    %c0_i32_0 = arith.constant 0 : i32
    return %arg0, %c0_i32 : i32, i32
  }
  func.func @transform_10(%arg0: i32) -> (i32, i32) {
    %c0_i32 = arith.constant 0 : i32
    %c0_i32_0 = arith.constant 0 : i32
    return %arg0, %c0_i32 : i32, i32
  }
}

module attributes {stable_mosaic.version = 14 : i64} {
  func.func @_epi_body(%arg0: i32, %arg1: memref<2000x128xf32, #tpu.memory_space<vmem>>, %arg2: memref<2000x128xf32, #tpu.memory_space<vmem>>, %arg3: memref<2000x128xf32, #tpu.memory_space<vmem>>, %arg4: memref<2000x128xf32, #tpu.memory_space<vmem>>, %arg5: memref<2000x1xf32, #tpu.memory_space<vmem>>, %arg6: memref<1x256xf32, #tpu.memory_space<vmem>>, %arg7: memref<2000x256xf32, #tpu.memory_space<vmem>>) attributes {dimension_semantics = [#tpu.dimension_semantics<arbitrary>], iteration_bounds = array<i64: 5>, scalar_prefetch = 0 : i64, scratch_operands = 0 : i64, tpu.core_type = #tpu.core_type<tc>, window_params = [{transform_indices = @transform_0, window_bounds = array<i64: 2000, 128>}, {transform_indices = @transform_1, window_bounds = array<i64: 2000, 128>}, {transform_indices = @transform_2, window_bounds = array<i64: 2000, 128>}, {transform_indices = @transform_3, window_bounds = array<i64: 2000, 128>}, {transform_indices = @transform_4, window_bounds = array<i64: 2000, 1>}, {pipeline_mode = #tpu.pipeline_mode<synchronous>, transform_indices = @transform_5, window_bounds = array<i64: 1, 256>}, {transform_indices = @transform_6, window_bounds = array<i64: 2000, 256>}]} {
    %get3A = arith.constant 0 : index
    %get3A_0 = arith.constant 0 : index
    %get3A_1 = vector.load %arg5[%get3A, %get3A_0] : memref<2000x1xf32, #tpu.memory_space<vmem>>, vector<2000x1xf32>
    %mul3A = arith.mulf %get3A_1, %get3A_1 : vector<2000x1xf32>
    %get3A_2 = arith.constant 0 : index
    %get3A_3 = arith.constant 0 : index
    %get3A_4 = vector.load %arg6[%get3A_2, %get3A_3] : memref<1x256xf32, #tpu.memory_space<vmem>>, vector<1x256xf32>
    %get3A_5 = arith.constant 0 : index
    %get3A_6 = arith.constant 0 : index
    %get3A_7 = vector.load %arg1[%get3A_5, %get3A_6] : memref<2000x128xf32, #tpu.memory_space<vmem>>, vector<2000x128xf32>
    %mul3A_8 = vector.broadcast %get3A_1 : vector<2000x1xf32> to vector<2000x128xf32>
    %mul3A_9 = arith.mulf %mul3A_8, %get3A_7 : vector<2000x128xf32>
    %get3A_10 = arith.constant 0 : index
    %get3A_11 = arith.constant 0 : index
    %get3A_12 = vector.load %arg3[%get3A_10, %get3A_11] : memref<2000x128xf32, #tpu.memory_space<vmem>>, vector<2000x128xf32>
    %mul3A_13 = vector.broadcast %mul3A : vector<2000x1xf32> to vector<2000x128xf32>
    %mul3A_14 = arith.mulf %mul3A_13, %get3A_12 : vector<2000x128xf32>
    %add3A = arith.addf %mul3A_9, %mul3A_14 : vector<2000x128xf32>
    %slice3A = vector.extract_strided_slice %get3A_4 {offsets = [0, 0], sizes = [1, 128], strides = [1, 1]} : vector<1x256xf32> to vector<1x128xf32>
    %add3A_15 = vector.broadcast %slice3A : vector<1x128xf32> to vector<2000x128xf32>
    %add3A_16 = arith.addf %add3A, %add3A_15 : vector<2000x128xf32>
    %get3A_17 = arith.constant 0 : index
    %get3A_18 = arith.constant 0 : index
    %get3A_19 = vector.load %arg2[%get3A_17, %get3A_18] : memref<2000x128xf32, #tpu.memory_space<vmem>>, vector<2000x128xf32>
    %mul3A_20 = vector.broadcast %get3A_1 : vector<2000x1xf32> to vector<2000x128xf32>
    %mul3A_21 = arith.mulf %mul3A_20, %get3A_19 : vector<2000x128xf32>
    %get3A_22 = arith.constant 0 : index
    %get3A_23 = arith.constant 0 : index
    %get3A_24 = vector.load %arg4[%get3A_22, %get3A_23] : memref<2000x128xf32, #tpu.memory_space<vmem>>, vector<2000x128xf32>
    %mul3A_25 = vector.broadcast %mul3A : vector<2000x1xf32> to vector<2000x128xf32>
    %mul3A_26 = arith.mulf %mul3A_25, %get3A_24 : vector<2000x128xf32>
    %add3A_27 = arith.addf %mul3A_21, %mul3A_26 : vector<2000x128xf32>
    %slice3A_28 = vector.extract_strided_slice %get3A_4 {offsets = [0, 128], sizes = [1, 128], strides = [1, 1]} : vector<1x256xf32> to vector<1x128xf32>
    %add3A_29 = vector.broadcast %slice3A_28 : vector<1x128xf32> to vector<2000x128xf32>
    %add3A_30 = arith.addf %add3A_27, %add3A_29 : vector<2000x128xf32>
    %max3A = arith.constant 0.000000e+00 : f32
    %max3A_31 = vector.broadcast %max3A : f32 to vector<2000x128xf32>
    %max3A_32 = arith.maximumf %add3A_16, %max3A_31 : vector<2000x128xf32>
    %swap3A = arith.constant 0 : index
    %swap3A_33 = arith.constant 0 : index
    %swap3A_34 = vector.load %arg7[%swap3A, %swap3A_33] : memref<2000x256xf32, #tpu.memory_space<vmem>>, vector<2000x128xf32>
    tpu.vector_store %arg7[%swap3A, %swap3A_33], %max3A_32 {strides = array<i32>} : memref<2000x256xf32, #tpu.memory_space<vmem>>, vector<2000x128xf32>,
    %max3A_35 = arith.constant 0.000000e+00 : f32
    %max3A_36 = vector.broadcast %max3A_35 : f32 to vector<2000x128xf32>
    %max3A_37 = arith.maximumf %add3A_30, %max3A_36 : vector<2000x128xf32>
    %swap3A_38 = arith.constant 0 : index
    %swap3A_39 = arith.constant 128 : index
    %swap3A_40 = vector.load %arg7[%swap3A_38, %swap3A_39] : memref<2000x256xf32, #tpu.memory_space<vmem>>, vector<2000x128xf32>
    tpu.vector_store %arg7[%swap3A_38, %swap3A_39], %max3A_37 {strides = array<i32>} : memref<2000x256xf32, #tpu.memory_space<vmem>>, vector<2000x128xf32>,
    return
  }
  func.func @transform_0(%arg0: i32) -> (i32, i32) {
    %c0_i32 = arith.constant 0 : i32
    %c0_i32_0 = arith.constant 0 : i32
    return %arg0, %c0_i32 : i32, i32
  }
  func.func @transform_1(%arg0: i32) -> (i32, i32) {
    %c0_i32 = arith.constant 0 : i32
    %c0_i32_0 = arith.constant 0 : i32
    return %arg0, %c0_i32 : i32, i32
  }
  func.func @transform_2(%arg0: i32) -> (i32, i32) {
    %c0_i32 = arith.constant 0 : i32
    %c0_i32_0 = arith.constant 0 : i32
    return %arg0, %c0_i32 : i32, i32
  }
  func.func @transform_3(%arg0: i32) -> (i32, i32) {
    %c0_i32 = arith.constant 0 : i32
    %c0_i32_0 = arith.constant 0 : i32
    return %arg0, %c0_i32 : i32, i32
  }
  func.func @transform_4(%arg0: i32) -> (i32, i32) {
    %c0_i32 = arith.constant 0 : i32
    %c0_i32_0 = arith.constant 0 : i32
    return %arg0, %c0_i32 : i32, i32
  }
  func.func @transform_5(%arg0: i32) -> (i32, i32) {
    %c0_i32 = arith.constant 0 : i32
    %c0_i32_0 = arith.constant 0 : i32
    %c0_i32_1 = arith.constant 0 : i32
    return %c0_i32, %c0_i32_0 : i32, i32
  }
  func.func @transform_6(%arg0: i32) -> (i32, i32) {
    %c0_i32 = arith.constant 0 : i32
    %c0_i32_0 = arith.constant 0 : i32
    return %arg0, %c0_i32 : i32, i32
  }
}

</mosaic_0001>

<sc_bundles>
// kernel: kernel.11.cloned.1.call-start
scs
__scs_entry_jumppad:
0x0: {  	(pc) =	sbr.rel $0x88, $3  }
0x1: {  	(tag) =	ssettag $0x0;
	lr =	simm.s32 $0x1  }
0x2: {  	[smem:$0x3F9A] =	sst lr;
	_ =	strace $0xD0000000  }
0x3: {  	_ = 	snop  }
0x4: {  	_ = 	snop  }
0x5: {  	_ = 	snop  }
0x6: {  	_ = 	snop  }
0x7: {  	_ = 	snop  }
__scs_overlays_trampoline_lowered:
0x8: {  	[smem:$0x3FA9] =	sst s0  }
0x9: {  	[smem:$0x3FAA] =	sst s1  }
0xa: {  	[smem:$0x3FAB] =	sst s2  }
0xb: {  	[smem:$0x3FAC] =	sst s3  }
0xc: {  	[smem:$0x3FAD] =	sst s4  }
0xd: {  	[smem:$0x3FAE] =	sst s5  }
0xe: {  	[smem:$0x3FAF] =	sst s6  }
0xf: {  	[smem:$0x3FB0] =	sst s7  }
0x10: {  	[smem:$0x3FB1] =	sst s8  }
0x11: {  	[smem:$0x3FB2] =	sst s9;
	s0 =	simm.s32 @!p0 $0x0  }
0x12: {  	s1 =	sld [smem:$0x3F98];
	s0 =	simm.s32 @p0 $0x1  }
0x13: {  	[smem:$0x3FB3] =	sst s0;
	s0 =	simm.s32 @!p1 $0x0  }
0x14: {  	s2 =	sld [smem:$0x3F97];
	s0 =	simm.s32 @p1 $0x1  }
0x15: {  	[smem:$0x3FB4] =	sst s0;
	s0 =	simm.s32 @!p2 $0x0  }
0x16: {  	s3 =	sld [smem:$0x3FDB];
	s0 =	simm.s32 @p2 $0x1  }
0x17: {  	s4 =	simm.s32 $0x1BF5;
	[smem:$0x3FB6] =	sst s0  }
0x18: {  	s0 =	sld [smem:$0x3F99];
	_ =	swait.ge [sflag:s4], $0x0  }
0x19: {  	s7 =	sld [smem:$0x3F9A]  }
0x1a: {  	s8 =	sadd.s32 $0xFFFFE003, lr  }
0x1b: {  	s9 =	sadd.s32 $0xFFFFFEF7, lr;
	s5 =	simm.s32 $0xFFFFFFFF;
	p2 =	slt.u32 s8, $0xFFFFF086  }
0x1c: {  	p1 =	slt.u32 s9, $0xF7A;
	s5 =	simm.s32 @!p2 $0x0  }
0x1d: {  	s5 =	simm.s32 @p1 $0x1;
	p0 =	seq.s32 s7, s2  }
0x1e: {  	s7 =	smul.u32 @!p0 $0xF7A, s2;
	p2 =	seq.s32 @!p0 s5, $0x0  }
0x1f: {  	s9 =	smul.u32 $0xF7A, s1;
	s8 =	simm.s32 @!p0 $0x1BF5;
	p2 =	por !p2, p0  }
0x20: {  	[sflag:s8] =	ssyncset.s32 @!p0 $0xFFFFF086;
	s6 =	sadd.s32 @!p0 s3, s7;
	s7 =	simm.s32 @!p0 $0x108  }
0x21: {  	s3 =	sadd.s32 s3, s9;
	s6 =	sadd.s32 @!p0 $0x88, s6;
	s7 =	simm.s32 @p2 $0x1082  }
0x22: {  	[simem:s7], [sflag:s8] =	dma.local @!p0 [hbm:s6], $0xF7A  }
0x23: {  	s9 =	sor.u32 $0xD0000000, s2;
	s6 =	simm.s32 $0x108;
	_ =	swait.ge @!p0 [sflag:s8], $0x0  }
0x24: {  	s3 =	sadd.s32 $0x88, s3;
	s6 =	simm.s32 @!p1 $0x1082;
	[sflag:s4] =	ssyncset.s32 $0xFFFFF086  }
0x25: {  	[simem:s6], [sflag:s4] =	dma.local [hbm:s3], $0xF7A  }
0x26: {  	[smem:$0x3F9A] =	sst s1;
	(tag) =	ssettag s2;
	_ =	strace s9  }
0x27: {  	s1 =	sld [smem:$0x3FAA]  }
0x28: {  	s2 =	sld [smem:$0x3FAB]  }
0x29: {  	s4 =	sld [smem:$0x3FAD]  }
0x2a: {  	p0 =	seq.s32 s5, $0x0;
	s5 =	sld [smem:$0x3FAE]  }
0x2b: {  	s6 =	sld [smem:$0x3FAF]  }
0x2c: {  	s7 =	sld [smem:$0x3FB0]  }
0x2d: {  	s3 =	simm.s32 $0x108;
	s8 =	sld [smem:$0x3FB1]  }
0x2e: {  	s3 =	simm.s32 @!p0 $0x1082;
	s9 =	sld [smem:$0x3FB2]  }
0x2f: {  	lr =	sadd.s32 s0, s3;
	s0 =	sld [smem:$0x3FA9]  }
0x30: {  	s3 =	sld [smem:$0x3FAC]  }
0x31: {  	[smem:$0x3FB5] =	sst s10  }
0x32: {  	s10 =	sld [smem:$0x3FB3];
	_ =	sdelay $0x3  }
0x33: {  	p0 =	seq.s32 s10, $0x1;
	s10 =	sld [smem:$0x3FB5];
	_ =	sdelay $0x3  }
0x34: {  	[smem:$0x3FB5] =	sst s10  }
0x35: {  	s10 =	sld [smem:$0x3FB4];
	_ =	sdelay $0x3  }
0x36: {  	p1 =	seq.s32 s10, $0x1;
	s10 =	sld [smem:$0x3FB5];
	_ =	sdelay $0x3  }
0x37: {  	[smem:$0x3FB5] =	sst s10  }
0x38: {  	s10 =	sld [smem:$0x3FB6]  }
0x39: {  	_ = 	snop;
	(pc) =	sbr.ind lr, $3  }
0x3a: {  	_ = 	snop  }
0x3b: {  	_ = 	snop  }
0x3c: {  	p2 =	seq.s32 s10, $0x1;
	s10 =	sld [smem:$0x3FB5]  }
0x3d: {  	_ =	shalt  }
0x3e: {  	_ =	shalt  }
0x3f: {  	_ =	shalt  }
0x40: {  	_ =	shalt  }
0x41: {  	_ =	shalt  }
0x42: {  	_ =	shalt  }
0x43: {  	_ =	shalt  }
0x44: {  	_ =	shalt  }
0x45: {  	_ =	shalt  }
0x46: {  	_ =	shalt  }
0x47: {  	_ =	shalt  }
0x48: {  	_ =	shalt  }
0x49: {  	_ =	shalt  }
0x4a: {  	_ =	shalt  }
0x4b: {  	_ =	shalt  }
0x4c: {  	_ =	shalt  }
0x4d: {  	_ =	shalt  }
0x4e: {  	_ =	shalt  }
0x4f: {  	_ =	shalt  }
0x50: {  	_ =	shalt  }
0x51: {  	_ =	shalt  }
0x52: {  	_ =	shalt  }
0x53: {  	_ =	shalt  }
0x54: {  	_ =	shalt  }
0x55: {  	_ =	shalt  }
0x56: {  	_ =	shalt  }
0x57: {  	_ =	shalt  }
0x58: {  	_ =	shalt  }
0x59: {  	_ =	shalt  }
0x5a: {  	_ =	shalt  }
0x5b: {  	_ =	shalt  }
0x5c: {  	_ =	shalt  }
0x5d: {  	_ =	shalt  }
0x5e: {  	_ =	shalt  }
0x5f: {  	_ =	shalt  }
0x60: {  	_ =	shalt  }
0x61: {  	_ =	shalt  }
0x62: {  	_ =	shalt  }
0x63: {  	_ =	shalt  }
0x64: {  	_ =	shalt  }
0x65: {  	_ =	shalt  }
0x66: {  	_ =	shalt  }
0x67: {  	_ =	shalt  }
0x68: {  	_ =	shalt  }
0x69: {  	_ =	shalt  }
0x6a: {  	_ =	shalt  }
0x6b: {  	_ =	shalt  }
0x6c: {  	_ =	shalt  }
0x6d: {  	_ =	shalt  }
0x6e: {  	_ =	shalt  }
0x6f: {  	_ =	shalt  }
0x70: {  	_ =	shalt  }
0x71: {  	_ =	shalt  }
0x72: {  	_ =	shalt  }
0x73: {  	_ =	shalt  }
0x74: {  	_ =	shalt  }
0x75: {  	_ =	shalt  }
0x76: {  	_ =	shalt  }
0x77: {  	_ =	shalt  }
0x78: {  	_ =	shalt  }
0x79: {  	_ =	shalt  }
0x7a: {  	_ =	shalt  }
0x7b: {  	_ =	shalt  }
0x7c: {  	_ =	shalt  }
0x7d: {  	_ =	shalt  }
0x7e: {  	_ =	shalt  }
0x7f: {  	_ =	shalt  }
0x80: {  	_ =	shalt  }
0x81: {  	_ =	shalt  }
0x82: {  	_ =	shalt  }
0x83: {  	_ =	shalt  }
0x84: {  	_ =	shalt  }
0x85: {  	_ =	shalt  }
0x86: {  	_ =	shalt  }
0x87: {  	_ =	shalt  }
.Lfunc_end0:
.L_simem_size_0:
called_computation.1_lowered:
.L_overlay_start_0:
0x88: {  	s2 =	sld [smem:$0x3FD9]  }
0x89: {  	s3 =	sld [smem:$0x3FFE];
	_ =	sdelay $0x1  }
0x8a: {  	s1 =	srdreg.scid  }
0x8b: {  	s0 =	sand.u32 $0x1, s1  }
0x8c: {  	s17 =	sshll.u32 s0, $0xA;
	s2 =	sadd.s32 s3, s2  }
0x8d: {  	s2 =	sadd.s32 s2, s17  }
0x8e: {  	[smem:$0x3FC1] =	sst s2  }
0x8f: {  	_ = 	snop  }
0x90: {  	s2 =	sld [smem:$0x3FD0];
	(tm) =	ssettm $0x1  }
0x91: {  	s18 =	sld [smem:$0x3FFB];
	_ =	sdelay $0x3  }
0x92: {  	_ =	strace s18  }
0x93: {  	s3 =	sld [smem:$0x3FFC];
	_ =	sdelay $0x3  }
0x94: {  	_ =	strace s3  }
0x95: {  	s3 =	sld [smem:$0x3FFD];
	_ =	sdelay $0x3  }
0x96: {  	_ =	strace s3  }
0x97: {  	_ =	strace $0x8FFFFFFF  }
0x98: {  	s19 =	sld [smem:$0x3FDB];
	_ =	sdelay $0x1  }
0x99: {  	s4 =	simm.s32 $_scs_section_size  }
0x9a: {  	s5 =	simm.s32 $_size__tile_overlayer_lowered;
	s6 =	simm.s32 $_tile_overlayer_lowered  }
0x9b: {  	s22 =	simm.s32 $0x1BFF;
	s21 =	sshll.u32 s6, $0x1;
	s3 =	sadd.s32 s4, s19  }
0x9c: {  	s7 =	simm.s32 $0x0;
	s20 =	sshll.u32 s5, $0x1;
	s5 =	sadd.s32 s21, s3  }
0x9d: {  	[timem:s7], [sflag:s22] =	dma.local [hbm:s5], s20  }
0x9e: {  	_ =	swait.ge [sflag:s22], s20  }
0x9f: {  	s4 =	ssub.s32 $0x0, s20;
	[sflag:s22] =	ssyncset.done $0x0  }
0xa0: {  	[sflag:s22] =	ssyncadd.s32 s4;
	_ =	sdelay $0x1  }
0xa1: {  	s23 =	simm.s32 $0x1B8B  }
0xa2: {  	_ =	swait.ge [sflag:s23], $0x1  }
0xa3: {  	[sflag:s23] =	ssyncset.done $0x0  }
0xa4: {  	s25 =	simm.s32 $0x1B8E;
	s24 =	sld [smem:$0x3FFE];
	[sflag:s23] =	ssyncadd.s32 $0xFFFFFFFF  }
0xa5: {  	s26 =	simm.s32 $execute0_lowered;
	[smem:$0x3FD2] =	sst s25  }
0xa6: {  	s5 =	sshll.u32 s26, $0x1;
	_ =	strace $0x80000049;
	[dreg:$0x1] =	wrdreg $0xFFFFFFFF  }
0xa7: {  	s28 =	simm.s32 $_size_execute0_lowered;
	s3 =	sadd.s32 s3, s5;
	[dreg:$0x0] =	wrdreg $0x0  }
0xa8: {  	s5 =	sshll.u32 s28, $0x1;
	[dreg:$0x2] =	wrdreg s3  }
0xa9: {  	[dreg:$0x3] =	wrdreg s5  }
0xaa: {  	[dreg:$0x4] =	wrdreg $0xC0  }
0xab: {  	_ =	task [dreg:s7], $0x5FFFF  }
0xac: {  	[dreg:$0x1] =	wrdreg $0xFFFFFFFF  }
0xad: {  	[dreg:$0x0] =	wrdreg $0x60  }
0xae: {  	[dreg:$0x2] =	wrdreg s24  }
0xaf: {  	[dreg:$0x3] =	wrdreg s2  }
0xb0: {  	[dreg:$0x4] =	wrdreg $0xC5000  }
0xb1: {  	[dreg:$0x5] =	wrdreg $0x9  }
0xb2: {  	_ =	task.clear_ibuf [dreg:s7], $0x6FFFF;
	_ =	strace $0x90000049  }
0xb3: {  	s29 =	simm.s32 $0x9;
	_ =	strace $0x8000004B  }
0xb4: {  	_ =	swait.ge [sflag:s29], $0x1  }
0xb5: {  	[sflag:s29] =	ssyncadd.s32 $0xFFFFFFFF  }
0xb6: {  	_ =	strace $0x9000004B  }
0xb7: {  	_ =	sfence  }
0xb8: {  	s30 =	sld [smem:$0x0];
	_ =	sdelay $0x2  }
0xb9: {  	s31 =	sshll.u32 s1, $0xD;
	s1 =	sshrl.u32 s1, $0x2  }
0xba: {  	s3 =	sand.u32 $0x4000, s31;
	s1 =	sadd.s32 s1, s30  }
0xbb: {  	s0 =	sor.u32 s3, s0;
	s1 =	sshll.u32 s1, $0x11  }
0xbc: {  	s0 =	sor.u32 s1, s0  }
0xbd: {  	s0 =	sadd.s32 $0x8F2B, s0  }
0xbe: {  	[sflag:s0] =	ssyncadd.remote.s32 $0x1  }
0xbf: {  	_ =	sfence.sel $0xFFFF  }
0xc0: {  	[dreg:$0x0] =	wrdreg $0xFFFFFFFF;
	(pc) =	sbr.abs _section_cstart, $3  }
0xc1: {  	[dreg:$0x1] =	wrdreg $0xFFFFFFFF  }
0xc2: {  	_ =	task.clear_ibuf [dreg:s7], $0x2FFFF;
	_ =	strace $0x9FFFFFFF  }
0xc3: {  	(tm) =	ssettm $0x7FFFFFFF  }
tec
execute0_lowered:
.L_overlay_start_1:
0x0: {  	(tag) =	ssettag $0x1  }
0x1: {  	s0 =	rddreg [dreg:$0x0]  }
0x2: {  	s2 =	rddreg [dreg:$0x1]  }
0x3: {  	s1 =	rddreg [dreg:$0x2];
	s3 =	simm.s32 $0x0  }
0x4: {  	s16 =	stileid.u32;
	s8 =	srdreg.scid;
	s28 =	simm.s32 $0x1  }
0x5: {  	s29 =	simm.s32 $0xC480;
	s30 =	simm.s32 $0x4000;
	s31 =	simm.s32 $0x2  }
0x6: {  	[smem:$0x7FF] =	sst s3;
	s4 =	sadd.s32 $0x72800, s0;
	s5 =	sadd.s32 $0x5EE00, s0  }
0x7: {  	s10 =	smul.u32 $0x13C00, s16;
	s6 =	sadd.s32 $0x6400, s0;
	s7 =	sadd.s32 $0x1400, s0  }
0x8: {  	s11 =	sand.u32 $0x1, s8;
	s8 =	sadd.s32 $0xBA00, s0;
	s9 =	smul.u32 $0x2800, s16  }
0x9: {  	s18 =	sadd.s32 $0x128400, s1;
	s25 =	sadd.s32 $0xD2480, s0;
	p0 =	seq.s32 s16, $0xF  }
0xa: {  	_ =	strace $0x8000004A;
	s13 =	ssub.s32 $0x2, s11;
	[dreg:$0x6] =	wrdreg s18  }
0xb: {  	[dreg:$0xd] =	wrdreg s25;
	p1 =	sne.s32 s11, $0x0;
	s25 =	simm.s32 $0xC000  }
0xc: {  	s12 =	sshrl.u32 s10, $0x3;
	s15 =	sshrl.u32 s13, $0x1;
	s10 =	sadd.s32 s10, s1  }
0xd: {  	s19 =	sshrl.u32 s9, $0x3;
	[dreg:$0x4] =	wrdreg s10;
	s17 =	sadd.s32 s2, s12  }
0xe: {  	s14 =	sadd.s32 s12, s0;
	s2 =	sadd.s32 $0x25080, s2;
	[dreg:$0x5] =	wrdreg s17  }
0xf: {  	s13 =	ssub.s32 s13, s15;
	s20 =	sadd.s32 s6, s19;
	[dreg:$0x7] =	wrdreg s2  }
0x10: {  	s21 =	sadd.s32 s7, s19;
	s22 =	sor.u32 $0x10, s19;
	[dreg:$0x8] =	wrdreg s20  }
0x11: {  	v0 =	vlaneseq.u32;
	s0 =	sadd.s32 $0xAB280, s0;
	[dreg:$0x9] =	wrdreg s21;
	s2 =	sadd.s32 s8, s19  }
.Ltmp0:
0x12: {  	v0 =	vmul.u32 $0x2, v0;
	s23 =	sadd.s32 s6, s22;
	[dreg:$0xf] =	wrdreg s0;
	(pc) =	sbr.rel .LBB2_1-.Ltmp0, $4  }
0x13: {  	s18 =	sadd.s32 s7, s22;
	s19 =	sadd.s32 s8, s22;
	[dreg:$0xa] =	wrdreg s2  }
0x14: {  	v1 =	vor.u32 $0x1, v0;
	s24 =	sadd.s32 $0xAD400, s14;
	s26 =	sadd.s32 $0x86200, s14;
	[dreg:$0xb] =	wrdreg s23  }
0x15: {  	v2 =	vor.u32 $0x20, v0;
	v3 =	vor.u32 $0x21, v0;
	v4 =	vor.u32 $0x40, v0;
	s0 =	simm.s32 $0x3;
	s20 =	simm.s32 $0x0;
	[dreg:$0xc] =	wrdreg s24  }
0x16: {  	v5 =	vor.u32 $0x41, v0;
	v6 =	vor.u32 $0x60, v0;
	v7 =	vor.u32 $0x61, v0;
	[dreg:$0xe] =	wrdreg s26;
	s24 =	smax.u32 s13, $0x1;
	s26 =	simm.s32 $0x80  }
.LBB2_12:
0x17: {  	s20 =	sadd.s32 $0x1, s20  }
0x18: {  	p2 =	sne.s32 s20, s24  }
.Ltmp1:
0x19: {  	_ = 	snop;
	(pc) =	sbr.rel @!p2 .LBB2_13-.Ltmp1, $1  }
0x1a: {  	_ =	sdelay $0x3  }
.LBB2_1:
0x1b: {  	s2 =	rddreg [dreg:$0x6]  }
0x1c: {  	s10 =	rddreg [dreg:$0x7];
	s23 =	sshrl.u32 @p0 s2, $0x3;
	s2 =	simm.s32 @p0 $0x1FC4  }
0x1d: {  	[spmem:s23], [sflag:s2] =	dma.local @p0 [hbm:s10], $0x2080  }
0x1e: {  	s2 =	simm.s32 @p0 $0x4  }
0x1f: {  	_ =	swait.ge @p0 [sflag:s2], $0x2080  }
0x20: {  	s10 =	stileid.u32;
	[sflag:s2] =	ssyncset.done @p0 $0x0  }
0x21: {  	s10 =	sshll.u32 @!p0 s10, $0x6;
	[sflag:s2] =	ssyncadd.s32 @p0 $0xFFFFDF80;
	s2 =	rddreg [dreg:$0x4]  }
0x22: {  	s21 =	sor.u32 @!p0 $0x1C04, s10;
	s22 =	sshrl.u32 @!p0 s2, $0x3;
	s2 =	rddreg [dreg:$0x5]  }
0x23: {  	[spmem:s22], [sflag:s21] =	dma.local @!p0 [hbm:s2], $0x2780  }
0x24: {  	s2 =	simm.s32 @!p0 $0x4  }
0x25: {  	_ =	swait.ge @!p0 [sflag:s2], $0x2780  }
0x26: {  	[sflag:s2] =	ssyncset.done @!p0 $0x0  }
0x27: {  	[sflag:s2] =	ssyncadd.s32 @!p0 $0xFFFFD880  }
0x28: {  	[bflag:$0x0] =	sbarrier.arrive $0xFFFF  }
0x29: {  	s17 =	rddreg [dreg:$0x8]  }
0x2a: {  	[tilespmem:s25], [sflag:$0x3] =	stream.linear.gather [hbm4b:s17+s3], $0x80, $0x38;
	[tilespmem:$0x1FD80] =	vst v63  }
0x2b: {  	s11 =	simm.s32 $0xC180;
	s10 =	rddreg [dreg:$0x9]  }
0x2c: {  	[tilespmem:s11], [sflag:$0x3] =	stream.linear.gather [hbm4b:s10+s3], $0x80, $0x38;
	[tilespmem:$0x1FD80] =	vst v63  }
0x2d: {  	s13 =	simm.s32 $0xC300;
	s12 =	rddreg [dreg:$0xa]  }
0x2e: {  	[tilespmem:s13], [sflag:$0x3] =	stream.linear.gather [hbm4b:s12+s3], $0x80, $0x38;
	[tilespmem:$0x1FD80] =	vst v63  }
0x2f: {  	s15 =	simm.s32 $0xC080;
	s14 =	rddreg [dreg:$0xb]  }
0x30: {  	[tilespmem:s15], [sflag:$0x3] =	stream.linear.gather [hbm4b:s14+s3], $0x80, $0x38;
	[tilespmem:$0x1FD80] =	vst v63  }
0x31: {  	s16 =	simm.s32 $0xC200  }
0x32: {  	[tilespmem:s16], [sflag:$0x3] =	stream.linear.gather [hbm4b:s18+s3], $0x80, $0x38;
	[tilespmem:$0x1FD80] =	vst v63  }
0x33: {  	s17 =	simm.s32 $0xC380  }
0x34: {  	[tilespmem:s17], [sflag:$0x3] =	stream.linear.gather [hbm4b:s19+s3], $0x80, $0x38;
	[tilespmem:$0x1FD80] =	vst v63  }
0x35: {  	_ =	swait.ge [sflag:s0], $0x80  }
0x36: {  	[sflag:s0] =	ssyncset.done $0x0  }
0x37: {  	[sflag:s0] =	ssyncadd.s32 $0xFFFFFF80  }
0x38: {  	_ =	swait.ge [sflag:s0], $0x80  }
.Ltmp2:
0x39: {  	[sflag:s0] =	ssyncset.done $0x0;
	(pc) =	sbr.rel @p1 .LBB2_7-.Ltmp2, $4  }
0x3a: {  	[sflag:s0] =	ssyncadd.s32 $0xFFFFFF80  }
0x3b: {  	_ =	swait.ge [sflag:s0], $0x80  }
0x3c: {  	[sflag:s0] =	ssyncset.done $0x0  }
0x3d: {  	s2 =	simm.s32 $0x0;
	[sflag:s0] =	ssyncadd.s32 $0xFFFFFF80  }
0x3e: {  	[tilespmem:s2], [sflag:$0x1] =	stream.indirect.gather [hbm4b:s4+s26], $0x40, s25, s26, $0xb8;
	[tilespmem:$0x1FD80] =	vst v63  }
0x3f: {  	p2 =	por $0x0, $0x0;
	s10 =	simm.s32 $0x0  }
.LBB2_3:
0x40: {  	p3 =	seq.s32 s10, $0x4F  }
0x41: {  	p4 =	sgt.u32 @!p3 s10, $0x4D  }
0x42: {  	p4 =	por p4, p3  }
0x43: {  	s11 =	simm.s32 @!p3 $0x3;
	s13 =	sadd.s32 @!p4 $0x2, s10  }
0x44: {  	s12 =	smov.u32 s10;
	_ =	swait.ge @!p3 [sflag:s11], $0x80;
	s10 =	smul.u32 @!p4 $0xAB, s13  }
0x45: {  	[sflag:s11] =	ssyncset.done @!p3 $0x0  }
0x46: {  	[sflag:s11] =	ssyncadd.s32 @!p3 $0xFFFFFF80;
	s10 =	sshrl.u32 @!p4 s10, $0x9  }
0x47: {  	_ =	swait.ge @!p3 [sflag:s11], $0x80;
	s10 =	sand.u32 @!p4 $0x7F, s10  }
0x48: {  	[sflag:s11] =	ssyncset.done @!p3 $0x0;
	s14 =	smul.u32 @!p4 $0x3, s10  }
0x49: {  	s16 =	simm.s32 @!p4 $0x0;
	[sflag:s11] =	ssyncadd.s32 @!p3 $0xFFFFFF80  }
0x4a: {  	_ =	swait.ge @!p3 [sflag:s11], $0x80;
	s14 =	ssub.s32 @!p4 s13, s14;
	s13 =	sshll.u32 @!p4 s13, $0x7  }
0x4b: {  	[sflag:s11] =	ssyncset.done @!p3 $0x0;
	s14 =	sand.u32 @!p4 $0xFF, s14;
	s13 =	sadd.s32 @!p4 s9, s13  }
0x4c: {  	[sflag:s11] =	ssyncadd.s32 @!p3 $0xFFFFFF80;
	s11 =	sshll.u32 @!p4 s14, $0x7;
	s13 =	sshrl.u32 @!p4 s13, $0x3  }
0x4d: {  	s10 =	sadd.s32 $0x1, s12;
	s14 =	sor.u32 @!p4 $0xC000, s11;
	s15 =	sadd.s32 @!p4 s6, s13  }
0x4e: {  	[tilespmem:s14], [sflag:$0x3] =	stream.linear.gather @!p4 [hbm4b:s15+s16], $0x80, $0x38;
	[tilespmem:$0x1FD80] =	vst v63  }
0x4f: {  	s17 =	smul.u32 @!p3 $0xAB, s10;
	s14 =	sadd.s32 @!p4 $0xC180, s11;
	s15 =	sadd.s32 @!p4 s7, s13  }
0x50: {  	[tilespmem:s14], [sflag:$0x3] =	stream.linear.gather @!p4 [hbm4b:s15+s16], $0x80, $0x38;
	[tilespmem:$0x1FD80] =	vst v63  }
0x51: {  	s14 =	sshrl.u32 @!p3 s17, $0x9  }
0x52: {  	s11 =	sadd.s32 @!p4 $0xC300, s11;
	s13 =	sadd.s32 @!p4 s8, s13;
	s14 =	smul.u32 @!p3 $0x3, s14  }
0x53: {  	[tilespmem:s11], [sflag:$0x3] =	stream.linear.gather @!p4 [hbm4b:s13+s16], $0x80, $0x38;
	[tilespmem:$0x1FD80] =	vst v63  }
0x54: {  	s13 =	ssub.s32 @!p3 s10, s14  }
0x55: {  	s16 =	smul.u32 $0xAB, s12;
	s13 =	sand.u32 @!p3 $0x7F, s13  }
0x56: {  	s15 =	simm.s32 @!p3 $0x80;
	s14 =	sshll.u32 @!p3 s10, $0xD;
	s13 =	sshll.u32 @!p3 s13, $0x7  }
0x57: {  	s11 =	sshrl.u32 s16, $0x9;
	s14 =	sand.u32 @!p3 $0x2000, s14;
	s13 =	sor.u32 @!p3 $0xC000, s13  }
0x58: {  	[tilespmem:s14], [sflag:$0x1] =	stream.indirect.gather @!p3 [hbm4b:s4+s15], $0x40, s13, s15, $0xb8;
	[tilespmem:$0x1FD80] =	vst v63  }
0x59: {  	s11 =	sand.u32 $0x7F, s11;
	_ =	swait.ge [sflag:s28], $0x2000  }
0x5a: {  	s11 =	smul.u32 $0x3, s11;
	p3 =	slt.u32 s12, $0x2;
	[sflag:s28] =	ssyncset.done $0x0  }
0x5b: {  	s13 =	simm.s32 @!p3 $0x2;
	[sflag:s28] =	ssyncadd.s32 $0xFFFFE000  }
0x5c: {  	s11 =	ssub.s32 s12, s11;
	_ =	swait.ge @!p3 [sflag:s13], $0x4000  }
0x5d: {  	s11 =	sand.u32 $0xFF, s11;
	[sflag:s13] =	ssyncset.done @!p3 $0x0  }
0x5e: {  	s11 =	sshll.u32 s11, $0x7;
	[sflag:s13] =	ssyncadd.s32 @!p3 $0xFFFFC000  }
0x5f: {  	v8 =	vld [tilespmem:s11+$0xC300];
	_ =	sdelay $0x4  }
0x60: {  	[tilespmem:$0xC480] =	vst v8  }
0x61: {  	v8 =	vld [tilespmem:s11+$0xC310];
	_ =	sdelay $0x4  }
0x62: {  	[tilespmem:$0xC490] =	vst v8  }
0x63: {  	v8 =	vld [tilespmem:s11+$0xC320];
	_ =	sdelay $0x4  }
0x64: {  	[tilespmem:$0xC4A0] =	vst v8  }
0x65: {  	v8 =	vld [tilespmem:s11+$0xC330];
	_ =	sdelay $0x4  }
0x66: {  	[tilespmem:$0xC4B0] =	vst v8  }
0x67: {  	v8 =	vld [tilespmem:s11+$0xC340];
	_ =	sdelay $0x4  }
0x68: {  	[tilespmem:$0xC4C0] =	vst v8  }
0x69: {  	v8 =	vld [tilespmem:s11+$0xC350];
	_ =	sdelay $0x4  }
0x6a: {  	[tilespmem:$0xC4D0] =	vst v8  }
0x6b: {  	v8 =	vld [tilespmem:s11+$0xC360];
	_ =	sdelay $0x4  }
0x6c: {  	[tilespmem:$0xC4E0] =	vst v8  }
0x6d: {  	v8 =	vld [tilespmem:s11+$0xC370];
	_ =	sdelay $0x1  }
0x6e: {  	v9 =	vmov s2;
	s13 =	simm.s32 $0x1  }
0x6f: {  	s13 =	simm.s32 @!p2 $0x0  }
0x70: {  	s13 =	sshll.u32 s13, $0xD  }
0x71: {  	s12 =	sand.u32 $0x1, s12;
	s13 =	sor.u32 $0x20, s13;
	[tilespmem:$0xC4F0] =	vst v8  }
0x72: {  	s12 =	sshll.u32 s12, $0xE;
	v10 =	vld [tilespmem:s13+$0xFFFFFFE0]  }
0x73: {  	v11 =	vshll.u32 v9, $0x7;
	v8 =	vmov s12;
	v9 =	vld.idx.msk [tilespmem:v9+s29+$0x0], $0xffff  }
0x74: {  	v11 =	vadd.s32 v8, v11  }
0x75: {  	v12 =	vor.u32 v0, v11  }
0x76: {  	v13 =	vor.u32 v1, v11  }
0x77: {  	v14 =	vunpack.i.l.bf16.f32 v10  }
0x78: {  	v10 =	vunpack.i.u.bf16.f32 v10;
	v14 =	vmul.f32 v14, v9  }
0x79: {  	v10 =	vmul.f32 v10, v9  }
0x7a: {  	[tilespmem:v12+s30+$0x0] =	vst.idx.msk $0xffff, v14  }
0x7b: {  	[tilespmem:v13+s30+$0x0] =	vst.idx.msk $0xffff, v10  }
0x7c: {  	v10 =	vld [tilespmem:s13+$0xFFFFFFF0];
	_ =	sdelay $0x2  }
0x7d: {  	v12 =	vor.u32 v2, v11  }
0x7e: {  	v13 =	vor.u32 v3, v11  }
0x7f: {  	v14 =	vunpack.i.l.bf16.f32 v10  }
0x80: {  	v10 =	vunpack.i.u.bf16.f32 v10;
	v14 =	vmul.f32 v14, v9  }
0x81: {  	v10 =	vmul.f32 v10, v9  }
0x82: {  	[tilespmem:v12+s30+$0x0] =	vst.idx.msk $0xffff, v14  }
0x83: {  	[tilespmem:v13+s30+$0x0] =	vst.idx.msk $0xffff, v10  }
0x84: {  	v10 =	vld [tilespmem:s13+$0x0];
	_ =	sdelay $0x2  }
0x85: {  	v12 =	vor.u32 v4, v11  }
0x86: {  	v13 =	vor.u32 v5, v11  }
0x87: {  	v14 =	vunpack.i.l.bf16.f32 v10  }
0x88: {  	v10 =	vunpack.i.u.bf16.f32 v10;
	v14 =	vmul.f32 v14, v9  }
0x89: {  	v10 =	vmul.f32 v10, v9  }
0x8a: {  	[tilespmem:v12+s30+$0x0] =	vst.idx.msk $0xffff, v14  }
0x8b: {  	[tilespmem:v13+s30+$0x0] =	vst.idx.msk $0xffff, v10  }
0x8c: {  	v10 =	vld [tilespmem:s13+$0x10];
	_ =	sdelay $0x2  }
0x8d: {  	v13 =	vor.u32 v6, v11;
	_ =	sdelay $0x1  }
0x8e: {  	s17 =	simm.s32 $0x1;
	v11 =	vor.u32 v7, v11;
	v12 =	vunpack.i.l.bf16.f32 v10  }
0x8f: {  	v14 =	vunpack.i.u.bf16.f32 v10;
	v10 =	vmov s17;
	v15 =	vmul.f32 v12, v9  }
0x90: {  	v12 =	vmul.f32 v14, v9;
	v9 =	vshll.u32 v10, $0x7  }
0x91: {  	s14 =	simm.s32 $0x2;
	v9 =	vadd.s32 v8, v9;
	[tilespmem:v13+s30+$0x0] =	vst.idx.msk $0xffff, v15  }
.LBB2_4:
0x92: {  	p3 =	sne.s32 s14, $0x7F  }
0x93: {  	[tilespmem:v11+s30+$0x0] =	vst.idx.msk $0xffff, v12;
	s13 =	sadd.s32 $0x40, s13;
	s15 =	smov.u32 s14;
	s14 =	sadd.s32 $0x1, s14  }
0x94: {  	v11 =	vld [tilespmem:s13+$0xFFFFFFE0]  }
0x95: {  	v12 =	vld.idx.msk [tilespmem:v10+s29+$0x0], $0xffff;
	_ =	sdelay $0x2  }
0x96: {  	v10 =	vor.u32 v0, v9  }
0x97: {  	v13 =	vor.u32 v1, v9  }
0x98: {  	v14 =	vunpack.i.l.bf16.f32 v11  }
0x99: {  	v11 =	vunpack.i.u.bf16.f32 v11;
	v14 =	vmul.f32 v14, v12  }
0x9a: {  	v11 =	vmul.f32 v11, v12  }
0x9b: {  	[tilespmem:v10+s30+$0x0] =	vst.idx.msk $0xffff, v14  }
0x9c: {  	[tilespmem:v13+s30+$0x0] =	vst.idx.msk $0xffff, v11  }
0x9d: {  	v10 =	vld [tilespmem:s13+$0xFFFFFFF0];
	_ =	sdelay $0x2  }
0x9e: {  	v11 =	vor.u32 v2, v9  }
0x9f: {  	v13 =	vor.u32 v3, v9  }
0xa0: {  	v14 =	vunpack.i.u.bf16.f32 v10;
	v10 =	vunpack.i.l.bf16.f32 v10  }
0xa1: {  	v10 =	vmul.f32 v10, v12;
	v14 =	vmul.f32 v14, v12;
	_ =	sdelay $0x1  }
0xa2: {  	[tilespmem:v11+s30+$0x0] =	vst.idx.msk $0xffff, v10  }
0xa3: {  	[tilespmem:v13+s30+$0x0] =	vst.idx.msk $0xffff, v14  }
0xa4: {  	v10 =	vld [tilespmem:s13+$0x0];
	_ =	sdelay $0x2  }
0xa5: {  	v11 =	vor.u32 v4, v9  }
0xa6: {  	v13 =	vor.u32 v5, v9  }
0xa7: {  	v14 =	vunpack.i.u.bf16.f32 v10;
	v10 =	vunpack.i.l.bf16.f32 v10  }
0xa8: {  	v10 =	vmul.f32 v10, v12;
	v14 =	vmul.f32 v14, v12;
	_ =	sdelay $0x1  }
0xa9: {  	[tilespmem:v11+s30+$0x0] =	vst.idx.msk $0xffff, v10  }
0xaa: {  	[tilespmem:v13+s30+$0x0] =	vst.idx.msk $0xffff, v14  }
0xab: {  	v10 =	vld [tilespmem:s13+$0x10];
	_ =	sdelay $0x2  }
0xac: {  	v13 =	vor.u32 v6, v9  }
.Ltmp3:
0xad: {  	v11 =	vor.u32 v7, v9;
	(pc) =	sbr.rel @p3 .LBB2_4-.Ltmp3, $4  }
0xae: {  	v9 =	vunpack.i.u.bf16.f32 v10;
	v14 =	vunpack.i.l.bf16.f32 v10  }
0xaf: {  	v10 =	vmov s15;
	v14 =	vmul.f32 v14, v12;
	v12 =	vmul.f32 v9, v12  }
0xb0: {  	v9 =	vshll.u32 v10, $0x7  }
0xb1: {  	v9 =	vadd.s32 v8, v9;
	[tilespmem:v13+s30+$0x0] =	vst.idx.msk $0xffff, v14  }
0xb2: {  	_ =	sdelay $0x3  }
0xb3: {  	[tilespmem:v11+s30+$0x0] =	vst.idx.msk $0xffff, v12;
	s13 =	sadd.s32 $0x40, s13  }
0xb4: {  	v8 =	vld [tilespmem:s13+$0xFFFFFFE0]  }
0xb5: {  	v10 =	vld.idx.msk [tilespmem:v10+s29+$0x0], $0xffff;
	_ =	sdelay $0x1  }
0xb6: {  	v53 =	vor.u32 v0, v9  }
0xb7: {  	v54 =	vor.u32 v1, v9  }
0xb8: {  	v13 =	vunpack.i.l.bf16.f32 v8  }
0xb9: {  	v8 =	vunpack.i.u.bf16.f32 v8;
	v13 =	vmul.f32 v13, v10  }
0xba: {  	v8 =	vmul.f32 v8, v10  }
0xbb: {  	[tilespmem:v53+s30+$0x0] =	vst.idx.msk $0xffff, v13  }
0xbc: {  	[tilespmem:v54+s30+$0x0] =	vst.idx.msk $0xffff, v8  }
0xbd: {  	v8 =	vld [tilespmem:s13+$0xFFFFFFF0];
	_ =	sdelay $0x2  }
0xbe: {  	v55 =	vor.u32 v2, v9  }
0xbf: {  	v56 =	vor.u32 v3, v9  }
0xc0: {  	v57 =	vunpack.i.l.bf16.f32 v8  }
0xc1: {  	v8 =	vunpack.i.u.bf16.f32 v8;
	v13 =	vmul.f32 v57, v10  }
0xc2: {  	v8 =	vmul.f32 v8, v10  }
0xc3: {  	[tilespmem:v55+s30+$0x0] =	vst.idx.msk $0xffff, v13  }
0xc4: {  	[tilespmem:v56+s30+$0x0] =	vst.idx.msk $0xffff, v8  }
0xc5: {  	v8 =	vld [tilespmem:s13+$0x0];
	_ =	sdelay $0x2  }
0xc6: {  	v58 =	vor.u32 v4, v9  }
0xc7: {  	v59 =	vor.u32 v5, v9  }
0xc8: {  	v60 =	vunpack.i.l.bf16.f32 v8  }
0xc9: {  	v8 =	vunpack.i.u.bf16.f32 v8;
	v13 =	vmul.f32 v60, v10  }
0xca: {  	v8 =	vmul.f32 v8, v10  }
0xcb: {  	[tilespmem:v58+s30+$0x0] =	vst.idx.msk $0xffff, v13  }
0xcc: {  	[tilespmem:v59+s30+$0x0] =	vst.idx.msk $0xffff, v8  }
0xcd: {  	v8 =	vld [tilespmem:s13+$0x10];
	_ =	sdelay $0x2  }
0xce: {  	v61 =	vor.u32 v6, v9  }
0xcf: {  	v62 =	vor.u32 v7, v9  }
0xd0: {  	p3 =	sne.s32 s10, $0x50;
	v63 =	vunpack.i.l.bf16.f32 v8  }
.Ltmp4:
0xd1: {  	v8 =	vunpack.i.u.bf16.f32 v8;
	v12 =	vmul.f32 v63, v10;
	(pc) =	sbr.rel @p3 .LBB2_3-.Ltmp4, $4  }
0xd2: {  	v8 =	vmul.f32 v8, v10  }
0xd3: {  	[tilespmem:v61+s30+$0x0] =	vst.idx.msk $0xffff, v12  }
0xd4: {  	s12 =	sadd.s32 $0x4000, s12;
	s11 =	sadd.s32 $0xC180, s11;
	p2 =	por !p2, !p2;
	[tilespmem:v62+s30+$0x0] =	vst.idx.msk $0xffff, v8  }
0xd5: {  	[spmem:s1] =	stream.indirect.scatter.add.f32 [tilespmem:s12], [sflag:$0x2], $0x80, s11, s26, $0xb8;
	[tilespmem:$0x1FD80] =	vst v63  }
0xd6: {  	_ =	swait.ge [sflag:s31], $0x4000  }
0xd7: {  	[sflag:s31] =	ssyncset.done $0x0  }
0xd8: {  	[sflag:s31] =	ssyncadd.s32 $0xFFFFC000  }
0xd9: {  	_ =	swait.ge [sflag:s31], $0x4000  }
0xda: {  	[sflag:s31] =	ssyncset.done $0x0  }
0xdb: {  	[sflag:s31] =	ssyncadd.s32 $0xFFFFC000  }
0xdc: {  	[bflag:$0x0] =	sbarrier.arrive $0xFFFF  }
0xdd: {  	s2 =	simm.s32 @p0 $0x1FC4;
	s10 =	rddreg [dreg:$0xf]  }
0xde: {  	[hbm:s10], [sflag:s2] =	dma.local @p0 [spmem:s23], $0x2080  }
0xdf: {  	s2 =	simm.s32 @p0 $0x4  }
0xe0: {  	_ =	swait.ge @p0 [sflag:s2], $0x2080  }
0xe1: {  	[sflag:s2] =	ssyncset.done @p0 $0x0  }
0xe2: {  	[sflag:s2] =	ssyncadd.s32 @p0 $0xFFFFDF80;
	s2 =	rddreg [dreg:$0xe]  }
0xe3: {  	[hbm:s2], [sflag:s21] =	dma.local @!p0 [spmem:s22], $0x2780  }
.Ltmp5:
0xe4: {  	_ = 	snop;
	(pc) =	sbr.rel .LBB2_12-.Ltmp5, $4  }
0xe5: {  	s2 =	simm.s32 @!p0 $0x4  }
0xe6: {  	_ =	swait.ge @!p0 [sflag:s2], $0x2780  }
0xe7: {  	[sflag:s2] =	ssyncset.done @!p0 $0x0  }
0xe8: {  	[sflag:s2] =	ssyncadd.s32 @!p0 $0xFFFFD880  }
.LBB2_7:
0xe9: {  	[tilespmem:s2], [sflag:$0x1] =	stream.indirect.gather [hbm4b:s5+s26], $0x40, s25, s26, $0xb8;
	[tilespmem:$0x1FD80] =	vst v63  }
0xea: {  	p2 =	por $0x0, $0x0;
	s10 =	simm.s32 $0x0  }
.LBB2_8:
0xeb: {  	p3 =	seq.s32 s10, $0x4F  }
0xec: {  	p4 =	sgt.u32 @!p3 s10, $0x4D  }
0xed: {  	p4 =	por p4, p3  }
0xee: {  	s11 =	simm.s32 @!p3 $0x3;
	s13 =	sadd.s32 @!p4 $0x2, s10  }
0xef: {  	s12 =	smov.u32 s10;
	_ =	swait.ge @!p3 [sflag:s11], $0x80;
	s10 =	smul.u32 @!p4 $0xAB, s13  }
0xf0: {  	[sflag:s11] =	ssyncset.done @!p3 $0x0  }
0xf1: {  	[sflag:s11] =	ssyncadd.s32 @!p3 $0xFFFFFF80;
	s10 =	sshrl.u32 @!p4 s10, $0x9  }
0xf2: {  	_ =	swait.ge @!p3 [sflag:s11], $0x80;
	s10 =	sand.u32 @!p4 $0x7F, s10  }
0xf3: {  	[sflag:s11] =	ssyncset.done @!p3 $0x0;
	s14 =	smul.u32 @!p4 $0x3, s10  }
0xf4: {  	s16 =	simm.s32 @!p4 $0x0;
	[sflag:s11] =	ssyncadd.s32 @!p3 $0xFFFFFF80  }
0xf5: {  	_ =	swait.ge @!p3 [sflag:s11], $0x80;
	s14 =	ssub.s32 @!p4 s13, s14;
	s13 =	sshll.u32 @!p4 s13, $0x7  }
0xf6: {  	[sflag:s11] =	ssyncset.done @!p3 $0x0;
	s14 =	sand.u32 @!p4 $0xFF, s14;
	s13 =	sadd.s32 @!p4 s9, s13  }
0xf7: {  	[sflag:s11] =	ssyncadd.s32 @!p3 $0xFFFFFF80;
	s11 =	sshll.u32 @!p4 s14, $0x7;
	s13 =	sshrl.u32 @!p4 s13, $0x3  }
0xf8: {  	s10 =	sadd.s32 $0x1, s12;
	s14 =	sor.u32 @!p4 $0xC000, s11;
	s15 =	sadd.s32 @!p4 s6, s13  }
0xf9: {  	[tilespmem:s14], [sflag:$0x3] =	stream.linear.gather @!p4 [hbm4b:s15+s16], $0x80, $0x38;
	[tilespmem:$0x1FD80] =	vst v63  }
0xfa: {  	s17 =	smul.u32 @!p3 $0xAB, s10;
	s14 =	sadd.s32 @!p4 $0xC180, s11;
	s15 =	sadd.s32 @!p4 s7, s13  }
0xfb: {  	[tilespmem:s14], [sflag:$0x3] =	stream.linear.gather @!p4 [hbm4b:s15+s16], $0x80, $0x38;
	[tilespmem:$0x1FD80] =	vst v63  }
0xfc: {  	s14 =	sshrl.u32 @!p3 s17, $0x9  }
0xfd: {  	s11 =	sadd.s32 @!p4 $0xC300, s11;
	s13 =	sadd.s32 @!p4 s8, s13;
	s14 =	smul.u32 @!p3 $0x3, s14  }
0xfe: {  	[tilespmem:s11], [sflag:$0x3] =	stream.linear.gather @!p4 [hbm4b:s13+s16], $0x80, $0x38;
	[tilespmem:$0x1FD80] =	vst v63  }
0xff: {  	s13 =	ssub.s32 @!p3 s10, s14  }
0x100: {  	s16 =	smul.u32 $0xAB, s12;
	s13 =	sand.u32 @!p3 $0x7F, s13  }
0x101: {  	s15 =	simm.s32 @!p3 $0x80;
	s14 =	sshll.u32 @!p3 s10, $0xD;
	s13 =	sshll.u32 @!p3 s13, $0x7  }
0x102: {  	s11 =	sshrl.u32 s16, $0x9;
	s14 =	sand.u32 @!p3 $0x2000, s14;
	s13 =	sor.u32 @!p3 $0xC000, s13  }
0x103: {  	[tilespmem:s14], [sflag:$0x1] =	stream.indirect.gather @!p3 [hbm4b:s5+s15], $0x40, s13, s15, $0xb8;
	[tilespmem:$0x1FD80] =	vst v63  }
0x104: {  	s11 =	sand.u32 $0x7F, s11;
	_ =	swait.ge [sflag:s28], $0x2000  }
0x105: {  	s11 =	smul.u32 $0x3, s11;
	p3 =	slt.u32 s12, $0x2;
	[sflag:s28] =	ssyncset.done $0x0  }
0x106: {  	s13 =	simm.s32 @!p3 $0x2;
	[sflag:s28] =	ssyncadd.s32 $0xFFFFE000  }
0x107: {  	s11 =	ssub.s32 s12, s11;
	_ =	swait.ge @!p3 [sflag:s13], $0x4000  }
0x108: {  	s11 =	sand.u32 $0xFF, s11;
	[sflag:s13] =	ssyncset.done @!p3 $0x0  }
0x109: {  	s11 =	sshll.u32 s11, $0x7;
	[sflag:s13] =	ssyncadd.s32 @!p3 $0xFFFFC000  }
0x10a: {  	v8 =	vld [tilespmem:s11+$0xC300];
	_ =	sdelay $0x4  }
0x10b: {  	[tilespmem:$0xC480] =	vst v8  }
0x10c: {  	v8 =	vld [tilespmem:s11+$0xC310];
	_ =	sdelay $0x4  }
0x10d: {  	[tilespmem:$0xC490] =	vst v8  }
0x10e: {  	v8 =	vld [tilespmem:s11+$0xC320];
	_ =	sdelay $0x4  }
0x10f: {  	[tilespmem:$0xC4A0] =	vst v8  }
0x110: {  	v8 =	vld [tilespmem:s11+$0xC330];
	_ =	sdelay $0x4  }
0x111: {  	[tilespmem:$0xC4B0] =	vst v8  }
0x112: {  	v8 =	vld [tilespmem:s11+$0xC340];
	_ =	sdelay $0x4  }
0x113: {  	[tilespmem:$0xC4C0] =	vst v8  }
0x114: {  	v8 =	vld [tilespmem:s11+$0xC350];
	_ =	sdelay $0x4  }
0x115: {  	[tilespmem:$0xC4D0] =	vst v8  }
0x116: {  	v8 =	vld [tilespmem:s11+$0xC360];
	_ =	sdelay $0x4  }
0x117: {  	[tilespmem:$0xC4E0] =	vst v8  }
0x118: {  	v8 =	vld [tilespmem:s11+$0xC370];
	_ =	sdelay $0x1  }
0x119: {  	v9 =	vmov s2;
	s13 =	simm.s32 $0x1  }
0x11a: {  	s13 =	simm.s32 @!p2 $0x0  }
0x11b: {  	s13 =	sshll.u32 s13, $0xD  }
0x11c: {  	s12 =	sand.u32 $0x1, s12;
	s13 =	sor.u32 $0x20, s13;
	[tilespmem:$0xC4F0] =	vst v8  }
0x11d: {  	s12 =	sshll.u32 s12, $0xE;
	v10 =	vld [tilespmem:s13+$0xFFFFFFE0]  }
0x11e: {  	v11 =	vshll.u32 v9, $0x7;
	v8 =	vmov s12;
	v9 =	vld.idx.msk [tilespmem:v9+s29+$0x0], $0xffff  }
0x11f: {  	v11 =	vadd.s32 v8, v11  }
0x120: {  	v12 =	vor.u32 v0, v11  }
0x121: {  	v13 =	vor.u32 v1, v11  }
0x122: {  	v14 =	vunpack.i.l.bf16.f32 v10  }
0x123: {  	v10 =	vunpack.i.u.bf16.f32 v10;
	v14 =	vmul.f32 v14, v9  }
0x124: {  	v10 =	vmul.f32 v10, v9  }
0x125: {  	[tilespmem:v12+s30+$0x0] =	vst.idx.msk $0xffff, v14  }
0x126: {  	[tilespmem:v13+s30+$0x0] =	vst.idx.msk $0xffff, v10  }
0x127: {  	v10 =	vld [tilespmem:s13+$0xFFFFFFF0];
	_ =	sdelay $0x2  }
0x128: {  	v12 =	vor.u32 v2, v11  }
0x129: {  	v13 =	vor.u32 v3, v11  }
0x12a: {  	v14 =	vunpack.i.l.bf16.f32 v10  }
0x12b: {  	v10 =	vunpack.i.u.bf16.f32 v10;
	v14 =	vmul.f32 v14, v9  }
0x12c: {  	v10 =	vmul.f32 v10, v9  }
0x12d: {  	[tilespmem:v12+s30+$0x0] =	vst.idx.msk $0xffff, v14  }
0x12e: {  	[tilespmem:v13+s30+$0x0] =	vst.idx.msk $0xffff, v10  }
0x12f: {  	v10 =	vld [tilespmem:s13+$0x0];
	_ =	sdelay $0x2  }
0x130: {  	v12 =	vor.u32 v4, v11  }
0x131: {  	v13 =	vor.u32 v5, v11  }
0x132: {  	v14 =	vunpack.i.l.bf16.f32 v10  }
0x133: {  	v10 =	vunpack.i.u.bf16.f32 v10;
	v14 =	vmul.f32 v14, v9  }
0x134: {  	v10 =	vmul.f32 v10, v9  }
0x135: {  	[tilespmem:v12+s30+$0x0] =	vst.idx.msk $0xffff, v14  }
0x136: {  	[tilespmem:v13+s30+$0x0] =	vst.idx.msk $0xffff, v10  }
0x137: {  	v10 =	vld [tilespmem:s13+$0x10];
	_ =	sdelay $0x2  }
0x138: {  	v13 =	vor.u32 v6, v11;
	_ =	sdelay $0x1  }
0x139: {  	s17 =	simm.s32 $0x1;
	v11 =	vor.u32 v7, v11;
	v12 =	vunpack.i.l.bf16.f32 v10  }
0x13a: {  	v14 =	vunpack.i.u.bf16.f32 v10;
	v10 =	vmov s17;
	v15 =	vmul.f32 v12, v9  }
0x13b: {  	v12 =	vmul.f32 v14, v9;
	v9 =	vshll.u32 v10, $0x7  }
0x13c: {  	s14 =	simm.s32 $0x2;
	v9 =	vadd.s32 v8, v9;
	[tilespmem:v13+s30+$0x0] =	vst.idx.msk $0xffff, v15  }
.LBB2_9:
0x13d: {  	p3 =	sne.s32 s14, $0x7F  }
0x13e: {  	[tilespmem:v11+s30+$0x0] =	vst.idx.msk $0xffff, v12;
	s13 =	sadd.s32 $0x40, s13;
	s15 =	smov.u32 s14;
	s14 =	sadd.s32 $0x1, s14  }
0x13f: {  	v11 =	vld [tilespmem:s13+$0xFFFFFFE0]  }
0x140: {  	v12 =	vld.idx.msk [tilespmem:v10+s29+$0x0], $0xffff;
	_ =	sdelay $0x2  }
0x141: {  	v10 =	vor.u32 v0, v9  }
0x142: {  	v13 =	vor.u32 v1, v9  }
0x143: {  	v14 =	vunpack.i.l.bf16.f32 v11  }
0x144: {  	v11 =	vunpack.i.u.bf16.f32 v11;
	v14 =	vmul.f32 v14, v12  }
0x145: {  	v11 =	vmul.f32 v11, v12  }
0x146: {  	[tilespmem:v10+s30+$0x0] =	vst.idx.msk $0xffff, v14  }
0x147: {  	[tilespmem:v13+s30+$0x0] =	vst.idx.msk $0xffff, v11  }
0x148: {  	v10 =	vld [tilespmem:s13+$0xFFFFFFF0];
	_ =	sdelay $0x2  }
0x149: {  	v11 =	vor.u32 v2, v9  }
0x14a: {  	v13 =	vor.u32 v3, v9  }
0x14b: {  	v14 =	vunpack.i.u.bf16.f32 v10;
	v10 =	vunpack.i.l.bf16.f32 v10  }
0x14c: {  	v10 =	vmul.f32 v10, v12;
	v14 =	vmul.f32 v14, v12;
	_ =	sdelay $0x1  }
0x14d: {  	[tilespmem:v11+s30+$0x0] =	vst.idx.msk $0xffff, v10  }
0x14e: {  	[tilespmem:v13+s30+$0x0] =	vst.idx.msk $0xffff, v14  }
0x14f: {  	v10 =	vld [tilespmem:s13+$0x0];
	_ =	sdelay $0x2  }
0x150: {  	v11 =	vor.u32 v4, v9  }
0x151: {  	v13 =	vor.u32 v5, v9  }
0x152: {  	v14 =	vunpack.i.u.bf16.f32 v10;
	v10 =	vunpack.i.l.bf16.f32 v10  }
0x153: {  	v10 =	vmul.f32 v10, v12;
	v14 =	vmul.f32 v14, v12;
	_ =	sdelay $0x1  }
0x154: {  	[tilespmem:v11+s30+$0x0] =	vst.idx.msk $0xffff, v10  }
0x155: {  	[tilespmem:v13+s30+$0x0] =	vst.idx.msk $0xffff, v14  }
0x156: {  	v10 =	vld [tilespmem:s13+$0x10];
	_ =	sdelay $0x2  }
0x157: {  	v13 =	vor.u32 v6, v9  }
.Ltmp6:
0x158: {  	v11 =	vor.u32 v7, v9;
	(pc) =	sbr.rel @p3 .LBB2_9-.Ltmp6, $4  }
0x159: {  	v9 =	vunpack.i.u.bf16.f32 v10;
	v14 =	vunpack.i.l.bf16.f32 v10  }
0x15a: {  	v10 =	vmov s15;
	v14 =	vmul.f32 v14, v12;
	v12 =	vmul.f32 v9, v12  }
0x15b: {  	v9 =	vshll.u32 v10, $0x7  }
0x15c: {  	v9 =	vadd.s32 v8, v9;
	[tilespmem:v13+s30+$0x0] =	vst.idx.msk $0xffff, v14  }
0x15d: {  	_ =	sdelay $0x3  }
0x15e: {  	[tilespmem:v11+s30+$0x0] =	vst.idx.msk $0xffff, v12;
	s13 =	sadd.s32 $0x40, s13  }
0x15f: {  	v8 =	vld [tilespmem:s13+$0xFFFFFFE0]  }
0x160: {  	v10 =	vld.idx.msk [tilespmem:v10+s29+$0x0], $0xffff;
	_ =	sdelay $0x1  }
0x161: {  	v53 =	vor.u32 v0, v9  }
0x162: {  	v54 =	vor.u32 v1, v9  }
0x163: {  	v13 =	vunpack.i.l.bf16.f32 v8  }
0x164: {  	v8 =	vunpack.i.u.bf16.f32 v8;
	v13 =	vmul.f32 v13, v10  }
0x165: {  	v8 =	vmul.f32 v8, v10  }
0x166: {  	[tilespmem:v53+s30+$0x0] =	vst.idx.msk $0xffff, v13  }
0x167: {  	[tilespmem:v54+s30+$0x0] =	vst.idx.msk $0xffff, v8  }
0x168: {  	v8 =	vld [tilespmem:s13+$0xFFFFFFF0];
	_ =	sdelay $0x2  }
0x169: {  	v55 =	vor.u32 v2, v9  }
0x16a: {  	v56 =	vor.u32 v3, v9  }
0x16b: {  	v57 =	vunpack.i.l.bf16.f32 v8  }
0x16c: {  	v8 =	vunpack.i.u.bf16.f32 v8;
	v13 =	vmul.f32 v57, v10  }
0x16d: {  	v8 =	vmul.f32 v8, v10  }
0x16e: {  	[tilespmem:v55+s30+$0x0] =	vst.idx.msk $0xffff, v13  }
0x16f: {  	[tilespmem:v56+s30+$0x0] =	vst.idx.msk $0xffff, v8  }
0x170: {  	v8 =	vld [tilespmem:s13+$0x0];
	_ =	sdelay $0x2  }
0x171: {  	v58 =	vor.u32 v4, v9  }
0x172: {  	v59 =	vor.u32 v5, v9  }
0x173: {  	v60 =	vunpack.i.l.bf16.f32 v8  }
0x174: {  	v8 =	vunpack.i.u.bf16.f32 v8;
	v13 =	vmul.f32 v60, v10  }
0x175: {  	v8 =	vmul.f32 v8, v10  }
0x176: {  	[tilespmem:v58+s30+$0x0] =	vst.idx.msk $0xffff, v13  }
0x177: {  	[tilespmem:v59+s30+$0x0] =	vst.idx.msk $0xffff, v8  }
0x178: {  	v8 =	vld [tilespmem:s13+$0x10];
	_ =	sdelay $0x2  }
0x179: {  	v61 =	vor.u32 v6, v9  }
0x17a: {  	v62 =	vor.u32 v7, v9  }
0x17b: {  	p3 =	sne.s32 s10, $0x50;
	v63 =	vunpack.i.l.bf16.f32 v8  }
.Ltmp7:
0x17c: {  	v8 =	vunpack.i.u.bf16.f32 v8;
	v12 =	vmul.f32 v63, v10;
	(pc) =	sbr.rel @p3 .LBB2_8-.Ltmp7, $4  }
0x17d: {  	v8 =	vmul.f32 v8, v10  }
0x17e: {  	[tilespmem:v61+s30+$0x0] =	vst.idx.msk $0xffff, v12  }
0x17f: {  	s12 =	sadd.s32 $0x4000, s12;
	s11 =	sadd.s32 $0xC180, s11;
	p2 =	por !p2, !p2;
	[tilespmem:v62+s30+$0x0] =	vst.idx.msk $0xffff, v8  }
0x180: {  	[spmem:s1] =	stream.indirect.scatter.add.f32 [tilespmem:s12], [sflag:$0x2], $0x80, s11, s26, $0xb8;
	[tilespmem:$0x1FD80] =	vst v63  }
0x181: {  	_ =	swait.ge [sflag:s31], $0x4000  }
0x182: {  	[sflag:s31] =	ssyncset.done $0x0  }
0x183: {  	[sflag:s31] =	ssyncadd.s32 $0xFFFFC000  }
0x184: {  	_ =	swait.ge [sflag:s31], $0x4000  }
0x185: {  	[sflag:s31] =	ssyncset.done $0x0  }
0x186: {  	[sflag:s31] =	ssyncadd.s32 $0xFFFFC000  }
0x187: {  	[bflag:$0x0] =	sbarrier.arrive $0xFFFF  }
0x188: {  	s2 =	simm.s32 @p0 $0x1FC4;
	s10 =	rddreg [dreg:$0xd]  }
0x189: {  	[hbm:s10], [sflag:s2] =	dma.local @p0 [spmem:s23], $0x2080  }
0x18a: {  	s2 =	simm.s32 @p0 $0x4  }
0x18b: {  	_ =	swait.ge @p0 [sflag:s2], $0x2080  }
0x18c: {  	[sflag:s2] =	ssyncset.done @p0 $0x0  }
0x18d: {  	[sflag:s2] =	ssyncadd.s32 @p0 $0xFFFFDF80;
	s2 =	rddreg [dreg:$0xc]  }
0x18e: {  	[hbm:s2], [sflag:s21] =	dma.local @!p0 [spmem:s22], $0x2780  }
.Ltmp8:
0x18f: {  	_ = 	snop;
	(pc) =	sbr.rel .LBB2_12-.Ltmp8, $4  }
0x190: {  	s2 =	simm.s32 @!p0 $0x4  }
0x191: {  	_ =	swait.ge @!p0 [sflag:s2], $0x2780  }
0x192: {  	[sflag:s2] =	ssyncset.done @!p0 $0x0  }
0x193: {  	[sflag:s2] =	ssyncadd.s32 @!p0 $0xFFFFD880  }
.LBB2_13:
0x194: {  	_ =	sfence.sel $0x180000  }
0x195: {  	[bflag:$0x0] =	sbarrier.arrive $0xFFFF  }
0x196: {  	_ =	strace $0x9000004A  }
0x197: {  	s0 =	stileid.u32;
	[bflag:$0x2] =	sbarrier.arrive $0xFFFF  }
0x198: {  	p0 =	sne.s32 s0, $0x0;
	s0 =	rddreg [dreg:$0x3]  }
0x199: {  	s0 =	sadd.s32 @!p0 $0x100000, s0  }
0x19a: {  	[sflag:s0] =	ssyncadd.tile.s32 @!p0 $0x1;
	_ =	shalt  }
.Lfunc_end2:
_tile_overlayer_lowered:
.L_overlay_start_2:
0x19b: {  	(tag) =	ssettag $0x2  }
0x19c: {  	s0 =	rddreg [dreg:$0x0];
	s2 =	stileid.u32  }
0x19d: {  	s1 =	rddreg [dreg:$0x1];
	p0 =	sne.s32 s2, $0x0  }
0x19e: {  	s3 =	rddreg [dreg:$0x2];
	[bflag:$0x3] =	sbarrier.arrive $0xFFFF;
	s2 =	simm.s32 @!p0 $0x1C04  }
0x19f: {  	[timem:s3], [sflag:s2] =	dma.local @!p0 [hbm:s0], s1  }
0x1a0: {  	s0 =	simm.s32 @!p0 $0x4  }
0x1a1: {  	_ =	swait.ge @!p0 [sflag:s0], s1  }
0x1a2: {  	s1 =	ssub.s32 @!p0 $0x0, s1;
	[sflag:s0] =	ssyncset.done @!p0 $0x0  }
0x1a3: {  	[sflag:s0] =	ssyncadd.s32 @!p0 s1  }
0x1a4: {  	[bflag:$0x3] =	sbarrier.arrive $0xFFFF  }
0x1a5: {  	_ =	shalt  }

// kernel: kernel.14.cloned.1.call-start
scs
__scs_entry_jumppad:
0x0: {  	(pc) =	sbr.rel $0x88, $3  }
0x1: {  	(tag) =	ssettag $0x0;
	lr =	simm.s32 $0x1  }
0x2: {  	[smem:$0x3F9A] =	sst lr;
	_ =	strace $0xD0000000  }
0x3: {  	_ = 	snop  }
0x4: {  	_ = 	snop  }
0x5: {  	_ = 	snop  }
0x6: {  	_ = 	snop  }
0x7: {  	_ = 	snop  }
__scs_overlays_trampoline_lowered:
0x8: {  	[smem:$0x3FA9] =	sst s0  }
0x9: {  	[smem:$0x3FAA] =	sst s1  }
0xa: {  	[smem:$0x3FAB] =	sst s2  }
0xb: {  	[smem:$0x3FAC] =	sst s3  }
0xc: {  	[smem:$0x3FAD] =	sst s4  }
0xd: {  	[smem:$0x3FAE] =	sst s5  }
0xe: {  	[smem:$0x3FAF] =	sst s6  }
0xf: {  	[smem:$0x3FB0] =	sst s7  }
0x10: {  	[smem:$0x3FB1] =	sst s8  }
0x11: {  	[smem:$0x3FB2] =	sst s9;
	s0 =	simm.s32 @!p0 $0x0  }
0x12: {  	s1 =	sld [smem:$0x3F98];
	s0 =	simm.s32 @p0 $0x1  }
0x13: {  	[smem:$0x3FB3] =	sst s0;
	s0 =	simm.s32 @!p1 $0x0  }
0x14: {  	s2 =	sld [smem:$0x3F97];
	s0 =	simm.s32 @p1 $0x1  }
0x15: {  	[smem:$0x3FB4] =	sst s0;
	s0 =	simm.s32 @!p2 $0x0  }
0x16: {  	s3 =	sld [smem:$0x3FDB];
	s0 =	simm.s32 @p2 $0x1  }
0x17: {  	s4 =	simm.s32 $0x1BF5;
	[smem:$0x3FB6] =	sst s0  }
0x18: {  	s0 =	sld [smem:$0x3F99];
	_ =	swait.ge [sflag:s4], $0x0  }
0x19: {  	s7 =	sld [smem:$0x3F9A]  }
0x1a: {  	s8 =	sadd.s32 $0xFFFFE003, lr  }
0x1b: {  	s9 =	sadd.s32 $0xFFFFFEF7, lr;
	s5 =	simm.s32 $0xFFFFFFFF;
	p2 =	slt.u32 s8, $0xFFFFF086  }
0x1c: {  	p1 =	slt.u32 s9, $0xF7A;
	s5 =	simm.s32 @!p2 $0x0  }
0x1d: {  	s5 =	simm.s32 @p1 $0x1;
	p0 =	seq.s32 s7, s2  }
0x1e: {  	s7 =	smul.u32 @!p0 $0xF7A, s2;
	p2 =	seq.s32 @!p0 s5, $0x0  }
0x1f: {  	s9 =	smul.u32 $0xF7A, s1;
	s8 =	simm.s32 @!p0 $0x1BF5;
	p2 =	por !p2, p0  }
0x20: {  	[sflag:s8] =	ssyncset.s32 @!p0 $0xFFFFF086;
	s6 =	sadd.s32 @!p0 s3, s7;
	s7 =	simm.s32 @!p0 $0x108  }
0x21: {  	s3 =	sadd.s32 s3, s9;
	s6 =	sadd.s32 @!p0 $0x88, s6;
	s7 =	simm.s32 @p2 $0x1082  }
0x22: {  	[simem:s7], [sflag:s8] =	dma.local @!p0 [hbm:s6], $0xF7A  }
0x23: {  	s9 =	sor.u32 $0xD0000000, s2;
	s6 =	simm.s32 $0x108;
	_ =	swait.ge @!p0 [sflag:s8], $0x0  }
0x24: {  	s3 =	sadd.s32 $0x88, s3;
	s6 =	simm.s32 @!p1 $0x1082;
	[sflag:s4] =	ssyncset.s32 $0xFFFFF086  }
0x25: {  	[simem:s6], [sflag:s4] =	dma.local [hbm:s3], $0xF7A  }
0x26: {  	[smem:$0x3F9A] =	sst s1;
	(tag) =	ssettag s2;
	_ =	strace s9  }
0x27: {  	s1 =	sld [smem:$0x3FAA]  }
0x28: {  	s2 =	sld [smem:$0x3FAB]  }
0x29: {  	s4 =	sld [smem:$0x3FAD]  }
0x2a: {  	p0 =	seq.s32 s5, $0x0;
	s5 =	sld [smem:$0x3FAE]  }
0x2b: {  	s6 =	sld [smem:$0x3FAF]  }
0x2c: {  	s7 =	sld [smem:$0x3FB0]  }
0x2d: {  	s3 =	simm.s32 $0x108;
	s8 =	sld [smem:$0x3FB1]  }
0x2e: {  	s3 =	simm.s32 @!p0 $0x1082;
	s9 =	sld [smem:$0x3FB2]  }
0x2f: {  	lr =	sadd.s32 s0, s3;
	s0 =	sld [smem:$0x3FA9]  }
0x30: {  	s3 =	sld [smem:$0x3FAC]  }
0x31: {  	[smem:$0x3FB5] =	sst s10  }
0x32: {  	s10 =	sld [smem:$0x3FB3];
	_ =	sdelay $0x3  }
0x33: {  	p0 =	seq.s32 s10, $0x1;
	s10 =	sld [smem:$0x3FB5];
	_ =	sdelay $0x3  }
0x34: {  	[smem:$0x3FB5] =	sst s10  }
0x35: {  	s10 =	sld [smem:$0x3FB4];
	_ =	sdelay $0x3  }
0x36: {  	p1 =	seq.s32 s10, $0x1;
	s10 =	sld [smem:$0x3FB5];
	_ =	sdelay $0x3  }
0x37: {  	[smem:$0x3FB5] =	sst s10  }
0x38: {  	s10 =	sld [smem:$0x3FB6]  }
0x39: {  	_ = 	snop;
	(pc) =	sbr.ind lr, $3  }
0x3a: {  	_ = 	snop  }
0x3b: {  	_ = 	snop  }
0x3c: {  	p2 =	seq.s32 s10, $0x1;
	s10 =	sld [smem:$0x3FB5]  }
0x3d: {  	_ =	shalt  }
0x3e: {  	_ =	shalt  }
0x3f: {  	_ =	shalt  }
0x40: {  	_ =	shalt  }
0x41: {  	_ =	shalt  }
0x42: {  	_ =	shalt  }
0x43: {  	_ =	shalt  }
0x44: {  	_ =	shalt  }
0x45: {  	_ =	shalt  }
0x46: {  	_ =	shalt  }
0x47: {  	_ =	shalt  }
0x48: {  	_ =	shalt  }
0x49: {  	_ =	shalt  }
0x4a: {  	_ =	shalt  }
0x4b: {  	_ =	shalt  }
0x4c: {  	_ =	shalt  }
0x4d: {  	_ =	shalt  }
0x4e: {  	_ =	shalt  }
0x4f: {  	_ =	shalt  }
0x50: {  	_ =	shalt  }
0x51: {  	_ =	shalt  }
0x52: {  	_ =	shalt  }
0x53: {  	_ =	shalt  }
0x54: {  	_ =	shalt  }
0x55: {  	_ =	shalt  }
0x56: {  	_ =	shalt  }
0x57: {  	_ =	shalt  }
0x58: {  	_ =	shalt  }
0x59: {  	_ =	shalt  }
0x5a: {  	_ =	shalt  }
0x5b: {  	_ =	shalt  }
0x5c: {  	_ =	shalt  }
0x5d: {  	_ =	shalt  }
0x5e: {  	_ =	shalt  }
0x5f: {  	_ =	shalt  }
0x60: {  	_ =	shalt  }
0x61: {  	_ =	shalt  }
0x62: {  	_ =	shalt  }
0x63: {  	_ =	shalt  }
0x64: {  	_ =	shalt  }
0x65: {  	_ =	shalt  }
0x66: {  	_ =	shalt  }
0x67: {  	_ =	shalt  }
0x68: {  	_ =	shalt  }
0x69: {  	_ =	shalt  }
0x6a: {  	_ =	shalt  }
0x6b: {  	_ =	shalt  }
0x6c: {  	_ =	shalt  }
0x6d: {  	_ =	shalt  }
0x6e: {  	_ =	shalt  }
0x6f: {  	_ =	shalt  }
0x70: {  	_ =	shalt  }
0x71: {  	_ =	shalt  }
0x72: {  	_ =	shalt  }
0x73: {  	_ =	shalt  }
0x74: {  	_ =	shalt  }
0x75: {  	_ =	shalt  }
0x76: {  	_ =	shalt  }
0x77: {  	_ =	shalt  }
0x78: {  	_ =	shalt  }
0x79: {  	_ =	shalt  }
0x7a: {  	_ =	shalt  }
0x7b: {  	_ =	shalt  }
0x7c: {  	_ =	shalt  }
0x7d: {  	_ =	shalt  }
0x7e: {  	_ =	shalt  }
0x7f: {  	_ =	shalt  }
0x80: {  	_ =	shalt  }
0x81: {  	_ =	shalt  }
0x82: {  	_ =	shalt  }
0x83: {  	_ =	shalt  }
0x84: {  	_ =	shalt  }
0x85: {  	_ =	shalt  }
0x86: {  	_ =	shalt  }
0x87: {  	_ =	shalt  }
.Lfunc_end0:
.L_simem_size_0:
called_computation.2_lowered:
.L_overlay_start_0:
0x88: {  	s2 =	sld [smem:$0x3FD9]  }
0x89: {  	s3 =	sld [smem:$0x3FFE];
	_ =	sdelay $0x1  }
0x8a: {  	s1 =	srdreg.scid  }
0x8b: {  	s0 =	sand.u32 $0x1, s1  }
0x8c: {  	s17 =	sshll.u32 s0, $0xA;
	s2 =	sadd.s32 s3, s2  }
0x8d: {  	s2 =	sadd.s32 s2, s17  }
0x8e: {  	[smem:$0x3FC1] =	sst s2  }
0x8f: {  	_ = 	snop  }
0x90: {  	s2 =	sld [smem:$0x3FD0];
	(tm) =	ssettm $0x1  }
0x91: {  	s18 =	sld [smem:$0x3FFB];
	_ =	sdelay $0x3  }
0x92: {  	_ =	strace s18  }
0x93: {  	s3 =	sld [smem:$0x3FFC];
	_ =	sdelay $0x3  }
0x94: {  	_ =	strace s3  }
0x95: {  	s3 =	sld [smem:$0x3FFD];
	_ =	sdelay $0x3  }
0x96: {  	_ =	strace s3  }
0x97: {  	_ =	strace $0x8FFFFFFF  }
0x98: {  	s19 =	sld [smem:$0x3FDB];
	_ =	sdelay $0x1  }
0x99: {  	s4 =	simm.s32 $_scs_section_size  }
0x9a: {  	s5 =	simm.s32 $_size__tile_overlayer_lowered;
	s6 =	simm.s32 $_tile_overlayer_lowered  }
0x9b: {  	s22 =	simm.s32 $0x1BFF;
	s21 =	sshll.u32 s6, $0x1;
	s3 =	sadd.s32 s4, s19  }
0x9c: {  	s7 =	simm.s32 $0x0;
	s20 =	sshll.u32 s5, $0x1;
	s5 =	sadd.s32 s21, s3  }
0x9d: {  	[timem:s7], [sflag:s22] =	dma.local [hbm:s5], s20  }
0x9e: {  	_ =	swait.ge [sflag:s22], s20  }
0x9f: {  	s4 =	ssub.s32 $0x0, s20;
	[sflag:s22] =	ssyncset.done $0x0  }
0xa0: {  	[sflag:s22] =	ssyncadd.s32 s4;
	_ =	sdelay $0x1  }
0xa1: {  	s23 =	simm.s32 $0x1B8B  }
0xa2: {  	_ =	swait.ge [sflag:s23], $0x1  }
0xa3: {  	[sflag:s23] =	ssyncset.done $0x0  }
0xa4: {  	s25 =	simm.s32 $0x1B8E;
	s24 =	sld [smem:$0x3FFE];
	[sflag:s23] =	ssyncadd.s32 $0xFFFFFFFF  }
0xa5: {  	s26 =	simm.s32 $execute0_lowered;
	[smem:$0x3FD2] =	sst s25  }
0xa6: {  	s5 =	sshll.u32 s26, $0x1;
	_ =	strace $0x8000004C;
	[dreg:$0x1] =	wrdreg $0xFFFFFFFF  }
0xa7: {  	s28 =	simm.s32 $_size_execute0_lowered;
	s3 =	sadd.s32 s3, s5;
	[dreg:$0x0] =	wrdreg $0x0  }
0xa8: {  	s5 =	sshll.u32 s28, $0x1;
	[dreg:$0x2] =	wrdreg s3  }
0xa9: {  	[dreg:$0x3] =	wrdreg s5  }
0xaa: {  	[dreg:$0x4] =	wrdreg $0xC0  }
0xab: {  	_ =	task [dreg:s7], $0x5FFFF  }
0xac: {  	[dreg:$0x1] =	wrdreg $0xFFFFFFFF  }
0xad: {  	[dreg:$0x0] =	wrdreg $0x60  }
0xae: {  	[dreg:$0x2] =	wrdreg s24  }
0xaf: {  	[dreg:$0x3] =	wrdreg s2  }
0xb0: {  	[dreg:$0x4] =	wrdreg $0xC5000  }
0xb1: {  	[dreg:$0x5] =	wrdreg $0x9  }
0xb2: {  	_ =	task.clear_ibuf [dreg:s7], $0x6FFFF;
	_ =	strace $0x9000004C  }
0xb3: {  	s29 =	simm.s32 $0x9;
	_ =	strace $0x8000004E  }
0xb4: {  	_ =	swait.ge [sflag:s29], $0x1  }
0xb5: {  	[sflag:s29] =	ssyncadd.s32 $0xFFFFFFFF  }
0xb6: {  	_ =	strace $0x9000004E  }
0xb7: {  	_ =	sfence  }
0xb8: {  	s30 =	sld [smem:$0x0];
	_ =	sdelay $0x2  }
0xb9: {  	s31 =	sshll.u32 s1, $0xD;
	s1 =	sshrl.u32 s1, $0x2  }
0xba: {  	s3 =	sand.u32 $0x4000, s31;
	s1 =	sadd.s32 s1, s30  }
0xbb: {  	s0 =	sor.u32 s3, s0;
	s1 =	sshll.u32 s1, $0x11  }
0xbc: {  	s0 =	sor.u32 s1, s0  }
0xbd: {  	s0 =	sadd.s32 $0x8F2B, s0  }
0xbe: {  	[sflag:s0] =	ssyncadd.remote.s32 $0x1  }
0xbf: {  	_ =	sfence.sel $0xFFFF  }
0xc0: {  	[dreg:$0x0] =	wrdreg $0xFFFFFFFF;
	(pc) =	sbr.abs _section_cstart, $3  }
0xc1: {  	[dreg:$0x1] =	wrdreg $0xFFFFFFFF  }
0xc2: {  	_ =	task.clear_ibuf [dreg:s7], $0x2FFFF;
	_ =	strace $0x9FFFFFFF  }
0xc3: {  	(tm) =	ssettm $0x7FFFFFFF  }
tec
execute0_lowered:
.L_overlay_start_1:
0x0: {  	(tag) =	ssettag $0x1  }
0x1: {  	s0 =	rddreg [dreg:$0x0]  }
0x2: {  	s2 =	rddreg [dreg:$0x1]  }
0x3: {  	s1 =	rddreg [dreg:$0x2];
	s3 =	simm.s32 $0x0  }
0x4: {  	s16 =	stileid.u32;
	s8 =	srdreg.scid;
	s28 =	simm.s32 $0x1  }
0x5: {  	s29 =	simm.s32 $0xC480;
	s30 =	simm.s32 $0x4000;
	s31 =	simm.s32 $0x2  }
0x6: {  	[smem:$0x7FF] =	sst s3;
	s4 =	sadd.s32 $0x10A00, s0;
	s5 =	sadd.s32 $0x24400, s0  }
0x7: {  	s10 =	smul.u32 $0x13C00, s16;
	s6 =	sadd.s32 $0x6400, s0;
	s7 =	sadd.s32 $0x1400, s0  }
0x8: {  	s11 =	sand.u32 $0x1, s8;
	s8 =	sadd.s32 $0xBA00, s0;
	s9 =	smul.u32 $0x2800, s16  }
0x9: {  	s18 =	sadd.s32 $0x128400, s1;
	s25 =	sadd.s32 $0x84080, s0;
	p0 =	seq.s32 s16, $0xF  }
0xa: {  	_ =	strace $0x8000004D;
	s13 =	ssub.s32 $0x2, s11;
	[dreg:$0x6] =	wrdreg s18  }
0xb: {  	[dreg:$0xd] =	wrdreg s25;
	p1 =	sne.s32 s11, $0x0;
	s25 =	simm.s32 $0xC000  }
0xc: {  	s12 =	sshrl.u32 s10, $0x3;
	s15 =	sshrl.u32 s13, $0x1;
	s10 =	sadd.s32 s10, s1  }
0xd: {  	s19 =	sshrl.u32 s9, $0x3;
	[dreg:$0x4] =	wrdreg s10;
	s17 =	sadd.s32 s2, s12  }
0xe: {  	s14 =	sadd.s32 s12, s0;
	s2 =	sadd.s32 $0x25080, s2;
	[dreg:$0x5] =	wrdreg s17  }
0xf: {  	s13 =	ssub.s32 s13, s15;
	s20 =	sadd.s32 s6, s19;
	[dreg:$0x7] =	wrdreg s2  }
0x10: {  	s21 =	sadd.s32 s7, s19;
	s22 =	sor.u32 $0x10, s19;
	[dreg:$0x8] =	wrdreg s20  }
0x11: {  	v0 =	vlaneseq.u32;
	s0 =	sadd.s32 $0x5CE80, s0;
	[dreg:$0x9] =	wrdreg s21;
	s2 =	sadd.s32 s8, s19  }
.Ltmp0:
0x12: {  	v0 =	vmul.u32 $0x2, v0;
	s23 =	sadd.s32 s6, s22;
	[dreg:$0xf] =	wrdreg s0;
	(pc) =	sbr.rel .LBB2_1-.Ltmp0, $4  }
0x13: {  	s18 =	sadd.s32 s7, s22;
	s19 =	sadd.s32 s8, s22;
	[dreg:$0xa] =	wrdreg s2  }
0x14: {  	v1 =	vor.u32 $0x1, v0;
	s24 =	sadd.s32 $0x5F000, s14;
	s26 =	sadd.s32 $0x37E00, s14;
	[dreg:$0xb] =	wrdreg s23  }
0x15: {  	v2 =	vor.u32 $0x20, v0;
	v3 =	vor.u32 $0x21, v0;
	v4 =	vor.u32 $0x40, v0;
	s0 =	simm.s32 $0x3;
	s20 =	simm.s32 $0x0;
	[dreg:$0xc] =	wrdreg s24  }
0x16: {  	v5 =	vor.u32 $0x41, v0;
	v6 =	vor.u32 $0x60, v0;
	v7 =	vor.u32 $0x61, v0;
	[dreg:$0xe] =	wrdreg s26;
	s24 =	smax.u32 s13, $0x1;
	s26 =	simm.s32 $0x80  }
.LBB2_12:
0x17: {  	s20 =	sadd.s32 $0x1, s20  }
0x18: {  	p2 =	sne.s32 s20, s24  }
.Ltmp1:
0x19: {  	_ = 	snop;
	(pc) =	sbr.rel @!p2 .LBB2_13-.Ltmp1, $1  }
0x1a: {  	_ =	sdelay $0x3  }
.LBB2_1:
0x1b: {  	s2 =	rddreg [dreg:$0x6]  }
0x1c: {  	s10 =	rddreg [dreg:$0x7];
	s23 =	sshrl.u32 @p0 s2, $0x3;
	s2 =	simm.s32 @p0 $0x1FC4  }
0x1d: {  	[spmem:s23], [sflag:s2] =	dma.local @p0 [hbm:s10], $0x2080  }
0x1e: {  	s2 =	simm.s32 @p0 $0x4  }
0x1f: {  	_ =	swait.ge @p0 [sflag:s2], $0x2080  }
0x20: {  	s10 =	stileid.u32;
	[sflag:s2] =	ssyncset.done @p0 $0x0  }
0x21: {  	s10 =	sshll.u32 @!p0 s10, $0x6;
	[sflag:s2] =	ssyncadd.s32 @p0 $0xFFFFDF80;
	s2 =	rddreg [dreg:$0x4]  }
0x22: {  	s21 =	sor.u32 @!p0 $0x1C04, s10;
	s22 =	sshrl.u32 @!p0 s2, $0x3;
	s2 =	rddreg [dreg:$0x5]  }
0x23: {  	[spmem:s22], [sflag:s21] =	dma.local @!p0 [hbm:s2], $0x2780  }
0x24: {  	s2 =	simm.s32 @!p0 $0x4  }
0x25: {  	_ =	swait.ge @!p0 [sflag:s2], $0x2780  }
0x26: {  	[sflag:s2] =	ssyncset.done @!p0 $0x0  }
0x27: {  	[sflag:s2] =	ssyncadd.s32 @!p0 $0xFFFFD880  }
0x28: {  	[bflag:$0x0] =	sbarrier.arrive $0xFFFF  }
0x29: {  	s17 =	rddreg [dreg:$0x8]  }
0x2a: {  	[tilespmem:s25], [sflag:$0x3] =	stream.linear.gather [hbm4b:s17+s3], $0x80, $0x38;
	[tilespmem:$0x1FD80] =	vst v63  }
0x2b: {  	s11 =	simm.s32 $0xC180;
	s10 =	rddreg [dreg:$0x9]  }
0x2c: {  	[tilespmem:s11], [sflag:$0x3] =	stream.linear.gather [hbm4b:s10+s3], $0x80, $0x38;
	[tilespmem:$0x1FD80] =	vst v63  }
0x2d: {  	s13 =	simm.s32 $0xC300;
	s12 =	rddreg [dreg:$0xa]  }
0x2e: {  	[tilespmem:s13], [sflag:$0x3] =	stream.linear.gather [hbm4b:s12+s3], $0x80, $0x38;
	[tilespmem:$0x1FD80] =	vst v63  }
0x2f: {  	s15 =	simm.s32 $0xC080;
	s14 =	rddreg [dreg:$0xb]  }
0x30: {  	[tilespmem:s15], [sflag:$0x3] =	stream.linear.gather [hbm4b:s14+s3], $0x80, $0x38;
	[tilespmem:$0x1FD80] =	vst v63  }
0x31: {  	s16 =	simm.s32 $0xC200  }
0x32: {  	[tilespmem:s16], [sflag:$0x3] =	stream.linear.gather [hbm4b:s18+s3], $0x80, $0x38;
	[tilespmem:$0x1FD80] =	vst v63  }
0x33: {  	s17 =	simm.s32 $0xC380  }
0x34: {  	[tilespmem:s17], [sflag:$0x3] =	stream.linear.gather [hbm4b:s19+s3], $0x80, $0x38;
	[tilespmem:$0x1FD80] =	vst v63  }
0x35: {  	_ =	swait.ge [sflag:s0], $0x80  }
0x36: {  	[sflag:s0] =	ssyncset.done $0x0  }
0x37: {  	[sflag:s0] =	ssyncadd.s32 $0xFFFFFF80  }
0x38: {  	_ =	swait.ge [sflag:s0], $0x80  }
.Ltmp2:
0x39: {  	[sflag:s0] =	ssyncset.done $0x0;
	(pc) =	sbr.rel @p1 .LBB2_7-.Ltmp2, $4  }
0x3a: {  	[sflag:s0] =	ssyncadd.s32 $0xFFFFFF80  }
0x3b: {  	_ =	swait.ge [sflag:s0], $0x80  }
0x3c: {  	[sflag:s0] =	ssyncset.done $0x0  }
0x3d: {  	s2 =	simm.s32 $0x0;
	[sflag:s0] =	ssyncadd.s32 $0xFFFFFF80  }
0x3e: {  	[tilespmem:s2], [sflag:$0x1] =	stream.indirect.gather [hbm4b:s4+s26], $0x40, s25, s26, $0xb8;
	[tilespmem:$0x1FD80] =	vst v63  }
0x3f: {  	p2 =	por $0x0, $0x0;
	s10 =	simm.s32 $0x0  }
.LBB2_3:
0x40: {  	p3 =	seq.s32 s10, $0x4F  }
0x41: {  	p4 =	sgt.u32 @!p3 s10, $0x4D  }
0x42: {  	p4 =	por p4, p3  }
0x43: {  	s11 =	simm.s32 @!p3 $0x3;
	s13 =	sadd.s32 @!p4 $0x2, s10  }
0x44: {  	s12 =	smov.u32 s10;
	_ =	swait.ge @!p3 [sflag:s11], $0x80;
	s10 =	smul.u32 @!p4 $0xAB, s13  }
0x45: {  	[sflag:s11] =	ssyncset.done @!p3 $0x0  }
0x46: {  	[sflag:s11] =	ssyncadd.s32 @!p3 $0xFFFFFF80;
	s10 =	sshrl.u32 @!p4 s10, $0x9  }
0x47: {  	_ =	swait.ge @!p3 [sflag:s11], $0x80;
	s10 =	sand.u32 @!p4 $0x7F, s10  }
0x48: {  	[sflag:s11] =	ssyncset.done @!p3 $0x0;
	s14 =	smul.u32 @!p4 $0x3, s10  }
0x49: {  	s16 =	simm.s32 @!p4 $0x0;
	[sflag:s11] =	ssyncadd.s32 @!p3 $0xFFFFFF80  }
0x4a: {  	_ =	swait.ge @!p3 [sflag:s11], $0x80;
	s14 =	ssub.s32 @!p4 s13, s14;
	s13 =	sshll.u32 @!p4 s13, $0x7  }
0x4b: {  	[sflag:s11] =	ssyncset.done @!p3 $0x0;
	s14 =	sand.u32 @!p4 $0xFF, s14;
	s13 =	sadd.s32 @!p4 s9, s13  }
0x4c: {  	[sflag:s11] =	ssyncadd.s32 @!p3 $0xFFFFFF80;
	s11 =	sshll.u32 @!p4 s14, $0x7;
	s13 =	sshrl.u32 @!p4 s13, $0x3  }
0x4d: {  	s10 =	sadd.s32 $0x1, s12;
	s14 =	sor.u32 @!p4 $0xC000, s11;
	s15 =	sadd.s32 @!p4 s6, s13  }
0x4e: {  	[tilespmem:s14], [sflag:$0x3] =	stream.linear.gather @!p4 [hbm4b:s15+s16], $0x80, $0x38;
	[tilespmem:$0x1FD80] =	vst v63  }
0x4f: {  	s17 =	smul.u32 @!p3 $0xAB, s10;
	s14 =	sadd.s32 @!p4 $0xC180, s11;
	s15 =	sadd.s32 @!p4 s7, s13  }
0x50: {  	[tilespmem:s14], [sflag:$0x3] =	stream.linear.gather @!p4 [hbm4b:s15+s16], $0x80, $0x38;
	[tilespmem:$0x1FD80] =	vst v63  }
0x51: {  	s14 =	sshrl.u32 @!p3 s17, $0x9  }
0x52: {  	s11 =	sadd.s32 @!p4 $0xC300, s11;
	s13 =	sadd.s32 @!p4 s8, s13;
	s14 =	smul.u32 @!p3 $0x3, s14  }
0x53: {  	[tilespmem:s11], [sflag:$0x3] =	stream.linear.gather @!p4 [hbm4b:s13+s16], $0x80, $0x38;
	[tilespmem:$0x1FD80] =	vst v63  }
0x54: {  	s13 =	ssub.s32 @!p3 s10, s14  }
0x55: {  	s16 =	smul.u32 $0xAB, s12;
	s13 =	sand.u32 @!p3 $0x7F, s13  }
0x56: {  	s15 =	simm.s32 @!p3 $0x80;
	s14 =	sshll.u32 @!p3 s10, $0xD;
	s13 =	sshll.u32 @!p3 s13, $0x7  }
0x57: {  	s11 =	sshrl.u32 s16, $0x9;
	s14 =	sand.u32 @!p3 $0x2000, s14;
	s13 =	sor.u32 @!p3 $0xC000, s13  }
0x58: {  	[tilespmem:s14], [sflag:$0x1] =	stream.indirect.gather @!p3 [hbm4b:s4+s15], $0x40, s13, s15, $0xb8;
	[tilespmem:$0x1FD80] =	vst v63  }
0x59: {  	s11 =	sand.u32 $0x7F, s11;
	_ =	swait.ge [sflag:s28], $0x2000  }
0x5a: {  	s11 =	smul.u32 $0x3, s11;
	p3 =	slt.u32 s12, $0x2;
	[sflag:s28] =	ssyncset.done $0x0  }
0x5b: {  	s13 =	simm.s32 @!p3 $0x2;
	[sflag:s28] =	ssyncadd.s32 $0xFFFFE000  }
0x5c: {  	s11 =	ssub.s32 s12, s11;
	_ =	swait.ge @!p3 [sflag:s13], $0x4000  }
0x5d: {  	s11 =	sand.u32 $0xFF, s11;
	[sflag:s13] =	ssyncset.done @!p3 $0x0  }
0x5e: {  	s11 =	sshll.u32 s11, $0x7;
	[sflag:s13] =	ssyncadd.s32 @!p3 $0xFFFFC000  }
0x5f: {  	v8 =	vld [tilespmem:s11+$0xC300];
	_ =	sdelay $0x4  }
0x60: {  	[tilespmem:$0xC480] =	vst v8  }
0x61: {  	v8 =	vld [tilespmem:s11+$0xC310];
	_ =	sdelay $0x4  }
0x62: {  	[tilespmem:$0xC490] =	vst v8  }
0x63: {  	v8 =	vld [tilespmem:s11+$0xC320];
	_ =	sdelay $0x4  }
0x64: {  	[tilespmem:$0xC4A0] =	vst v8  }
0x65: {  	v8 =	vld [tilespmem:s11+$0xC330];
	_ =	sdelay $0x4  }
0x66: {  	[tilespmem:$0xC4B0] =	vst v8  }
0x67: {  	v8 =	vld [tilespmem:s11+$0xC340];
	_ =	sdelay $0x4  }
0x68: {  	[tilespmem:$0xC4C0] =	vst v8  }
0x69: {  	v8 =	vld [tilespmem:s11+$0xC350];
	_ =	sdelay $0x4  }
0x6a: {  	[tilespmem:$0xC4D0] =	vst v8  }
0x6b: {  	v8 =	vld [tilespmem:s11+$0xC360];
	_ =	sdelay $0x4  }
0x6c: {  	[tilespmem:$0xC4E0] =	vst v8  }
0x6d: {  	v8 =	vld [tilespmem:s11+$0xC370];
	_ =	sdelay $0x1  }
0x6e: {  	v9 =	vmov s2;
	s13 =	simm.s32 $0x1  }
0x6f: {  	s13 =	simm.s32 @!p2 $0x0  }
0x70: {  	s13 =	sshll.u32 s13, $0xD  }
0x71: {  	s12 =	sand.u32 $0x1, s12;
	s13 =	sor.u32 $0x20, s13;
	[tilespmem:$0xC4F0] =	vst v8  }
0x72: {  	s12 =	sshll.u32 s12, $0xE;
	v10 =	vld [tilespmem:s13+$0xFFFFFFE0]  }
0x73: {  	v11 =	vshll.u32 v9, $0x7;
	v8 =	vmov s12;
	v9 =	vld.idx.msk [tilespmem:v9+s29+$0x0], $0xffff  }
0x74: {  	v11 =	vadd.s32 v8, v11  }
0x75: {  	v12 =	vor.u32 v0, v11  }
0x76: {  	v13 =	vor.u32 v1, v11  }
0x77: {  	v14 =	vunpack.i.l.bf16.f32 v10  }
0x78: {  	v10 =	vunpack.i.u.bf16.f32 v10;
	v14 =	vmul.f32 v14, v9  }
0x79: {  	v10 =	vmul.f32 v10, v9  }
0x7a: {  	[tilespmem:v12+s30+$0x0] =	vst.idx.msk $0xffff, v14  }
0x7b: {  	[tilespmem:v13+s30+$0x0] =	vst.idx.msk $0xffff, v10  }
0x7c: {  	v10 =	vld [tilespmem:s13+$0xFFFFFFF0];
	_ =	sdelay $0x2  }
0x7d: {  	v12 =	vor.u32 v2, v11  }
0x7e: {  	v13 =	vor.u32 v3, v11  }
0x7f: {  	v14 =	vunpack.i.l.bf16.f32 v10  }
0x80: {  	v10 =	vunpack.i.u.bf16.f32 v10;
	v14 =	vmul.f32 v14, v9  }
0x81: {  	v10 =	vmul.f32 v10, v9  }
0x82: {  	[tilespmem:v12+s30+$0x0] =	vst.idx.msk $0xffff, v14  }
0x83: {  	[tilespmem:v13+s30+$0x0] =	vst.idx.msk $0xffff, v10  }
0x84: {  	v10 =	vld [tilespmem:s13+$0x0];
	_ =	sdelay $0x2  }
0x85: {  	v12 =	vor.u32 v4, v11  }
0x86: {  	v13 =	vor.u32 v5, v11  }
0x87: {  	v14 =	vunpack.i.l.bf16.f32 v10  }
0x88: {  	v10 =	vunpack.i.u.bf16.f32 v10;
	v14 =	vmul.f32 v14, v9  }
0x89: {  	v10 =	vmul.f32 v10, v9  }
0x8a: {  	[tilespmem:v12+s30+$0x0] =	vst.idx.msk $0xffff, v14  }
0x8b: {  	[tilespmem:v13+s30+$0x0] =	vst.idx.msk $0xffff, v10  }
0x8c: {  	v10 =	vld [tilespmem:s13+$0x10];
	_ =	sdelay $0x2  }
0x8d: {  	v13 =	vor.u32 v6, v11;
	_ =	sdelay $0x1  }
0x8e: {  	s17 =	simm.s32 $0x1;
	v11 =	vor.u32 v7, v11;
	v12 =	vunpack.i.l.bf16.f32 v10  }
0x8f: {  	v14 =	vunpack.i.u.bf16.f32 v10;
	v10 =	vmov s17;
	v15 =	vmul.f32 v12, v9  }
0x90: {  	v12 =	vmul.f32 v14, v9;
	v9 =	vshll.u32 v10, $0x7  }
0x91: {  	s14 =	simm.s32 $0x2;
	v9 =	vadd.s32 v8, v9;
	[tilespmem:v13+s30+$0x0] =	vst.idx.msk $0xffff, v15  }
.LBB2_4:
0x92: {  	p3 =	sne.s32 s14, $0x7F  }
0x93: {  	[tilespmem:v11+s30+$0x0] =	vst.idx.msk $0xffff, v12;
	s13 =	sadd.s32 $0x40, s13;
	s15 =	smov.u32 s14;
	s14 =	sadd.s32 $0x1, s14  }
0x94: {  	v11 =	vld [tilespmem:s13+$0xFFFFFFE0]  }
0x95: {  	v12 =	vld.idx.msk [tilespmem:v10+s29+$0x0], $0xffff;
	_ =	sdelay $0x2  }
0x96: {  	v10 =	vor.u32 v0, v9  }
0x97: {  	v13 =	vor.u32 v1, v9  }
0x98: {  	v14 =	vunpack.i.l.bf16.f32 v11  }
0x99: {  	v11 =	vunpack.i.u.bf16.f32 v11;
	v14 =	vmul.f32 v14, v12  }
0x9a: {  	v11 =	vmul.f32 v11, v12  }
0x9b: {  	[tilespmem:v10+s30+$0x0] =	vst.idx.msk $0xffff, v14  }
0x9c: {  	[tilespmem:v13+s30+$0x0] =	vst.idx.msk $0xffff, v11  }
0x9d: {  	v10 =	vld [tilespmem:s13+$0xFFFFFFF0];
	_ =	sdelay $0x2  }
0x9e: {  	v11 =	vor.u32 v2, v9  }
0x9f: {  	v13 =	vor.u32 v3, v9  }
0xa0: {  	v14 =	vunpack.i.u.bf16.f32 v10;
	v10 =	vunpack.i.l.bf16.f32 v10  }
0xa1: {  	v10 =	vmul.f32 v10, v12;
	v14 =	vmul.f32 v14, v12;
	_ =	sdelay $0x1  }
0xa2: {  	[tilespmem:v11+s30+$0x0] =	vst.idx.msk $0xffff, v10  }
0xa3: {  	[tilespmem:v13+s30+$0x0] =	vst.idx.msk $0xffff, v14  }
0xa4: {  	v10 =	vld [tilespmem:s13+$0x0];
	_ =	sdelay $0x2  }
0xa5: {  	v11 =	vor.u32 v4, v9  }
0xa6: {  	v13 =	vor.u32 v5, v9  }
0xa7: {  	v14 =	vunpack.i.u.bf16.f32 v10;
	v10 =	vunpack.i.l.bf16.f32 v10  }
0xa8: {  	v10 =	vmul.f32 v10, v12;
	v14 =	vmul.f32 v14, v12;
	_ =	sdelay $0x1  }
0xa9: {  	[tilespmem:v11+s30+$0x0] =	vst.idx.msk $0xffff, v10  }
0xaa: {  	[tilespmem:v13+s30+$0x0] =	vst.idx.msk $0xffff, v14  }
0xab: {  	v10 =	vld [tilespmem:s13+$0x10];
	_ =	sdelay $0x2  }
0xac: {  	v13 =	vor.u32 v6, v9  }
.Ltmp3:
0xad: {  	v11 =	vor.u32 v7, v9;
	(pc) =	sbr.rel @p3 .LBB2_4-.Ltmp3, $4  }
0xae: {  	v9 =	vunpack.i.u.bf16.f32 v10;
	v14 =	vunpack.i.l.bf16.f32 v10  }
0xaf: {  	v10 =	vmov s15;
	v14 =	vmul.f32 v14, v12;
	v12 =	vmul.f32 v9, v12  }
0xb0: {  	v9 =	vshll.u32 v10, $0x7  }
0xb1: {  	v9 =	vadd.s32 v8, v9;
	[tilespmem:v13+s30+$0x0] =	vst.idx.msk $0xffff, v14  }
0xb2: {  	_ =	sdelay $0x3  }
0xb3: {  	[tilespmem:v11+s30+$0x0] =	vst.idx.msk $0xffff, v12;
	s13 =	sadd.s32 $0x40, s13  }
0xb4: {  	v8 =	vld [tilespmem:s13+$0xFFFFFFE0]  }
0xb5: {  	v10 =	vld.idx.msk [tilespmem:v10+s29+$0x0], $0xffff;
	_ =	sdelay $0x1  }
0xb6: {  	v53 =	vor.u32 v0, v9  }
0xb7: {  	v54 =	vor.u32 v1, v9  }
0xb8: {  	v13 =	vunpack.i.l.bf16.f32 v8  }
0xb9: {  	v8 =	vunpack.i.u.bf16.f32 v8;
	v13 =	vmul.f32 v13, v10  }
0xba: {  	v8 =	vmul.f32 v8, v10  }
0xbb: {  	[tilespmem:v53+s30+$0x0] =	vst.idx.msk $0xffff, v13  }
0xbc: {  	[tilespmem:v54+s30+$0x0] =	vst.idx.msk $0xffff, v8  }
0xbd: {  	v8 =	vld [tilespmem:s13+$0xFFFFFFF0];
	_ =	sdelay $0x2  }
0xbe: {  	v55 =	vor.u32 v2, v9  }
0xbf: {  	v56 =	vor.u32 v3, v9  }
0xc0: {  	v57 =	vunpack.i.l.bf16.f32 v8  }
0xc1: {  	v8 =	vunpack.i.u.bf16.f32 v8;
	v13 =	vmul.f32 v57, v10  }
0xc2: {  	v8 =	vmul.f32 v8, v10  }
0xc3: {  	[tilespmem:v55+s30+$0x0] =	vst.idx.msk $0xffff, v13  }
0xc4: {  	[tilespmem:v56+s30+$0x0] =	vst.idx.msk $0xffff, v8  }
0xc5: {  	v8 =	vld [tilespmem:s13+$0x0];
	_ =	sdelay $0x2  }
0xc6: {  	v58 =	vor.u32 v4, v9  }
0xc7: {  	v59 =	vor.u32 v5, v9  }
0xc8: {  	v60 =	vunpack.i.l.bf16.f32 v8  }
0xc9: {  	v8 =	vunpack.i.u.bf16.f32 v8;
	v13 =	vmul.f32 v60, v10  }
0xca: {  	v8 =	vmul.f32 v8, v10  }
0xcb: {  	[tilespmem:v58+s30+$0x0] =	vst.idx.msk $0xffff, v13  }
0xcc: {  	[tilespmem:v59+s30+$0x0] =	vst.idx.msk $0xffff, v8  }
0xcd: {  	v8 =	vld [tilespmem:s13+$0x10];
	_ =	sdelay $0x2  }
0xce: {  	v61 =	vor.u32 v6, v9  }
0xcf: {  	v62 =	vor.u32 v7, v9  }
0xd0: {  	p3 =	sne.s32 s10, $0x50;
	v63 =	vunpack.i.l.bf16.f32 v8  }
.Ltmp4:
0xd1: {  	v8 =	vunpack.i.u.bf16.f32 v8;
	v12 =	vmul.f32 v63, v10;
	(pc) =	sbr.rel @p3 .LBB2_3-.Ltmp4, $4  }
0xd2: {  	v8 =	vmul.f32 v8, v10  }
0xd3: {  	[tilespmem:v61+s30+$0x0] =	vst.idx.msk $0xffff, v12  }
0xd4: {  	s12 =	sadd.s32 $0x4000, s12;
	s11 =	sadd.s32 $0xC180, s11;
	p2 =	por !p2, !p2;
	[tilespmem:v62+s30+$0x0] =	vst.idx.msk $0xffff, v8  }
0xd5: {  	[spmem:s1] =	stream.indirect.scatter.add.f32 [tilespmem:s12], [sflag:$0x2], $0x80, s11, s26, $0xb8;
	[tilespmem:$0x1FD80] =	vst v63  }
0xd6: {  	_ =	swait.ge [sflag:s31], $0x4000  }
0xd7: {  	[sflag:s31] =	ssyncset.done $0x0  }
0xd8: {  	[sflag:s31] =	ssyncadd.s32 $0xFFFFC000  }
0xd9: {  	_ =	swait.ge [sflag:s31], $0x4000  }
0xda: {  	[sflag:s31] =	ssyncset.done $0x0  }
0xdb: {  	[sflag:s31] =	ssyncadd.s32 $0xFFFFC000  }
0xdc: {  	[bflag:$0x0] =	sbarrier.arrive $0xFFFF  }
0xdd: {  	s2 =	simm.s32 @p0 $0x1FC4;
	s10 =	rddreg [dreg:$0xf]  }
0xde: {  	[hbm:s10], [sflag:s2] =	dma.local @p0 [spmem:s23], $0x2080  }
0xdf: {  	s2 =	simm.s32 @p0 $0x4  }
0xe0: {  	_ =	swait.ge @p0 [sflag:s2], $0x2080  }
0xe1: {  	[sflag:s2] =	ssyncset.done @p0 $0x0  }
0xe2: {  	[sflag:s2] =	ssyncadd.s32 @p0 $0xFFFFDF80;
	s2 =	rddreg [dreg:$0xe]  }
0xe3: {  	[hbm:s2], [sflag:s21] =	dma.local @!p0 [spmem:s22], $0x2780  }
.Ltmp5:
0xe4: {  	_ = 	snop;
	(pc) =	sbr.rel .LBB2_12-.Ltmp5, $4  }
0xe5: {  	s2 =	simm.s32 @!p0 $0x4  }
0xe6: {  	_ =	swait.ge @!p0 [sflag:s2], $0x2780  }
0xe7: {  	[sflag:s2] =	ssyncset.done @!p0 $0x0  }
0xe8: {  	[sflag:s2] =	ssyncadd.s32 @!p0 $0xFFFFD880  }
.LBB2_7:
0xe9: {  	[tilespmem:s2], [sflag:$0x1] =	stream.indirect.gather [hbm4b:s5+s26], $0x40, s25, s26, $0xb8;
	[tilespmem:$0x1FD80] =	vst v63  }
0xea: {  	p2 =	por $0x0, $0x0;
	s10 =	simm.s32 $0x0  }
.LBB2_8:
0xeb: {  	p3 =	seq.s32 s10, $0x4F  }
0xec: {  	p4 =	sgt.u32 @!p3 s10, $0x4D  }
0xed: {  	p4 =	por p4, p3  }
0xee: {  	s11 =	simm.s32 @!p3 $0x3;
	s13 =	sadd.s32 @!p4 $0x2, s10  }
0xef: {  	s12 =	smov.u32 s10;
	_ =	swait.ge @!p3 [sflag:s11], $0x80;
	s10 =	smul.u32 @!p4 $0xAB, s13  }
0xf0: {  	[sflag:s11] =	ssyncset.done @!p3 $0x0  }
0xf1: {  	[sflag:s11] =	ssyncadd.s32 @!p3 $0xFFFFFF80;
	s10 =	sshrl.u32 @!p4 s10, $0x9  }
0xf2: {  	_ =	swait.ge @!p3 [sflag:s11], $0x80;
	s10 =	sand.u32 @!p4 $0x7F, s10  }
0xf3: {  	[sflag:s11] =	ssyncset.done @!p3 $0x0;
	s14 =	smul.u32 @!p4 $0x3, s10  }
0xf4: {  	s16 =	simm.s32 @!p4 $0x0;
	[sflag:s11] =	ssyncadd.s32 @!p3 $0xFFFFFF80  }
0xf5: {  	_ =	swait.ge @!p3 [sflag:s11], $0x80;
	s14 =	ssub.s32 @!p4 s13, s14;
	s13 =	sshll.u32 @!p4 s13, $0x7  }
0xf6: {  	[sflag:s11] =	ssyncset.done @!p3 $0x0;
	s14 =	sand.u32 @!p4 $0xFF, s14;
	s13 =	sadd.s32 @!p4 s9, s13  }
0xf7: {  	[sflag:s11] =	ssyncadd.s32 @!p3 $0xFFFFFF80;
	s11 =	sshll.u32 @!p4 s14, $0x7;
	s13 =	sshrl.u32 @!p4 s13, $0x3  }
0xf8: {  	s10 =	sadd.s32 $0x1, s12;
	s14 =	sor.u32 @!p4 $0xC000, s11;
	s15 =	sadd.s32 @!p4 s6, s13  }
0xf9: {  	[tilespmem:s14], [sflag:$0x3] =	stream.linear.gather @!p4 [hbm4b:s15+s16], $0x80, $0x38;
	[tilespmem:$0x1FD80] =	vst v63  }
0xfa: {  	s17 =	smul.u32 @!p3 $0xAB, s10;
	s14 =	sadd.s32 @!p4 $0xC180, s11;
	s15 =	sadd.s32 @!p4 s7, s13  }
0xfb: {  	[tilespmem:s14], [sflag:$0x3] =	stream.linear.gather @!p4 [hbm4b:s15+s16], $0x80, $0x38;
	[tilespmem:$0x1FD80] =	vst v63  }
0xfc: {  	s14 =	sshrl.u32 @!p3 s17, $0x9  }
0xfd: {  	s11 =	sadd.s32 @!p4 $0xC300, s11;
	s13 =	sadd.s32 @!p4 s8, s13;
	s14 =	smul.u32 @!p3 $0x3, s14  }
0xfe: {  	[tilespmem:s11], [sflag:$0x3] =	stream.linear.gather @!p4 [hbm4b:s13+s16], $0x80, $0x38;
	[tilespmem:$0x1FD80] =	vst v63  }
0xff: {  	s13 =	ssub.s32 @!p3 s10, s14  }
0x100: {  	s16 =	smul.u32 $0xAB, s12;
	s13 =	sand.u32 @!p3 $0x7F, s13  }
0x101: {  	s15 =	simm.s32 @!p3 $0x80;
	s14 =	sshll.u32 @!p3 s10, $0xD;
	s13 =	sshll.u32 @!p3 s13, $0x7  }
0x102: {  	s11 =	sshrl.u32 s16, $0x9;
	s14 =	sand.u32 @!p3 $0x2000, s14;
	s13 =	sor.u32 @!p3 $0xC000, s13  }
0x103: {  	[tilespmem:s14], [sflag:$0x1] =	stream.indirect.gather @!p3 [hbm4b:s5+s15], $0x40, s13, s15, $0xb8;
	[tilespmem:$0x1FD80] =	vst v63  }
0x104: {  	s11 =	sand.u32 $0x7F, s11;
	_ =	swait.ge [sflag:s28], $0x2000  }
0x105: {  	s11 =	smul.u32 $0x3, s11;
	p3 =	slt.u32 s12, $0x2;
	[sflag:s28] =	ssyncset.done $0x0  }
0x106: {  	s13 =	simm.s32 @!p3 $0x2;
	[sflag:s28] =	ssyncadd.s32 $0xFFFFE000  }
0x107: {  	s11 =	ssub.s32 s12, s11;
	_ =	swait.ge @!p3 [sflag:s13], $0x4000  }
0x108: {  	s11 =	sand.u32 $0xFF, s11;
	[sflag:s13] =	ssyncset.done @!p3 $0x0  }
0x109: {  	s11 =	sshll.u32 s11, $0x7;
	[sflag:s13] =	ssyncadd.s32 @!p3 $0xFFFFC000  }
0x10a: {  	v8 =	vld [tilespmem:s11+$0xC300];
	_ =	sdelay $0x4  }
0x10b: {  	[tilespmem:$0xC480] =	vst v8  }
0x10c: {  	v8 =	vld [tilespmem:s11+$0xC310];
	_ =	sdelay $0x4  }
0x10d: {  	[tilespmem:$0xC490] =	vst v8  }
0x10e: {  	v8 =	vld [tilespmem:s11+$0xC320];
	_ =	sdelay $0x4  }
0x10f: {  	[tilespmem:$0xC4A0] =	vst v8  }
0x110: {  	v8 =	vld [tilespmem:s11+$0xC330];
	_ =	sdelay $0x4  }
0x111: {  	[tilespmem:$0xC4B0] =	vst v8  }
0x112: {  	v8 =	vld [tilespmem:s11+$0xC340];
	_ =	sdelay $0x4  }
0x113: {  	[tilespmem:$0xC4C0] =	vst v8  }
0x114: {  	v8 =	vld [tilespmem:s11+$0xC350];
	_ =	sdelay $0x4  }
0x115: {  	[tilespmem:$0xC4D0] =	vst v8  }
0x116: {  	v8 =	vld [tilespmem:s11+$0xC360];
	_ =	sdelay $0x4  }
0x117: {  	[tilespmem:$0xC4E0] =	vst v8  }
0x118: {  	v8 =	vld [tilespmem:s11+$0xC370];
	_ =	sdelay $0x1  }
0x119: {  	v9 =	vmov s2;
	s13 =	simm.s32 $0x1  }
0x11a: {  	s13 =	simm.s32 @!p2 $0x0  }
0x11b: {  	s13 =	sshll.u32 s13, $0xD  }
0x11c: {  	s12 =	sand.u32 $0x1, s12;
	s13 =	sor.u32 $0x20, s13;
	[tilespmem:$0xC4F0] =	vst v8  }
0x11d: {  	s12 =	sshll.u32 s12, $0xE;
	v10 =	vld [tilespmem:s13+$0xFFFFFFE0]  }
0x11e: {  	v11 =	vshll.u32 v9, $0x7;
	v8 =	vmov s12;
	v9 =	vld.idx.msk [tilespmem:v9+s29+$0x0], $0xffff  }
0x11f: {  	v11 =	vadd.s32 v8, v11  }
0x120: {  	v12 =	vor.u32 v0, v11  }
0x121: {  	v13 =	vor.u32 v1, v11  }
0x122: {  	v14 =	vunpack.i.l.bf16.f32 v10  }
0x123: {  	v10 =	vunpack.i.u.bf16.f32 v10;
	v14 =	vmul.f32 v14, v9  }
0x124: {  	v10 =	vmul.f32 v10, v9  }
0x125: {  	[tilespmem:v12+s30+$0x0] =	vst.idx.msk $0xffff, v14  }
0x126: {  	[tilespmem:v13+s30+$0x0] =	vst.idx.msk $0xffff, v10  }
0x127: {  	v10 =	vld [tilespmem:s13+$0xFFFFFFF0];
	_ =	sdelay $0x2  }
0x128: {  	v12 =	vor.u32 v2, v11  }
0x129: {  	v13 =	vor.u32 v3, v11  }
0x12a: {  	v14 =	vunpack.i.l.bf16.f32 v10  }
0x12b: {  	v10 =	vunpack.i.u.bf16.f32 v10;
	v14 =	vmul.f32 v14, v9  }
0x12c: {  	v10 =	vmul.f32 v10, v9  }
0x12d: {  	[tilespmem:v12+s30+$0x0] =	vst.idx.msk $0xffff, v14  }
0x12e: {  	[tilespmem:v13+s30+$0x0] =	vst.idx.msk $0xffff, v10  }
0x12f: {  	v10 =	vld [tilespmem:s13+$0x0];
	_ =	sdelay $0x2  }
0x130: {  	v12 =	vor.u32 v4, v11  }
0x131: {  	v13 =	vor.u32 v5, v11  }
0x132: {  	v14 =	vunpack.i.l.bf16.f32 v10  }
0x133: {  	v10 =	vunpack.i.u.bf16.f32 v10;
	v14 =	vmul.f32 v14, v9  }
0x134: {  	v10 =	vmul.f32 v10, v9  }
0x135: {  	[tilespmem:v12+s30+$0x0] =	vst.idx.msk $0xffff, v14  }
0x136: {  	[tilespmem:v13+s30+$0x0] =	vst.idx.msk $0xffff, v10  }
0x137: {  	v10 =	vld [tilespmem:s13+$0x10];
	_ =	sdelay $0x2  }
0x138: {  	v13 =	vor.u32 v6, v11;
	_ =	sdelay $0x1  }
0x139: {  	s17 =	simm.s32 $0x1;
	v11 =	vor.u32 v7, v11;
	v12 =	vunpack.i.l.bf16.f32 v10  }
0x13a: {  	v14 =	vunpack.i.u.bf16.f32 v10;
	v10 =	vmov s17;
	v15 =	vmul.f32 v12, v9  }
0x13b: {  	v12 =	vmul.f32 v14, v9;
	v9 =	vshll.u32 v10, $0x7  }
0x13c: {  	s14 =	simm.s32 $0x2;
	v9 =	vadd.s32 v8, v9;
	[tilespmem:v13+s30+$0x0] =	vst.idx.msk $0xffff, v15  }
.LBB2_9:
0x13d: {  	p3 =	sne.s32 s14, $0x7F  }
0x13e: {  	[tilespmem:v11+s30+$0x0] =	vst.idx.msk $0xffff, v12;
	s13 =	sadd.s32 $0x40, s13;
	s15 =	smov.u32 s14;
	s14 =	sadd.s32 $0x1, s14  }
0x13f: {  	v11 =	vld [tilespmem:s13+$0xFFFFFFE0]  }
0x140: {  	v12 =	vld.idx.msk [tilespmem:v10+s29+$0x0], $0xffff;
	_ =	sdelay $0x2  }
0x141: {  	v10 =	vor.u32 v0, v9  }
0x142: {  	v13 =	vor.u32 v1, v9  }
0x143: {  	v14 =	vunpack.i.l.bf16.f32 v11  }
0x144: {  	v11 =	vunpack.i.u.bf16.f32 v11;
	v14 =	vmul.f32 v14, v12  }
0x145: {  	v11 =	vmul.f32 v11, v12  }
0x146: {  	[tilespmem:v10+s30+$0x0] =	vst.idx.msk $0xffff, v14  }
0x147: {  	[tilespmem:v13+s30+$0x0] =	vst.idx.msk $0xffff, v11  }
0x148: {  	v10 =	vld [tilespmem:s13+$0xFFFFFFF0];
	_ =	sdelay $0x2  }
0x149: {  	v11 =	vor.u32 v2, v9  }
0x14a: {  	v13 =	vor.u32 v3, v9  }
0x14b: {  	v14 =	vunpack.i.u.bf16.f32 v10;
	v10 =	vunpack.i.l.bf16.f32 v10  }
0x14c: {  	v10 =	vmul.f32 v10, v12;
	v14 =	vmul.f32 v14, v12;
	_ =	sdelay $0x1  }
0x14d: {  	[tilespmem:v11+s30+$0x0] =	vst.idx.msk $0xffff, v10  }
0x14e: {  	[tilespmem:v13+s30+$0x0] =	vst.idx.msk $0xffff, v14  }
0x14f: {  	v10 =	vld [tilespmem:s13+$0x0];
	_ =	sdelay $0x2  }
0x150: {  	v11 =	vor.u32 v4, v9  }
0x151: {  	v13 =	vor.u32 v5, v9  }
0x152: {  	v14 =	vunpack.i.u.bf16.f32 v10;
	v10 =	vunpack.i.l.bf16.f32 v10  }
0x153: {  	v10 =	vmul.f32 v10, v12;
	v14 =	vmul.f32 v14, v12;
	_ =	sdelay $0x1  }
0x154: {  	[tilespmem:v11+s30+$0x0] =	vst.idx.msk $0xffff, v10  }
0x155: {  	[tilespmem:v13+s30+$0x0] =	vst.idx.msk $0xffff, v14  }
0x156: {  	v10 =	vld [tilespmem:s13+$0x10];
	_ =	sdelay $0x2  }
0x157: {  	v13 =	vor.u32 v6, v9  }
.Ltmp6:
0x158: {  	v11 =	vor.u32 v7, v9;
	(pc) =	sbr.rel @p3 .LBB2_9-.Ltmp6, $4  }
0x159: {  	v9 =	vunpack.i.u.bf16.f32 v10;
	v14 =	vunpack.i.l.bf16.f32 v10  }
0x15a: {  	v10 =	vmov s15;
	v14 =	vmul.f32 v14, v12;
	v12 =	vmul.f32 v9, v12  }
0x15b: {  	v9 =	vshll.u32 v10, $0x7  }
0x15c: {  	v9 =	vadd.s32 v8, v9;
	[tilespmem:v13+s30+$0x0] =	vst.idx.msk $0xffff, v14  }
0x15d: {  	_ =	sdelay $0x3  }
0x15e: {  	[tilespmem:v11+s30+$0x0] =	vst.idx.msk $0xffff, v12;
	s13 =	sadd.s32 $0x40, s13  }
0x15f: {  	v8 =	vld [tilespmem:s13+$0xFFFFFFE0]  }
0x160: {  	v10 =	vld.idx.msk [tilespmem:v10+s29+$0x0], $0xffff;
	_ =	sdelay $0x1  }
0x161: {  	v53 =	vor.u32 v0, v9  }
0x162: {  	v54 =	vor.u32 v1, v9  }
0x163: {  	v13 =	vunpack.i.l.bf16.f32 v8  }
0x164: {  	v8 =	vunpack.i.u.bf16.f32 v8;
	v13 =	vmul.f32 v13, v10  }
0x165: {  	v8 =	vmul.f32 v8, v10  }
0x166: {  	[tilespmem:v53+s30+$0x0] =	vst.idx.msk $0xffff, v13  }
0x167: {  	[tilespmem:v54+s30+$0x0] =	vst.idx.msk $0xffff, v8  }
0x168: {  	v8 =	vld [tilespmem:s13+$0xFFFFFFF0];
	_ =	sdelay $0x2  }
0x169: {  	v55 =	vor.u32 v2, v9  }
0x16a: {  	v56 =	vor.u32 v3, v9  }
0x16b: {  	v57 =	vunpack.i.l.bf16.f32 v8  }
0x16c: {  	v8 =	vunpack.i.u.bf16.f32 v8;
	v13 =	vmul.f32 v57, v10  }
0x16d: {  	v8 =	vmul.f32 v8, v10  }
0x16e: {  	[tilespmem:v55+s30+$0x0] =	vst.idx.msk $0xffff, v13  }
0x16f: {  	[tilespmem:v56+s30+$0x0] =	vst.idx.msk $0xffff, v8  }
0x170: {  	v8 =	vld [tilespmem:s13+$0x0];
	_ =	sdelay $0x2  }
0x171: {  	v58 =	vor.u32 v4, v9  }
0x172: {  	v59 =	vor.u32 v5, v9  }
0x173: {  	v60 =	vunpack.i.l.bf16.f32 v8  }
0x174: {  	v8 =	vunpack.i.u.bf16.f32 v8;
	v13 =	vmul.f32 v60, v10  }
0x175: {  	v8 =	vmul.f32 v8, v10  }
0x176: {  	[tilespmem:v58+s30+$0x0] =	vst.idx.msk $0xffff, v13  }
0x177: {  	[tilespmem:v59+s30+$0x0] =	vst.idx.msk $0xffff, v8  }
0x178: {  	v8 =	vld [tilespmem:s13+$0x10];
	_ =	sdelay $0x2  }
0x179: {  	v61 =	vor.u32 v6, v9  }
0x17a: {  	v62 =	vor.u32 v7, v9  }
0x17b: {  	p3 =	sne.s32 s10, $0x50;
	v63 =	vunpack.i.l.bf16.f32 v8  }
.Ltmp7:
0x17c: {  	v8 =	vunpack.i.u.bf16.f32 v8;
	v12 =	vmul.f32 v63, v10;
	(pc) =	sbr.rel @p3 .LBB2_8-.Ltmp7, $4  }
0x17d: {  	v8 =	vmul.f32 v8, v10  }
0x17e: {  	[tilespmem:v61+s30+$0x0] =	vst.idx.msk $0xffff, v12  }
0x17f: {  	s12 =	sadd.s32 $0x4000, s12;
	s11 =	sadd.s32 $0xC180, s11;
	p2 =	por !p2, !p2;
	[tilespmem:v62+s30+$0x0] =	vst.idx.msk $0xffff, v8  }
0x180: {  	[spmem:s1] =	stream.indirect.scatter.add.f32 [tilespmem:s12], [sflag:$0x2], $0x80, s11, s26, $0xb8;
	[tilespmem:$0x1FD80] =	vst v63  }
0x181: {  	_ =	swait.ge [sflag:s31], $0x4000  }
0x182: {  	[sflag:s31] =	ssyncset.done $0x0  }
0x183: {  	[sflag:s31] =	ssyncadd.s32 $0xFFFFC000  }
0x184: {  	_ =	swait.ge [sflag:s31], $0x4000  }
0x185: {  	[sflag:s31] =	ssyncset.done $0x0  }
0x186: {  	[sflag:s31] =	ssyncadd.s32 $0xFFFFC000  }
0x187: {  	[bflag:$0x0] =	sbarrier.arrive $0xFFFF  }
0x188: {  	s2 =	simm.s32 @p0 $0x1FC4;
	s10 =	rddreg [dreg:$0xd]  }
0x189: {  	[hbm:s10], [sflag:s2] =	dma.local @p0 [spmem:s23], $0x2080  }
0x18a: {  	s2 =	simm.s32 @p0 $0x4  }
0x18b: {  	_ =	swait.ge @p0 [sflag:s2], $0x2080  }
0x18c: {  	[sflag:s2] =	ssyncset.done @p0 $0x0  }
0x18d: {  	[sflag:s2] =	ssyncadd.s32 @p0 $0xFFFFDF80;
	s2 =	rddreg [dreg:$0xc]  }
0x18e: {  	[hbm:s2], [sflag:s21] =	dma.local @!p0 [spmem:s22], $0x2780  }
.Ltmp8:
0x18f: {  	_ = 	snop;
	(pc) =	sbr.rel .LBB2_12-.Ltmp8, $4  }
0x190: {  	s2 =	simm.s32 @!p0 $0x4  }
0x191: {  	_ =	swait.ge @!p0 [sflag:s2], $0x2780  }
0x192: {  	[sflag:s2] =	ssyncset.done @!p0 $0x0  }
0x193: {  	[sflag:s2] =	ssyncadd.s32 @!p0 $0xFFFFD880  }
.LBB2_13:
0x194: {  	_ =	sfence.sel $0x180000  }
0x195: {  	[bflag:$0x0] =	sbarrier.arrive $0xFFFF  }
0x196: {  	_ =	strace $0x9000004D  }
0x197: {  	s0 =	stileid.u32;
	[bflag:$0x2] =	sbarrier.arrive $0xFFFF  }
0x198: {  	p0 =	sne.s32 s0, $0x0;
	s0 =	rddreg [dreg:$0x3]  }
0x199: {  	s0 =	sadd.s32 @!p0 $0x100000, s0  }
0x19a: {  	[sflag:s0] =	ssyncadd.tile.s32 @!p0 $0x1;
	_ =	shalt  }
.Lfunc_end2:
_tile_overlayer_lowered:
.L_overlay_start_2:
0x19b: {  	(tag) =	ssettag $0x2  }
0x19c: {  	s0 =	rddreg [dreg:$0x0];
	s2 =	stileid.u32  }
0x19d: {  	s1 =	rddreg [dreg:$0x1];
	p0 =	sne.s32 s2, $0x0  }
0x19e: {  	s3 =	rddreg [dreg:$0x2];
	[bflag:$0x3] =	sbarrier.arrive $0xFFFF;
	s2 =	simm.s32 @!p0 $0x1C04  }
0x19f: {  	[timem:s3], [sflag:s2] =	dma.local @!p0 [hbm:s0], s1  }
0x1a0: {  	s0 =	simm.s32 @!p0 $0x4  }
0x1a1: {  	_ =	swait.ge @!p0 [sflag:s0], s1  }
0x1a2: {  	s1 =	ssub.s32 @!p0 $0x0, s1;
	[sflag:s0] =	ssyncset.done @!p0 $0x0  }
0x1a3: {  	[sflag:s0] =	ssyncadd.s32 @!p0 s1  }
0x1a4: {  	[bflag:$0x3] =	sbarrier.arrive $0xFFFF  }
0x1a5: {  	_ =	shalt  }

// kernel: kernel.8.cloned.1.call-start
scs
__scs_entry_jumppad:
0x0: {  	(pc) =	sbr.rel $0x88, $3  }
0x1: {  	(tag) =	ssettag $0x0;
	lr =	simm.s32 $0x1  }
0x2: {  	[smem:$0x3F9A] =	sst lr;
	_ =	strace $0xD0000000  }
0x3: {  	_ = 	snop  }
0x4: {  	_ = 	snop  }
0x5: {  	_ = 	snop  }
0x6: {  	_ = 	snop  }
0x7: {  	_ = 	snop  }
__scs_overlays_trampoline_lowered:
0x8: {  	[smem:$0x3FA9] =	sst s0  }
0x9: {  	[smem:$0x3FAA] =	sst s1  }
0xa: {  	[smem:$0x3FAB] =	sst s2  }
0xb: {  	[smem:$0x3FAC] =	sst s3  }
0xc: {  	[smem:$0x3FAD] =	sst s4  }
0xd: {  	[smem:$0x3FAE] =	sst s5  }
0xe: {  	[smem:$0x3FAF] =	sst s6  }
0xf: {  	[smem:$0x3FB0] =	sst s7  }
0x10: {  	[smem:$0x3FB1] =	sst s8  }
0x11: {  	[smem:$0x3FB2] =	sst s9;
	s0 =	simm.s32 @!p0 $0x0  }
0x12: {  	s1 =	sld [smem:$0x3F98];
	s0 =	simm.s32 @p0 $0x1  }
0x13: {  	[smem:$0x3FB3] =	sst s0;
	s0 =	simm.s32 @!p1 $0x0  }
0x14: {  	s2 =	sld [smem:$0x3F97];
	s0 =	simm.s32 @p1 $0x1  }
0x15: {  	[smem:$0x3FB4] =	sst s0;
	s0 =	simm.s32 @!p2 $0x0  }
0x16: {  	s3 =	sld [smem:$0x3FDB];
	s0 =	simm.s32 @p2 $0x1  }
0x17: {  	s4 =	simm.s32 $0x1BF5;
	[smem:$0x3FB6] =	sst s0  }
0x18: {  	s0 =	sld [smem:$0x3F99];
	_ =	swait.ge [sflag:s4], $0x0  }
0x19: {  	s7 =	sld [smem:$0x3F9A]  }
0x1a: {  	s8 =	sadd.s32 $0xFFFFE003, lr  }
0x1b: {  	s9 =	sadd.s32 $0xFFFFFEF7, lr;
	s5 =	simm.s32 $0xFFFFFFFF;
	p2 =	slt.u32 s8, $0xFFFFF086  }
0x1c: {  	p1 =	slt.u32 s9, $0xF7A;
	s5 =	simm.s32 @!p2 $0x0  }
0x1d: {  	s5 =	simm.s32 @p1 $0x1;
	p0 =	seq.s32 s7, s2  }
0x1e: {  	s7 =	smul.u32 @!p0 $0xF7A, s2;
	p2 =	seq.s32 @!p0 s5, $0x0  }
0x1f: {  	s9 =	smul.u32 $0xF7A, s1;
	s8 =	simm.s32 @!p0 $0x1BF5;
	p2 =	por !p2, p0  }
0x20: {  	[sflag:s8] =	ssyncset.s32 @!p0 $0xFFFFF086;
	s6 =	sadd.s32 @!p0 s3, s7;
	s7 =	simm.s32 @!p0 $0x108  }
0x21: {  	s3 =	sadd.s32 s3, s9;
	s6 =	sadd.s32 @!p0 $0x88, s6;
	s7 =	simm.s32 @p2 $0x1082  }
0x22: {  	[simem:s7], [sflag:s8] =	dma.local @!p0 [hbm:s6], $0xF7A  }
0x23: {  	s9 =	sor.u32 $0xD0000000, s2;
	s6 =	simm.s32 $0x108;
	_ =	swait.ge @!p0 [sflag:s8], $0x0  }
0x24: {  	s3 =	sadd.s32 $0x88, s3;
	s6 =	simm.s32 @!p1 $0x1082;
	[sflag:s4] =	ssyncset.s32 $0xFFFFF086  }
0x25: {  	[simem:s6], [sflag:s4] =	dma.local [hbm:s3], $0xF7A  }
0x26: {  	[smem:$0x3F9A] =	sst s1;
	(tag) =	ssettag s2;
	_ =	strace s9  }
0x27: {  	s1 =	sld [smem:$0x3FAA]  }
0x28: {  	s2 =	sld [smem:$0x3FAB]  }
0x29: {  	s4 =	sld [smem:$0x3FAD]  }
0x2a: {  	p0 =	seq.s32 s5, $0x0;
	s5 =	sld [smem:$0x3FAE]  }
0x2b: {  	s6 =	sld [smem:$0x3FAF]  }
0x2c: {  	s7 =	sld [smem:$0x3FB0]  }
0x2d: {  	s3 =	simm.s32 $0x108;
	s8 =	sld [smem:$0x3FB1]  }
0x2e: {  	s3 =	simm.s32 @!p0 $0x1082;
	s9 =	sld [smem:$0x3FB2]  }
0x2f: {  	lr =	sadd.s32 s0, s3;
	s0 =	sld [smem:$0x3FA9]  }
0x30: {  	s3 =	sld [smem:$0x3FAC]  }
0x31: {  	[smem:$0x3FB5] =	sst s10  }
0x32: {  	s10 =	sld [smem:$0x3FB3];
	_ =	sdelay $0x3  }
0x33: {  	p0 =	seq.s32 s10, $0x1;
	s10 =	sld [smem:$0x3FB5];
	_ =	sdelay $0x3  }
0x34: {  	[smem:$0x3FB5] =	sst s10  }
0x35: {  	s10 =	sld [smem:$0x3FB4];
	_ =	sdelay $0x3  }
0x36: {  	p1 =	seq.s32 s10, $0x1;
	s10 =	sld [smem:$0x3FB5];
	_ =	sdelay $0x3  }
0x37: {  	[smem:$0x3FB5] =	sst s10  }
0x38: {  	s10 =	sld [smem:$0x3FB6]  }
0x39: {  	_ = 	snop;
	(pc) =	sbr.ind lr, $3  }
0x3a: {  	_ = 	snop  }
0x3b: {  	_ = 	snop  }
0x3c: {  	p2 =	seq.s32 s10, $0x1;
	s10 =	sld [smem:$0x3FB5]  }
0x3d: {  	_ =	shalt  }
0x3e: {  	_ =	shalt  }
0x3f: {  	_ =	shalt  }
0x40: {  	_ =	shalt  }
0x41: {  	_ =	shalt  }
0x42: {  	_ =	shalt  }
0x43: {  	_ =	shalt  }
0x44: {  	_ =	shalt  }
0x45: {  	_ =	shalt  }
0x46: {  	_ =	shalt  }
0x47: {  	_ =	shalt  }
0x48: {  	_ =	shalt  }
0x49: {  	_ =	shalt  }
0x4a: {  	_ =	shalt  }
0x4b: {  	_ =	shalt  }
0x4c: {  	_ =	shalt  }
0x4d: {  	_ =	shalt  }
0x4e: {  	_ =	shalt  }
0x4f: {  	_ =	shalt  }
0x50: {  	_ =	shalt  }
0x51: {  	_ =	shalt  }
0x52: {  	_ =	shalt  }
0x53: {  	_ =	shalt  }
0x54: {  	_ =	shalt  }
0x55: {  	_ =	shalt  }
0x56: {  	_ =	shalt  }
0x57: {  	_ =	shalt  }
0x58: {  	_ =	shalt  }
0x59: {  	_ =	shalt  }
0x5a: {  	_ =	shalt  }
0x5b: {  	_ =	shalt  }
0x5c: {  	_ =	shalt  }
0x5d: {  	_ =	shalt  }
0x5e: {  	_ =	shalt  }
0x5f: {  	_ =	shalt  }
0x60: {  	_ =	shalt  }
0x61: {  	_ =	shalt  }
0x62: {  	_ =	shalt  }
0x63: {  	_ =	shalt  }
0x64: {  	_ =	shalt  }
0x65: {  	_ =	shalt  }
0x66: {  	_ =	shalt  }
0x67: {  	_ =	shalt  }
0x68: {  	_ =	shalt  }
0x69: {  	_ =	shalt  }
0x6a: {  	_ =	shalt  }
0x6b: {  	_ =	shalt  }
0x6c: {  	_ =	shalt  }
0x6d: {  	_ =	shalt  }
0x6e: {  	_ =	shalt  }
0x6f: {  	_ =	shalt  }
0x70: {  	_ =	shalt  }
0x71: {  	_ =	shalt  }
0x72: {  	_ =	shalt  }
0x73: {  	_ =	shalt  }
0x74: {  	_ =	shalt  }
0x75: {  	_ =	shalt  }
0x76: {  	_ =	shalt  }
0x77: {  	_ =	shalt  }
0x78: {  	_ =	shalt  }
0x79: {  	_ =	shalt  }
0x7a: {  	_ =	shalt  }
0x7b: {  	_ =	shalt  }
0x7c: {  	_ =	shalt  }
0x7d: {  	_ =	shalt  }
0x7e: {  	_ =	shalt  }
0x7f: {  	_ =	shalt  }
0x80: {  	_ =	shalt  }
0x81: {  	_ =	shalt  }
0x82: {  	_ =	shalt  }
0x83: {  	_ =	shalt  }
0x84: {  	_ =	shalt  }
0x85: {  	_ =	shalt  }
0x86: {  	_ =	shalt  }
0x87: {  	_ =	shalt  }
.Lfunc_end0:
.L_simem_size_0:
called_computation_lowered:
.L_overlay_start_0:
0x88: {  	s2 =	sld [smem:$0x3FD9]  }
0x89: {  	s3 =	sld [smem:$0x3FFE];
	_ =	sdelay $0x1  }
0x8a: {  	s1 =	srdreg.scid  }
0x8b: {  	s0 =	sand.u32 $0x1, s1  }
0x8c: {  	s17 =	sshll.u32 s0, $0xA;
	s2 =	sadd.s32 s3, s2  }
0x8d: {  	s2 =	sadd.s32 s2, s17  }
0x8e: {  	[smem:$0x3FC1] =	sst s2  }
0x8f: {  	_ = 	snop  }
0x90: {  	s2 =	sld [smem:$0x3FD0];
	(tm) =	ssettm $0x1  }
0x91: {  	s18 =	sld [smem:$0x3FFB];
	_ =	sdelay $0x3  }
0x92: {  	_ =	strace s18  }
0x93: {  	s3 =	sld [smem:$0x3FFC];
	_ =	sdelay $0x3  }
0x94: {  	_ =	strace s3  }
0x95: {  	s3 =	sld [smem:$0x3FFD];
	_ =	sdelay $0x3  }
0x96: {  	_ =	strace s3  }
0x97: {  	_ =	strace $0x8FFFFFFF  }
0x98: {  	s19 =	sld [smem:$0x3FDB];
	_ =	sdelay $0x1  }
0x99: {  	s4 =	simm.s32 $_scs_section_size  }
0x9a: {  	s5 =	simm.s32 $_size__tile_overlayer_lowered;
	s6 =	simm.s32 $_tile_overlayer_lowered  }
0x9b: {  	s22 =	simm.s32 $0x1BFF;
	s21 =	sshll.u32 s6, $0x1;
	s3 =	sadd.s32 s4, s19  }
0x9c: {  	s7 =	simm.s32 $0x0;
	s20 =	sshll.u32 s5, $0x1;
	s5 =	sadd.s32 s21, s3  }
0x9d: {  	[timem:s7], [sflag:s22] =	dma.local [hbm:s5], s20  }
0x9e: {  	_ =	swait.ge [sflag:s22], s20  }
0x9f: {  	s4 =	ssub.s32 $0x0, s20;
	[sflag:s22] =	ssyncset.done $0x0  }
0xa0: {  	[sflag:s22] =	ssyncadd.s32 s4;
	_ =	sdelay $0x1  }
0xa1: {  	s23 =	simm.s32 $0x1B8B  }
0xa2: {  	_ =	swait.ge [sflag:s23], $0x1  }
0xa3: {  	[sflag:s23] =	ssyncset.done $0x0  }
0xa4: {  	s25 =	simm.s32 $0x1B8E;
	s24 =	sld [smem:$0x3FFE];
	[sflag:s23] =	ssyncadd.s32 $0xFFFFFFFF  }
0xa5: {  	s26 =	simm.s32 $execute0_lowered;
	[smem:$0x3FD2] =	sst s25  }
0xa6: {  	s5 =	sshll.u32 s26, $0x1;
	_ =	strace $0x80000046;
	[dreg:$0x1] =	wrdreg $0xFFFFFFFF  }
0xa7: {  	s28 =	simm.s32 $_size_execute0_lowered;
	s3 =	sadd.s32 s3, s5;
	[dreg:$0x0] =	wrdreg $0x0  }
0xa8: {  	s5 =	sshll.u32 s28, $0x1;
	[dreg:$0x2] =	wrdreg s3  }
0xa9: {  	[dreg:$0x3] =	wrdreg s5  }
0xaa: {  	[dreg:$0x4] =	wrdreg $0xC0  }
0xab: {  	_ =	task [dreg:s7], $0x5FFFF  }
0xac: {  	[dreg:$0x1] =	wrdreg $0xFFFFFFFF  }
0xad: {  	[dreg:$0x0] =	wrdreg $0x60  }
0xae: {  	[dreg:$0x2] =	wrdreg s24  }
0xaf: {  	[dreg:$0x3] =	wrdreg s2  }
0xb0: {  	[dreg:$0x4] =	wrdreg $0x86800  }
0xb1: {  	[dreg:$0x5] =	wrdreg $0xAE800  }
0xb2: {  	[dreg:$0x6] =	wrdreg $0x9  }
0xb3: {  	_ =	task.clear_ibuf [dreg:s7], $0x7FFFF;
	_ =	strace $0x90000046  }
0xb4: {  	s29 =	simm.s32 $0x9;
	_ =	strace $0x80000048  }
0xb5: {  	_ =	swait.ge [sflag:s29], $0x1  }
0xb6: {  	[sflag:s29] =	ssyncadd.s32 $0xFFFFFFFF  }
0xb7: {  	_ =	strace $0x90000048  }
0xb8: {  	_ =	sfence  }
0xb9: {  	s30 =	sld [smem:$0x0];
	_ =	sdelay $0x2  }
0xba: {  	s31 =	sshll.u32 s1, $0xD;
	s1 =	sshrl.u32 s1, $0x2  }
0xbb: {  	s3 =	sand.u32 $0x4000, s31;
	s1 =	sadd.s32 s1, s30  }
0xbc: {  	s0 =	sor.u32 s3, s0;
	s1 =	sshll.u32 s1, $0x11  }
0xbd: {  	s0 =	sor.u32 s1, s0  }
0xbe: {  	s0 =	sadd.s32 $0x8F2B, s0  }
0xbf: {  	[sflag:s0] =	ssyncadd.remote.s32 $0x1  }
0xc0: {  	_ =	sfence.sel $0xFFFF  }
0xc1: {  	[dreg:$0x0] =	wrdreg $0xFFFFFFFF;
	(pc) =	sbr.abs _section_cstart, $3  }
0xc2: {  	[dreg:$0x1] =	wrdreg $0xFFFFFFFF  }
0xc3: {  	_ =	task.clear_ibuf [dreg:s7], $0x2FFFF;
	_ =	strace $0x9FFFFFFF  }
0xc4: {  	(tm) =	ssettm $0x7FFFFFFF  }
0xc5: {  	_ =	shalt  }
tec
execute0_lowered:
.L_overlay_start_1:
0x0: {  	(tag) =	ssettag $0x1  }
0x1: {  	s0 =	rddreg [dreg:$0x0]  }
0x2: {  	s1 =	rddreg [dreg:$0x1]  }
0x3: {  	s2 =	rddreg [dreg:$0x2]  }
0x4: {  	s3 =	rddreg [dreg:$0x3]  }
0x5: {  	s4 =	simm.s32 $0x0;
	s14 =	stileid.u32;
	s7 =	srdreg.scid  }
0x6: {  	s15 =	simm.s32 $0x2800;
	s16 =	simm.s32 $0x1;
	s17 =	simm.s32 $0x2C00  }
0x7: {  	s18 =	simm.s32 $0x80;
	s19 =	simm.s32 $0x400;
	s20 =	simm.s32 $0x1400  }
0x8: {  	s21 =	simm.s32 $0x14000;
	s22 =	simm.s32 $0x3400;
	s24 =	simm.s32 $0x5E80  }
0x9: {  	s25 =	simm.s32 $0x3000;
	s26 =	simm.s32 $0x0;
	[smem:$0x7FF] =	sst s4  }
0xa: {  	s11 =	smul.u32 $0x280, s14;
	s5 =	sadd.s32 $0x6400, s0;
	s6 =	sadd.s32 $0x1400, s0  }
0xb: {  	s23 =	sand.u32 $0x1, s7;
	s9 =	sshrl.u32 s14, $0x3;
	s7 =	sadd.s32 $0xBA00, s0  }
0xc: {  	s30 =	smul.u32 $0x5000, s14;
	s13 =	sshll.u32 s14, $0x7;
	_ =	strace $0x80000047  }
0xd: {  	s8 =	ssub.s32 $0x2, s23;
	s9 =	smul.u32 $0x50000, s9;
	s13 =	sand.u32 $0x380, s13  }
0xe: {  	s31 =	sshll.u32 s23, $0x4;
	p0 =	sne.s32 s23, $0x0;
	s23 =	simm.s32 $0x5C00  }
0xf: {  	s28 =	sshrl.u32 s11, $0x3;
	s10 =	sshrl.u32 s8, $0x1;
	s11 =	sadd.s32 s11, s3  }
0x10: {  	s12 =	sadd.s32 s28, s0;
	s29 =	ssub.s32 s8, s10;
	s9 =	sshrl.u32 s9, $0x2  }
0x11: {  	s8 =	smul.u32 $0x2800, s14;
	s10 =	sshrl.u32 s30, $0x2;
	s9 =	sadd.s32 s9, s2  }
0x12: {  	s10 =	sadd.s32 s10, s2;
	s12 =	sadd.s32 $0xB400, s12;
	s2 =	sor.u32 s14, s31  }
0x13: {  	v0 =	vimm.f32 $0.0e+00;
	s14 =	smax.u32 s29, $0x1;
	s9 =	sadd.s32 s13, s9;
	s13 =	smul.u32 $0x1400, s2  }
.LBB2_1:
0x14: {  	s0 =	simm.s32 $0x40;
	s2 =	simm.s32 $0x0  }
.LBB2_2:
0x15: {  	p1 =	sne.s32 s0, $0x9FC0;
	[tilespmem:s2+$0x0] =	vst v0;
	s2 =	smov.u32 s0;
	s0 =	sadd.s32 $0x40, s0  }
.Ltmp0:
0x16: {  	(pc) =	sbr.rel @p1 .LBB2_2-.Ltmp0, $2  }
0x17: {  	_ =	sdelay $0x2  }
0x18: {  	s2 =	sshra.s32 s2, $0x2  }
0x19: {  	[tilespmem:s2+$0x0] =	vst v0;
	s28 =	simm.s32 $0x0;
	s29 =	simm.s32 $0x0  }
.LBB2_4:
0x1a: {  	s0 =	sshll.u32 s29, $0xA  }
0x1b: {  	s0 =	sadd.s32 s8, s0  }
0x1c: {  	s0 =	sshrl.u32 s0, $0x3  }
0x1d: {  	s2 =	sadd.s32 s6, s0  }
0x1e: {  	[tilespmem:s15], [sflag:$0x1] =	stream.linear.gather [hbm4b:s2+s28], $0x400, $0x38;
	[tilespmem:$0xB100] =	vst v63  }
0x1f: {  	_ =	swait.ge [sflag:s16], $0x400  }
0x20: {  	[sflag:s16] =	ssyncset.done $0x0  }
0x21: {  	s0 =	sadd.s32 s1, s0;
	[sflag:s16] =	ssyncadd.s32 $0xFFFFFC00  }
0x22: {  	[tilespmem:s17], [sflag:$0x1] =	stream.linear.gather [hbm4b:s0+s28], $0x400, $0x38;
	[tilespmem:$0xB100] =	vst v63  }
0x23: {  	_ =	swait.ge [sflag:s16], $0x400  }
0x24: {  	[sflag:s16] =	ssyncset.done $0x0  }
0x25: {  	s2 =	simm.s32 $0x0;
	s0 =	simm.s32 $0x40;
	[sflag:s16] =	ssyncadd.s32 $0xFFFFFC00  }
.LBB2_5:
0x26: {  	p1 =	sne.s32 s0, $0xFC0;
	v1 =	vld [tilespmem:s2+$0x2800];
	_ =	sdelay $0x2  }
0x27: {  	v2 =	vld [tilespmem:s2+$0x2C00]  }
.Ltmp1:
0x28: {  	(pc) =	sbr.rel @p1 .LBB2_5-.Ltmp1, $2  }
0x29: {  	_ =	sdelay $0x2  }
0x2a: {  	s2 =	sshra.s32 s0, $0x2;
	s0 =	sadd.s32 $0x40, s0;
	[tilespmem:v1+s4+$0x0] =	vst.idx.add.f32.msk $0xffff, v2  }
0x2b: {  	v1 =	vld [tilespmem:s2+$0x2800];
	_ =	sdelay $0x1  }
0x2c: {  	s29 =	sadd.s32 $0x1, s29  }
0x2d: {  	v2 =	vld [tilespmem:s2+$0x2C00];
	p1 =	sne.s32 s29, $0xA  }
.Ltmp2:
0x2e: {  	_ = 	snop;
	(pc) =	sbr.rel @p1 .LBB2_4-.Ltmp2, $2  }
0x2f: {  	_ =	sdelay $0x2  }
0x30: {  	[tilespmem:v1+s4+$0x0] =	vst.idx.add.f32.msk $0xffff, v2  }
0x31: {  	s0 =	simm.s32 $0x0  }
0x32: {  	[spmem:s9] =	stream.strided.scatter [tilespmem:s0], [sflag:$0x1], $0x2800, s19, s18, $0x38;
	[tilespmem:$0xB100] =	vst v63  }
0x33: {  	_ =	swait.ge [sflag:s16], $0x2800  }
0x34: {  	[sflag:s16] =	ssyncset.done $0x0  }
0x35: {  	[sflag:s16] =	ssyncadd.s32 $0xFFFFD800  }
0x36: {  	[bflag:$0x0] =	sbarrier.arrive $0xFFFF  }
0x37: {  	[tilespmem:s22], [sflag:$0x1] =	stream.strided.gather [spmem:s10], $0x2800, s21, s20, $0x38;
	[tilespmem:$0xB100] =	vst v63  }
0x38: {  	_ =	swait.ge [sflag:s16], $0x2800  }
0x39: {  	s2 =	sand.u32 $0x70, s0;
	s0 =	sand.u32 $0x1C00, s0;
	[sflag:s16] =	ssyncset.done $0x0  }
0x3a: {  	s0 =	sor.u32 s2, s0;
	[sflag:s16] =	ssyncadd.s32 $0xFFFFD800  }
0x3b: {  	v1 =	vld [tilespmem:s0+$0x3480]  }
0x3c: {  	v2 =	vld [tilespmem:s0+$0x3400];
	_ =	sdelay $0x1  }
0x3d: {  	v3 =	vld [tilespmem:s0+$0x3500];
	_ =	sdelay $0x1  }
0x3e: {  	v4 =	vld [tilespmem:s0+$0x3580]  }
0x3f: {  	v1 =	vadd.f32 v1, v2  }
0x40: {  	v2 =	vld [tilespmem:s0+$0x3600]  }
0x41: {  	v1 =	vadd.f32 v3, v1  }
0x42: {  	v3 =	vld [tilespmem:s0+$0x3680]  }
0x43: {  	v1 =	vadd.f32 v4, v1  }
0x44: {  	v60 =	vld [tilespmem:s0+$0x3700]  }
0x45: {  	v1 =	vadd.f32 v2, v1  }
0x46: {  	v2 =	vld [tilespmem:s0+$0x3780]  }
0x47: {  	v1 =	vadd.f32 v3, v1  }
0x48: {  	v3 =	vld [tilespmem:s0+$0x4800]  }
0x49: {  	v1 =	vadd.f32 v60, v1  }
0x4a: {  	v61 =	vld [tilespmem:s0+$0x4880]  }
0x4b: {  	v1 =	vadd.f32 v2, v1  }
0x4c: {  	v2 =	vld [tilespmem:s0+$0x4900]  }
0x4d: {  	v1 =	vadd.f32 v3, v1  }
0x4e: {  	v3 =	vld [tilespmem:s0+$0x4980]  }
0x4f: {  	v1 =	vadd.f32 v61, v1  }
0x50: {  	v62 =	vld [tilespmem:s0+$0x4A00]  }
0x51: {  	v1 =	vadd.f32 v2, v1  }
0x52: {  	v2 =	vld [tilespmem:s0+$0x4A80]  }
0x53: {  	v1 =	vadd.f32 v3, v1  }
0x54: {  	v3 =	vld [tilespmem:s0+$0x4B00]  }
0x55: {  	v1 =	vadd.f32 v62, v1  }
0x56: {  	v63 =	vld [tilespmem:s0+$0x4B80]  }
0x57: {  	v1 =	vadd.f32 v2, v1;
	_ =	sdelay $0x1  }
0x58: {  	v1 =	vadd.f32 v3, v1;
	_ =	sdelay $0x1  }
0x59: {  	v1 =	vadd.f32 v63, v1;
	_ =	sdelay $0x1  }
0x5a: {  	v1 =	vadd.f32 $1.000000000e+00, v1;
	_ =	sdelay $0x1  }
0x5b: {  	v2 =	vshra.s32 v1, $0x1;
	v1 =	vmul.f32 $5.000000000e-01, v1  }
0x5c: {  	v2 =	vsub.s32 $0x5F3759DF, v2  }
0x5d: {  	v3 =	vmul.f32 v2, v1;
	_ =	sdelay $0x1  }
0x5e: {  	v3 =	vmul.f32 v2, v3;
	_ =	sdelay $0x1  }
0x5f: {  	v3 =	vsub.f32 $1.500000000e+00, v3;
	_ =	sdelay $0x1  }
0x60: {  	v2 =	vmul.f32 v2, v3;
	_ =	sdelay $0x1  }
0x61: {  	v3 =	vmul.f32 v2, v1;
	_ =	sdelay $0x1  }
0x62: {  	v3 =	vmul.f32 v3, v2;
	_ =	sdelay $0x1  }
0x63: {  	v3 =	vsub.f32 $1.500000000e+00, v3;
	_ =	sdelay $0x1  }
0x64: {  	v2 =	vmul.f32 v3, v2;
	_ =	sdelay $0x1  }
0x65: {  	v1 =	vmul.f32 v2, v1;
	_ =	sdelay $0x1  }
0x66: {  	v1 =	vmul.f32 v1, v2;
	_ =	sdelay $0x1  }
0x67: {  	v1 =	vsub.f32 $1.500000000e+00, v1;
	_ =	sdelay $0x1  }
0x68: {  	s29 =	simm.s32 $0x80;
	s2 =	simm.s32 $0x10;
	v1 =	vmul.f32 v1, v2  }
0x69: {  	s28 =	simm.s32 $0x5C00;
	s0 =	sand.u32 $0x70, s2;
	s2 =	sand.u32 $0x1C00, s29  }
0x6a: {  	s30 =	simm.s32 $0x20;
	s31 =	sor.u32 s0, s2;
	[tilespmem:s28+$0x0] =	vst v1  }
.LBB2_8:
0x6b: {  	p1 =	sne.s32 s30, $0x270;
	v1 =	vld [tilespmem:s31+$0x3480]  }
0x6c: {  	v2 =	vld [tilespmem:s31+$0x3400];
	_ =	sdelay $0x1  }
0x6d: {  	v3 =	vld [tilespmem:s31+$0x3500];
	_ =	sdelay $0x1  }
0x6e: {  	v4 =	vld [tilespmem:s31+$0x3580]  }
0x6f: {  	v1 =	vadd.f32 v1, v2  }
0x70: {  	v2 =	vld [tilespmem:s31+$0x3600]  }
0x71: {  	v1 =	vadd.f32 v3, v1  }
0x72: {  	v3 =	vld [tilespmem:s31+$0x3680]  }
0x73: {  	v1 =	vadd.f32 v4, v1  }
0x74: {  	v4 =	vld [tilespmem:s31+$0x3700]  }
0x75: {  	v1 =	vadd.f32 v2, v1  }
0x76: {  	v2 =	vld [tilespmem:s31+$0x3780]  }
0x77: {  	v1 =	vadd.f32 v3, v1  }
0x78: {  	v3 =	vld [tilespmem:s31+$0x4800]  }
0x79: {  	v1 =	vadd.f32 v4, v1  }
0x7a: {  	v4 =	vld [tilespmem:s31+$0x4880]  }
0x7b: {  	v1 =	vadd.f32 v2, v1  }
0x7c: {  	v2 =	vld [tilespmem:s31+$0x4900]  }
0x7d: {  	v1 =	vadd.f32 v3, v1  }
0x7e: {  	v3 =	vld [tilespmem:s31+$0x4980]  }
0x7f: {  	v1 =	vadd.f32 v4, v1  }
0x80: {  	v4 =	vld [tilespmem:s31+$0x4A00]  }
0x81: {  	v1 =	vadd.f32 v2, v1  }
0x82: {  	v2 =	vld [tilespmem:s31+$0x4A80]  }
0x83: {  	v1 =	vadd.f32 v3, v1  }
0x84: {  	v3 =	vld [tilespmem:s31+$0x4B00]  }
0x85: {  	v1 =	vadd.f32 v4, v1  }
0x86: {  	v4 =	vld [tilespmem:s31+$0x4B80]  }
0x87: {  	v1 =	vadd.f32 v2, v1;
	_ =	sdelay $0x1  }
0x88: {  	v1 =	vadd.f32 v3, v1;
	_ =	sdelay $0x1  }
0x89: {  	v1 =	vadd.f32 v4, v1;
	_ =	sdelay $0x1  }
0x8a: {  	v1 =	vadd.f32 $1.000000000e+00, v1;
	_ =	sdelay $0x1  }
0x8b: {  	v2 =	vshra.s32 v1, $0x1;
	v1 =	vmul.f32 $5.000000000e-01, v1  }
0x8c: {  	v2 =	vsub.s32 $0x5F3759DF, v2  }
0x8d: {  	v3 =	vmul.f32 v2, v1;
	_ =	sdelay $0x1  }
0x8e: {  	v3 =	vmul.f32 v2, v3;
	_ =	sdelay $0x1  }
0x8f: {  	v3 =	vsub.f32 $1.500000000e+00, v3;
	_ =	sdelay $0x1  }
0x90: {  	v2 =	vmul.f32 v2, v3;
	_ =	sdelay $0x1  }
0x91: {  	v3 =	vmul.f32 v2, v1;
	_ =	sdelay $0x1  }
0x92: {  	v3 =	vmul.f32 v3, v2;
	_ =	sdelay $0x1  }
0x93: {  	v3 =	vsub.f32 $1.500000000e+00, v3;
	_ =	sdelay $0x1  }
0x94: {  	v2 =	vmul.f32 v3, v2;
	_ =	sdelay $0x1  }
0x95: {  	v1 =	vmul.f32 v2, v1;
	_ =	sdelay $0x1  }
0x96: {  	v1 =	vmul.f32 v1, v2;
	_ =	sdelay $0x1  }
.Ltmp3:
0x97: {  	v1 =	vsub.f32 $1.500000000e+00, v1;
	(pc) =	sbr.rel @p1 .LBB2_8-.Ltmp3, $4  }
0x98: {  	_ = 	snop  }
0x99: {  	s29 =	sadd.s32 $0x80, s29;
	v1 =	vmul.f32 v1, v2  }
0x9a: {  	s0 =	sand.u32 $0x70, s30;
	s28 =	sadd.s32 $0x10, s28;
	s2 =	sand.u32 $0x1C00, s29  }
0x9b: {  	s30 =	sadd.s32 $0x10, s30;
	s31 =	sor.u32 s0, s2;
	[tilespmem:s28+$0x0] =	vst v1  }
0x9c: {  	v1 =	vld [tilespmem:s31+$0x3480]  }
0x9d: {  	v2 =	vld [tilespmem:s31+$0x3400];
	_ =	sdelay $0x1  }
0x9e: {  	v3 =	vld [tilespmem:s31+$0x3500];
	_ =	sdelay $0x1  }
0x9f: {  	v4 =	vld [tilespmem:s31+$0x3580]  }
0xa0: {  	v1 =	vadd.f32 v1, v2  }
0xa1: {  	v2 =	vld [tilespmem:s31+$0x3600]  }
0xa2: {  	v1 =	vadd.f32 v3, v1  }
0xa3: {  	v3 =	vld [tilespmem:s31+$0x3680]  }
0xa4: {  	v1 =	vadd.f32 v4, v1  }
0xa5: {  	v60 =	vld [tilespmem:s31+$0x3700]  }
0xa6: {  	v1 =	vadd.f32 v2, v1  }
0xa7: {  	v2 =	vld [tilespmem:s31+$0x3780]  }
0xa8: {  	v1 =	vadd.f32 v3, v1  }
0xa9: {  	v3 =	vld [tilespmem:s31+$0x4800]  }
0xaa: {  	v1 =	vadd.f32 v60, v1  }
0xab: {  	v61 =	vld [tilespmem:s31+$0x4880]  }
0xac: {  	v1 =	vadd.f32 v2, v1  }
0xad: {  	v2 =	vld [tilespmem:s31+$0x4900]  }
0xae: {  	v1 =	vadd.f32 v3, v1  }
0xaf: {  	v3 =	vld [tilespmem:s31+$0x4980]  }
0xb0: {  	v1 =	vadd.f32 v61, v1  }
0xb1: {  	v62 =	vld [tilespmem:s31+$0x4A00]  }
0xb2: {  	v1 =	vadd.f32 v2, v1  }
0xb3: {  	v2 =	vld [tilespmem:s31+$0x4A80]  }
0xb4: {  	v1 =	vadd.f32 v3, v1  }
0xb5: {  	v3 =	vld [tilespmem:s31+$0x4B00]  }
0xb6: {  	v1 =	vadd.f32 v62, v1  }
0xb7: {  	v63 =	vld [tilespmem:s31+$0x4B80]  }
0xb8: {  	v1 =	vadd.f32 v2, v1;
	_ =	sdelay $0x1  }
0xb9: {  	v1 =	vadd.f32 v3, v1;
	_ =	sdelay $0x1  }
0xba: {  	v1 =	vadd.f32 v63, v1;
	_ =	sdelay $0x1  }
0xbb: {  	v1 =	vadd.f32 $1.000000000e+00, v1;
	_ =	sdelay $0x1  }
0xbc: {  	v2 =	vshra.s32 v1, $0x1;
	v1 =	vmul.f32 $5.000000000e-01, v1  }
0xbd: {  	v2 =	vsub.s32 $0x5F3759DF, v2  }
0xbe: {  	v3 =	vmul.f32 v2, v1;
	_ =	sdelay $0x1  }
0xbf: {  	v3 =	vmul.f32 v2, v3;
	_ =	sdelay $0x1  }
0xc0: {  	v3 =	vsub.f32 $1.500000000e+00, v3;
	_ =	sdelay $0x1  }
0xc1: {  	v2 =	vmul.f32 v2, v3;
	_ =	sdelay $0x1  }
0xc2: {  	v3 =	vmul.f32 v2, v1;
	_ =	sdelay $0x1  }
0xc3: {  	v3 =	vmul.f32 v3, v2;
	_ =	sdelay $0x1  }
0xc4: {  	v3 =	vsub.f32 $1.500000000e+00, v3;
	_ =	sdelay $0x1  }
0xc5: {  	v2 =	vmul.f32 v3, v2;
	_ =	sdelay $0x1  }
0xc6: {  	v1 =	vmul.f32 v2, v1;
	_ =	sdelay $0x1  }
0xc7: {  	v1 =	vmul.f32 v1, v2;
	_ =	sdelay $0x1  }
0xc8: {  	v1 =	vsub.f32 $1.500000000e+00, v1;
	_ =	sdelay $0x1  }
0xc9: {  	v1 =	vmul.f32 v1, v2  }
0xca: {  	s0 =	sadd.s32 $0x10, s28  }
0xcb: {  	[tilespmem:s0+$0x0] =	vst v1  }
0xcc: {  	[spmem:s11] =	stream.linear.scatter [tilespmem:s23], [sflag:$0x1], $0x280, $0x38;
	[tilespmem:$0xB100] =	vst v63  }
0xcd: {  	_ =	swait.ge [sflag:s16], $0x280  }
0xce: {  	[sflag:s16] =	ssyncset.done $0x0  }
0xcf: {  	s2 =	simm.s32 @!p0 $0x5C00;
	s0 =	simm.s32 @!p0 $0x0;
	[sflag:s16] =	ssyncadd.s32 $0xFFFFFD80  }
0xd0: {  	[hbm4b:s12+s0] =	stream.linear.scatter @!p0 [tilespmem:s2], [sflag:$0x1], $0x280, $0x38;
	[tilespmem:$0xB100] =	vst v63  }
0xd1: {  	s0 =	simm.s32 @!p0 $0x1  }
0xd2: {  	_ =	swait.ge @!p0 [sflag:s0], $0x280  }
0xd3: {  	[sflag:s0] =	ssyncset.done @!p0 $0x0  }
0xd4: {  	[sflag:s0] =	ssyncadd.s32 @!p0 $0xFFFFFD80  }
0xd5: {  	[bflag:$0x0] =	sbarrier.arrive $0xFFFF  }
0xd6: {  	[tilespmem:s24], [sflag:$0x1] =	stream.linear.gather [spmem:s3], $0x2800, $0x38;
	[tilespmem:$0xB100] =	vst v63  }
0xd7: {  	_ =	swait.ge [sflag:s16], $0x2800  }
0xd8: {  	[sflag:s16] =	ssyncset.done $0x0  }
0xd9: {  	s28 =	simm.s32 $0x0;
	s29 =	simm.s32 $0x0;
	[sflag:s16] =	ssyncadd.s32 $0xFFFFD800  }
.LBB2_10:
0xda: {  	s0 =	sshll.u32 s29, $0xA  }
0xdb: {  	s0 =	sadd.s32 s13, s0  }
0xdc: {  	s30 =	sshrl.u32 s0, $0x3  }
0xdd: {  	s0 =	sadd.s32 s5, s30  }
0xde: {  	[tilespmem:s15], [sflag:$0x1] =	stream.linear.gather [hbm4b:s0+s28], $0x400, $0x38;
	[tilespmem:$0xB100] =	vst v63  }
0xdf: {  	_ =	swait.ge [sflag:s16], $0x400  }
0xe0: {  	[sflag:s16] =	ssyncset.done $0x0  }
0xe1: {  	s2 =	sadd.s32 s1, s30;
	[sflag:s16] =	ssyncadd.s32 $0xFFFFFC00  }
0xe2: {  	[tilespmem:s17], [sflag:$0x1] =	stream.linear.gather [hbm4b:s2+s28], $0x400, $0x38;
	[tilespmem:$0xB100] =	vst v63  }
0xe3: {  	_ =	swait.ge [sflag:s16], $0x400  }
0xe4: {  	[sflag:s16] =	ssyncset.done $0x0  }
0xe5: {  	s31 =	simm.s32 $0x0;
	[sflag:s16] =	ssyncadd.s32 $0xFFFFFC00  }
0xe6: {  	v2 =	vld [tilespmem:s31+$0x2800];
	_ =	sdelay $0x6  }
0xe7: {  	v1 =	vld [tilespmem:s31+$0x2C00]  }
0xe8: {  	s0 =	simm.s32 $0x10;
	s2 =	simm.s32 $0x80;
	v2 =	vld.idx.msk [tilespmem:v2+s24+$0x0], $0xffff  }
.LBB2_11:
0xe9: {  	p1 =	sne.s32 s2, $0xFC0;
	v3 =	vld [tilespmem:s0+$0x2800];
	_ =	sdelay $0x3  }
.Ltmp4:
0xea: {  	(pc) =	sbr.rel @p1 .LBB2_11-.Ltmp4, $3  }
0xeb: {  	v2 =	vmul.f32 v1, v2;
	_ =	sdelay $0x1  }
0xec: {  	v1 =	vld [tilespmem:s0+$0x2C00];
	[tilespmem:s31+$0x3000] =	vst v2;
	s31 =	smov.u32 s0  }
0xed: {  	s0 =	sshra.s32 s2, $0x2;
	s2 =	sadd.s32 $0x40, s2;
	v2 =	vld.idx.msk [tilespmem:v3+s24+$0x0], $0xffff  }
0xee: {  	v3 =	vld [tilespmem:s0+$0x2800];
	_ =	sdelay $0x4  }
0xef: {  	v1 =	vmul.f32 v1, v2;
	_ =	sdelay $0x1  }
0xf0: {  	v2 =	vld [tilespmem:s0+$0x2C00];
	[tilespmem:s31+$0x3000] =	vst v1  }
0xf1: {  	v1 =	vld.idx.msk [tilespmem:v3+s24+$0x0], $0xffff;
	_ =	sdelay $0x4  }
0xf2: {  	s29 =	sadd.s32 $0x1, s29;
	v1 =	vmul.f32 v2, v1  }
0xf3: {  	p1 =	sne.s32 s29, $0x5  }
.Ltmp5:
0xf4: {  	s31 =	sadd.s32 s7, s30;
	[tilespmem:s0+$0x3000] =	vst v1;
	(pc) =	sbr.rel @p1 .LBB2_10-.Ltmp5, $4  }
0xf5: {  	[hbm4b:s31+s4] =	stream.linear.scatter [tilespmem:s25], [sflag:$0x1], $0x400, $0x38;
	[tilespmem:$0xB100] =	vst v63  }
0xf6: {  	_ =	swait.ge [sflag:s16], $0x400  }
0xf7: {  	[sflag:s16] =	ssyncset.done $0x0  }
0xf8: {  	[sflag:s16] =	ssyncadd.s32 $0xFFFFFC00  }
0xf9: {  	s26 =	sadd.s32 $0x1, s26  }
0xfa: {  	p1 =	sne.s32 s26, s14  }
.Ltmp6:
0xfb: {  	_ = 	snop;
	(pc) =	sbr.rel @p1 .LBB2_1-.Ltmp6, $1  }
0xfc: {  	_ =	sdelay $0x3  }
0xfd: {  	_ =	sfence.sel $0x180000  }
0xfe: {  	[bflag:$0x0] =	sbarrier.arrive $0xFFFF  }
0xff: {  	_ =	strace $0x90000047  }
0x100: {  	s0 =	stileid.u32;
	[bflag:$0x2] =	sbarrier.arrive $0xFFFF  }
0x101: {  	p0 =	sne.s32 s0, $0x0;
	s0 =	rddreg [dreg:$0x4]  }
0x102: {  	s0 =	sadd.s32 @!p0 $0x100000, s0  }
0x103: {  	[sflag:s0] =	ssyncadd.tile.s32 @!p0 $0x1;
	_ =	shalt  }
.Lfunc_end2:
_tile_overlayer_lowered:
.L_overlay_start_2:
0x104: {  	(tag) =	ssettag $0x2  }
0x105: {  	s0 =	rddreg [dreg:$0x0];
	s2 =	stileid.u32  }
0x106: {  	s1 =	rddreg [dreg:$0x1];
	p0 =	sne.s32 s2, $0x0  }
0x107: {  	s3 =	rddreg [dreg:$0x2];
	[bflag:$0x3] =	sbarrier.arrive $0xFFFF;
	s2 =	simm.s32 @!p0 $0x1C01  }
0x108: {  	[timem:s3], [sflag:s2] =	dma.local @!p0 [hbm:s0], s1  }
0x109: {  	s0 =	simm.s32 @!p0 $0x1  }
0x10a: {  	_ =	swait.ge @!p0 [sflag:s0], s1  }
0x10b: {  	s1 =	ssub.s32 @!p0 $0x0, s1;
	[sflag:s0] =	ssyncset.done @!p0 $0x0  }
0x10c: {  	[sflag:s0] =	ssyncadd.s32 @!p0 s1  }
0x10d: {  	[bflag:$0x3] =	sbarrier.arrive $0xFFFF  }
0x10e: {  	_ =	shalt  }

</sc_bundles>
